<compile_context>
chip_gen: v7x
topology: tpu7x:2x2x1
jax: 0.10.2.dev20260603
libtpu: 0.0.44.dev20260713+nightly
codegen_flags: <defaults>
</compile_context>

<pallas_src>
import functools

import jax
import jax.numpy as jnp
from jax import lax
from jax.experimental import pallas as pl
from jax.experimental.pallas import tpu as pltpu
from jax.experimental.pallas import tpu_sc as plsc

_MAX_DIST = 2048
_H = 16
_L = 16
_NC, _NS = 2, 16
_NW = _NC * _NS

_B, _T, _M = 4, 2048, 512
_ROWS = _B * _T * _M
_ROWS_PER_W = _ROWS // _NW
_T_PER_W = _ROWS_PER_W // _M
_V = 2 * _MAX_DIST - 1

_GSZ = 128
_TC = 4
_CR = _TC * _M
_NG = _CR // _GSZ
_NCH = _T_PER_W // _TC


def _body(q_hbm, k_hbm, table_hbm, out_hbm,
          q_loc, k_loc, stab, idx_buf, rows, gsem, ssem):
  wid = lax.axis_index("c") * _NS + lax.axis_index("s")
  b = wid // (_T // _T_PER_W)
  t0 = (wid % (_T // _T_PER_W)) * _T_PER_W
  row0 = wid * _ROWS_PER_W

  pltpu.sync_copy(q_hbm.at[pl.ds(t0, _T_PER_W)], q_loc.at[pl.ds(0, _T_PER_W)])
  pltpu.sync_copy(k_hbm.at[pl.ds(b * _M, _M)], k_loc)
  @pl.when(lax.axis_index("s") == 0)
  def _stage():
    pltpu.sync_copy(table_hbm, stab)
  plsc.subcore_barrier()

  def fire_gathers(d):
    for j in range(_NG):
      pltpu.async_copy(stab.at[idx_buf.at[d, j]],
                       rows.at[d, pl.ds(j * _GSZ, _GSZ)], gsem)

  def drain_gathers(d):
    pltpu.make_async_copy(out_hbm.at[pl.ds(row0, _CR)], rows.at[d], gsem).wait()

  def fire_scatter(d, g):
    pltpu.async_copy(rows.at[d], out_hbm.at[pl.ds(row0 + g * _CR, _CR)], ssem)

  def wait_scatter(d):
    pltpu.make_async_copy(rows.at[d], out_hbm.at[pl.ds(row0, _CR)], ssem).wait()

  def compute_idx(g, d):
    for tt in range(_TC):
      qv = jnp.full((_L,), q_loc[pl.ds(g * _TC + tt, _L)][0], dtype=jnp.int32)
      for mv in range(_M // _L):
        kv = k_loc[pl.ds(mv * _L, _L)]
        dd = qv - kv
        dd = jnp.minimum(jnp.maximum(dd, -(_MAX_DIST - 1)), _MAX_DIST - 1)
        p = tt * _M + mv * _L
        idx_buf[d, p // _GSZ, pl.ds(p % _GSZ, _L)] = dd + (_MAX_DIST - 1)

  def chunk(g, _):
    d = lax.rem(g, 2)
    @pl.when(g >= 2)
    def _w():
      wait_scatter(d)
    compute_idx(g, d)
    fire_gathers(d)
    @pl.when(g >= 1)
    def _s():
      drain_gathers(1 - d)
      fire_scatter(1 - d, g - 1)
    return _

  lax.fori_loop(0, _NCH, chunk, 0)
  dl = (_NCH - 1) % 2
  drain_gathers(dl)
  fire_scatter(dl, _NCH - 1)
  wait_scatter(0)
  wait_scatter(1)


@jax.jit
def _run(q_pos, k_pos, bias_table):
  mesh = plsc.VectorSubcoreMesh(core_axis_name="c", subcore_axis_name="s")
  out = pl.kernel(
      _body,
      out_type=jax.ShapeDtypeStruct((_ROWS, _H), jnp.float32),
      mesh=mesh,
      compiler_params=pltpu.CompilerParams(use_tc_tiling_on_sc=False),
      scratch_types=[
          pltpu.VMEM((_T_PER_W + _L,), jnp.int32),
          pltpu.VMEM((_M,), jnp.int32),
          pltpu.VMEM_SHARED((_V, _H), jnp.float32),
          pltpu.VMEM((2, _NG, _GSZ), jnp.int32),
          pltpu.VMEM((2, _CR, _H), jnp.float32),
          pltpu.SemaphoreType.DMA,
          pltpu.SemaphoreType.DMA,
      ],
  )(q_pos, k_pos.reshape(_B * _M), bias_table)
  return out.reshape(_B, _T, _M, _H)


def kernel(q_pos, k_pos, bias_table):
  return _run(q_pos.astype(jnp.int32), k_pos.astype(jnp.int32), bias_table)

# --- scband reference (transcript-rebuilt; emitter-appended) ---
"""Pipeline reference for scband-relative-bias-79680233275902 (READ-ONLY COPY).

The authoritative reference and input builder live on the scoring server;
editing this copy changes nothing except your own understanding.
"""

import jax, jax.numpy as jnp
import numpy as np

MAX_DIST = 2048
NUM_HEADS = 16

def setup_inputs(seed: int = 0) -> dict:
    key = jax.random.key(seed)
    k1, k2, k3 = jax.random.split(key, 3)
    q_pos = jax.random.randint(k1, (2048,), 0, 8192, dtype=jnp.int64 if jax.config.jax_enable_x64 else jnp.int32)
    k_pos = jax.random.randint(k2, (4, 512), 0, 8192, dtype=jnp.int64 if jax.config.jax_enable_x64 else jnp.int32)
    bias_table = jax.random.normal(k3, (2 * MAX_DIST - 1, NUM_HEADS), dtype=jnp.float32) * 0.02
    return {"q_pos": q_pos, "k_pos": k_pos, "bias_table": bias_table}

def reference(q_pos, k_pos, bias_table):
    # rel[b, t, m] = q_pos[t] - k_pos[b, m]
    rel = q_pos[None, :, None] - k_pos[:, None, :]
    rel = jnp.clip(rel, -MAX_DIST + 1, MAX_DIST - 1) + (MAX_DIST - 1)
    # embedding lookup: [B, T, M] -> [B, T, M, H]
    out = jnp.take(bias_table, rel, axis=0)
    return out

if __name__ == "__main__":
    import jax
    _d = setup_inputs()
    print(jax.jit(kernel)(*tuple(_d.values())))

</pallas_src>

<mosaic_0001>
#map = affine_map<(d0, d1) -> (0)>
#map1 = affine_map<(d0, d1) -> (0, 0)>
module attributes {stable_mosaic.version = 14 : i64} {
  func.func @_body(%arg0: i32, %arg1: i32, %arg2: memref<2048xi32, #tpu.memory_space<hbm>>, %arg3: memref<2048xi32, #tpu.memory_space<hbm>>, %arg4: memref<4095x16xf32, #tpu.memory_space<hbm>>, %arg5: memref<4194304x16xf32, #tpu.memory_space<hbm>>, %arg6: memref<272xi32, #tpu.memory_space<vmem>>, %arg7: memref<512xi32, #tpu.memory_space<vmem>>, %arg8: memref<4095x16xf32, #tpu.memory_space<vmem_shared>>, %arg9: memref<2x16x128xi32, #tpu.memory_space<vmem>>, %arg10: memref<2x2048x16xf32, #tpu.memory_space<vmem>>, %arg11: memref<!tpu.dma_semaphore, #tpu.memory_space<semaphore_mem>>, %arg12: memref<!tpu.dma_semaphore, #tpu.memory_space<semaphore_mem>>) attributes {dimension_semantics = [#tpu.dimension_semantics<core_parallel>, #tpu.dimension_semantics<subcore_parallel>], iteration_bounds = array<i64: 2, 16>, scalar_prefetch = 0 : i64, scratch_operands = 7 : i64, tpu.core_type = #tpu.core_type<sc_vector_subcore>, window_params = [{transform_indices = #map}, {transform_indices = #map}, {transform_indices = #map1}, {transform_indices = #map1}]} {
    %mul3A = arith.constant 16 : i32
    %mul3A_0 = arith.muli %arg0, %mul3A : i32
    %add3A = arith.addi %mul3A_0, %arg1 : i32
    %jit3A = arith.constant 8 : i32
    %div3A = arith.divsi %add3A, %jit3A : i32
    %sign3A = arith.constant 0 : i32
    %sign3A_1 = arith.cmpi sgt, %add3A, %sign3A : i32
    %sign3A_2 = arith.extui %sign3A_1 : i1 to i32
    %sign3A_3 = arith.constant 0 : i32
    %sign3A_4 = arith.cmpi slt, %add3A, %sign3A_3 : i32
    %sign3A_5 = arith.extui %sign3A_4 : i1 to i32
    %sign3A_6 = arith.subi %sign3A_2, %sign3A_5 : i32
    %sign3A_7 = arith.constant 0 : i32
    %sign3A_8 = arith.cmpi sgt, %jit3A, %sign3A_7 : i32
    %sign3A_9 = arith.extui %sign3A_8 : i1 to i32
    %sign3A_10 = arith.constant 0 : i32
    %sign3A_11 = arith.cmpi slt, %jit3A, %sign3A_10 : i32
    %sign3A_12 = arith.extui %sign3A_11 : i1 to i32
    %sign3A_13 = arith.subi %sign3A_9, %sign3A_12 : i32
    %ne3A = arith.cmpi ne, %sign3A_6, %sign3A_13 : i32
    %rem3A = arith.remsi %add3A, %jit3A : i32
    %ne3A_14 = arith.constant 0 : i32
    %ne3A_15 = arith.cmpi ne, %rem3A, %ne3A_14 : i32
    %and3A = arith.andi %ne3A, %ne3A_15 : i1
    %sub3A = arith.constant 1 : i32
    %sub3A_16 = arith.subi %div3A, %sub3A : i32
    %select_n3A = arith.select %and3A, %sub3A_16, %div3A : i32
    %jit3A_17 = arith.constant 8 : i32
    %eq3A = arith.constant 0 : i32
    %eq3A_18 = arith.cmpi eq, %jit3A_17, %eq3A : i32
    %jit3A_19 = arith.constant 1 : i32
    %select_n3A_20 = arith.select %eq3A_18, %jit3A_19, %jit3A_17 : i32
    %rem3A_21 = arith.remsi %add3A, %select_n3A_20 : i32
    %ne3A_22 = arith.constant 0 : i32
    %ne3A_23 = arith.cmpi ne, %rem3A_21, %ne3A_22 : i32
    %lt3A = arith.constant 0 : i32
    %lt3A_24 = arith.cmpi slt, %rem3A_21, %lt3A : i32
    %lt3A_25 = arith.constant 0 : i32
    %lt3A_26 = arith.cmpi slt, %select_n3A_20, %lt3A_25 : i32
    %ne3A_27 = arith.xori %lt3A_24, %lt3A_26 : i1
    %and3A_28 = arith.andi %ne3A_27, %ne3A_23 : i1
    %add3A_29 = arith.addi %rem3A_21, %select_n3A_20 : i32
    %select_n3A_30 = arith.select %and3A_28, %add3A_29, %rem3A_21 : i32
    %mul3A_31 = arith.constant 256 : i32
    %mul3A_32 = arith.muli %select_n3A_30, %mul3A_31 : i32
    %mul3A_33 = arith.constant 131072 : i32
    %mul3A_34 = arith.muli %add3A, %mul3A_33 : i32
    "tpu.region"() ({
      %run_scoped3A = tpu.sem_alloc : memref<!tpu.dma_semaphore, #tpu.memory_space<semaphore_mem>>
      %dma_start3A_97 = arith.constant 0 : i32
      %dma_start3A_98 = tpu.memref_slice %arg6[%dma_start3A_97] : memref<272xi32, #tpu.memory_space<vmem>> -> memref<256xi32, #tpu.memory_space<vmem>>
      %dma_start3A_99 = tpu.memref_slice %arg2[%mul3A_32] : memref<2048xi32, #tpu.memory_space<hbm>> -> memref<256xi32, #tpu.memory_space<hbm>>
      %dma_start3A_100 = arith.constant 0 : i32
      %dma_start3A_101 = tpu.memref_slice %arg6[%dma_start3A_100] : memref<272xi32, #tpu.memory_space<vmem>> -> memref<256xi32, #tpu.memory_space<vmem>>
      %dma_start3A_102 = tpu.memref_slice %arg2[%mul3A_32] : memref<2048xi32, #tpu.memory_space<hbm>> -> memref<256xi32, #tpu.memory_space<hbm>>
      tpu.enqueue_dma source(%dma_start3A_102 : memref<256xi32, #tpu.memory_space<hbm>>) target(%dma_start3A_101 : memref<256xi32, #tpu.memory_space<vmem>>) target_semaphore(%run_scoped3A : memref<!tpu.dma_semaphore, #tpu.memory_space<semaphore_mem>>)
      %dma_wait3A_103 = arith.constant 0 : i32
      %dma_wait3A_104 = tpu.memref_slice %arg6[%dma_wait3A_103] : memref<272xi32, #tpu.memory_space<vmem>> -> memref<256xi32, #tpu.memory_space<vmem>>
      %dma_wait3A_105 = tpu.memref_slice %arg2[%mul3A_32] : memref<2048xi32, #tpu.memory_space<hbm>> -> memref<256xi32, #tpu.memory_space<hbm>>
      %dma_wait3A_106 = arith.constant 0 : i32
      %dma_wait3A_107 = tpu.memref_slice %arg6[%dma_wait3A_106] : memref<272xi32, #tpu.memory_space<vmem>> -> memref<256xi32, #tpu.memory_space<vmem>>
      %dma_wait3A_108 = tpu.memref_slice %arg2[%mul3A_32] : memref<2048xi32, #tpu.memory_space<hbm>> -> memref<256xi32, #tpu.memory_space<hbm>>
      tpu.wait_dma2 semaphore(%run_scoped3A : memref<!tpu.dma_semaphore, #tpu.memory_space<semaphore_mem>>) src(%dma_wait3A_108 : memref<256xi32, #tpu.memory_space<hbm>>) dst(%dma_wait3A_107 : memref<256xi32, #tpu.memory_space<vmem>>)
      tpu.yield
    }) : () -> ()
    %mul3A_35 = arith.constant 512 : i32
    %mul3A_36 = arith.muli %select_n3A, %mul3A_35 : i32
    "tpu.region"() ({
      %run_scoped3A = tpu.sem_alloc : memref<!tpu.dma_semaphore, #tpu.memory_space<semaphore_mem>>
      %dma_start3A_97 = tpu.memref_slice %arg3[%mul3A_36] : memref<2048xi32, #tpu.memory_space<hbm>> -> memref<512xi32, #tpu.memory_space<hbm>>
      %dma_start3A_98 = tpu.memref_slice %arg3[%mul3A_36] : memref<2048xi32, #tpu.memory_space<hbm>> -> memref<512xi32, #tpu.memory_space<hbm>>
      tpu.enqueue_dma source(%dma_start3A_98 : memref<512xi32, #tpu.memory_space<hbm>>) target(%arg7 : memref<512xi32, #tpu.memory_space<vmem>>) target_semaphore(%run_scoped3A : memref<!tpu.dma_semaphore, #tpu.memory_space<semaphore_mem>>)
      %dma_wait3A_99 = tpu.memref_slice %arg3[%mul3A_36] : memref<2048xi32, #tpu.memory_space<hbm>> -> memref<512xi32, #tpu.memory_space<hbm>>
      %dma_wait3A_100 = tpu.memref_slice %arg3[%mul3A_36] : memref<2048xi32, #tpu.memory_space<hbm>> -> memref<512xi32, #tpu.memory_space<hbm>>
      tpu.wait_dma2 semaphore(%run_scoped3A : memref<!tpu.dma_semaphore, #tpu.memory_space<semaphore_mem>>) src(%dma_wait3A_100 : memref<512xi32, #tpu.memory_space<hbm>>) dst(%arg7 : memref<512xi32, #tpu.memory_space<vmem>>)
      tpu.yield
    }) : () -> ()
    %eq3A_37 = arith.constant 0 : i32
    %eq3A_38 = arith.cmpi eq, %arg1, %eq3A_37 : i32
    %convert_element_type3A = arith.extui %eq3A_38 : i1 to i32
    %cond3A = arith.constant 0 : i32
    %cond3A_39 = arith.cmpi ne, %convert_element_type3A, %cond3A : i32
    scf.if %cond3A_39 {
      "tpu.region"() ({
        %run_scoped3A = tpu.sem_alloc : memref<!tpu.dma_semaphore, #tpu.memory_space<semaphore_mem>>
        tpu.enqueue_dma source(%arg4 : memref<4095x16xf32, #tpu.memory_space<hbm>>) target(%arg8 : memref<4095x16xf32, #tpu.memory_space<vmem_shared>>) target_semaphore(%run_scoped3A : memref<!tpu.dma_semaphore, #tpu.memory_space<semaphore_mem>>)
        tpu.wait_dma2 semaphore(%run_scoped3A : memref<!tpu.dma_semaphore, #tpu.memory_space<semaphore_mem>>) src(%arg4 : memref<4095x16xf32, #tpu.memory_space<hbm>>) dst(%arg8 : memref<4095x16xf32, #tpu.memory_space<vmem_shared>>)
        tpu.yield
      }) : () -> ()
    } else {
    }
    %barrier3A = arith.constant 0 : index
    tpu.barrier barrier_id(%barrier3A)
    %scan3A = arith.constant 0 : i32
    %scan3A_40 = arith.constant 0 : i32
    %scan3A_41 = arith.constant 64 : i32
    %scan3A_42 = arith.addi %scan3A_40, %scan3A_41 : i32
    %scan3A_43 = arith.constant 1 : i32
    scf.for %scan3A_97 = %scan3A_40 to %scan3A_42 step %scan3A_43  : i32 {
      %rem3A_98 = arith.constant 2 : i32
      %rem3A_99 = arith.remsi %scan3A_97, %rem3A_98 : i32
      %ge3A = arith.constant 2 : i32
      %ge3A_100 = arith.cmpi sge, %scan3A_97, %ge3A : i32
      %convert_element_type3A_101 = arith.extui %ge3A_100 : i1 to i32
      %cond3A_102 = arith.constant 0 : i32
      %cond3A_103 = arith.cmpi ne, %convert_element_type3A_101, %cond3A_102 : i32
      scf.if %cond3A_103 {
        %dma_wait3A_2878 = arith.constant 0 : i32
        %dma_wait3A_2879 = arith.constant 0 : i32
        %dma_wait3A_2880 = tpu.memref_slice %arg10[%rem3A_99, %dma_wait3A_2878, %dma_wait3A_2879] : memref<2x2048x16xf32, #tpu.memory_space<vmem>> -> memref<1x2048x16xf32, #tpu.memory_space<vmem>>
        %dma_wait3A_2881 = tpu.memref_squeeze %dma_wait3A_2880 : memref<1x2048x16xf32, #tpu.memory_space<vmem>> -> memref<2048x16xf32, #tpu.memory_space<vmem>>
        %dma_wait3A_2882 = arith.constant 0 : i32
        %dma_wait3A_2883 = tpu.memref_slice %arg5[%mul3A_34, %dma_wait3A_2882] : memref<4194304x16xf32, #tpu.memory_space<hbm>> -> memref<2048x16xf32, #tpu.memory_space<hbm>>
        %dma_wait3A_2884 = arith.constant 0 : i32
        %dma_wait3A_2885 = tpu.memref_slice %arg5[%mul3A_34, %dma_wait3A_2884] : memref<4194304x16xf32, #tpu.memory_space<hbm>> -> memref<2048x16xf32, #tpu.memory_space<hbm>>
        %dma_wait3A_2886 = arith.constant 0 : i32
        %dma_wait3A_2887 = arith.constant 0 : i32
        %dma_wait3A_2888 = tpu.memref_slice %arg10[%rem3A_99, %dma_wait3A_2886, %dma_wait3A_2887] : memref<2x2048x16xf32, #tpu.memory_space<vmem>> -> memref<1x2048x16xf32, #tpu.memory_space<vmem>>
        %dma_wait3A_2889 = tpu.memref_squeeze %dma_wait3A_2888 : memref<1x2048x16xf32, #tpu.memory_space<vmem>> -> memref<2048x16xf32, #tpu.memory_space<vmem>>
        tpu.wait_dma2 semaphore(%arg12 : memref<!tpu.dma_semaphore, #tpu.memory_space<semaphore_mem>>) src(%dma_wait3A_2889 : memref<2048x16xf32, #tpu.memory_space<vmem>>) dst(%dma_wait3A_2885 : memref<2048x16xf32, #tpu.memory_space<hbm>>)
      } else {
      }
      %mul3A_104 = arith.constant 4 : i32
      %mul3A_105 = arith.muli %scan3A_97, %mul3A_104 : i32
      %add3A_106 = arith.constant 0 : i32
      %add3A_107 = arith.addi %mul3A_105, %add3A_106 : i32
      %get3A = arith.index_cast %add3A_107 : i32 to index
      %get3A_108 = tpu.vector_load %arg6[%get3A] {strides = array<i32>} : memref<272xi32, #tpu.memory_space<vmem>>, vector<16xi32>,
      %get3A_109 = vector.shape_cast %get3A_108 : vector<16xi32> to vector<16xi32>
      %slice3A = vector.extract_strided_slice %get3A_109 {offsets = [0], sizes = [1], strides = [1]} : vector<16xi32> to vector<1xi32>
      %squeeze3A = vector.extract %slice3A[0] : i32 from vector<1xi32>
      %broadcast_in_dim3A = vector.broadcast %squeeze3A : i32 to vector<16xi32>
      %get3A_110 = arith.constant 0 : index
      %get3A_111 = tpu.vector_load %arg7[%get3A_110] {strides = array<i32>} : memref<512xi32, #tpu.memory_space<vmem>>, vector<16xi32>,
      %get3A_112 = vector.shape_cast %get3A_111 : vector<16xi32> to vector<16xi32>
      %sub3A_113 = arith.subi %broadcast_in_dim3A, %get3A_112 : vector<16xi32>
      %max3A = arith.constant -2047 : i32
      %max3A_114 = vector.broadcast %max3A : i32 to vector<16xi32>
      %max3A_115 = arith.maxsi %sub3A_113, %max3A_114 : vector<16xi32>
      %min3A = arith.constant 2047 : i32
      %min3A_116 = vector.broadcast %min3A : i32 to vector<16xi32>
      %min3A_117 = arith.minsi %max3A_115, %min3A_116 : vector<16xi32>
      %add3A_118 = arith.constant 2047 : i32
      %add3A_119 = vector.broadcast %add3A_118 : i32 to vector<16xi32>
      %add3A_120 = arith.addi %min3A_117, %add3A_119 : vector<16xi32>
      %swap3A = arith.constant 0 : i32
      %swap3A_121 = arith.index_cast %rem3A_99 : i32 to index
      %swap3A_122 = arith.index_cast %swap3A : i32 to index
      %swap3A_123 = arith.constant 0 : index
      %swap3A_124 = tpu.vector_load %arg9[%swap3A_121, %swap3A_122, %swap3A_123] {strides = array<i32>} : memref<2x16x128xi32, #tpu.memory_space<vmem>>, vector<1x1x16xi32>,
      %swap3A_125 = vector.shape_cast %swap3A_124 : vector<1x1x16xi32> to vector<16xi32>
      %swap3A_126 = vector.shape_cast %add3A_120 : vector<16xi32> to vector<1x1x16xi32>
      tpu.vector_store %arg9[%swap3A_121, %swap3A_122, %swap3A_123], %swap3A_126 {strides = array<i32>} : memref<2x16x128xi32, #tpu.memory_space<vmem>>, vector<1x1x16xi32>,
      %get3A_127 = arith.constant 16 : index
      %get3A_128 = tpu.vector_load %arg7[%get3A_127] {strides = array<i32>} : memref<512xi32, #tpu.memory_space<vmem>>, vector<16xi32>,
      %get3A_129 = vector.shape_cast %get3A_128 : vector<16xi32> to vector<16xi32>
      %sub3A_130 = arith.subi %broadcast_in_dim3A, %get3A_129 : vector<16xi32>
      %max3A_131 = arith.constant -2047 : i32
      %max3A_132 = vector.broadcast %max3A_131 : i32 to vector<16xi32>
      %max3A_133 = arith.maxsi %sub3A_130, %max3A_132 : vector<16xi32>
      %min3A_134 = arith.constant 2047 : i32
      %min3A_135 = vector.broadcast %min3A_134 : i32 to vector<16xi32>
      %min3A_136 = arith.minsi %max3A_133, %min3A_135 : vector<16xi32>
      %add3A_137 = arith.constant 2047 : i32
      %add3A_138 = vector.broadcast %add3A_137 : i32 to vector<16xi32>
      %add3A_139 = arith.addi %min3A_136, %add3A_138 : vector<16xi32>
      %swap3A_140 = arith.constant 0 : i32
      %swap3A_141 = arith.index_cast %rem3A_99 : i32 to index
      %swap3A_142 = arith.index_cast %swap3A_140 : i32 to index
      %swap3A_143 = arith.constant 16 : index
      %swap3A_144 = tpu.vector_load %arg9[%swap3A_141, %swap3A_142, %swap3A_143] {strides = array<i32>} : memref<2x16x128xi32, #tpu.memory_space<vmem>>, vector<1x1x16xi32>,
      %swap3A_145 = vector.shape_cast %swap3A_144 : vector<1x1x16xi32> to vector<16xi32>
      %swap3A_146 = vector.shape_cast %add3A_139 : vector<16xi32> to vector<1x1x16xi32>
      tpu.vector_store %arg9[%swap3A_141, %swap3A_142, %swap3A_143], %swap3A_146 {strides = array<i32>} : memref<2x16x128xi32, #tpu.memory_space<vmem>>, vector<1x1x16xi32>,
      %get3A_147 = arith.constant 32 : index
      %get3A_148 = tpu.vector_load %arg7[%get3A_147] {strides = array<i32>} : memref<512xi32, #tpu.memory_space<vmem>>, vector<16xi32>,
      %get3A_149 = vector.shape_cast %get3A_148 : vector<16xi32> to vector<16xi32>
      %sub3A_150 = arith.subi %broadcast_in_dim3A, %get3A_149 : vector<16xi32>
      %max3A_151 = arith.constant -2047 : i32
      %max3A_152 = vector.broadcast %max3A_151 : i32 to vector<16xi32>
      %max3A_153 = arith.maxsi %sub3A_150, %max3A_152 : vector<16xi32>
      %min3A_154 = arith.constant 2047 : i32
      %min3A_155 = vector.broadcast %min3A_154 : i32 to vector<16xi32>
      %min3A_156 = arith.minsi %max3A_153, %min3A_155 : vector<16xi32>
      %add3A_157 = arith.constant 2047 : i32
      %add3A_158 = vector.broadcast %add3A_157 : i32 to vector<16xi32>
      %add3A_159 = arith.addi %min3A_156, %add3A_158 : vector<16xi32>
      %swap3A_160 = arith.constant 0 : i32
      %swap3A_161 = arith.index_cast %rem3A_99 : i32 to index
      %swap3A_162 = arith.index_cast %swap3A_160 : i32 to index
      %swap3A_163 = arith.constant 32 : index
      %swap3A_164 = tpu.vector_load %arg9[%swap3A_161, %swap3A_162, %swap3A_163] {strides = array<i32>} : memref<2x16x128xi32, #tpu.memory_space<vmem>>, vector<1x1x16xi32>,
      %swap3A_165 = vector.shape_cast %swap3A_164 : vector<1x1x16xi32> to vector<16xi32>
      %swap3A_166 = vector.shape_cast %add3A_159 : vector<16xi32> to vector<1x1x16xi32>
      tpu.vector_store %arg9[%swap3A_161, %swap3A_162, %swap3A_163], %swap3A_166 {strides = array<i32>} : memref<2x16x128xi32, #tpu.memory_space<vmem>>, vector<1x1x16xi32>,
      %get3A_167 = arith.constant 48 : index
      %get3A_168 = tpu.vector_load %arg7[%get3A_167] {strides = array<i32>} : memref<512xi32, #tpu.memory_space<vmem>>, vector<16xi32>,
      %get3A_169 = vector.shape_cast %get3A_168 : vector<16xi32> to vector<16xi32>
      %sub3A_170 = arith.subi %broadcast_in_dim3A, %get3A_169 : vector<16xi32>
      %max3A_171 = arith.constant -2047 : i32
      %max3A_172 = vector.broadcast %max3A_171 : i32 to vector<16xi32>
      %max3A_173 = arith.maxsi %sub3A_170, %max3A_172 : vector<16xi32>
      %min3A_174 = arith.constant 2047 : i32
      %min3A_175 = vector.broadcast %min3A_174 : i32 to vector<16xi32>
      %min3A_176 = arith.minsi %max3A_173, %min3A_175 : vector<16xi32>
      %add3A_177 = arith.constant 2047 : i32
      %add3A_178 = vector.broadcast %add3A_177 : i32 to vector<16xi32>
      %add3A_179 = arith.addi %min3A_176, %add3A_178 : vector<16xi32>
      %swap3A_180 = arith.constant 0 : i32
      %swap3A_181 = arith.index_cast %rem3A_99 : i32 to index
      %swap3A_182 = arith.index_cast %swap3A_180 : i32 to index
      %swap3A_183 = arith.constant 48 : index
      %swap3A_184 = tpu.vector_load %arg9[%swap3A_181, %swap3A_182, %swap3A_183] {strides = array<i32>} : memref<2x16x128xi32, #tpu.memory_space<vmem>>, vector<1x1x16xi32>,
      %swap3A_185 = vector.shape_cast %swap3A_184 : vector<1x1x16xi32> to vector<16xi32>
      %swap3A_186 = vector.shape_cast %add3A_179 : vector<16xi32> to vector<1x1x16xi32>
      tpu.vector_store %arg9[%swap3A_181, %swap3A_182, %swap3A_183], %swap3A_186 {strides = array<i32>} : memref<2x16x128xi32, #tpu.memory_space<vmem>>, vector<1x1x16xi32>,
      %get3A_187 = arith.constant 64 : index
      %get3A_188 = tpu.vector_load %arg7[%get3A_187] {strides = array<i32>} : memref<512xi32, #tpu.memory_space<vmem>>, vector<16xi32>,
      %get3A_189 = vector.shape_cast %get3A_188 : vector<16xi32> to vector<16xi32>
      %sub3A_190 = arith.subi %broadcast_in_dim3A, %get3A_189 : vector<16xi32>
      %max3A_191 = arith.constant -2047 : i32
      %max3A_192 = vector.broadcast %max3A_191 : i32 to vector<16xi32>
      %max3A_193 = arith.maxsi %sub3A_190, %max3A_192 : vector<16xi32>
      %min3A_194 = arith.constant 2047 : i32
      %min3A_195 = vector.broadcast %min3A_194 : i32 to vector<16xi32>
      %min3A_196 = arith.minsi %max3A_193, %min3A_195 : vector<16xi32>
      %add3A_197 = arith.constant 2047 : i32
      %add3A_198 = vector.broadcast %add3A_197 : i32 to vector<16xi32>
      %add3A_199 = arith.addi %min3A_196, %add3A_198 : vector<16xi32>
      %swap3A_200 = arith.constant 0 : i32
      %swap3A_201 = arith.index_cast %rem3A_99 : i32 to index
      %swap3A_202 = arith.index_cast %swap3A_200 : i32 to index
      %swap3A_203 = arith.constant 64 : index
      %swap3A_204 = tpu.vector_load %arg9[%swap3A_201, %swap3A_202, %swap3A_203] {strides = array<i32>} : memref<2x16x128xi32, #tpu.memory_space<vmem>>, vector<1x1x16xi32>,
      %swap3A_205 = vector.shape_cast %swap3A_204 : vector<1x1x16xi32> to vector<16xi32>
      %swap3A_206 = vector.shape_cast %add3A_199 : vector<16xi32> to vector<1x1x16xi32>
      tpu.vector_store %arg9[%swap3A_201, %swap3A_202, %swap3A_203], %swap3A_206 {strides = array<i32>} : memref<2x16x128xi32, #tpu.memory_space<vmem>>, vector<1x1x16xi32>,
      %get3A_207 = arith.constant 80 : index
      %get3A_208 = tpu.vector_load %arg7[%get3A_207] {strides = array<i32>} : memref<512xi32, #tpu.memory_space<vmem>>, vector<16xi32>,
      %get3A_209 = vector.shape_cast %get3A_208 : vector<16xi32> to vector<16xi32>
      %sub3A_210 = arith.subi %broadcast_in_dim3A, %get3A_209 : vector<16xi32>
      %max3A_211 = arith.constant -2047 : i32
      %max3A_212 = vector.broadcast %max3A_211 : i32 to vector<16xi32>
      %max3A_213 = arith.maxsi %sub3A_210, %max3A_212 : vector<16xi32>
      %min3A_214 = arith.constant 2047 : i32
      %min3A_215 = vector.broadcast %min3A_214 : i32 to vector<16xi32>
      %min3A_216 = arith.minsi %max3A_213, %min3A_215 : vector<16xi32>
      %add3A_217 = arith.constant 2047 : i32
      %add3A_218 = vector.broadcast %add3A_217 : i32 to vector<16xi32>
      %add3A_219 = arith.addi %min3A_216, %add3A_218 : vector<16xi32>
      %swap3A_220 = arith.constant 0 : i32
      %swap3A_221 = arith.index_cast %rem3A_99 : i32 to index
      %swap3A_222 = arith.index_cast %swap3A_220 : i32 to index
      %swap3A_223 = arith.constant 80 : index
      %swap3A_224 = tpu.vector_load %arg9[%swap3A_221, %swap3A_222, %swap3A_223] {strides = array<i32>} : memref<2x16x128xi32, #tpu.memory_space<vmem>>, vector<1x1x16xi32>,
      %swap3A_225 = vector.shape_cast %swap3A_224 : vector<1x1x16xi32> to vector<16xi32>
      %swap3A_226 = vector.shape_cast %add3A_219 : vector<16xi32> to vector<1x1x16xi32>
      tpu.vector_store %arg9[%swap3A_221, %swap3A_222, %swap3A_223], %swap3A_226 {strides = array<i32>} : memref<2x16x128xi32, #tpu.memory_space<vmem>>, vector<1x1x16xi32>,
      %get3A_227 = arith.constant 96 : index
      %get3A_228 = tpu.vector_load %arg7[%get3A_227] {strides = array<i32>} : memref<512xi32, #tpu.memory_space<vmem>>, vector<16xi32>,
      %get3A_229 = vector.shape_cast %get3A_228 : vector<16xi32> to vector<16xi32>
      %sub3A_230 = arith.subi %broadcast_in_dim3A, %get3A_229 : vector<16xi32>
      %max3A_231 = arith.constant -2047 : i32
      %max3A_232 = vector.broadcast %max3A_231 : i32 to vector<16xi32>
      %max3A_233 = arith.maxsi %sub3A_230, %max3A_232 : vector<16xi32>
      %min3A_234 = arith.constant 2047 : i32
      %min3A_235 = vector.broadcast %min3A_234 : i32 to vector<16xi32>
      %min3A_236 = arith.minsi %max3A_233, %min3A_235 : vector<16xi32>
      %add3A_237 = arith.constant 2047 : i32
      %add3A_238 = vector.broadcast %add3A_237 : i32 to vector<16xi32>
      %add3A_239 = arith.addi %min3A_236, %add3A_238 : vector<16xi32>
      %swap3A_240 = arith.constant 0 : i32
      %swap3A_241 = arith.index_cast %rem3A_99 : i32 to index
      %swap3A_242 = arith.index_cast %swap3A_240 : i32 to index
      %swap3A_243 = arith.constant 96 : index
      %swap3A_244 = tpu.vector_load %arg9[%swap3A_241, %swap3A_242, %swap3A_243] {strides = array<i32>} : memref<2x16x128xi32, #tpu.memory_space<vmem>>, vector<1x1x16xi32>,
      %swap3A_245 = vector.shape_cast %swap3A_244 : vector<1x1x16xi32> to vector<16xi32>
      %swap3A_246 = vector.shape_cast %add3A_239 : vector<16xi32> to vector<1x1x16xi32>
      tpu.vector_store %arg9[%swap3A_241, %swap3A_242, %swap3A_243], %swap3A_246 {strides = array<i32>} : memref<2x16x128xi32, #tpu.memory_space<vmem>>, vector<1x1x16xi32>,
      %get3A_247 = arith.constant 112 : index
      %get3A_248 = tpu.vector_load %arg7[%get3A_247] {strides = array<i32>} : memref<512xi32, #tpu.memory_space<vmem>>, vector<16xi32>,
      %get3A_249 = vector.shape_cast %get3A_248 : vector<16xi32> to vector<16xi32>
      %sub3A_250 = arith.subi %broadcast_in_dim3A, %get3A_249 : vector<16xi32>
      %max3A_251 = arith.constant -2047 : i32
      %max3A_252 = vector.broadcast %max3A_251 : i32 to vector<16xi32>
      %max3A_253 = arith.maxsi %sub3A_250, %max3A_252 : vector<16xi32>
      %min3A_254 = arith.constant 2047 : i32
      %min3A_255 = vector.broadcast %min3A_254 : i32 to vector<16xi32>
      %min3A_256 = arith.minsi %max3A_253, %min3A_255 : vector<16xi32>
      %add3A_257 = arith.constant 2047 : i32
      %add3A_258 = vector.broadcast %add3A_257 : i32 to vector<16xi32>
      %add3A_259 = arith.addi %min3A_256, %add3A_258 : vector<16xi32>
      %swap3A_260 = arith.constant 0 : i32
      %swap3A_261 = arith.index_cast %rem3A_99 : i32 to index
      %swap3A_262 = arith.index_cast %swap3A_260 : i32 to index
      %swap3A_263 = arith.constant 112 : index
      %swap3A_264 = tpu.vector_load %arg9[%swap3A_261, %swap3A_262, %swap3A_263] {strides = array<i32>} : memref<2x16x128xi32, #tpu.memory_space<vmem>>, vector<1x1x16xi32>,
      %swap3A_265 = vector.shape_cast %swap3A_264 : vector<1x1x16xi32> to vector<16xi32>
      %swap3A_266 = vector.shape_cast %add3A_259 : vector<16xi32> to vector<1x1x16xi32>
      tpu.vector_store %arg9[%swap3A_261, %swap3A_262, %swap3A_263], %swap3A_266 {strides = array<i32>} : memref<2x16x128xi32, #tpu.memory_space<vmem>>, vector<1x1x16xi32>,
      %get3A_267 = arith.constant 128 : index
      %get3A_268 = tpu.vector_load %arg7[%get3A_267] {strides = array<i32>} : memref<512xi32, #tpu.memory_space<vmem>>, vector<16xi32>,
      %get3A_269 = vector.shape_cast %get3A_268 : vector<16xi32> to vector<16xi32>
      %sub3A_270 = arith.subi %broadcast_in_dim3A, %get3A_269 : vector<16xi32>
      %max3A_271 = arith.constant -2047 : i32
      %max3A_272 = vector.broadcast %max3A_271 : i32 to vector<16xi32>
      %max3A_273 = arith.maxsi %sub3A_270, %max3A_272 : vector<16xi32>
      %min3A_274 = arith.constant 2047 : i32
      %min3A_275 = vector.broadcast %min3A_274 : i32 to vector<16xi32>
      %min3A_276 = arith.minsi %max3A_273, %min3A_275 : vector<16xi32>
      %add3A_277 = arith.constant 2047 : i32
      %add3A_278 = vector.broadcast %add3A_277 : i32 to vector<16xi32>
      %add3A_279 = arith.addi %min3A_276, %add3A_278 : vector<16xi32>
      %swap3A_280 = arith.constant 1 : i32
      %swap3A_281 = arith.index_cast %rem3A_99 : i32 to index
      %swap3A_282 = arith.index_cast %swap3A_280 : i32 to index
      %swap3A_283 = arith.constant 0 : index
      %swap3A_284 = tpu.vector_load %arg9[%swap3A_281, %swap3A_282, %swap3A_283] {strides = array<i32>} : memref<2x16x128xi32, #tpu.memory_space<vmem>>, vector<1x1x16xi32>,
      %swap3A_285 = vector.shape_cast %swap3A_284 : vector<1x1x16xi32> to vector<16xi32>
      %swap3A_286 = vector.shape_cast %add3A_279 : vector<16xi32> to vector<1x1x16xi32>
      tpu.vector_store %arg9[%swap3A_281, %swap3A_282, %swap3A_283], %swap3A_286 {strides = array<i32>} : memref<2x16x128xi32, #tpu.memory_space<vmem>>, vector<1x1x16xi32>,
      %get3A_287 = arith.constant 144 : index
      %get3A_288 = tpu.vector_load %arg7[%get3A_287] {strides = array<i32>} : memref<512xi32, #tpu.memory_space<vmem>>, vector<16xi32>,
      %get3A_289 = vector.shape_cast %get3A_288 : vector<16xi32> to vector<16xi32>
      %sub3A_290 = arith.subi %broadcast_in_dim3A, %get3A_289 : vector<16xi32>
      %max3A_291 = arith.constant -2047 : i32
      %max3A_292 = vector.broadcast %max3A_291 : i32 to vector<16xi32>
      %max3A_293 = arith.maxsi %sub3A_290, %max3A_292 : vector<16xi32>
      %min3A_294 = arith.constant 2047 : i32
      %min3A_295 = vector.broadcast %min3A_294 : i32 to vector<16xi32>
      %min3A_296 = arith.minsi %max3A_293, %min3A_295 : vector<16xi32>
      %add3A_297 = arith.constant 2047 : i32
      %add3A_298 = vector.broadcast %add3A_297 : i32 to vector<16xi32>
      %add3A_299 = arith.addi %min3A_296, %add3A_298 : vector<16xi32>
      %swap3A_300 = arith.constant 1 : i32
      %swap3A_301 = arith.index_cast %rem3A_99 : i32 to index
      %swap3A_302 = arith.index_cast %swap3A_300 : i32 to index
      %swap3A_303 = arith.constant 16 : index
      %swap3A_304 = tpu.vector_load %arg9[%swap3A_301, %swap3A_302, %swap3A_303] {strides = array<i32>} : memref<2x16x128xi32, #tpu.memory_space<vmem>>, vector<1x1x16xi32>,
      %swap3A_305 = vector.shape_cast %swap3A_304 : vector<1x1x16xi32> to vector<16xi32>
      %swap3A_306 = vector.shape_cast %add3A_299 : vector<16xi32> to vector<1x1x16xi32>
      tpu.vector_store %arg9[%swap3A_301, %swap3A_302, %swap3A_303], %swap3A_306 {strides = array<i32>} : memref<2x16x128xi32, #tpu.memory_space<vmem>>, vector<1x1x16xi32>,
      %get3A_307 = arith.constant 160 : index
      %get3A_308 = tpu.vector_load %arg7[%get3A_307] {strides = array<i32>} : memref<512xi32, #tpu.memory_space<vmem>>, vector<16xi32>,
      %get3A_309 = vector.shape_cast %get3A_308 : vector<16xi32> to vector<16xi32>
      %sub3A_310 = arith.subi %broadcast_in_dim3A, %get3A_309 : vector<16xi32>
      %max3A_311 = arith.constant -2047 : i32
      %max3A_312 = vector.broadcast %max3A_311 : i32 to vector<16xi32>
      %max3A_313 = arith.maxsi %sub3A_310, %max3A_312 : vector<16xi32>
      %min3A_314 = arith.constant 2047 : i32
      %min3A_315 = vector.broadcast %min3A_314 : i32 to vector<16xi32>
      %min3A_316 = arith.minsi %max3A_313, %min3A_315 : vector<16xi32>
      %add3A_317 = arith.constant 2047 : i32
      %add3A_318 = vector.broadcast %add3A_317 : i32 to vector<16xi32>
      %add3A_319 = arith.addi %min3A_316, %add3A_318 : vector<16xi32>
      %swap3A_320 = arith.constant 1 : i32
      %swap3A_321 = arith.index_cast %rem3A_99 : i32 to index
      %swap3A_322 = arith.index_cast %swap3A_320 : i32 to index
      %swap3A_323 = arith.constant 32 : index
      %swap3A_324 = tpu.vector_load %arg9[%swap3A_321, %swap3A_322, %swap3A_323] {strides = array<i32>} : memref<2x16x128xi32, #tpu.memory_space<vmem>>, vector<1x1x16xi32>,
      %swap3A_325 = vector.shape_cast %swap3A_324 : vector<1x1x16xi32> to vector<16xi32>
      %swap3A_326 = vector.shape_cast %add3A_319 : vector<16xi32> to vector<1x1x16xi32>
      tpu.vector_store %arg9[%swap3A_321, %swap3A_322, %swap3A_323], %swap3A_326 {strides = array<i32>} : memref<2x16x128xi32, #tpu.memory_space<vmem>>, vector<1x1x16xi32>,
      %get3A_327 = arith.constant 176 : index
      %get3A_328 = tpu.vector_load %arg7[%get3A_327] {strides = array<i32>} : memref<512xi32, #tpu.memory_space<vmem>>, vector<16xi32>,
      %get3A_329 = vector.shape_cast %get3A_328 : vector<16xi32> to vector<16xi32>
      %sub3A_330 = arith.subi %broadcast_in_dim3A, %get3A_329 : vector<16xi32>
      %max3A_331 = arith.constant -2047 : i32
      %max3A_332 = vector.broadcast %max3A_331 : i32 to vector<16xi32>
      %max3A_333 = arith.maxsi %sub3A_330, %max3A_332 : vector<16xi32>
      %min3A_334 = arith.constant 2047 : i32
      %min3A_335 = vector.broadcast %min3A_334 : i32 to vector<16xi32>
      %min3A_336 = arith.minsi %max3A_333, %min3A_335 : vector<16xi32>
      %add3A_337 = arith.constant 2047 : i32
      %add3A_338 = vector.broadcast %add3A_337 : i32 to vector<16xi32>
      %add3A_339 = arith.addi %min3A_336, %add3A_338 : vector<16xi32>
      %swap3A_340 = arith.constant 1 : i32
      %swap3A_341 = arith.index_cast %rem3A_99 : i32 to index
      %swap3A_342 = arith.index_cast %swap3A_340 : i32 to index
      %swap3A_343 = arith.constant 48 : index
      %swap3A_344 = tpu.vector_load %arg9[%swap3A_341, %swap3A_342, %swap3A_343] {strides = array<i32>} : memref<2x16x128xi32, #tpu.memory_space<vmem>>, vector<1x1x16xi32>,
      %swap3A_345 = vector.shape_cast %swap3A_344 : vector<1x1x16xi32> to vector<16xi32>
      %swap3A_346 = vector.shape_cast %add3A_339 : vector<16xi32> to vector<1x1x16xi32>
      tpu.vector_store %arg9[%swap3A_341, %swap3A_342, %swap3A_343], %swap3A_346 {strides = array<i32>} : memref<2x16x128xi32, #tpu.memory_space<vmem>>, vector<1x1x16xi32>,
      %get3A_347 = arith.constant 192 : index
      %get3A_348 = tpu.vector_load %arg7[%get3A_347] {strides = array<i32>} : memref<512xi32, #tpu.memory_space<vmem>>, vector<16xi32>,
      %get3A_349 = vector.shape_cast %get3A_348 : vector<16xi32> to vector<16xi32>
      %sub3A_350 = arith.subi %broadcast_in_dim3A, %get3A_349 : vector<16xi32>
      %max3A_351 = arith.constant -2047 : i32
      %max3A_352 = vector.broadcast %max3A_351 : i32 to vector<16xi32>
      %max3A_353 = arith.maxsi %sub3A_350, %max3A_352 : vector<16xi32>
      %min3A_354 = arith.constant 2047 : i32
      %min3A_355 = vector.broadcast %min3A_354 : i32 to vector<16xi32>
      %min3A_356 = arith.minsi %max3A_353, %min3A_355 : vector<16xi32>
      %add3A_357 = arith.constant 2047 : i32
      %add3A_358 = vector.broadcast %add3A_357 : i32 to vector<16xi32>
      %add3A_359 = arith.addi %min3A_356, %add3A_358 : vector<16xi32>
      %swap3A_360 = arith.constant 1 : i32
      %swap3A_361 = arith.index_cast %rem3A_99 : i32 to index
      %swap3A_362 = arith.index_cast %swap3A_360 : i32 to index
      %swap3A_363 = arith.constant 64 : index
      %swap3A_364 = tpu.vector_load %arg9[%swap3A_361, %swap3A_362, %swap3A_363] {strides = array<i32>} : memref<2x16x128xi32, #tpu.memory_space<vmem>>, vector<1x1x16xi32>,
      %swap3A_365 = vector.shape_cast %swap3A_364 : vector<1x1x16xi32> to vector<16xi32>
      %swap3A_366 = vector.shape_cast %add3A_359 : vector<16xi32> to vector<1x1x16xi32>
      tpu.vector_store %arg9[%swap3A_361, %swap3A_362, %swap3A_363], %swap3A_366 {strides = array<i32>} : memref<2x16x128xi32, #tpu.memory_space<vmem>>, vector<1x1x16xi32>,
      %get3A_367 = arith.constant 208 : index
      %get3A_368 = tpu.vector_load %arg7[%get3A_367] {strides = array<i32>} : memref<512xi32, #tpu.memory_space<vmem>>, vector<16xi32>,
      %get3A_369 = vector.shape_cast %get3A_368 : vector<16xi32> to vector<16xi32>
      %sub3A_370 = arith.subi %broadcast_in_dim3A, %get3A_369 : vector<16xi32>
      %max3A_371 = arith.constant -2047 : i32
      %max3A_372 = vector.broadcast %max3A_371 : i32 to vector<16xi32>
      %max3A_373 = arith.maxsi %sub3A_370, %max3A_372 : vector<16xi32>
      %min3A_374 = arith.constant 2047 : i32
      %min3A_375 = vector.broadcast %min3A_374 : i32 to vector<16xi32>
      %min3A_376 = arith.minsi %max3A_373, %min3A_375 : vector<16xi32>
      %add3A_377 = arith.constant 2047 : i32
      %add3A_378 = vector.broadcast %add3A_377 : i32 to vector<16xi32>
      %add3A_379 = arith.addi %min3A_376, %add3A_378 : vector<16xi32>
      %swap3A_380 = arith.constant 1 : i32
      %swap3A_381 = arith.index_cast %rem3A_99 : i32 to index
      %swap3A_382 = arith.index_cast %swap3A_380 : i32 to index
      %swap3A_383 = arith.constant 80 : index
      %swap3A_384 = tpu.vector_load %arg9[%swap3A_381, %swap3A_382, %swap3A_383] {strides = array<i32>} : memref<2x16x128xi32, #tpu.memory_space<vmem>>, vector<1x1x16xi32>,
      %swap3A_385 = vector.shape_cast %swap3A_384 : vector<1x1x16xi32> to vector<16xi32>
      %swap3A_386 = vector.shape_cast %add3A_379 : vector<16xi32> to vector<1x1x16xi32>
      tpu.vector_store %arg9[%swap3A_381, %swap3A_382, %swap3A_383], %swap3A_386 {strides = array<i32>} : memref<2x16x128xi32, #tpu.memory_space<vmem>>, vector<1x1x16xi32>,
      %get3A_387 = arith.constant 224 : index
      %get3A_388 = tpu.vector_load %arg7[%get3A_387] {strides = array<i32>} : memref<512xi32, #tpu.memory_space<vmem>>, vector<16xi32>,
      %get3A_389 = vector.shape_cast %get3A_388 : vector<16xi32> to vector<16xi32>
      %sub3A_390 = arith.subi %broadcast_in_dim3A, %get3A_389 : vector<16xi32>
      %max3A_391 = arith.constant -2047 : i32
      %max3A_392 = vector.broadcast %max3A_391 : i32 to vector<16xi32>
      %max3A_393 = arith.maxsi %sub3A_390, %max3A_392 : vector<16xi32>
      %min3A_394 = arith.constant 2047 : i32
      %min3A_395 = vector.broadcast %min3A_394 : i32 to vector<16xi32>
      %min3A_396 = arith.minsi %max3A_393, %min3A_395 : vector<16xi32>
      %add3A_397 = arith.constant 2047 : i32
      %add3A_398 = vector.broadcast %add3A_397 : i32 to vector<16xi32>
      %add3A_399 = arith.addi %min3A_396, %add3A_398 : vector<16xi32>
      %swap3A_400 = arith.constant 1 : i32
      %swap3A_401 = arith.index_cast %rem3A_99 : i32 to index
      %swap3A_402 = arith.index_cast %swap3A_400 : i32 to index
      %swap3A_403 = arith.constant 96 : index
      %swap3A_404 = tpu.vector_load %arg9[%swap3A_401, %swap3A_402, %swap3A_403] {strides = array<i32>} : memref<2x16x128xi32, #tpu.memory_space<vmem>>, vector<1x1x16xi32>,
      %swap3A_405 = vector.shape_cast %swap3A_404 : vector<1x1x16xi32> to vector<16xi32>
      %swap3A_406 = vector.shape_cast %add3A_399 : vector<16xi32> to vector<1x1x16xi32>
      tpu.vector_store %arg9[%swap3A_401, %swap3A_402, %swap3A_403], %swap3A_406 {strides = array<i32>} : memref<2x16x128xi32, #tpu.memory_space<vmem>>, vector<1x1x16xi32>,
      %get3A_407 = arith.constant 240 : index
      %get3A_408 = tpu.vector_load %arg7[%get3A_407] {strides = array<i32>} : memref<512xi32, #tpu.memory_space<vmem>>, vector<16xi32>,
      %get3A_409 = vector.shape_cast %get3A_408 : vector<16xi32> to vector<16xi32>
      %sub3A_410 = arith.subi %broadcast_in_dim3A, %get3A_409 : vector<16xi32>
      %max3A_411 = arith.constant -2047 : i32
      %max3A_412 = vector.broadcast %max3A_411 : i32 to vector<16xi32>
      %max3A_413 = arith.maxsi %sub3A_410, %max3A_412 : vector<16xi32>
      %min3A_414 = arith.constant 2047 : i32
      %min3A_415 = vector.broadcast %min3A_414 : i32 to vector<16xi32>
      %min3A_416 = arith.minsi %max3A_413, %min3A_415 : vector<16xi32>
      %add3A_417 = arith.constant 2047 : i32
      %add3A_418 = vector.broadcast %add3A_417 : i32 to vector<16xi32>
      %add3A_419 = arith.addi %min3A_416, %add3A_418 : vector<16xi32>
      %swap3A_420 = arith.constant 1 : i32
      %swap3A_421 = arith.index_cast %rem3A_99 : i32 to index
      %swap3A_422 = arith.index_cast %swap3A_420 : i32 to index
      %swap3A_423 = arith.constant 112 : index
      %swap3A_424 = tpu.vector_load %arg9[%swap3A_421, %swap3A_422, %swap3A_423] {strides = array<i32>} : memref<2x16x128xi32, #tpu.memory_space<vmem>>, vector<1x1x16xi32>,
      %swap3A_425 = vector.shape_cast %swap3A_424 : vector<1x1x16xi32> to vector<16xi32>
      %swap3A_426 = vector.shape_cast %add3A_419 : vector<16xi32> to vector<1x1x16xi32>
      tpu.vector_store %arg9[%swap3A_421, %swap3A_422, %swap3A_423], %swap3A_426 {strides = array<i32>} : memref<2x16x128xi32, #tpu.memory_space<vmem>>, vector<1x1x16xi32>,
      %get3A_427 = arith.constant 256 : index
      %get3A_428 = tpu.vector_load %arg7[%get3A_427] {strides = array<i32>} : memref<512xi32, #tpu.memory_space<vmem>>, vector<16xi32>,
      %get3A_429 = vector.shape_cast %get3A_428 : vector<16xi32> to vector<16xi32>
      %sub3A_430 = arith.subi %broadcast_in_dim3A, %get3A_429 : vector<16xi32>
      %max3A_431 = arith.constant -2047 : i32
      %max3A_432 = vector.broadcast %max3A_431 : i32 to vector<16xi32>
      %max3A_433 = arith.maxsi %sub3A_430, %max3A_432 : vector<16xi32>
      %min3A_434 = arith.constant 2047 : i32
      %min3A_435 = vector.broadcast %min3A_434 : i32 to vector<16xi32>
      %min3A_436 = arith.minsi %max3A_433, %min3A_435 : vector<16xi32>
      %add3A_437 = arith.constant 2047 : i32
      %add3A_438 = vector.broadcast %add3A_437 : i32 to vector<16xi32>
      %add3A_439 = arith.addi %min3A_436, %add3A_438 : vector<16xi32>
      %swap3A_440 = arith.constant 2 : i32
      %swap3A_441 = arith.index_cast %rem3A_99 : i32 to index
      %swap3A_442 = arith.index_cast %swap3A_440 : i32 to index
      %swap3A_443 = arith.constant 0 : index
      %swap3A_444 = tpu.vector_load %arg9[%swap3A_441, %swap3A_442, %swap3A_443] {strides = array<i32>} : memref<2x16x128xi32, #tpu.memory_space<vmem>>, vector<1x1x16xi32>,
      %swap3A_445 = vector.shape_cast %swap3A_444 : vector<1x1x16xi32> to vector<16xi32>
      %swap3A_446 = vector.shape_cast %add3A_439 : vector<16xi32> to vector<1x1x16xi32>
      tpu.vector_store %arg9[%swap3A_441, %swap3A_442, %swap3A_443], %swap3A_446 {strides = array<i32>} : memref<2x16x128xi32, #tpu.memory_space<vmem>>, vector<1x1x16xi32>,
      %get3A_447 = arith.constant 272 : index
      %get3A_448 = tpu.vector_load %arg7[%get3A_447] {strides = array<i32>} : memref<512xi32, #tpu.memory_space<vmem>>, vector<16xi32>,
      %get3A_449 = vector.shape_cast %get3A_448 : vector<16xi32> to vector<16xi32>
      %sub3A_450 = arith.subi %broadcast_in_dim3A, %get3A_449 : vector<16xi32>
      %max3A_451 = arith.constant -2047 : i32
      %max3A_452 = vector.broadcast %max3A_451 : i32 to vector<16xi32>
      %max3A_453 = arith.maxsi %sub3A_450, %max3A_452 : vector<16xi32>
      %min3A_454 = arith.constant 2047 : i32
      %min3A_455 = vector.broadcast %min3A_454 : i32 to vector<16xi32>
      %min3A_456 = arith.minsi %max3A_453, %min3A_455 : vector<16xi32>
      %add3A_457 = arith.constant 2047 : i32
      %add3A_458 = vector.broadcast %add3A_457 : i32 to vector<16xi32>
      %add3A_459 = arith.addi %min3A_456, %add3A_458 : vector<16xi32>
      %swap3A_460 = arith.constant 2 : i32
      %swap3A_461 = arith.index_cast %rem3A_99 : i32 to index
      %swap3A_462 = arith.index_cast %swap3A_460 : i32 to index
      %swap3A_463 = arith.constant 16 : index
      %swap3A_464 = tpu.vector_load %arg9[%swap3A_461, %swap3A_462, %swap3A_463] {strides = array<i32>} : memref<2x16x128xi32, #tpu.memory_space<vmem>>, vector<1x1x16xi32>,
      %swap3A_465 = vector.shape_cast %swap3A_464 : vector<1x1x16xi32> to vector<16xi32>
      %swap3A_466 = vector.shape_cast %add3A_459 : vector<16xi32> to vector<1x1x16xi32>
      tpu.vector_store %arg9[%swap3A_461, %swap3A_462, %swap3A_463], %swap3A_466 {strides = array<i32>} : memref<2x16x128xi32, #tpu.memory_space<vmem>>, vector<1x1x16xi32>,
      %get3A_467 = arith.constant 288 : index
      %get3A_468 = tpu.vector_load %arg7[%get3A_467] {strides = array<i32>} : memref<512xi32, #tpu.memory_space<vmem>>, vector<16xi32>,
      %get3A_469 = vector.shape_cast %get3A_468 : vector<16xi32> to vector<16xi32>
      %sub3A_470 = arith.subi %broadcast_in_dim3A, %get3A_469 : vector<16xi32>
      %max3A_471 = arith.constant -2047 : i32
      %max3A_472 = vector.broadcast %max3A_471 : i32 to vector<16xi32>
      %max3A_473 = arith.maxsi %sub3A_470, %max3A_472 : vector<16xi32>
      %min3A_474 = arith.constant 2047 : i32
      %min3A_475 = vector.broadcast %min3A_474 : i32 to vector<16xi32>
      %min3A_476 = arith.minsi %max3A_473, %min3A_475 : vector<16xi32>
      %add3A_477 = arith.constant 2047 : i32
      %add3A_478 = vector.broadcast %add3A_477 : i32 to vector<16xi32>
      %add3A_479 = arith.addi %min3A_476, %add3A_478 : vector<16xi32>
      %swap3A_480 = arith.constant 2 : i32
      %swap3A_481 = arith.index_cast %rem3A_99 : i32 to index
      %swap3A_482 = arith.index_cast %swap3A_480 : i32 to index
      %swap3A_483 = arith.constant 32 : index
      %swap3A_484 = tpu.vector_load %arg9[%swap3A_481, %swap3A_482, %swap3A_483] {strides = array<i32>} : memref<2x16x128xi32, #tpu.memory_space<vmem>>, vector<1x1x16xi32>,
      %swap3A_485 = vector.shape_cast %swap3A_484 : vector<1x1x16xi32> to vector<16xi32>
      %swap3A_486 = vector.shape_cast %add3A_479 : vector<16xi32> to vector<1x1x16xi32>
      tpu.vector_store %arg9[%swap3A_481, %swap3A_482, %swap3A_483], %swap3A_486 {strides = array<i32>} : memref<2x16x128xi32, #tpu.memory_space<vmem>>, vector<1x1x16xi32>,
      %get3A_487 = arith.constant 304 : index
      %get3A_488 = tpu.vector_load %arg7[%get3A_487] {strides = array<i32>} : memref<512xi32, #tpu.memory_space<vmem>>, vector<16xi32>,
      %get3A_489 = vector.shape_cast %get3A_488 : vector<16xi32> to vector<16xi32>
      %sub3A_490 = arith.subi %broadcast_in_dim3A, %get3A_489 : vector<16xi32>
      %max3A_491 = arith.constant -2047 : i32
      %max3A_492 = vector.broadcast %max3A_491 : i32 to vector<16xi32>
      %max3A_493 = arith.maxsi %sub3A_490, %max3A_492 : vector<16xi32>
      %min3A_494 = arith.constant 2047 : i32
      %min3A_495 = vector.broadcast %min3A_494 : i32 to vector<16xi32>
      %min3A_496 = arith.minsi %max3A_493, %min3A_495 : vector<16xi32>
      %add3A_497 = arith.constant 2047 : i32
      %add3A_498 = vector.broadcast %add3A_497 : i32 to vector<16xi32>
      %add3A_499 = arith.addi %min3A_496, %add3A_498 : vector<16xi32>
      %swap3A_500 = arith.constant 2 : i32
      %swap3A_501 = arith.index_cast %rem3A_99 : i32 to index
      %swap3A_502 = arith.index_cast %swap3A_500 : i32 to index
      %swap3A_503 = arith.constant 48 : index
      %swap3A_504 = tpu.vector_load %arg9[%swap3A_501, %swap3A_502, %swap3A_503] {strides = array<i32>} : memref<2x16x128xi32, #tpu.memory_space<vmem>>, vector<1x1x16xi32>,
      %swap3A_505 = vector.shape_cast %swap3A_504 : vector<1x1x16xi32> to vector<16xi32>
      %swap3A_506 = vector.shape_cast %add3A_499 : vector<16xi32> to vector<1x1x16xi32>
      tpu.vector_store %arg9[%swap3A_501, %swap3A_502, %swap3A_503], %swap3A_506 {strides = array<i32>} : memref<2x16x128xi32, #tpu.memory_space<vmem>>, vector<1x1x16xi32>,
      %get3A_507 = arith.constant 320 : index
      %get3A_508 = tpu.vector_load %arg7[%get3A_507] {strides = array<i32>} : memref<512xi32, #tpu.memory_space<vmem>>, vector<16xi32>,
      %get3A_509 = vector.shape_cast %get3A_508 : vector<16xi32> to vector<16xi32>
      %sub3A_510 = arith.subi %broadcast_in_dim3A, %get3A_509 : vector<16xi32>
      %max3A_511 = arith.constant -2047 : i32
      %max3A_512 = vector.broadcast %max3A_511 : i32 to vector<16xi32>
      %max3A_513 = arith.maxsi %sub3A_510, %max3A_512 : vector<16xi32>
      %min3A_514 = arith.constant 2047 : i32
      %min3A_515 = vector.broadcast %min3A_514 : i32 to vector<16xi32>
      %min3A_516 = arith.minsi %max3A_513, %min3A_515 : vector<16xi32>
      %add3A_517 = arith.constant 2047 : i32
      %add3A_518 = vector.broadcast %add3A_517 : i32 to vector<16xi32>
      %add3A_519 = arith.addi %min3A_516, %add3A_518 : vector<16xi32>
      %swap3A_520 = arith.constant 2 : i32
      %swap3A_521 = arith.index_cast %rem3A_99 : i32 to index
      %swap3A_522 = arith.index_cast %swap3A_520 : i32 to index
      %swap3A_523 = arith.constant 64 : index
      %swap3A_524 = tpu.vector_load %arg9[%swap3A_521, %swap3A_522, %swap3A_523] {strides = array<i32>} : memref<2x16x128xi32, #tpu.memory_space<vmem>>, vector<1x1x16xi32>,
      %swap3A_525 = vector.shape_cast %swap3A_524 : vector<1x1x16xi32> to vector<16xi32>
      %swap3A_526 = vector.shape_cast %add3A_519 : vector<16xi32> to vector<1x1x16xi32>
      tpu.vector_store %arg9[%swap3A_521, %swap3A_522, %swap3A_523], %swap3A_526 {strides = array<i32>} : memref<2x16x128xi32, #tpu.memory_space<vmem>>, vector<1x1x16xi32>,
      %get3A_527 = arith.constant 336 : index
      %get3A_528 = tpu.vector_load %arg7[%get3A_527] {strides = array<i32>} : memref<512xi32, #tpu.memory_space<vmem>>, vector<16xi32>,
      %get3A_529 = vector.shape_cast %get3A_528 : vector<16xi32> to vector<16xi32>
      %sub3A_530 = arith.subi %broadcast_in_dim3A, %get3A_529 : vector<16xi32>
      %max3A_531 = arith.constant -2047 : i32
      %max3A_532 = vector.broadcast %max3A_531 : i32 to vector<16xi32>
      %max3A_533 = arith.maxsi %sub3A_530, %max3A_532 : vector<16xi32>
      %min3A_534 = arith.constant 2047 : i32
      %min3A_535 = vector.broadcast %min3A_534 : i32 to vector<16xi32>
      %min3A_536 = arith.minsi %max3A_533, %min3A_535 : vector<16xi32>
      %add3A_537 = arith.constant 2047 : i32
      %add3A_538 = vector.broadcast %add3A_537 : i32 to vector<16xi32>
      %add3A_539 = arith.addi %min3A_536, %add3A_538 : vector<16xi32>
      %swap3A_540 = arith.constant 2 : i32
      %swap3A_541 = arith.index_cast %rem3A_99 : i32 to index
      %swap3A_542 = arith.index_cast %swap3A_540 : i32 to index
      %swap3A_543 = arith.constant 80 : index
      %swap3A_544 = tpu.vector_load %arg9[%swap3A_541, %swap3A_542, %swap3A_543] {strides = array<i32>} : memref<2x16x128xi32, #tpu.memory_space<vmem>>, vector<1x1x16xi32>,
      %swap3A_545 = vector.shape_cast %swap3A_544 : vector<1x1x16xi32> to vector<16xi32>
      %swap3A_546 = vector.shape_cast %add3A_539 : vector<16xi32> to vector<1x1x16xi32>
      tpu.vector_store %arg9[%swap3A_541, %swap3A_542, %swap3A_543], %swap3A_546 {strides = array<i32>} : memref<2x16x128xi32, #tpu.memory_space<vmem>>, vector<1x1x16xi32>,
      %get3A_547 = arith.constant 352 : index
      %get3A_548 = tpu.vector_load %arg7[%get3A_547] {strides = array<i32>} : memref<512xi32, #tpu.memory_space<vmem>>, vector<16xi32>,
      %get3A_549 = vector.shape_cast %get3A_548 : vector<16xi32> to vector<16xi32>
      %sub3A_550 = arith.subi %broadcast_in_dim3A, %get3A_549 : vector<16xi32>
      %max3A_551 = arith.constant -2047 : i32
      %max3A_552 = vector.broadcast %max3A_551 : i32 to vector<16xi32>
      %max3A_553 = arith.maxsi %sub3A_550, %max3A_552 : vector<16xi32>
      %min3A_554 = arith.constant 2047 : i32
      %min3A_555 = vector.broadcast %min3A_554 : i32 to vector<16xi32>
      %min3A_556 = arith.minsi %max3A_553, %min3A_555 : vector<16xi32>
      %add3A_557 = arith.constant 2047 : i32
      %add3A_558 = vector.broadcast %add3A_557 : i32 to vector<16xi32>
      %add3A_559 = arith.addi %min3A_556, %add3A_558 : vector<16xi32>
      %swap3A_560 = arith.constant 2 : i32
      %swap3A_561 = arith.index_cast %rem3A_99 : i32 to index
      %swap3A_562 = arith.index_cast %swap3A_560 : i32 to index
      %swap3A_563 = arith.constant 96 : index
      %swap3A_564 = tpu.vector_load %arg9[%swap3A_561, %swap3A_562, %swap3A_563] {strides = array<i32>} : memref<2x16x128xi32, #tpu.memory_space<vmem>>, vector<1x1x16xi32>,
      %swap3A_565 = vector.shape_cast %swap3A_564 : vector<1x1x16xi32> to vector<16xi32>
      %swap3A_566 = vector.shape_cast %add3A_559 : vector<16xi32> to vector<1x1x16xi32>
      tpu.vector_store %arg9[%swap3A_561, %swap3A_562, %swap3A_563], %swap3A_566 {strides = array<i32>} : memref<2x16x128xi32, #tpu.memory_space<vmem>>, vector<1x1x16xi32>,
      %get3A_567 = arith.constant 368 : index
      %get3A_568 = tpu.vector_load %arg7[%get3A_567] {strides = array<i32>} : memref<512xi32, #tpu.memory_space<vmem>>, vector<16xi32>,
      %get3A_569 = vector.shape_cast %get3A_568 : vector<16xi32> to vector<16xi32>
      %sub3A_570 = arith.subi %broadcast_in_dim3A, %get3A_569 : vector<16xi32>
      %max3A_571 = arith.constant -2047 : i32
      %max3A_572 = vector.broadcast %max3A_571 : i32 to vector<16xi32>
      %max3A_573 = arith.maxsi %sub3A_570, %max3A_572 : vector<16xi32>
      %min3A_574 = arith.constant 2047 : i32
      %min3A_575 = vector.broadcast %min3A_574 : i32 to vector<16xi32>
      %min3A_576 = arith.minsi %max3A_573, %min3A_575 : vector<16xi32>
      %add3A_577 = arith.constant 2047 : i32
      %add3A_578 = vector.broadcast %add3A_577 : i32 to vector<16xi32>
      %add3A_579 = arith.addi %min3A_576, %add3A_578 : vector<16xi32>
      %swap3A_580 = arith.constant 2 : i32
      %swap3A_581 = arith.index_cast %rem3A_99 : i32 to index
      %swap3A_582 = arith.index_cast %swap3A_580 : i32 to index
      %swap3A_583 = arith.constant 112 : index
      %swap3A_584 = tpu.vector_load %arg9[%swap3A_581, %swap3A_582, %swap3A_583] {strides = array<i32>} : memref<2x16x128xi32, #tpu.memory_space<vmem>>, vector<1x1x16xi32>,
      %swap3A_585 = vector.shape_cast %swap3A_584 : vector<1x1x16xi32> to vector<16xi32>
      %swap3A_586 = vector.shape_cast %add3A_579 : vector<16xi32> to vector<1x1x16xi32>
      tpu.vector_store %arg9[%swap3A_581, %swap3A_582, %swap3A_583], %swap3A_586 {strides = array<i32>} : memref<2x16x128xi32, #tpu.memory_space<vmem>>, vector<1x1x16xi32>,
      %get3A_587 = arith.constant 384 : index
      %get3A_588 = tpu.vector_load %arg7[%get3A_587] {strides = array<i32>} : memref<512xi32, #tpu.memory_space<vmem>>, vector<16xi32>,
      %get3A_589 = vector.shape_cast %get3A_588 : vector<16xi32> to vector<16xi32>
      %sub3A_590 = arith.subi %broadcast_in_dim3A, %get3A_589 : vector<16xi32>
      %max3A_591 = arith.constant -2047 : i32
      %max3A_592 = vector.broadcast %max3A_591 : i32 to vector<16xi32>
      %max3A_593 = arith.maxsi %sub3A_590, %max3A_592 : vector<16xi32>
      %min3A_594 = arith.constant 2047 : i32
      %min3A_595 = vector.broadcast %min3A_594 : i32 to vector<16xi32>
      %min3A_596 = arith.minsi %max3A_593, %min3A_595 : vector<16xi32>
      %add3A_597 = arith.constant 2047 : i32
      %add3A_598 = vector.broadcast %add3A_597 : i32 to vector<16xi32>
      %add3A_599 = arith.addi %min3A_596, %add3A_598 : vector<16xi32>
      %swap3A_600 = arith.constant 3 : i32
      %swap3A_601 = arith.index_cast %rem3A_99 : i32 to index
      %swap3A_602 = arith.index_cast %swap3A_600 : i32 to index
      %swap3A_603 = arith.constant 0 : index
      %swap3A_604 = tpu.vector_load %arg9[%swap3A_601, %swap3A_602, %swap3A_603] {strides = array<i32>} : memref<2x16x128xi32, #tpu.memory_space<vmem>>, vector<1x1x16xi32>,
      %swap3A_605 = vector.shape_cast %swap3A_604 : vector<1x1x16xi32> to vector<16xi32>
      %swap3A_606 = vector.shape_cast %add3A_599 : vector<16xi32> to vector<1x1x16xi32>
      tpu.vector_store %arg9[%swap3A_601, %swap3A_602, %swap3A_603], %swap3A_606 {strides = array<i32>} : memref<2x16x128xi32, #tpu.memory_space<vmem>>, vector<1x1x16xi32>,
      %get3A_607 = arith.constant 400 : index
      %get3A_608 = tpu.vector_load %arg7[%get3A_607] {strides = array<i32>} : memref<512xi32, #tpu.memory_space<vmem>>, vector<16xi32>,
      %get3A_609 = vector.shape_cast %get3A_608 : vector<16xi32> to vector<16xi32>
      %sub3A_610 = arith.subi %broadcast_in_dim3A, %get3A_609 : vector<16xi32>
      %max3A_611 = arith.constant -2047 : i32
      %max3A_612 = vector.broadcast %max3A_611 : i32 to vector<16xi32>
      %max3A_613 = arith.maxsi %sub3A_610, %max3A_612 : vector<16xi32>
      %min3A_614 = arith.constant 2047 : i32
      %min3A_615 = vector.broadcast %min3A_614 : i32 to vector<16xi32>
      %min3A_616 = arith.minsi %max3A_613, %min3A_615 : vector<16xi32>
      %add3A_617 = arith.constant 2047 : i32
      %add3A_618 = vector.broadcast %add3A_617 : i32 to vector<16xi32>
      %add3A_619 = arith.addi %min3A_616, %add3A_618 : vector<16xi32>
      %swap3A_620 = arith.constant 3 : i32
      %swap3A_621 = arith.index_cast %rem3A_99 : i32 to index
      %swap3A_622 = arith.index_cast %swap3A_620 : i32 to index
      %swap3A_623 = arith.constant 16 : index
      %swap3A_624 = tpu.vector_load %arg9[%swap3A_621, %swap3A_622, %swap3A_623] {strides = array<i32>} : memref<2x16x128xi32, #tpu.memory_space<vmem>>, vector<1x1x16xi32>,
      %swap3A_625 = vector.shape_cast %swap3A_624 : vector<1x1x16xi32> to vector<16xi32>
      %swap3A_626 = vector.shape_cast %add3A_619 : vector<16xi32> to vector<1x1x16xi32>
      tpu.vector_store %arg9[%swap3A_621, %swap3A_622, %swap3A_623], %swap3A_626 {strides = array<i32>} : memref<2x16x128xi32, #tpu.memory_space<vmem>>, vector<1x1x16xi32>,
      %get3A_627 = arith.constant 416 : index
      %get3A_628 = tpu.vector_load %arg7[%get3A_627] {strides = array<i32>} : memref<512xi32, #tpu.memory_space<vmem>>, vector<16xi32>,
      %get3A_629 = vector.shape_cast %get3A_628 : vector<16xi32> to vector<16xi32>
      %sub3A_630 = arith.subi %broadcast_in_dim3A, %get3A_629 : vector<16xi32>
      %max3A_631 = arith.constant -2047 : i32
      %max3A_632 = vector.broadcast %max3A_631 : i32 to vector<16xi32>
      %max3A_633 = arith.maxsi %sub3A_630, %max3A_632 : vector<16xi32>
      %min3A_634 = arith.constant 2047 : i32
      %min3A_635 = vector.broadcast %min3A_634 : i32 to vector<16xi32>
      %min3A_636 = arith.minsi %max3A_633, %min3A_635 : vector<16xi32>
      %add3A_637 = arith.constant 2047 : i32
      %add3A_638 = vector.broadcast %add3A_637 : i32 to vector<16xi32>
      %add3A_639 = arith.addi %min3A_636, %add3A_638 : vector<16xi32>
      %swap3A_640 = arith.constant 3 : i32
      %swap3A_641 = arith.index_cast %rem3A_99 : i32 to index
      %swap3A_642 = arith.index_cast %swap3A_640 : i32 to index
      %swap3A_643 = arith.constant 32 : index
      %swap3A_644 = tpu.vector_load %arg9[%swap3A_641, %swap3A_642, %swap3A_643] {strides = array<i32>} : memref<2x16x128xi32, #tpu.memory_space<vmem>>, vector<1x1x16xi32>,
      %swap3A_645 = vector.shape_cast %swap3A_644 : vector<1x1x16xi32> to vector<16xi32>
      %swap3A_646 = vector.shape_cast %add3A_639 : vector<16xi32> to vector<1x1x16xi32>
      tpu.vector_store %arg9[%swap3A_641, %swap3A_642, %swap3A_643], %swap3A_646 {strides = array<i32>} : memref<2x16x128xi32, #tpu.memory_space<vmem>>, vector<1x1x16xi32>,
      %get3A_647 = arith.constant 432 : index
      %get3A_648 = tpu.vector_load %arg7[%get3A_647] {strides = array<i32>} : memref<512xi32, #tpu.memory_space<vmem>>, vector<16xi32>,
      %get3A_649 = vector.shape_cast %get3A_648 : vector<16xi32> to vector<16xi32>
      %sub3A_650 = arith.subi %broadcast_in_dim3A, %get3A_649 : vector<16xi32>
      %max3A_651 = arith.constant -2047 : i32
      %max3A_652 = vector.broadcast %max3A_651 : i32 to vector<16xi32>
      %max3A_653 = arith.maxsi %sub3A_650, %max3A_652 : vector<16xi32>
      %min3A_654 = arith.constant 2047 : i32
      %min3A_655 = vector.broadcast %min3A_654 : i32 to vector<16xi32>
      %min3A_656 = arith.minsi %max3A_653, %min3A_655 : vector<16xi32>
      %add3A_657 = arith.constant 2047 : i32
      %add3A_658 = vector.broadcast %add3A_657 : i32 to vector<16xi32>
      %add3A_659 = arith.addi %min3A_656, %add3A_658 : vector<16xi32>
      %swap3A_660 = arith.constant 3 : i32
      %swap3A_661 = arith.index_cast %rem3A_99 : i32 to index
      %swap3A_662 = arith.index_cast %swap3A_660 : i32 to index
      %swap3A_663 = arith.constant 48 : index
      %swap3A_664 = tpu.vector_load %arg9[%swap3A_661, %swap3A_662, %swap3A_663] {strides = array<i32>} : memref<2x16x128xi32, #tpu.memory_space<vmem>>, vector<1x1x16xi32>,
      %swap3A_665 = vector.shape_cast %swap3A_664 : vector<1x1x16xi32> to vector<16xi32>
      %swap3A_666 = vector.shape_cast %add3A_659 : vector<16xi32> to vector<1x1x16xi32>
      tpu.vector_store %arg9[%swap3A_661, %swap3A_662, %swap3A_663], %swap3A_666 {strides = array<i32>} : memref<2x16x128xi32, #tpu.memory_space<vmem>>, vector<1x1x16xi32>,
      %get3A_667 = arith.constant 448 : index
      %get3A_668 = tpu.vector_load %arg7[%get3A_667] {strides = array<i32>} : memref<512xi32, #tpu.memory_space<vmem>>, vector<16xi32>,
      %get3A_669 = vector.shape_cast %get3A_668 : vector<16xi32> to vector<16xi32>
      %sub3A_670 = arith.subi %broadcast_in_dim3A, %get3A_669 : vector<16xi32>
      %max3A_671 = arith.constant -2047 : i32
      %max3A_672 = vector.broadcast %max3A_671 : i32 to vector<16xi32>
      %max3A_673 = arith.maxsi %sub3A_670, %max3A_672 : vector<16xi32>
      %min3A_674 = arith.constant 2047 : i32
      %min3A_675 = vector.broadcast %min3A_674 : i32 to vector<16xi32>
      %min3A_676 = arith.minsi %max3A_673, %min3A_675 : vector<16xi32>
      %add3A_677 = arith.constant 2047 : i32
      %add3A_678 = vector.broadcast %add3A_677 : i32 to vector<16xi32>
      %add3A_679 = arith.addi %min3A_676, %add3A_678 : vector<16xi32>
      %swap3A_680 = arith.constant 3 : i32
      %swap3A_681 = arith.index_cast %rem3A_99 : i32 to index
      %swap3A_682 = arith.index_cast %swap3A_680 : i32 to index
      %swap3A_683 = arith.constant 64 : index
      %swap3A_684 = tpu.vector_load %arg9[%swap3A_681, %swap3A_682, %swap3A_683] {strides = array<i32>} : memref<2x16x128xi32, #tpu.memory_space<vmem>>, vector<1x1x16xi32>,
      %swap3A_685 = vector.shape_cast %swap3A_684 : vector<1x1x16xi32> to vector<16xi32>
      %swap3A_686 = vector.shape_cast %add3A_679 : vector<16xi32> to vector<1x1x16xi32>
      tpu.vector_store %arg9[%swap3A_681, %swap3A_682, %swap3A_683], %swap3A_686 {strides = array<i32>} : memref<2x16x128xi32, #tpu.memory_space<vmem>>, vector<1x1x16xi32>,
      %get3A_687 = arith.constant 464 : index
      %get3A_688 = tpu.vector_load %arg7[%get3A_687] {strides = array<i32>} : memref<512xi32, #tpu.memory_space<vmem>>, vector<16xi32>,
      %get3A_689 = vector.shape_cast %get3A_688 : vector<16xi32> to vector<16xi32>
      %sub3A_690 = arith.subi %broadcast_in_dim3A, %get3A_689 : vector<16xi32>
      %max3A_691 = arith.constant -2047 : i32
      %max3A_692 = vector.broadcast %max3A_691 : i32 to vector<16xi32>
      %max3A_693 = arith.maxsi %sub3A_690, %max3A_692 : vector<16xi32>
      %min3A_694 = arith.constant 2047 : i32
      %min3A_695 = vector.broadcast %min3A_694 : i32 to vector<16xi32>
      %min3A_696 = arith.minsi %max3A_693, %min3A_695 : vector<16xi32>
      %add3A_697 = arith.constant 2047 : i32
      %add3A_698 = vector.broadcast %add3A_697 : i32 to vector<16xi32>
      %add3A_699 = arith.addi %min3A_696, %add3A_698 : vector<16xi32>
      %swap3A_700 = arith.constant 3 : i32
      %swap3A_701 = arith.index_cast %rem3A_99 : i32 to index
      %swap3A_702 = arith.index_cast %swap3A_700 : i32 to index
      %swap3A_703 = arith.constant 80 : index
      %swap3A_704 = tpu.vector_load %arg9[%swap3A_701, %swap3A_702, %swap3A_703] {strides = array<i32>} : memref<2x16x128xi32, #tpu.memory_space<vmem>>, vector<1x1x16xi32>,
      %swap3A_705 = vector.shape_cast %swap3A_704 : vector<1x1x16xi32> to vector<16xi32>
      %swap3A_706 = vector.shape_cast %add3A_699 : vector<16xi32> to vector<1x1x16xi32>
      tpu.vector_store %arg9[%swap3A_701, %swap3A_702, %swap3A_703], %swap3A_706 {strides = array<i32>} : memref<2x16x128xi32, #tpu.memory_space<vmem>>, vector<1x1x16xi32>,
      %get3A_707 = arith.constant 480 : index
      %get3A_708 = tpu.vector_load %arg7[%get3A_707] {strides = array<i32>} : memref<512xi32, #tpu.memory_space<vmem>>, vector<16xi32>,
      %get3A_709 = vector.shape_cast %get3A_708 : vector<16xi32> to vector<16xi32>
      %sub3A_710 = arith.subi %broadcast_in_dim3A, %get3A_709 : vector<16xi32>
      %max3A_711 = arith.constant -2047 : i32
      %max3A_712 = vector.broadcast %max3A_711 : i32 to vector<16xi32>
      %max3A_713 = arith.maxsi %sub3A_710, %max3A_712 : vector<16xi32>
      %min3A_714 = arith.constant 2047 : i32
      %min3A_715 = vector.broadcast %min3A_714 : i32 to vector<16xi32>
      %min3A_716 = arith.minsi %max3A_713, %min3A_715 : vector<16xi32>
      %add3A_717 = arith.constant 2047 : i32
      %add3A_718 = vector.broadcast %add3A_717 : i32 to vector<16xi32>
      %add3A_719 = arith.addi %min3A_716, %add3A_718 : vector<16xi32>
      %swap3A_720 = arith.constant 3 : i32
      %swap3A_721 = arith.index_cast %rem3A_99 : i32 to index
      %swap3A_722 = arith.index_cast %swap3A_720 : i32 to index
      %swap3A_723 = arith.constant 96 : index
      %swap3A_724 = tpu.vector_load %arg9[%swap3A_721, %swap3A_722, %swap3A_723] {strides = array<i32>} : memref<2x16x128xi32, #tpu.memory_space<vmem>>, vector<1x1x16xi32>,
      %swap3A_725 = vector.shape_cast %swap3A_724 : vector<1x1x16xi32> to vector<16xi32>
      %swap3A_726 = vector.shape_cast %add3A_719 : vector<16xi32> to vector<1x1x16xi32>
      tpu.vector_store %arg9[%swap3A_721, %swap3A_722, %swap3A_723], %swap3A_726 {strides = array<i32>} : memref<2x16x128xi32, #tpu.memory_space<vmem>>, vector<1x1x16xi32>,
      %get3A_727 = arith.constant 496 : index
      %get3A_728 = tpu.vector_load %arg7[%get3A_727] {strides = array<i32>} : memref<512xi32, #tpu.memory_space<vmem>>, vector<16xi32>,
      %get3A_729 = vector.shape_cast %get3A_728 : vector<16xi32> to vector<16xi32>
      %sub3A_730 = arith.subi %broadcast_in_dim3A, %get3A_729 : vector<16xi32>
      %max3A_731 = arith.constant -2047 : i32
      %max3A_732 = vector.broadcast %max3A_731 : i32 to vector<16xi32>
      %max3A_733 = arith.maxsi %sub3A_730, %max3A_732 : vector<16xi32>
      %min3A_734 = arith.constant 2047 : i32
      %min3A_735 = vector.broadcast %min3A_734 : i32 to vector<16xi32>
      %min3A_736 = arith.minsi %max3A_733, %min3A_735 : vector<16xi32>
      %add3A_737 = arith.constant 2047 : i32
      %add3A_738 = vector.broadcast %add3A_737 : i32 to vector<16xi32>
      %add3A_739 = arith.addi %min3A_736, %add3A_738 : vector<16xi32>
      %swap3A_740 = arith.constant 3 : i32
      %swap3A_741 = arith.index_cast %rem3A_99 : i32 to index
      %swap3A_742 = arith.index_cast %swap3A_740 : i32 to index
      %swap3A_743 = arith.constant 112 : index
      %swap3A_744 = tpu.vector_load %arg9[%swap3A_741, %swap3A_742, %swap3A_743] {strides = array<i32>} : memref<2x16x128xi32, #tpu.memory_space<vmem>>, vector<1x1x16xi32>,
      %swap3A_745 = vector.shape_cast %swap3A_744 : vector<1x1x16xi32> to vector<16xi32>
      %swap3A_746 = vector.shape_cast %add3A_739 : vector<16xi32> to vector<1x1x16xi32>
      tpu.vector_store %arg9[%swap3A_741, %swap3A_742, %swap3A_743], %swap3A_746 {strides = array<i32>} : memref<2x16x128xi32, #tpu.memory_space<vmem>>, vector<1x1x16xi32>,
      %mul3A_747 = arith.constant 4 : i32
      %mul3A_748 = arith.muli %scan3A_97, %mul3A_747 : i32
      %add3A_749 = arith.constant 1 : i32
      %add3A_750 = arith.addi %mul3A_748, %add3A_749 : i32
      %get3A_751 = arith.index_cast %add3A_750 : i32 to index
      %get3A_752 = tpu.vector_load %arg6[%get3A_751] {strides = array<i32>} : memref<272xi32, #tpu.memory_space<vmem>>, vector<16xi32>,
      %get3A_753 = vector.shape_cast %get3A_752 : vector<16xi32> to vector<16xi32>
      %slice3A_754 = vector.extract_strided_slice %get3A_753 {offsets = [0], sizes = [1], strides = [1]} : vector<16xi32> to vector<1xi32>
      %squeeze3A_755 = vector.extract %slice3A_754[0] : i32 from vector<1xi32>
      %broadcast_in_dim3A_756 = vector.broadcast %squeeze3A_755 : i32 to vector<16xi32>
      %get3A_757 = arith.constant 0 : index
      %get3A_758 = tpu.vector_load %arg7[%get3A_757] {strides = array<i32>} : memref<512xi32, #tpu.memory_space<vmem>>, vector<16xi32>,
      %get3A_759 = vector.shape_cast %get3A_758 : vector<16xi32> to vector<16xi32>
      %sub3A_760 = arith.subi %broadcast_in_dim3A_756, %get3A_759 : vector<16xi32>
      %max3A_761 = arith.constant -2047 : i32
      %max3A_762 = vector.broadcast %max3A_761 : i32 to vector<16xi32>
      %max3A_763 = arith.maxsi %sub3A_760, %max3A_762 : vector<16xi32>
      %min3A_764 = arith.constant 2047 : i32
      %min3A_765 = vector.broadcast %min3A_764 : i32 to vector<16xi32>
      %min3A_766 = arith.minsi %max3A_763, %min3A_765 : vector<16xi32>
      %add3A_767 = arith.constant 2047 : i32
      %add3A_768 = vector.broadcast %add3A_767 : i32 to vector<16xi32>
      %add3A_769 = arith.addi %min3A_766, %add3A_768 : vector<16xi32>
      %swap3A_770 = arith.constant 4 : i32
      %swap3A_771 = arith.index_cast %rem3A_99 : i32 to index
      %swap3A_772 = arith.index_cast %swap3A_770 : i32 to index
      %swap3A_773 = arith.constant 0 : index
      %swap3A_774 = tpu.vector_load %arg9[%swap3A_771, %swap3A_772, %swap3A_773] {strides = array<i32>} : memref<2x16x128xi32, #tpu.memory_space<vmem>>, vector<1x1x16xi32>,
      %swap3A_775 = vector.shape_cast %swap3A_774 : vector<1x1x16xi32> to vector<16xi32>
      %swap3A_776 = vector.shape_cast %add3A_769 : vector<16xi32> to vector<1x1x16xi32>
      tpu.vector_store %arg9[%swap3A_771, %swap3A_772, %swap3A_773], %swap3A_776 {strides = array<i32>} : memref<2x16x128xi32, #tpu.memory_space<vmem>>, vector<1x1x16xi32>,
      %get3A_777 = arith.constant 16 : index
      %get3A_778 = tpu.vector_load %arg7[%get3A_777] {strides = array<i32>} : memref<512xi32, #tpu.memory_space<vmem>>, vector<16xi32>,
      %get3A_779 = vector.shape_cast %get3A_778 : vector<16xi32> to vector<16xi32>
      %sub3A_780 = arith.subi %broadcast_in_dim3A_756, %get3A_779 : vector<16xi32>
      %max3A_781 = arith.constant -2047 : i32
      %max3A_782 = vector.broadcast %max3A_781 : i32 to vector<16xi32>
      %max3A_783 = arith.maxsi %sub3A_780, %max3A_782 : vector<16xi32>
      %min3A_784 = arith.constant 2047 : i32
      %min3A_785 = vector.broadcast %min3A_784 : i32 to vector<16xi32>
      %min3A_786 = arith.minsi %max3A_783, %min3A_785 : vector<16xi32>
      %add3A_787 = arith.constant 2047 : i32
      %add3A_788 = vector.broadcast %add3A_787 : i32 to vector<16xi32>
      %add3A_789 = arith.addi %min3A_786, %add3A_788 : vector<16xi32>
      %swap3A_790 = arith.constant 4 : i32
      %swap3A_791 = arith.index_cast %rem3A_99 : i32 to index
      %swap3A_792 = arith.index_cast %swap3A_790 : i32 to index
      %swap3A_793 = arith.constant 16 : index
      %swap3A_794 = tpu.vector_load %arg9[%swap3A_791, %swap3A_792, %swap3A_793] {strides = array<i32>} : memref<2x16x128xi32, #tpu.memory_space<vmem>>, vector<1x1x16xi32>,
      %swap3A_795 = vector.shape_cast %swap3A_794 : vector<1x1x16xi32> to vector<16xi32>
      %swap3A_796 = vector.shape_cast %add3A_789 : vector<16xi32> to vector<1x1x16xi32>
      tpu.vector_store %arg9[%swap3A_791, %swap3A_792, %swap3A_793], %swap3A_796 {strides = array<i32>} : memref<2x16x128xi32, #tpu.memory_space<vmem>>, vector<1x1x16xi32>,
      %get3A_797 = arith.constant 32 : index
      %get3A_798 = tpu.vector_load %arg7[%get3A_797] {strides = array<i32>} : memref<512xi32, #tpu.memory_space<vmem>>, vector<16xi32>,
      %get3A_799 = vector.shape_cast %get3A_798 : vector<16xi32> to vector<16xi32>
      %sub3A_800 = arith.subi %broadcast_in_dim3A_756, %get3A_799 : vector<16xi32>
      %max3A_801 = arith.constant -2047 : i32
      %max3A_802 = vector.broadcast %max3A_801 : i32 to vector<16xi32>
      %max3A_803 = arith.maxsi %sub3A_800, %max3A_802 : vector<16xi32>
      %min3A_804 = arith.constant 2047 : i32
      %min3A_805 = vector.broadcast %min3A_804 : i32 to vector<16xi32>
      %min3A_806 = arith.minsi %max3A_803, %min3A_805 : vector<16xi32>
      %add3A_807 = arith.constant 2047 : i32
      %add3A_808 = vector.broadcast %add3A_807 : i32 to vector<16xi32>
      %add3A_809 = arith.addi %min3A_806, %add3A_808 : vector<16xi32>
      %swap3A_810 = arith.constant 4 : i32
      %swap3A_811 = arith.index_cast %rem3A_99 : i32 to index
      %swap3A_812 = arith.index_cast %swap3A_810 : i32 to index
      %swap3A_813 = arith.constant 32 : index
      %swap3A_814 = tpu.vector_load %arg9[%swap3A_811, %swap3A_812, %swap3A_813] {strides = array<i32>} : memref<2x16x128xi32, #tpu.memory_space<vmem>>, vector<1x1x16xi32>,
      %swap3A_815 = vector.shape_cast %swap3A_814 : vector<1x1x16xi32> to vector<16xi32>
      %swap3A_816 = vector.shape_cast %add3A_809 : vector<16xi32> to vector<1x1x16xi32>
      tpu.vector_store %arg9[%swap3A_811, %swap3A_812, %swap3A_813], %swap3A_816 {strides = array<i32>} : memref<2x16x128xi32, #tpu.memory_space<vmem>>, vector<1x1x16xi32>,
      %get3A_817 = arith.constant 48 : index
      %get3A_818 = tpu.vector_load %arg7[%get3A_817] {strides = array<i32>} : memref<512xi32, #tpu.memory_space<vmem>>, vector<16xi32>,
      %get3A_819 = vector.shape_cast %get3A_818 : vector<16xi32> to vector<16xi32>
      %sub3A_820 = arith.subi %broadcast_in_dim3A_756, %get3A_819 : vector<16xi32>
      %max3A_821 = arith.constant -2047 : i32
      %max3A_822 = vector.broadcast %max3A_821 : i32 to vector<16xi32>
      %max3A_823 = arith.maxsi %sub3A_820, %max3A_822 : vector<16xi32>
      %min3A_824 = arith.constant 2047 : i32
      %min3A_825 = vector.broadcast %min3A_824 : i32 to vector<16xi32>
      %min3A_826 = arith.minsi %max3A_823, %min3A_825 : vector<16xi32>
      %add3A_827 = arith.constant 2047 : i32
      %add3A_828 = vector.broadcast %add3A_827 : i32 to vector<16xi32>
      %add3A_829 = arith.addi %min3A_826, %add3A_828 : vector<16xi32>
      %swap3A_830 = arith.constant 4 : i32
      %swap3A_831 = arith.index_cast %rem3A_99 : i32 to index
      %swap3A_832 = arith.index_cast %swap3A_830 : i32 to index
      %swap3A_833 = arith.constant 48 : index
      %swap3A_834 = tpu.vector_load %arg9[%swap3A_831, %swap3A_832, %swap3A_833] {strides = array<i32>} : memref<2x16x128xi32, #tpu.memory_space<vmem>>, vector<1x1x16xi32>,
      %swap3A_835 = vector.shape_cast %swap3A_834 : vector<1x1x16xi32> to vector<16xi32>
      %swap3A_836 = vector.shape_cast %add3A_829 : vector<16xi32> to vector<1x1x16xi32>
      tpu.vector_store %arg9[%swap3A_831, %swap3A_832, %swap3A_833], %swap3A_836 {strides = array<i32>} : memref<2x16x128xi32, #tpu.memory_space<vmem>>, vector<1x1x16xi32>,
      %get3A_837 = arith.constant 64 : index
      %get3A_838 = tpu.vector_load %arg7[%get3A_837] {strides = array<i32>} : memref<512xi32, #tpu.memory_space<vmem>>, vector<16xi32>,
      %get3A_839 = vector.shape_cast %get3A_838 : vector<16xi32> to vector<16xi32>
      %sub3A_840 = arith.subi %broadcast_in_dim3A_756, %get3A_839 : vector<16xi32>
      %max3A_841 = arith.constant -2047 : i32
      %max3A_842 = vector.broadcast %max3A_841 : i32 to vector<16xi32>
      %max3A_843 = arith.maxsi %sub3A_840, %max3A_842 : vector<16xi32>
      %min3A_844 = arith.constant 2047 : i32
      %min3A_845 = vector.broadcast %min3A_844 : i32 to vector<16xi32>
      %min3A_846 = arith.minsi %max3A_843, %min3A_845 : vector<16xi32>
      %add3A_847 = arith.constant 2047 : i32
      %add3A_848 = vector.broadcast %add3A_847 : i32 to vector<16xi32>
      %add3A_849 = arith.addi %min3A_846, %add3A_848 : vector<16xi32>
      %swap3A_850 = arith.constant 4 : i32
      %swap3A_851 = arith.index_cast %rem3A_99 : i32 to index
      %swap3A_852 = arith.index_cast %swap3A_850 : i32 to index
      %swap3A_853 = arith.constant 64 : index
      %swap3A_854 = tpu.vector_load %arg9[%swap3A_851, %swap3A_852, %swap3A_853] {strides = array<i32>} : memref<2x16x128xi32, #tpu.memory_space<vmem>>, vector<1x1x16xi32>,
      %swap3A_855 = vector.shape_cast %swap3A_854 : vector<1x1x16xi32> to vector<16xi32>
      %swap3A_856 = vector.shape_cast %add3A_849 : vector<16xi32> to vector<1x1x16xi32>
      tpu.vector_store %arg9[%swap3A_851, %swap3A_852, %swap3A_853], %swap3A_856 {strides = array<i32>} : memref<2x16x128xi32, #tpu.memory_space<vmem>>, vector<1x1x16xi32>,
      %get3A_857 = arith.constant 80 : index
      %get3A_858 = tpu.vector_load %arg7[%get3A_857] {strides = array<i32>} : memref<512xi32, #tpu.memory_space<vmem>>, vector<16xi32>,
      %get3A_859 = vector.shape_cast %get3A_858 : vector<16xi32> to vector<16xi32>
      %sub3A_860 = arith.subi %broadcast_in_dim3A_756, %get3A_859 : vector<16xi32>
      %max3A_861 = arith.constant -2047 : i32
      %max3A_862 = vector.broadcast %max3A_861 : i32 to vector<16xi32>
      %max3A_863 = arith.maxsi %sub3A_860, %max3A_862 : vector<16xi32>
      %min3A_864 = arith.constant 2047 : i32
      %min3A_865 = vector.broadcast %min3A_864 : i32 to vector<16xi32>
      %min3A_866 = arith.minsi %max3A_863, %min3A_865 : vector<16xi32>
      %add3A_867 = arith.constant 2047 : i32
      %add3A_868 = vector.broadcast %add3A_867 : i32 to vector<16xi32>
      %add3A_869 = arith.addi %min3A_866, %add3A_868 : vector<16xi32>
      %swap3A_870 = arith.constant 4 : i32
      %swap3A_871 = arith.index_cast %rem3A_99 : i32 to index
      %swap3A_872 = arith.index_cast %swap3A_870 : i32 to index
      %swap3A_873 = arith.constant 80 : index
      %swap3A_874 = tpu.vector_load %arg9[%swap3A_871, %swap3A_872, %swap3A_873] {strides = array<i32>} : memref<2x16x128xi32, #tpu.memory_space<vmem>>, vector<1x1x16xi32>,
      %swap3A_875 = vector.shape_cast %swap3A_874 : vector<1x1x16xi32> to vector<16xi32>
      %swap3A_876 = vector.shape_cast %add3A_869 : vector<16xi32> to vector<1x1x16xi32>
      tpu.vector_store %arg9[%swap3A_871, %swap3A_872, %swap3A_873], %swap3A_876 {strides = array<i32>} : memref<2x16x128xi32, #tpu.memory_space<vmem>>, vector<1x1x16xi32>,
      %get3A_877 = arith.constant 96 : index
      %get3A_878 = tpu.vector_load %arg7[%get3A_877] {strides = array<i32>} : memref<512xi32, #tpu.memory_space<vmem>>, vector<16xi32>,
      %get3A_879 = vector.shape_cast %get3A_878 : vector<16xi32> to vector<16xi32>
      %sub3A_880 = arith.subi %broadcast_in_dim3A_756, %get3A_879 : vector<16xi32>
      %max3A_881 = arith.constant -2047 : i32
      %max3A_882 = vector.broadcast %max3A_881 : i32 to vector<16xi32>
      %max3A_883 = arith.maxsi %sub3A_880, %max3A_882 : vector<16xi32>
      %min3A_884 = arith.constant 2047 : i32
      %min3A_885 = vector.broadcast %min3A_884 : i32 to vector<16xi32>
      %min3A_886 = arith.minsi %max3A_883, %min3A_885 : vector<16xi32>
      %add3A_887 = arith.constant 2047 : i32
      %add3A_888 = vector.broadcast %add3A_887 : i32 to vector<16xi32>
      %add3A_889 = arith.addi %min3A_886, %add3A_888 : vector<16xi32>
      %swap3A_890 = arith.constant 4 : i32
      %swap3A_891 = arith.index_cast %rem3A_99 : i32 to index
      %swap3A_892 = arith.index_cast %swap3A_890 : i32 to index
      %swap3A_893 = arith.constant 96 : index
      %swap3A_894 = tpu.vector_load %arg9[%swap3A_891, %swap3A_892, %swap3A_893] {strides = array<i32>} : memref<2x16x128xi32, #tpu.memory_space<vmem>>, vector<1x1x16xi32>,
      %swap3A_895 = vector.shape_cast %swap3A_894 : vector<1x1x16xi32> to vector<16xi32>
      %swap3A_896 = vector.shape_cast %add3A_889 : vector<16xi32> to vector<1x1x16xi32>
      tpu.vector_store %arg9[%swap3A_891, %swap3A_892, %swap3A_893], %swap3A_896 {strides = array<i32>} : memref<2x16x128xi32, #tpu.memory_space<vmem>>, vector<1x1x16xi32>,
      %get3A_897 = arith.constant 112 : index
      %get3A_898 = tpu.vector_load %arg7[%get3A_897] {strides = array<i32>} : memref<512xi32, #tpu.memory_space<vmem>>, vector<16xi32>,
      %get3A_899 = vector.shape_cast %get3A_898 : vector<16xi32> to vector<16xi32>
      %sub3A_900 = arith.subi %broadcast_in_dim3A_756, %get3A_899 : vector<16xi32>
      %max3A_901 = arith.constant -2047 : i32
      %max3A_902 = vector.broadcast %max3A_901 : i32 to vector<16xi32>
      %max3A_903 = arith.maxsi %sub3A_900, %max3A_902 : vector<16xi32>
      %min3A_904 = arith.constant 2047 : i32
      %min3A_905 = vector.broadcast %min3A_904 : i32 to vector<16xi32>
      %min3A_906 = arith.minsi %max3A_903, %min3A_905 : vector<16xi32>
      %add3A_907 = arith.constant 2047 : i32
      %add3A_908 = vector.broadcast %add3A_907 : i32 to vector<16xi32>
      %add3A_909 = arith.addi %min3A_906, %add3A_908 : vector<16xi32>
      %swap3A_910 = arith.constant 4 : i32
      %swap3A_911 = arith.index_cast %rem3A_99 : i32 to index
      %swap3A_912 = arith.index_cast %swap3A_910 : i32 to index
      %swap3A_913 = arith.constant 112 : index
      %swap3A_914 = tpu.vector_load %arg9[%swap3A_911, %swap3A_912, %swap3A_913] {strides = array<i32>} : memref<2x16x128xi32, #tpu.memory_space<vmem>>, vector<1x1x16xi32>,
      %swap3A_915 = vector.shape_cast %swap3A_914 : vector<1x1x16xi32> to vector<16xi32>
      %swap3A_916 = vector.shape_cast %add3A_909 : vector<16xi32> to vector<1x1x16xi32>
      tpu.vector_store %arg9[%swap3A_911, %swap3A_912, %swap3A_913], %swap3A_916 {strides = array<i32>} : memref<2x16x128xi32, #tpu.memory_space<vmem>>, vector<1x1x16xi32>,
      %get3A_917 = arith.constant 128 : index
      %get3A_918 = tpu.vector_load %arg7[%get3A_917] {strides = array<i32>} : memref<512xi32, #tpu.memory_space<vmem>>, vector<16xi32>,
      %get3A_919 = vector.shape_cast %get3A_918 : vector<16xi32> to vector<16xi32>
      %sub3A_920 = arith.subi %broadcast_in_dim3A_756, %get3A_919 : vector<16xi32>
      %max3A_921 = arith.constant -2047 : i32
      %max3A_922 = vector.broadcast %max3A_921 : i32 to vector<16xi32>
      %max3A_923 = arith.maxsi %sub3A_920, %max3A_922 : vector<16xi32>
      %min3A_924 = arith.constant 2047 : i32
      %min3A_925 = vector.broadcast %min3A_924 : i32 to vector<16xi32>
      %min3A_926 = arith.minsi %max3A_923, %min3A_925 : vector<16xi32>
      %add3A_927 = arith.constant 2047 : i32
      %add3A_928 = vector.broadcast %add3A_927 : i32 to vector<16xi32>
      %add3A_929 = arith.addi %min3A_926, %add3A_928 : vector<16xi32>
      %swap3A_930 = arith.constant 5 : i32
      %swap3A_931 = arith.index_cast %rem3A_99 : i32 to index
      %swap3A_932 = arith.index_cast %swap3A_930 : i32 to index
      %swap3A_933 = arith.constant 0 : index
      %swap3A_934 = tpu.vector_load %arg9[%swap3A_931, %swap3A_932, %swap3A_933] {strides = array<i32>} : memref<2x16x128xi32, #tpu.memory_space<vmem>>, vector<1x1x16xi32>,
      %swap3A_935 = vector.shape_cast %swap3A_934 : vector<1x1x16xi32> to vector<16xi32>
      %swap3A_936 = vector.shape_cast %add3A_929 : vector<16xi32> to vector<1x1x16xi32>
      tpu.vector_store %arg9[%swap3A_931, %swap3A_932, %swap3A_933], %swap3A_936 {strides = array<i32>} : memref<2x16x128xi32, #tpu.memory_space<vmem>>, vector<1x1x16xi32>,
      %get3A_937 = arith.constant 144 : index
      %get3A_938 = tpu.vector_load %arg7[%get3A_937] {strides = array<i32>} : memref<512xi32, #tpu.memory_space<vmem>>, vector<16xi32>,
      %get3A_939 = vector.shape_cast %get3A_938 : vector<16xi32> to vector<16xi32>
      %sub3A_940 = arith.subi %broadcast_in_dim3A_756, %get3A_939 : vector<16xi32>
      %max3A_941 = arith.constant -2047 : i32
      %max3A_942 = vector.broadcast %max3A_941 : i32 to vector<16xi32>
      %max3A_943 = arith.maxsi %sub3A_940, %max3A_942 : vector<16xi32>
      %min3A_944 = arith.constant 2047 : i32
      %min3A_945 = vector.broadcast %min3A_944 : i32 to vector<16xi32>
      %min3A_946 = arith.minsi %max3A_943, %min3A_945 : vector<16xi32>
      %add3A_947 = arith.constant 2047 : i32
      %add3A_948 = vector.broadcast %add3A_947 : i32 to vector<16xi32>
      %add3A_949 = arith.addi %min3A_946, %add3A_948 : vector<16xi32>
      %swap3A_950 = arith.constant 5 : i32
      %swap3A_951 = arith.index_cast %rem3A_99 : i32 to index
      %swap3A_952 = arith.index_cast %swap3A_950 : i32 to index
      %swap3A_953 = arith.constant 16 : index
      %swap3A_954 = tpu.vector_load %arg9[%swap3A_951, %swap3A_952, %swap3A_953] {strides = array<i32>} : memref<2x16x128xi32, #tpu.memory_space<vmem>>, vector<1x1x16xi32>,
      %swap3A_955 = vector.shape_cast %swap3A_954 : vector<1x1x16xi32> to vector<16xi32>
      %swap3A_956 = vector.shape_cast %add3A_949 : vector<16xi32> to vector<1x1x16xi32>
      tpu.vector_store %arg9[%swap3A_951, %swap3A_952, %swap3A_953], %swap3A_956 {strides = array<i32>} : memref<2x16x128xi32, #tpu.memory_space<vmem>>, vector<1x1x16xi32>,
      %get3A_957 = arith.constant 160 : index
      %get3A_958 = tpu.vector_load %arg7[%get3A_957] {strides = array<i32>} : memref<512xi32, #tpu.memory_space<vmem>>, vector<16xi32>,
      %get3A_959 = vector.shape_cast %get3A_958 : vector<16xi32> to vector<16xi32>
      %sub3A_960 = arith.subi %broadcast_in_dim3A_756, %get3A_959 : vector<16xi32>
      %max3A_961 = arith.constant -2047 : i32
      %max3A_962 = vector.broadcast %max3A_961 : i32 to vector<16xi32>
      %max3A_963 = arith.maxsi %sub3A_960, %max3A_962 : vector<16xi32>
      %min3A_964 = arith.constant 2047 : i32
      %min3A_965 = vector.broadcast %min3A_964 : i32 to vector<16xi32>
      %min3A_966 = arith.minsi %max3A_963, %min3A_965 : vector<16xi32>
      %add3A_967 = arith.constant 2047 : i32
      %add3A_968 = vector.broadcast %add3A_967 : i32 to vector<16xi32>
      %add3A_969 = arith.addi %min3A_966, %add3A_968 : vector<16xi32>
      %swap3A_970 = arith.constant 5 : i32
      %swap3A_971 = arith.index_cast %rem3A_99 : i32 to index
      %swap3A_972 = arith.index_cast %swap3A_970 : i32 to index
      %swap3A_973 = arith.constant 32 : index
      %swap3A_974 = tpu.vector_load %arg9[%swap3A_971, %swap3A_972, %swap3A_973] {strides = array<i32>} : memref<2x16x128xi32, #tpu.memory_space<vmem>>, vector<1x1x16xi32>,
      %swap3A_975 = vector.shape_cast %swap3A_974 : vector<1x1x16xi32> to vector<16xi32>
      %swap3A_976 = vector.shape_cast %add3A_969 : vector<16xi32> to vector<1x1x16xi32>
      tpu.vector_store %arg9[%swap3A_971, %swap3A_972, %swap3A_973], %swap3A_976 {strides = array<i32>} : memref<2x16x128xi32, #tpu.memory_space<vmem>>, vector<1x1x16xi32>,
      %get3A_977 = arith.constant 176 : index
      %get3A_978 = tpu.vector_load %arg7[%get3A_977] {strides = array<i32>} : memref<512xi32, #tpu.memory_space<vmem>>, vector<16xi32>,
      %get3A_979 = vector.shape_cast %get3A_978 : vector<16xi32> to vector<16xi32>
      %sub3A_980 = arith.subi %broadcast_in_dim3A_756, %get3A_979 : vector<16xi32>
      %max3A_981 = arith.constant -2047 : i32
      %max3A_982 = vector.broadcast %max3A_981 : i32 to vector<16xi32>
      %max3A_983 = arith.maxsi %sub3A_980, %max3A_982 : vector<16xi32>
      %min3A_984 = arith.constant 2047 : i32
      %min3A_985 = vector.broadcast %min3A_984 : i32 to vector<16xi32>
      %min3A_986 = arith.minsi %max3A_983, %min3A_985 : vector<16xi32>
      %add3A_987 = arith.constant 2047 : i32
      %add3A_988 = vector.broadcast %add3A_987 : i32 to vector<16xi32>
      %add3A_989 = arith.addi %min3A_986, %add3A_988 : vector<16xi32>
      %swap3A_990 = arith.constant 5 : i32
      %swap3A_991 = arith.index_cast %rem3A_99 : i32 to index
      %swap3A_992 = arith.index_cast %swap3A_990 : i32 to index
      %swap3A_993 = arith.constant 48 : index
      %swap3A_994 = tpu.vector_load %arg9[%swap3A_991, %swap3A_992, %swap3A_993] {strides = array<i32>} : memref<2x16x128xi32, #tpu.memory_space<vmem>>, vector<1x1x16xi32>,
      %swap3A_995 = vector.shape_cast %swap3A_994 : vector<1x1x16xi32> to vector<16xi32>
      %swap3A_996 = vector.shape_cast %add3A_989 : vector<16xi32> to vector<1x1x16xi32>
      tpu.vector_store %arg9[%swap3A_991, %swap3A_992, %swap3A_993], %swap3A_996 {strides = array<i32>} : memref<2x16x128xi32, #tpu.memory_space<vmem>>, vector<1x1x16xi32>,
      %get3A_997 = arith.constant 192 : index
      %get3A_998 = tpu.vector_load %arg7[%get3A_997] {strides = array<i32>} : memref<512xi32, #tpu.memory_space<vmem>>, vector<16xi32>,
      %get3A_999 = vector.shape_cast %get3A_998 : vector<16xi32> to vector<16xi32>
      %sub3A_1000 = arith.subi %broadcast_in_dim3A_756, %get3A_999 : vector<16xi32>
      %max3A_1001 = arith.constant -2047 : i32
      %max3A_1002 = vector.broadcast %max3A_1001 : i32 to vector<16xi32>
      %max3A_1003 = arith.maxsi %sub3A_1000, %max3A_1002 : vector<16xi32>
      %min3A_1004 = arith.constant 2047 : i32
      %min3A_1005 = vector.broadcast %min3A_1004 : i32 to vector<16xi32>
      %min3A_1006 = arith.minsi %max3A_1003, %min3A_1005 : vector<16xi32>
      %add3A_1007 = arith.constant 2047 : i32
      %add3A_1008 = vector.broadcast %add3A_1007 : i32 to vector<16xi32>
      %add3A_1009 = arith.addi %min3A_1006, %add3A_1008 : vector<16xi32>
      %swap3A_1010 = arith.constant 5 : i32
      %swap3A_1011 = arith.index_cast %rem3A_99 : i32 to index
      %swap3A_1012 = arith.index_cast %swap3A_1010 : i32 to index
      %swap3A_1013 = arith.constant 64 : index
      %swap3A_1014 = tpu.vector_load %arg9[%swap3A_1011, %swap3A_1012, %swap3A_1013] {strides = array<i32>} : memref<2x16x128xi32, #tpu.memory_space<vmem>>, vector<1x1x16xi32>,
      %swap3A_1015 = vector.shape_cast %swap3A_1014 : vector<1x1x16xi32> to vector<16xi32>
      %swap3A_1016 = vector.shape_cast %add3A_1009 : vector<16xi32> to vector<1x1x16xi32>
      tpu.vector_store %arg9[%swap3A_1011, %swap3A_1012, %swap3A_1013], %swap3A_1016 {strides = array<i32>} : memref<2x16x128xi32, #tpu.memory_space<vmem>>, vector<1x1x16xi32>,
      %get3A_1017 = arith.constant 208 : index
      %get3A_1018 = tpu.vector_load %arg7[%get3A_1017] {strides = array<i32>} : memref<512xi32, #tpu.memory_space<vmem>>, vector<16xi32>,
      %get3A_1019 = vector.shape_cast %get3A_1018 : vector<16xi32> to vector<16xi32>
      %sub3A_1020 = arith.subi %broadcast_in_dim3A_756, %get3A_1019 : vector<16xi32>
      %max3A_1021 = arith.constant -2047 : i32
      %max3A_1022 = vector.broadcast %max3A_1021 : i32 to vector<16xi32>
      %max3A_1023 = arith.maxsi %sub3A_1020, %max3A_1022 : vector<16xi32>
      %min3A_1024 = arith.constant 2047 : i32
      %min3A_1025 = vector.broadcast %min3A_1024 : i32 to vector<16xi32>
      %min3A_1026 = arith.minsi %max3A_1023, %min3A_1025 : vector<16xi32>
      %add3A_1027 = arith.constant 2047 : i32
      %add3A_1028 = vector.broadcast %add3A_1027 : i32 to vector<16xi32>
      %add3A_1029 = arith.addi %min3A_1026, %add3A_1028 : vector<16xi32>
      %swap3A_1030 = arith.constant 5 : i32
      %swap3A_1031 = arith.index_cast %rem3A_99 : i32 to index
      %swap3A_1032 = arith.index_cast %swap3A_1030 : i32 to index
      %swap3A_1033 = arith.constant 80 : index
      %swap3A_1034 = tpu.vector_load %arg9[%swap3A_1031, %swap3A_1032, %swap3A_1033] {strides = array<i32>} : memref<2x16x128xi32, #tpu.memory_space<vmem>>, vector<1x1x16xi32>,
      %swap3A_1035 = vector.shape_cast %swap3A_1034 : vector<1x1x16xi32> to vector<16xi32>
      %swap3A_1036 = vector.shape_cast %add3A_1029 : vector<16xi32> to vector<1x1x16xi32>
      tpu.vector_store %arg9[%swap3A_1031, %swap3A_1032, %swap3A_1033], %swap3A_1036 {strides = array<i32>} : memref<2x16x128xi32, #tpu.memory_space<vmem>>, vector<1x1x16xi32>,
      %get3A_1037 = arith.constant 224 : index
      %get3A_1038 = tpu.vector_load %arg7[%get3A_1037] {strides = array<i32>} : memref<512xi32, #tpu.memory_space<vmem>>, vector<16xi32>,
      %get3A_1039 = vector.shape_cast %get3A_1038 : vector<16xi32> to vector<16xi32>
      %sub3A_1040 = arith.subi %broadcast_in_dim3A_756, %get3A_1039 : vector<16xi32>
      %max3A_1041 = arith.constant -2047 : i32
      %max3A_1042 = vector.broadcast %max3A_1041 : i32 to vector<16xi32>
      %max3A_1043 = arith.maxsi %sub3A_1040, %max3A_1042 : vector<16xi32>
      %min3A_1044 = arith.constant 2047 : i32
      %min3A_1045 = vector.broadcast %min3A_1044 : i32 to vector<16xi32>
      %min3A_1046 = arith.minsi %max3A_1043, %min3A_1045 : vector<16xi32>
      %add3A_1047 = arith.constant 2047 : i32
      %add3A_1048 = vector.broadcast %add3A_1047 : i32 to vector<16xi32>
      %add3A_1049 = arith.addi %min3A_1046, %add3A_1048 : vector<16xi32>
      %swap3A_1050 = arith.constant 5 : i32
      %swap3A_1051 = arith.index_cast %rem3A_99 : i32 to index
      %swap3A_1052 = arith.index_cast %swap3A_1050 : i32 to index
      %swap3A_1053 = arith.constant 96 : index
      %swap3A_1054 = tpu.vector_load %arg9[%swap3A_1051, %swap3A_1052, %swap3A_1053] {strides = array<i32>} : memref<2x16x128xi32, #tpu.memory_space<vmem>>, vector<1x1x16xi32>,
      %swap3A_1055 = vector.shape_cast %swap3A_1054 : vector<1x1x16xi32> to vector<16xi32>
      %swap3A_1056 = vector.shape_cast %add3A_1049 : vector<16xi32> to vector<1x1x16xi32>
      tpu.vector_store %arg9[%swap3A_1051, %swap3A_1052, %swap3A_1053], %swap3A_1056 {strides = array<i32>} : memref<2x16x128xi32, #tpu.memory_space<vmem>>, vector<1x1x16xi32>,
      %get3A_1057 = arith.constant 240 : index
      %get3A_1058 = tpu.vector_load %arg7[%get3A_1057] {strides = array<i32>} : memref<512xi32, #tpu.memory_space<vmem>>, vector<16xi32>,
      %get3A_1059 = vector.shape_cast %get3A_1058 : vector<16xi32> to vector<16xi32>
      %sub3A_1060 = arith.subi %broadcast_in_dim3A_756, %get3A_1059 : vector<16xi32>
      %max3A_1061 = arith.constant -2047 : i32
      %max3A_1062 = vector.broadcast %max3A_1061 : i32 to vector<16xi32>
      %max3A_1063 = arith.maxsi %sub3A_1060, %max3A_1062 : vector<16xi32>
      %min3A_1064 = arith.constant 2047 : i32
      %min3A_1065 = vector.broadcast %min3A_1064 : i32 to vector<16xi32>
      %min3A_1066 = arith.minsi %max3A_1063, %min3A_1065 : vector<16xi32>
      %add3A_1067 = arith.constant 2047 : i32
      %add3A_1068 = vector.broadcast %add3A_1067 : i32 to vector<16xi32>
      %add3A_1069 = arith.addi %min3A_1066, %add3A_1068 : vector<16xi32>
      %swap3A_1070 = arith.constant 5 : i32
      %swap3A_1071 = arith.index_cast %rem3A_99 : i32 to index
      %swap3A_1072 = arith.index_cast %swap3A_1070 : i32 to index
      %swap3A_1073 = arith.constant 112 : index
      %swap3A_1074 = tpu.vector_load %arg9[%swap3A_1071, %swap3A_1072, %swap3A_1073] {strides = array<i32>} : memref<2x16x128xi32, #tpu.memory_space<vmem>>, vector<1x1x16xi32>,
      %swap3A_1075 = vector.shape_cast %swap3A_1074 : vector<1x1x16xi32> to vector<16xi32>
      %swap3A_1076 = vector.shape_cast %add3A_1069 : vector<16xi32> to vector<1x1x16xi32>
      tpu.vector_store %arg9[%swap3A_1071, %swap3A_1072, %swap3A_1073], %swap3A_1076 {strides = array<i32>} : memref<2x16x128xi32, #tpu.memory_space<vmem>>, vector<1x1x16xi32>,
      %get3A_1077 = arith.constant 256 : index
      %get3A_1078 = tpu.vector_load %arg7[%get3A_1077] {strides = array<i32>} : memref<512xi32, #tpu.memory_space<vmem>>, vector<16xi32>,
      %get3A_1079 = vector.shape_cast %get3A_1078 : vector<16xi32> to vector<16xi32>
      %sub3A_1080 = arith.subi %broadcast_in_dim3A_756, %get3A_1079 : vector<16xi32>
      %max3A_1081 = arith.constant -2047 : i32
      %max3A_1082 = vector.broadcast %max3A_1081 : i32 to vector<16xi32>
      %max3A_1083 = arith.maxsi %sub3A_1080, %max3A_1082 : vector<16xi32>
      %min3A_1084 = arith.constant 2047 : i32
      %min3A_1085 = vector.broadcast %min3A_1084 : i32 to vector<16xi32>
      %min3A_1086 = arith.minsi %max3A_1083, %min3A_1085 : vector<16xi32>
      %add3A_1087 = arith.constant 2047 : i32
      %add3A_1088 = vector.broadcast %add3A_1087 : i32 to vector<16xi32>
      %add3A_1089 = arith.addi %min3A_1086, %add3A_1088 : vector<16xi32>
      %swap3A_1090 = arith.constant 6 : i32
      %swap3A_1091 = arith.index_cast %rem3A_99 : i32 to index
      %swap3A_1092 = arith.index_cast %swap3A_1090 : i32 to index
      %swap3A_1093 = arith.constant 0 : index
      %swap3A_1094 = tpu.vector_load %arg9[%swap3A_1091, %swap3A_1092, %swap3A_1093] {strides = array<i32>} : memref<2x16x128xi32, #tpu.memory_space<vmem>>, vector<1x1x16xi32>,
      %swap3A_1095 = vector.shape_cast %swap3A_1094 : vector<1x1x16xi32> to vector<16xi32>
      %swap3A_1096 = vector.shape_cast %add3A_1089 : vector<16xi32> to vector<1x1x16xi32>
      tpu.vector_store %arg9[%swap3A_1091, %swap3A_1092, %swap3A_1093], %swap3A_1096 {strides = array<i32>} : memref<2x16x128xi32, #tpu.memory_space<vmem>>, vector<1x1x16xi32>,
      %get3A_1097 = arith.constant 272 : index
      %get3A_1098 = tpu.vector_load %arg7[%get3A_1097] {strides = array<i32>} : memref<512xi32, #tpu.memory_space<vmem>>, vector<16xi32>,
      %get3A_1099 = vector.shape_cast %get3A_1098 : vector<16xi32> to vector<16xi32>
      %sub3A_1100 = arith.subi %broadcast_in_dim3A_756, %get3A_1099 : vector<16xi32>
      %max3A_1101 = arith.constant -2047 : i32
      %max3A_1102 = vector.broadcast %max3A_1101 : i32 to vector<16xi32>
      %max3A_1103 = arith.maxsi %sub3A_1100, %max3A_1102 : vector<16xi32>
      %min3A_1104 = arith.constant 2047 : i32
      %min3A_1105 = vector.broadcast %min3A_1104 : i32 to vector<16xi32>
      %min3A_1106 = arith.minsi %max3A_1103, %min3A_1105 : vector<16xi32>
      %add3A_1107 = arith.constant 2047 : i32
      %add3A_1108 = vector.broadcast %add3A_1107 : i32 to vector<16xi32>
      %add3A_1109 = arith.addi %min3A_1106, %add3A_1108 : vector<16xi32>
      %swap3A_1110 = arith.constant 6 : i32
      %swap3A_1111 = arith.index_cast %rem3A_99 : i32 to index
      %swap3A_1112 = arith.index_cast %swap3A_1110 : i32 to index
      %swap3A_1113 = arith.constant 16 : index
      %swap3A_1114 = tpu.vector_load %arg9[%swap3A_1111, %swap3A_1112, %swap3A_1113] {strides = array<i32>} : memref<2x16x128xi32, #tpu.memory_space<vmem>>, vector<1x1x16xi32>,
      %swap3A_1115 = vector.shape_cast %swap3A_1114 : vector<1x1x16xi32> to vector<16xi32>
      %swap3A_1116 = vector.shape_cast %add3A_1109 : vector<16xi32> to vector<1x1x16xi32>
      tpu.vector_store %arg9[%swap3A_1111, %swap3A_1112, %swap3A_1113], %swap3A_1116 {strides = array<i32>} : memref<2x16x128xi32, #tpu.memory_space<vmem>>, vector<1x1x16xi32>,
      %get3A_1117 = arith.constant 288 : index
      %get3A_1118 = tpu.vector_load %arg7[%get3A_1117] {strides = array<i32>} : memref<512xi32, #tpu.memory_space<vmem>>, vector<16xi32>,
      %get3A_1119 = vector.shape_cast %get3A_1118 : vector<16xi32> to vector<16xi32>
      %sub3A_1120 = arith.subi %broadcast_in_dim3A_756, %get3A_1119 : vector<16xi32>
      %max3A_1121 = arith.constant -2047 : i32
      %max3A_1122 = vector.broadcast %max3A_1121 : i32 to vector<16xi32>
      %max3A_1123 = arith.maxsi %sub3A_1120, %max3A_1122 : vector<16xi32>
      %min3A_1124 = arith.constant 2047 : i32
      %min3A_1125 = vector.broadcast %min3A_1124 : i32 to vector<16xi32>
      %min3A_1126 = arith.minsi %max3A_1123, %min3A_1125 : vector<16xi32>
      %add3A_1127 = arith.constant 2047 : i32
      %add3A_1128 = vector.broadcast %add3A_1127 : i32 to vector<16xi32>
      %add3A_1129 = arith.addi %min3A_1126, %add3A_1128 : vector<16xi32>
      %swap3A_1130 = arith.constant 6 : i32
      %swap3A_1131 = arith.index_cast %rem3A_99 : i32 to index
      %swap3A_1132 = arith.index_cast %swap3A_1130 : i32 to index
      %swap3A_1133 = arith.constant 32 : index
      %swap3A_1134 = tpu.vector_load %arg9[%swap3A_1131, %swap3A_1132, %swap3A_1133] {strides = array<i32>} : memref<2x16x128xi32, #tpu.memory_space<vmem>>, vector<1x1x16xi32>,
      %swap3A_1135 = vector.shape_cast %swap3A_1134 : vector<1x1x16xi32> to vector<16xi32>
      %swap3A_1136 = vector.shape_cast %add3A_1129 : vector<16xi32> to vector<1x1x16xi32>
      tpu.vector_store %arg9[%swap3A_1131, %swap3A_1132, %swap3A_1133], %swap3A_1136 {strides = array<i32>} : memref<2x16x128xi32, #tpu.memory_space<vmem>>, vector<1x1x16xi32>,
      %get3A_1137 = arith.constant 304 : index
      %get3A_1138 = tpu.vector_load %arg7[%get3A_1137] {strides = array<i32>} : memref<512xi32, #tpu.memory_space<vmem>>, vector<16xi32>,
      %get3A_1139 = vector.shape_cast %get3A_1138 : vector<16xi32> to vector<16xi32>
      %sub3A_1140 = arith.subi %broadcast_in_dim3A_756, %get3A_1139 : vector<16xi32>
      %max3A_1141 = arith.constant -2047 : i32
      %max3A_1142 = vector.broadcast %max3A_1141 : i32 to vector<16xi32>
      %max3A_1143 = arith.maxsi %sub3A_1140, %max3A_1142 : vector<16xi32>
      %min3A_1144 = arith.constant 2047 : i32
      %min3A_1145 = vector.broadcast %min3A_1144 : i32 to vector<16xi32>
      %min3A_1146 = arith.minsi %max3A_1143, %min3A_1145 : vector<16xi32>
      %add3A_1147 = arith.constant 2047 : i32
      %add3A_1148 = vector.broadcast %add3A_1147 : i32 to vector<16xi32>
      %add3A_1149 = arith.addi %min3A_1146, %add3A_1148 : vector<16xi32>
      %swap3A_1150 = arith.constant 6 : i32
      %swap3A_1151 = arith.index_cast %rem3A_99 : i32 to index
      %swap3A_1152 = arith.index_cast %swap3A_1150 : i32 to index
      %swap3A_1153 = arith.constant 48 : index
      %swap3A_1154 = tpu.vector_load %arg9[%swap3A_1151, %swap3A_1152, %swap3A_1153] {strides = array<i32>} : memref<2x16x128xi32, #tpu.memory_space<vmem>>, vector<1x1x16xi32>,
      %swap3A_1155 = vector.shape_cast %swap3A_1154 : vector<1x1x16xi32> to vector<16xi32>
      %swap3A_1156 = vector.shape_cast %add3A_1149 : vector<16xi32> to vector<1x1x16xi32>
      tpu.vector_store %arg9[%swap3A_1151, %swap3A_1152, %swap3A_1153], %swap3A_1156 {strides = array<i32>} : memref<2x16x128xi32, #tpu.memory_space<vmem>>, vector<1x1x16xi32>,
      %get3A_1157 = arith.constant 320 : index
      %get3A_1158 = tpu.vector_load %arg7[%get3A_1157] {strides = array<i32>} : memref<512xi32, #tpu.memory_space<vmem>>, vector<16xi32>,
      %get3A_1159 = vector.shape_cast %get3A_1158 : vector<16xi32> to vector<16xi32>
      %sub3A_1160 = arith.subi %broadcast_in_dim3A_756, %get3A_1159 : vector<16xi32>
      %max3A_1161 = arith.constant -2047 : i32
      %max3A_1162 = vector.broadcast %max3A_1161 : i32 to vector<16xi32>
      %max3A_1163 = arith.maxsi %sub3A_1160, %max3A_1162 : vector<16xi32>
      %min3A_1164 = arith.constant 2047 : i32
      %min3A_1165 = vector.broadcast %min3A_1164 : i32 to vector<16xi32>
      %min3A_1166 = arith.minsi %max3A_1163, %min3A_1165 : vector<16xi32>
      %add3A_1167 = arith.constant 2047 : i32
      %add3A_1168 = vector.broadcast %add3A_1167 : i32 to vector<16xi32>
      %add3A_1169 = arith.addi %min3A_1166, %add3A_1168 : vector<16xi32>
      %swap3A_1170 = arith.constant 6 : i32
      %swap3A_1171 = arith.index_cast %rem3A_99 : i32 to index
      %swap3A_1172 = arith.index_cast %swap3A_1170 : i32 to index
      %swap3A_1173 = arith.constant 64 : index
      %swap3A_1174 = tpu.vector_load %arg9[%swap3A_1171, %swap3A_1172, %swap3A_1173] {strides = array<i32>} : memref<2x16x128xi32, #tpu.memory_space<vmem>>, vector<1x1x16xi32>,
      %swap3A_1175 = vector.shape_cast %swap3A_1174 : vector<1x1x16xi32> to vector<16xi32>
      %swap3A_1176 = vector.shape_cast %add3A_1169 : vector<16xi32> to vector<1x1x16xi32>
      tpu.vector_store %arg9[%swap3A_1171, %swap3A_1172, %swap3A_1173], %swap3A_1176 {strides = array<i32>} : memref<2x16x128xi32, #tpu.memory_space<vmem>>, vector<1x1x16xi32>,
      %get3A_1177 = arith.constant 336 : index
      %get3A_1178 = tpu.vector_load %arg7[%get3A_1177] {strides = array<i32>} : memref<512xi32, #tpu.memory_space<vmem>>, vector<16xi32>,
      %get3A_1179 = vector.shape_cast %get3A_1178 : vector<16xi32> to vector<16xi32>
      %sub3A_1180 = arith.subi %broadcast_in_dim3A_756, %get3A_1179 : vector<16xi32>
      %max3A_1181 = arith.constant -2047 : i32
      %max3A_1182 = vector.broadcast %max3A_1181 : i32 to vector<16xi32>
      %max3A_1183 = arith.maxsi %sub3A_1180, %max3A_1182 : vector<16xi32>
      %min3A_1184 = arith.constant 2047 : i32
      %min3A_1185 = vector.broadcast %min3A_1184 : i32 to vector<16xi32>
      %min3A_1186 = arith.minsi %max3A_1183, %min3A_1185 : vector<16xi32>
      %add3A_1187 = arith.constant 2047 : i32
      %add3A_1188 = vector.broadcast %add3A_1187 : i32 to vector<16xi32>
      %add3A_1189 = arith.addi %min3A_1186, %add3A_1188 : vector<16xi32>
      %swap3A_1190 = arith.constant 6 : i32
      %swap3A_1191 = arith.index_cast %rem3A_99 : i32 to index
      %swap3A_1192 = arith.index_cast %swap3A_1190 : i32 to index
      %swap3A_1193 = arith.constant 80 : index
      %swap3A_1194 = tpu.vector_load %arg9[%swap3A_1191, %swap3A_1192, %swap3A_1193] {strides = array<i32>} : memref<2x16x128xi32, #tpu.memory_space<vmem>>, vector<1x1x16xi32>,
      %swap3A_1195 = vector.shape_cast %swap3A_1194 : vector<1x1x16xi32> to vector<16xi32>
      %swap3A_1196 = vector.shape_cast %add3A_1189 : vector<16xi32> to vector<1x1x16xi32>
      tpu.vector_store %arg9[%swap3A_1191, %swap3A_1192, %swap3A_1193], %swap3A_1196 {strides = array<i32>} : memref<2x16x128xi32, #tpu.memory_space<vmem>>, vector<1x1x16xi32>,
      %get3A_1197 = arith.constant 352 : index
      %get3A_1198 = tpu.vector_load %arg7[%get3A_1197] {strides = array<i32>} : memref<512xi32, #tpu.memory_space<vmem>>, vector<16xi32>,
      %get3A_1199 = vector.shape_cast %get3A_1198 : vector<16xi32> to vector<16xi32>
      %sub3A_1200 = arith.subi %broadcast_in_dim3A_756, %get3A_1199 : vector<16xi32>
      %max3A_1201 = arith.constant -2047 : i32
      %max3A_1202 = vector.broadcast %max3A_1201 : i32 to vector<16xi32>
      %max3A_1203 = arith.maxsi %sub3A_1200, %max3A_1202 : vector<16xi32>
      %min3A_1204 = arith.constant 2047 : i32
      %min3A_1205 = vector.broadcast %min3A_1204 : i32 to vector<16xi32>
      %min3A_1206 = arith.minsi %max3A_1203, %min3A_1205 : vector<16xi32>
      %add3A_1207 = arith.constant 2047 : i32
      %add3A_1208 = vector.broadcast %add3A_1207 : i32 to vector<16xi32>
      %add3A_1209 = arith.addi %min3A_1206, %add3A_1208 : vector<16xi32>
      %swap3A_1210 = arith.constant 6 : i32
      %swap3A_1211 = arith.index_cast %rem3A_99 : i32 to index
      %swap3A_1212 = arith.index_cast %swap3A_1210 : i32 to index
      %swap3A_1213 = arith.constant 96 : index
      %swap3A_1214 = tpu.vector_load %arg9[%swap3A_1211, %swap3A_1212, %swap3A_1213] {strides = array<i32>} : memref<2x16x128xi32, #tpu.memory_space<vmem>>, vector<1x1x16xi32>,
      %swap3A_1215 = vector.shape_cast %swap3A_1214 : vector<1x1x16xi32> to vector<16xi32>
      %swap3A_1216 = vector.shape_cast %add3A_1209 : vector<16xi32> to vector<1x1x16xi32>
      tpu.vector_store %arg9[%swap3A_1211, %swap3A_1212, %swap3A_1213], %swap3A_1216 {strides = array<i32>} : memref<2x16x128xi32, #tpu.memory_space<vmem>>, vector<1x1x16xi32>,
      %get3A_1217 = arith.constant 368 : index
      %get3A_1218 = tpu.vector_load %arg7[%get3A_1217] {strides = array<i32>} : memref<512xi32, #tpu.memory_space<vmem>>, vector<16xi32>,
      %get3A_1219 = vector.shape_cast %get3A_1218 : vector<16xi32> to vector<16xi32>
      %sub3A_1220 = arith.subi %broadcast_in_dim3A_756, %get3A_1219 : vector<16xi32>
      %max3A_1221 = arith.constant -2047 : i32
      %max3A_1222 = vector.broadcast %max3A_1221 : i32 to vector<16xi32>
      %max3A_1223 = arith.maxsi %sub3A_1220, %max3A_1222 : vector<16xi32>
      %min3A_1224 = arith.constant 2047 : i32
      %min3A_1225 = vector.broadcast %min3A_1224 : i32 to vector<16xi32>
      %min3A_1226 = arith.minsi %max3A_1223, %min3A_1225 : vector<16xi32>
      %add3A_1227 = arith.constant 2047 : i32
      %add3A_1228 = vector.broadcast %add3A_1227 : i32 to vector<16xi32>
      %add3A_1229 = arith.addi %min3A_1226, %add3A_1228 : vector<16xi32>
      %swap3A_1230 = arith.constant 6 : i32
      %swap3A_1231 = arith.index_cast %rem3A_99 : i32 to index
      %swap3A_1232 = arith.index_cast %swap3A_1230 : i32 to index
      %swap3A_1233 = arith.constant 112 : index
      %swap3A_1234 = tpu.vector_load %arg9[%swap3A_1231, %swap3A_1232, %swap3A_1233] {strides = array<i32>} : memref<2x16x128xi32, #tpu.memory_space<vmem>>, vector<1x1x16xi32>,
      %swap3A_1235 = vector.shape_cast %swap3A_1234 : vector<1x1x16xi32> to vector<16xi32>
      %swap3A_1236 = vector.shape_cast %add3A_1229 : vector<16xi32> to vector<1x1x16xi32>
      tpu.vector_store %arg9[%swap3A_1231, %swap3A_1232, %swap3A_1233], %swap3A_1236 {strides = array<i32>} : memref<2x16x128xi32, #tpu.memory_space<vmem>>, vector<1x1x16xi32>,
      %get3A_1237 = arith.constant 384 : index
      %get3A_1238 = tpu.vector_load %arg7[%get3A_1237] {strides = array<i32>} : memref<512xi32, #tpu.memory_space<vmem>>, vector<16xi32>,
      %get3A_1239 = vector.shape_cast %get3A_1238 : vector<16xi32> to vector<16xi32>
      %sub3A_1240 = arith.subi %broadcast_in_dim3A_756, %get3A_1239 : vector<16xi32>
      %max3A_1241 = arith.constant -2047 : i32
      %max3A_1242 = vector.broadcast %max3A_1241 : i32 to vector<16xi32>
      %max3A_1243 = arith.maxsi %sub3A_1240, %max3A_1242 : vector<16xi32>
      %min3A_1244 = arith.constant 2047 : i32
      %min3A_1245 = vector.broadcast %min3A_1244 : i32 to vector<16xi32>
      %min3A_1246 = arith.minsi %max3A_1243, %min3A_1245 : vector<16xi32>
      %add3A_1247 = arith.constant 2047 : i32
      %add3A_1248 = vector.broadcast %add3A_1247 : i32 to vector<16xi32>
      %add3A_1249 = arith.addi %min3A_1246, %add3A_1248 : vector<16xi32>
      %swap3A_1250 = arith.constant 7 : i32
      %swap3A_1251 = arith.index_cast %rem3A_99 : i32 to index
      %swap3A_1252 = arith.index_cast %swap3A_1250 : i32 to index
      %swap3A_1253 = arith.constant 0 : index
      %swap3A_1254 = tpu.vector_load %arg9[%swap3A_1251, %swap3A_1252, %swap3A_1253] {strides = array<i32>} : memref<2x16x128xi32, #tpu.memory_space<vmem>>, vector<1x1x16xi32>,
      %swap3A_1255 = vector.shape_cast %swap3A_1254 : vector<1x1x16xi32> to vector<16xi32>
      %swap3A_1256 = vector.shape_cast %add3A_1249 : vector<16xi32> to vector<1x1x16xi32>
      tpu.vector_store %arg9[%swap3A_1251, %swap3A_1252, %swap3A_1253], %swap3A_1256 {strides = array<i32>} : memref<2x16x128xi32, #tpu.memory_space<vmem>>, vector<1x1x16xi32>,
      %get3A_1257 = arith.constant 400 : index
      %get3A_1258 = tpu.vector_load %arg7[%get3A_1257] {strides = array<i32>} : memref<512xi32, #tpu.memory_space<vmem>>, vector<16xi32>,
      %get3A_1259 = vector.shape_cast %get3A_1258 : vector<16xi32> to vector<16xi32>
      %sub3A_1260 = arith.subi %broadcast_in_dim3A_756, %get3A_1259 : vector<16xi32>
      %max3A_1261 = arith.constant -2047 : i32
      %max3A_1262 = vector.broadcast %max3A_1261 : i32 to vector<16xi32>
      %max3A_1263 = arith.maxsi %sub3A_1260, %max3A_1262 : vector<16xi32>
      %min3A_1264 = arith.constant 2047 : i32
      %min3A_1265 = vector.broadcast %min3A_1264 : i32 to vector<16xi32>
      %min3A_1266 = arith.minsi %max3A_1263, %min3A_1265 : vector<16xi32>
      %add3A_1267 = arith.constant 2047 : i32
      %add3A_1268 = vector.broadcast %add3A_1267 : i32 to vector<16xi32>
      %add3A_1269 = arith.addi %min3A_1266, %add3A_1268 : vector<16xi32>
      %swap3A_1270 = arith.constant 7 : i32
      %swap3A_1271 = arith.index_cast %rem3A_99 : i32 to index
      %swap3A_1272 = arith.index_cast %swap3A_1270 : i32 to index
      %swap3A_1273 = arith.constant 16 : index
      %swap3A_1274 = tpu.vector_load %arg9[%swap3A_1271, %swap3A_1272, %swap3A_1273] {strides = array<i32>} : memref<2x16x128xi32, #tpu.memory_space<vmem>>, vector<1x1x16xi32>,
      %swap3A_1275 = vector.shape_cast %swap3A_1274 : vector<1x1x16xi32> to vector<16xi32>
      %swap3A_1276 = vector.shape_cast %add3A_1269 : vector<16xi32> to vector<1x1x16xi32>
      tpu.vector_store %arg9[%swap3A_1271, %swap3A_1272, %swap3A_1273], %swap3A_1276 {strides = array<i32>} : memref<2x16x128xi32, #tpu.memory_space<vmem>>, vector<1x1x16xi32>,
      %get3A_1277 = arith.constant 416 : index
      %get3A_1278 = tpu.vector_load %arg7[%get3A_1277] {strides = array<i32>} : memref<512xi32, #tpu.memory_space<vmem>>, vector<16xi32>,
      %get3A_1279 = vector.shape_cast %get3A_1278 : vector<16xi32> to vector<16xi32>
      %sub3A_1280 = arith.subi %broadcast_in_dim3A_756, %get3A_1279 : vector<16xi32>
      %max3A_1281 = arith.constant -2047 : i32
      %max3A_1282 = vector.broadcast %max3A_1281 : i32 to vector<16xi32>
      %max3A_1283 = arith.maxsi %sub3A_1280, %max3A_1282 : vector<16xi32>
      %min3A_1284 = arith.constant 2047 : i32
      %min3A_1285 = vector.broadcast %min3A_1284 : i32 to vector<16xi32>
      %min3A_1286 = arith.minsi %max3A_1283, %min3A_1285 : vector<16xi32>
      %add3A_1287 = arith.constant 2047 : i32
      %add3A_1288 = vector.broadcast %add3A_1287 : i32 to vector<16xi32>
      %add3A_1289 = arith.addi %min3A_1286, %add3A_1288 : vector<16xi32>
      %swap3A_1290 = arith.constant 7 : i32
      %swap3A_1291 = arith.index_cast %rem3A_99 : i32 to index
      %swap3A_1292 = arith.index_cast %swap3A_1290 : i32 to index
      %swap3A_1293 = arith.constant 32 : index
      %swap3A_1294 = tpu.vector_load %arg9[%swap3A_1291, %swap3A_1292, %swap3A_1293] {strides = array<i32>} : memref<2x16x128xi32, #tpu.memory_space<vmem>>, vector<1x1x16xi32>,
      %swap3A_1295 = vector.shape_cast %swap3A_1294 : vector<1x1x16xi32> to vector<16xi32>
      %swap3A_1296 = vector.shape_cast %add3A_1289 : vector<16xi32> to vector<1x1x16xi32>
      tpu.vector_store %arg9[%swap3A_1291, %swap3A_1292, %swap3A_1293], %swap3A_1296 {strides = array<i32>} : memref<2x16x128xi32, #tpu.memory_space<vmem>>, vector<1x1x16xi32>,
      %get3A_1297 = arith.constant 432 : index
      %get3A_1298 = tpu.vector_load %arg7[%get3A_1297] {strides = array<i32>} : memref<512xi32, #tpu.memory_space<vmem>>, vector<16xi32>,
      %get3A_1299 = vector.shape_cast %get3A_1298 : vector<16xi32> to vector<16xi32>
      %sub3A_1300 = arith.subi %broadcast_in_dim3A_756, %get3A_1299 : vector<16xi32>
      %max3A_1301 = arith.constant -2047 : i32
      %max3A_1302 = vector.broadcast %max3A_1301 : i32 to vector<16xi32>
      %max3A_1303 = arith.maxsi %sub3A_1300, %max3A_1302 : vector<16xi32>
      %min3A_1304 = arith.constant 2047 : i32
      %min3A_1305 = vector.broadcast %min3A_1304 : i32 to vector<16xi32>
      %min3A_1306 = arith.minsi %max3A_1303, %min3A_1305 : vector<16xi32>
      %add3A_1307 = arith.constant 2047 : i32
      %add3A_1308 = vector.broadcast %add3A_1307 : i32 to vector<16xi32>
      %add3A_1309 = arith.addi %min3A_1306, %add3A_1308 : vector<16xi32>
      %swap3A_1310 = arith.constant 7 : i32
      %swap3A_1311 = arith.index_cast %rem3A_99 : i32 to index
      %swap3A_1312 = arith.index_cast %swap3A_1310 : i32 to index
      %swap3A_1313 = arith.constant 48 : index
      %swap3A_1314 = tpu.vector_load %arg9[%swap3A_1311, %swap3A_1312, %swap3A_1313] {strides = array<i32>} : memref<2x16x128xi32, #tpu.memory_space<vmem>>, vector<1x1x16xi32>,
      %swap3A_1315 = vector.shape_cast %swap3A_1314 : vector<1x1x16xi32> to vector<16xi32>
      %swap3A_1316 = vector.shape_cast %add3A_1309 : vector<16xi32> to vector<1x1x16xi32>
      tpu.vector_store %arg9[%swap3A_1311, %swap3A_1312, %swap3A_1313], %swap3A_1316 {strides = array<i32>} : memref<2x16x128xi32, #tpu.memory_space<vmem>>, vector<1x1x16xi32>,
      %get3A_1317 = arith.constant 448 : index
      %get3A_1318 = tpu.vector_load %arg7[%get3A_1317] {strides = array<i32>} : memref<512xi32, #tpu.memory_space<vmem>>, vector<16xi32>,
      %get3A_1319 = vector.shape_cast %get3A_1318 : vector<16xi32> to vector<16xi32>
      %sub3A_1320 = arith.subi %broadcast_in_dim3A_756, %get3A_1319 : vector<16xi32>
      %max3A_1321 = arith.constant -2047 : i32
      %max3A_1322 = vector.broadcast %max3A_1321 : i32 to vector<16xi32>
      %max3A_1323 = arith.maxsi %sub3A_1320, %max3A_1322 : vector<16xi32>
      %min3A_1324 = arith.constant 2047 : i32
      %min3A_1325 = vector.broadcast %min3A_1324 : i32 to vector<16xi32>
      %min3A_1326 = arith.minsi %max3A_1323, %min3A_1325 : vector<16xi32>
      %add3A_1327 = arith.constant 2047 : i32
      %add3A_1328 = vector.broadcast %add3A_1327 : i32 to vector<16xi32>
      %add3A_1329 = arith.addi %min3A_1326, %add3A_1328 : vector<16xi32>
      %swap3A_1330 = arith.constant 7 : i32
      %swap3A_1331 = arith.index_cast %rem3A_99 : i32 to index
      %swap3A_1332 = arith.index_cast %swap3A_1330 : i32 to index
      %swap3A_1333 = arith.constant 64 : index
      %swap3A_1334 = tpu.vector_load %arg9[%swap3A_1331, %swap3A_1332, %swap3A_1333] {strides = array<i32>} : memref<2x16x128xi32, #tpu.memory_space<vmem>>, vector<1x1x16xi32>,
      %swap3A_1335 = vector.shape_cast %swap3A_1334 : vector<1x1x16xi32> to vector<16xi32>
      %swap3A_1336 = vector.shape_cast %add3A_1329 : vector<16xi32> to vector<1x1x16xi32>
      tpu.vector_store %arg9[%swap3A_1331, %swap3A_1332, %swap3A_1333], %swap3A_1336 {strides = array<i32>} : memref<2x16x128xi32, #tpu.memory_space<vmem>>, vector<1x1x16xi32>,
      %get3A_1337 = arith.constant 464 : index
      %get3A_1338 = tpu.vector_load %arg7[%get3A_1337] {strides = array<i32>} : memref<512xi32, #tpu.memory_space<vmem>>, vector<16xi32>,
      %get3A_1339 = vector.shape_cast %get3A_1338 : vector<16xi32> to vector<16xi32>
      %sub3A_1340 = arith.subi %broadcast_in_dim3A_756, %get3A_1339 : vector<16xi32>
      %max3A_1341 = arith.constant -2047 : i32
      %max3A_1342 = vector.broadcast %max3A_1341 : i32 to vector<16xi32>
      %max3A_1343 = arith.maxsi %sub3A_1340, %max3A_1342 : vector<16xi32>
      %min3A_1344 = arith.constant 2047 : i32
      %min3A_1345 = vector.broadcast %min3A_1344 : i32 to vector<16xi32>
      %min3A_1346 = arith.minsi %max3A_1343, %min3A_1345 : vector<16xi32>
      %add3A_1347 = arith.constant 2047 : i32
      %add3A_1348 = vector.broadcast %add3A_1347 : i32 to vector<16xi32>
      %add3A_1349 = arith.addi %min3A_1346, %add3A_1348 : vector<16xi32>
      %swap3A_1350 = arith.constant 7 : i32
      %swap3A_1351 = arith.index_cast %rem3A_99 : i32 to index
      %swap3A_1352 = arith.index_cast %swap3A_1350 : i32 to index
      %swap3A_1353 = arith.constant 80 : index
      %swap3A_1354 = tpu.vector_load %arg9[%swap3A_1351, %swap3A_1352, %swap3A_1353] {strides = array<i32>} : memref<2x16x128xi32, #tpu.memory_space<vmem>>, vector<1x1x16xi32>,
      %swap3A_1355 = vector.shape_cast %swap3A_1354 : vector<1x1x16xi32> to vector<16xi32>
      %swap3A_1356 = vector.shape_cast %add3A_1349 : vector<16xi32> to vector<1x1x16xi32>
      tpu.vector_store %arg9[%swap3A_1351, %swap3A_1352, %swap3A_1353], %swap3A_1356 {strides = array<i32>} : memref<2x16x128xi32, #tpu.memory_space<vmem>>, vector<1x1x16xi32>,
      %get3A_1357 = arith.constant 480 : index
      %get3A_1358 = tpu.vector_load %arg7[%get3A_1357] {strides = array<i32>} : memref<512xi32, #tpu.memory_space<vmem>>, vector<16xi32>,
      %get3A_1359 = vector.shape_cast %get3A_1358 : vector<16xi32> to vector<16xi32>
      %sub3A_1360 = arith.subi %broadcast_in_dim3A_756, %get3A_1359 : vector<16xi32>
      %max3A_1361 = arith.constant -2047 : i32
      %max3A_1362 = vector.broadcast %max3A_1361 : i32 to vector<16xi32>
      %max3A_1363 = arith.maxsi %sub3A_1360, %max3A_1362 : vector<16xi32>
      %min3A_1364 = arith.constant 2047 : i32
      %min3A_1365 = vector.broadcast %min3A_1364 : i32 to vector<16xi32>
      %min3A_1366 = arith.minsi %max3A_1363, %min3A_1365 : vector<16xi32>
      %add3A_1367 = arith.constant 2047 : i32
      %add3A_1368 = vector.broadcast %add3A_1367 : i32 to vector<16xi32>
      %add3A_1369 = arith.addi %min3A_1366, %add3A_1368 : vector<16xi32>
      %swap3A_1370 = arith.constant 7 : i32
      %swap3A_1371 = arith.index_cast %rem3A_99 : i32 to index
      %swap3A_1372 = arith.index_cast %swap3A_1370 : i32 to index
      %swap3A_1373 = arith.constant 96 : index
      %swap3A_1374 = tpu.vector_load %arg9[%swap3A_1371, %swap3A_1372, %swap3A_1373] {strides = array<i32>} : memref<2x16x128xi32, #tpu.memory_space<vmem>>, vector<1x1x16xi32>,
      %swap3A_1375 = vector.shape_cast %swap3A_1374 : vector<1x1x16xi32> to vector<16xi32>
      %swap3A_1376 = vector.shape_cast %add3A_1369 : vector<16xi32> to vector<1x1x16xi32>
      tpu.vector_store %arg9[%swap3A_1371, %swap3A_1372, %swap3A_1373], %swap3A_1376 {strides = array<i32>} : memref<2x16x128xi32, #tpu.memory_space<vmem>>, vector<1x1x16xi32>,
      %get3A_1377 = arith.constant 496 : index
      %get3A_1378 = tpu.vector_load %arg7[%get3A_1377] {strides = array<i32>} : memref<512xi32, #tpu.memory_space<vmem>>, vector<16xi32>,
      %get3A_1379 = vector.shape_cast %get3A_1378 : vector<16xi32> to vector<16xi32>
      %sub3A_1380 = arith.subi %broadcast_in_dim3A_756, %get3A_1379 : vector<16xi32>
      %max3A_1381 = arith.constant -2047 : i32
      %max3A_1382 = vector.broadcast %max3A_1381 : i32 to vector<16xi32>
      %max3A_1383 = arith.maxsi %sub3A_1380, %max3A_1382 : vector<16xi32>
      %min3A_1384 = arith.constant 2047 : i32
      %min3A_1385 = vector.broadcast %min3A_1384 : i32 to vector<16xi32>
      %min3A_1386 = arith.minsi %max3A_1383, %min3A_1385 : vector<16xi32>
      %add3A_1387 = arith.constant 2047 : i32
      %add3A_1388 = vector.broadcast %add3A_1387 : i32 to vector<16xi32>
      %add3A_1389 = arith.addi %min3A_1386, %add3A_1388 : vector<16xi32>
      %swap3A_1390 = arith.constant 7 : i32
      %swap3A_1391 = arith.index_cast %rem3A_99 : i32 to index
      %swap3A_1392 = arith.index_cast %swap3A_1390 : i32 to index
      %swap3A_1393 = arith.constant 112 : index
      %swap3A_1394 = tpu.vector_load %arg9[%swap3A_1391, %swap3A_1392, %swap3A_1393] {strides = array<i32>} : memref<2x16x128xi32, #tpu.memory_space<vmem>>, vector<1x1x16xi32>,
      %swap3A_1395 = vector.shape_cast %swap3A_1394 : vector<1x1x16xi32> to vector<16xi32>
      %swap3A_1396 = vector.shape_cast %add3A_1389 : vector<16xi32> to vector<1x1x16xi32>
      tpu.vector_store %arg9[%swap3A_1391, %swap3A_1392, %swap3A_1393], %swap3A_1396 {strides = array<i32>} : memref<2x16x128xi32, #tpu.memory_space<vmem>>, vector<1x1x16xi32>,
      %mul3A_1397 = arith.constant 4 : i32
      %mul3A_1398 = arith.muli %scan3A_97, %mul3A_1397 : i32
      %add3A_1399 = arith.constant 2 : i32
      %add3A_1400 = arith.addi %mul3A_1398, %add3A_1399 : i32
      %get3A_1401 = arith.index_cast %add3A_1400 : i32 to index
      %get3A_1402 = tpu.vector_load %arg6[%get3A_1401] {strides = array<i32>} : memref<272xi32, #tpu.memory_space<vmem>>, vector<16xi32>,
      %get3A_1403 = vector.shape_cast %get3A_1402 : vector<16xi32> to vector<16xi32>
      %slice3A_1404 = vector.extract_strided_slice %get3A_1403 {offsets = [0], sizes = [1], strides = [1]} : vector<16xi32> to vector<1xi32>
      %squeeze3A_1405 = vector.extract %slice3A_1404[0] : i32 from vector<1xi32>
      %broadcast_in_dim3A_1406 = vector.broadcast %squeeze3A_1405 : i32 to vector<16xi32>
      %get3A_1407 = arith.constant 0 : index
      %get3A_1408 = tpu.vector_load %arg7[%get3A_1407] {strides = array<i32>} : memref<512xi32, #tpu.memory_space<vmem>>, vector<16xi32>,
      %get3A_1409 = vector.shape_cast %get3A_1408 : vector<16xi32> to vector<16xi32>
      %sub3A_1410 = arith.subi %broadcast_in_dim3A_1406, %get3A_1409 : vector<16xi32>
      %max3A_1411 = arith.constant -2047 : i32
      %max3A_1412 = vector.broadcast %max3A_1411 : i32 to vector<16xi32>
      %max3A_1413 = arith.maxsi %sub3A_1410, %max3A_1412 : vector<16xi32>
      %min3A_1414 = arith.constant 2047 : i32
      %min3A_1415 = vector.broadcast %min3A_1414 : i32 to vector<16xi32>
      %min3A_1416 = arith.minsi %max3A_1413, %min3A_1415 : vector<16xi32>
      %add3A_1417 = arith.constant 2047 : i32
      %add3A_1418 = vector.broadcast %add3A_1417 : i32 to vector<16xi32>
      %add3A_1419 = arith.addi %min3A_1416, %add3A_1418 : vector<16xi32>
      %swap3A_1420 = arith.constant 8 : i32
      %swap3A_1421 = arith.index_cast %rem3A_99 : i32 to index
      %swap3A_1422 = arith.index_cast %swap3A_1420 : i32 to index
      %swap3A_1423 = arith.constant 0 : index
      %swap3A_1424 = tpu.vector_load %arg9[%swap3A_1421, %swap3A_1422, %swap3A_1423] {strides = array<i32>} : memref<2x16x128xi32, #tpu.memory_space<vmem>>, vector<1x1x16xi32>,
      %swap3A_1425 = vector.shape_cast %swap3A_1424 : vector<1x1x16xi32> to vector<16xi32>
      %swap3A_1426 = vector.shape_cast %add3A_1419 : vector<16xi32> to vector<1x1x16xi32>
      tpu.vector_store %arg9[%swap3A_1421, %swap3A_1422, %swap3A_1423], %swap3A_1426 {strides = array<i32>} : memref<2x16x128xi32, #tpu.memory_space<vmem>>, vector<1x1x16xi32>,
      %get3A_1427 = arith.constant 16 : index
      %get3A_1428 = tpu.vector_load %arg7[%get3A_1427] {strides = array<i32>} : memref<512xi32, #tpu.memory_space<vmem>>, vector<16xi32>,
      %get3A_1429 = vector.shape_cast %get3A_1428 : vector<16xi32> to vector<16xi32>
      %sub3A_1430 = arith.subi %broadcast_in_dim3A_1406, %get3A_1429 : vector<16xi32>
      %max3A_1431 = arith.constant -2047 : i32
      %max3A_1432 = vector.broadcast %max3A_1431 : i32 to vector<16xi32>
      %max3A_1433 = arith.maxsi %sub3A_1430, %max3A_1432 : vector<16xi32>
      %min3A_1434 = arith.constant 2047 : i32
      %min3A_1435 = vector.broadcast %min3A_1434 : i32 to vector<16xi32>
      %min3A_1436 = arith.minsi %max3A_1433, %min3A_1435 : vector<16xi32>
      %add3A_1437 = arith.constant 2047 : i32
      %add3A_1438 = vector.broadcast %add3A_1437 : i32 to vector<16xi32>
      %add3A_1439 = arith.addi %min3A_1436, %add3A_1438 : vector<16xi32>
      %swap3A_1440 = arith.constant 8 : i32
      %swap3A_1441 = arith.index_cast %rem3A_99 : i32 to index
      %swap3A_1442 = arith.index_cast %swap3A_1440 : i32 to index
      %swap3A_1443 = arith.constant 16 : index
      %swap3A_1444 = tpu.vector_load %arg9[%swap3A_1441, %swap3A_1442, %swap3A_1443] {strides = array<i32>} : memref<2x16x128xi32, #tpu.memory_space<vmem>>, vector<1x1x16xi32>,
      %swap3A_1445 = vector.shape_cast %swap3A_1444 : vector<1x1x16xi32> to vector<16xi32>
      %swap3A_1446 = vector.shape_cast %add3A_1439 : vector<16xi32> to vector<1x1x16xi32>
      tpu.vector_store %arg9[%swap3A_1441, %swap3A_1442, %swap3A_1443], %swap3A_1446 {strides = array<i32>} : memref<2x16x128xi32, #tpu.memory_space<vmem>>, vector<1x1x16xi32>,
      %get3A_1447 = arith.constant 32 : index
      %get3A_1448 = tpu.vector_load %arg7[%get3A_1447] {strides = array<i32>} : memref<512xi32, #tpu.memory_space<vmem>>, vector<16xi32>,
      %get3A_1449 = vector.shape_cast %get3A_1448 : vector<16xi32> to vector<16xi32>
      %sub3A_1450 = arith.subi %broadcast_in_dim3A_1406, %get3A_1449 : vector<16xi32>
      %max3A_1451 = arith.constant -2047 : i32
      %max3A_1452 = vector.broadcast %max3A_1451 : i32 to vector<16xi32>
      %max3A_1453 = arith.maxsi %sub3A_1450, %max3A_1452 : vector<16xi32>
      %min3A_1454 = arith.constant 2047 : i32
      %min3A_1455 = vector.broadcast %min3A_1454 : i32 to vector<16xi32>
      %min3A_1456 = arith.minsi %max3A_1453, %min3A_1455 : vector<16xi32>
      %add3A_1457 = arith.constant 2047 : i32
      %add3A_1458 = vector.broadcast %add3A_1457 : i32 to vector<16xi32>
      %add3A_1459 = arith.addi %min3A_1456, %add3A_1458 : vector<16xi32>
      %swap3A_1460 = arith.constant 8 : i32
      %swap3A_1461 = arith.index_cast %rem3A_99 : i32 to index
      %swap3A_1462 = arith.index_cast %swap3A_1460 : i32 to index
      %swap3A_1463 = arith.constant 32 : index
      %swap3A_1464 = tpu.vector_load %arg9[%swap3A_1461, %swap3A_1462, %swap3A_1463] {strides = array<i32>} : memref<2x16x128xi32, #tpu.memory_space<vmem>>, vector<1x1x16xi32>,
      %swap3A_1465 = vector.shape_cast %swap3A_1464 : vector<1x1x16xi32> to vector<16xi32>
      %swap3A_1466 = vector.shape_cast %add3A_1459 : vector<16xi32> to vector<1x1x16xi32>
      tpu.vector_store %arg9[%swap3A_1461, %swap3A_1462, %swap3A_1463], %swap3A_1466 {strides = array<i32>} : memref<2x16x128xi32, #tpu.memory_space<vmem>>, vector<1x1x16xi32>,
      %get3A_1467 = arith.constant 48 : index
      %get3A_1468 = tpu.vector_load %arg7[%get3A_1467] {strides = array<i32>} : memref<512xi32, #tpu.memory_space<vmem>>, vector<16xi32>,
      %get3A_1469 = vector.shape_cast %get3A_1468 : vector<16xi32> to vector<16xi32>
      %sub3A_1470 = arith.subi %broadcast_in_dim3A_1406, %get3A_1469 : vector<16xi32>
      %max3A_1471 = arith.constant -2047 : i32
      %max3A_1472 = vector.broadcast %max3A_1471 : i32 to vector<16xi32>
      %max3A_1473 = arith.maxsi %sub3A_1470, %max3A_1472 : vector<16xi32>
      %min3A_1474 = arith.constant 2047 : i32
      %min3A_1475 = vector.broadcast %min3A_1474 : i32 to vector<16xi32>
      %min3A_1476 = arith.minsi %max3A_1473, %min3A_1475 : vector<16xi32>
      %add3A_1477 = arith.constant 2047 : i32
      %add3A_1478 = vector.broadcast %add3A_1477 : i32 to vector<16xi32>
      %add3A_1479 = arith.addi %min3A_1476, %add3A_1478 : vector<16xi32>
      %swap3A_1480 = arith.constant 8 : i32
      %swap3A_1481 = arith.index_cast %rem3A_99 : i32 to index
      %swap3A_1482 = arith.index_cast %swap3A_1480 : i32 to index
      %swap3A_1483 = arith.constant 48 : index
      %swap3A_1484 = tpu.vector_load %arg9[%swap3A_1481, %swap3A_1482, %swap3A_1483] {strides = array<i32>} : memref<2x16x128xi32, #tpu.memory_space<vmem>>, vector<1x1x16xi32>,
      %swap3A_1485 = vector.shape_cast %swap3A_1484 : vector<1x1x16xi32> to vector<16xi32>
      %swap3A_1486 = vector.shape_cast %add3A_1479 : vector<16xi32> to vector<1x1x16xi32>
      tpu.vector_store %arg9[%swap3A_1481, %swap3A_1482, %swap3A_1483], %swap3A_1486 {strides = array<i32>} : memref<2x16x128xi32, #tpu.memory_space<vmem>>, vector<1x1x16xi32>,
      %get3A_1487 = arith.constant 64 : index
      %get3A_1488 = tpu.vector_load %arg7[%get3A_1487] {strides = array<i32>} : memref<512xi32, #tpu.memory_space<vmem>>, vector<16xi32>,
      %get3A_1489 = vector.shape_cast %get3A_1488 : vector<16xi32> to vector<16xi32>
      %sub3A_1490 = arith.subi %broadcast_in_dim3A_1406, %get3A_1489 : vector<16xi32>
      %max3A_1491 = arith.constant -2047 : i32
      %max3A_1492 = vector.broadcast %max3A_1491 : i32 to vector<16xi32>
      %max3A_1493 = arith.maxsi %sub3A_1490, %max3A_1492 : vector<16xi32>
      %min3A_1494 = arith.constant 2047 : i32
      %min3A_1495 = vector.broadcast %min3A_1494 : i32 to vector<16xi32>
      %min3A_1496 = arith.minsi %max3A_1493, %min3A_1495 : vector<16xi32>
      %add3A_1497 = arith.constant 2047 : i32
      %add3A_1498 = vector.broadcast %add3A_1497 : i32 to vector<16xi32>
      %add3A_1499 = arith.addi %min3A_1496, %add3A_1498 : vector<16xi32>
      %swap3A_1500 = arith.constant 8 : i32
      %swap3A_1501 = arith.index_cast %rem3A_99 : i32 to index
      %swap3A_1502 = arith.index_cast %swap3A_1500 : i32 to index
      %swap3A_1503 = arith.constant 64 : index
      %swap3A_1504 = tpu.vector_load %arg9[%swap3A_1501, %swap3A_1502, %swap3A_1503] {strides = array<i32>} : memref<2x16x128xi32, #tpu.memory_space<vmem>>, vector<1x1x16xi32>,
      %swap3A_1505 = vector.shape_cast %swap3A_1504 : vector<1x1x16xi32> to vector<16xi32>
      %swap3A_1506 = vector.shape_cast %add3A_1499 : vector<16xi32> to vector<1x1x16xi32>
      tpu.vector_store %arg9[%swap3A_1501, %swap3A_1502, %swap3A_1503], %swap3A_1506 {strides = array<i32>} : memref<2x16x128xi32, #tpu.memory_space<vmem>>, vector<1x1x16xi32>,
      %get3A_1507 = arith.constant 80 : index
      %get3A_1508 = tpu.vector_load %arg7[%get3A_1507] {strides = array<i32>} : memref<512xi32, #tpu.memory_space<vmem>>, vector<16xi32>,
      %get3A_1509 = vector.shape_cast %get3A_1508 : vector<16xi32> to vector<16xi32>
      %sub3A_1510 = arith.subi %broadcast_in_dim3A_1406, %get3A_1509 : vector<16xi32>
      %max3A_1511 = arith.constant -2047 : i32
      %max3A_1512 = vector.broadcast %max3A_1511 : i32 to vector<16xi32>
      %max3A_1513 = arith.maxsi %sub3A_1510, %max3A_1512 : vector<16xi32>
      %min3A_1514 = arith.constant 2047 : i32
      %min3A_1515 = vector.broadcast %min3A_1514 : i32 to vector<16xi32>
      %min3A_1516 = arith.minsi %max3A_1513, %min3A_1515 : vector<16xi32>
      %add3A_1517 = arith.constant 2047 : i32
      %add3A_1518 = vector.broadcast %add3A_1517 : i32 to vector<16xi32>
      %add3A_1519 = arith.addi %min3A_1516, %add3A_1518 : vector<16xi32>
      %swap3A_1520 = arith.constant 8 : i32
      %swap3A_1521 = arith.index_cast %rem3A_99 : i32 to index
      %swap3A_1522 = arith.index_cast %swap3A_1520 : i32 to index
      %swap3A_1523 = arith.constant 80 : index
      %swap3A_1524 = tpu.vector_load %arg9[%swap3A_1521, %swap3A_1522, %swap3A_1523] {strides = array<i32>} : memref<2x16x128xi32, #tpu.memory_space<vmem>>, vector<1x1x16xi32>,
      %swap3A_1525 = vector.shape_cast %swap3A_1524 : vector<1x1x16xi32> to vector<16xi32>
      %swap3A_1526 = vector.shape_cast %add3A_1519 : vector<16xi32> to vector<1x1x16xi32>
      tpu.vector_store %arg9[%swap3A_1521, %swap3A_1522, %swap3A_1523], %swap3A_1526 {strides = array<i32>} : memref<2x16x128xi32, #tpu.memory_space<vmem>>, vector<1x1x16xi32>,
      %get3A_1527 = arith.constant 96 : index
      %get3A_1528 = tpu.vector_load %arg7[%get3A_1527] {strides = array<i32>} : memref<512xi32, #tpu.memory_space<vmem>>, vector<16xi32>,
      %get3A_1529 = vector.shape_cast %get3A_1528 : vector<16xi32> to vector<16xi32>
      %sub3A_1530 = arith.subi %broadcast_in_dim3A_1406, %get3A_1529 : vector<16xi32>
      %max3A_1531 = arith.constant -2047 : i32
      %max3A_1532 = vector.broadcast %max3A_1531 : i32 to vector<16xi32>
      %max3A_1533 = arith.maxsi %sub3A_1530, %max3A_1532 : vector<16xi32>
      %min3A_1534 = arith.constant 2047 : i32
      %min3A_1535 = vector.broadcast %min3A_1534 : i32 to vector<16xi32>
      %min3A_1536 = arith.minsi %max3A_1533, %min3A_1535 : vector<16xi32>
      %add3A_1537 = arith.constant 2047 : i32
      %add3A_1538 = vector.broadcast %add3A_1537 : i32 to vector<16xi32>
      %add3A_1539 = arith.addi %min3A_1536, %add3A_1538 : vector<16xi32>
      %swap3A_1540 = arith.constant 8 : i32
      %swap3A_1541 = arith.index_cast %rem3A_99 : i32 to index
      %swap3A_1542 = arith.index_cast %swap3A_1540 : i32 to index
      %swap3A_1543 = arith.constant 96 : index
      %swap3A_1544 = tpu.vector_load %arg9[%swap3A_1541, %swap3A_1542, %swap3A_1543] {strides = array<i32>} : memref<2x16x128xi32, #tpu.memory_space<vmem>>, vector<1x1x16xi32>,
      %swap3A_1545 = vector.shape_cast %swap3A_1544 : vector<1x1x16xi32> to vector<16xi32>
      %swap3A_1546 = vector.shape_cast %add3A_1539 : vector<16xi32> to vector<1x1x16xi32>
      tpu.vector_store %arg9[%swap3A_1541, %swap3A_1542, %swap3A_1543], %swap3A_1546 {strides = array<i32>} : memref<2x16x128xi32, #tpu.memory_space<vmem>>, vector<1x1x16xi32>,
      %get3A_1547 = arith.constant 112 : index
      %get3A_1548 = tpu.vector_load %arg7[%get3A_1547] {strides = array<i32>} : memref<512xi32, #tpu.memory_space<vmem>>, vector<16xi32>,
      %get3A_1549 = vector.shape_cast %get3A_1548 : vector<16xi32> to vector<16xi32>
      %sub3A_1550 = arith.subi %broadcast_in_dim3A_1406, %get3A_1549 : vector<16xi32>
      %max3A_1551 = arith.constant -2047 : i32
      %max3A_1552 = vector.broadcast %max3A_1551 : i32 to vector<16xi32>
      %max3A_1553 = arith.maxsi %sub3A_1550, %max3A_1552 : vector<16xi32>
      %min3A_1554 = arith.constant 2047 : i32
      %min3A_1555 = vector.broadcast %min3A_1554 : i32 to vector<16xi32>
      %min3A_1556 = arith.minsi %max3A_1553, %min3A_1555 : vector<16xi32>
      %add3A_1557 = arith.constant 2047 : i32
      %add3A_1558 = vector.broadcast %add3A_1557 : i32 to vector<16xi32>
      %add3A_1559 = arith.addi %min3A_1556, %add3A_1558 : vector<16xi32>
      %swap3A_1560 = arith.constant 8 : i32
      %swap3A_1561 = arith.index_cast %rem3A_99 : i32 to index
      %swap3A_1562 = arith.index_cast %swap3A_1560 : i32 to index
      %swap3A_1563 = arith.constant 112 : index
      %swap3A_1564 = tpu.vector_load %arg9[%swap3A_1561, %swap3A_1562, %swap3A_1563] {strides = array<i32>} : memref<2x16x128xi32, #tpu.memory_space<vmem>>, vector<1x1x16xi32>,
      %swap3A_1565 = vector.shape_cast %swap3A_1564 : vector<1x1x16xi32> to vector<16xi32>
      %swap3A_1566 = vector.shape_cast %add3A_1559 : vector<16xi32> to vector<1x1x16xi32>
      tpu.vector_store %arg9[%swap3A_1561, %swap3A_1562, %swap3A_1563], %swap3A_1566 {strides = array<i32>} : memref<2x16x128xi32, #tpu.memory_space<vmem>>, vector<1x1x16xi32>,
      %get3A_1567 = arith.constant 128 : index
      %get3A_1568 = tpu.vector_load %arg7[%get3A_1567] {strides = array<i32>} : memref<512xi32, #tpu.memory_space<vmem>>, vector<16xi32>,
      %get3A_1569 = vector.shape_cast %get3A_1568 : vector<16xi32> to vector<16xi32>
      %sub3A_1570 = arith.subi %broadcast_in_dim3A_1406, %get3A_1569 : vector<16xi32>
      %max3A_1571 = arith.constant -2047 : i32
      %max3A_1572 = vector.broadcast %max3A_1571 : i32 to vector<16xi32>
      %max3A_1573 = arith.maxsi %sub3A_1570, %max3A_1572 : vector<16xi32>
      %min3A_1574 = arith.constant 2047 : i32
      %min3A_1575 = vector.broadcast %min3A_1574 : i32 to vector<16xi32>
      %min3A_1576 = arith.minsi %max3A_1573, %min3A_1575 : vector<16xi32>
      %add3A_1577 = arith.constant 2047 : i32
      %add3A_1578 = vector.broadcast %add3A_1577 : i32 to vector<16xi32>
      %add3A_1579 = arith.addi %min3A_1576, %add3A_1578 : vector<16xi32>
      %swap3A_1580 = arith.constant 9 : i32
      %swap3A_1581 = arith.index_cast %rem3A_99 : i32 to index
      %swap3A_1582 = arith.index_cast %swap3A_1580 : i32 to index
      %swap3A_1583 = arith.constant 0 : index
      %swap3A_1584 = tpu.vector_load %arg9[%swap3A_1581, %swap3A_1582, %swap3A_1583] {strides = array<i32>} : memref<2x16x128xi32, #tpu.memory_space<vmem>>, vector<1x1x16xi32>,
      %swap3A_1585 = vector.shape_cast %swap3A_1584 : vector<1x1x16xi32> to vector<16xi32>
      %swap3A_1586 = vector.shape_cast %add3A_1579 : vector<16xi32> to vector<1x1x16xi32>
      tpu.vector_store %arg9[%swap3A_1581, %swap3A_1582, %swap3A_1583], %swap3A_1586 {strides = array<i32>} : memref<2x16x128xi32, #tpu.memory_space<vmem>>, vector<1x1x16xi32>,
      %get3A_1587 = arith.constant 144 : index
      %get3A_1588 = tpu.vector_load %arg7[%get3A_1587] {strides = array<i32>} : memref<512xi32, #tpu.memory_space<vmem>>, vector<16xi32>,
      %get3A_1589 = vector.shape_cast %get3A_1588 : vector<16xi32> to vector<16xi32>
      %sub3A_1590 = arith.subi %broadcast_in_dim3A_1406, %get3A_1589 : vector<16xi32>
      %max3A_1591 = arith.constant -2047 : i32
      %max3A_1592 = vector.broadcast %max3A_1591 : i32 to vector<16xi32>
      %max3A_1593 = arith.maxsi %sub3A_1590, %max3A_1592 : vector<16xi32>
      %min3A_1594 = arith.constant 2047 : i32
      %min3A_1595 = vector.broadcast %min3A_1594 : i32 to vector<16xi32>
      %min3A_1596 = arith.minsi %max3A_1593, %min3A_1595 : vector<16xi32>
      %add3A_1597 = arith.constant 2047 : i32
      %add3A_1598 = vector.broadcast %add3A_1597 : i32 to vector<16xi32>
      %add3A_1599 = arith.addi %min3A_1596, %add3A_1598 : vector<16xi32>
      %swap3A_1600 = arith.constant 9 : i32
      %swap3A_1601 = arith.index_cast %rem3A_99 : i32 to index
      %swap3A_1602 = arith.index_cast %swap3A_1600 : i32 to index
      %swap3A_1603 = arith.constant 16 : index
      %swap3A_1604 = tpu.vector_load %arg9[%swap3A_1601, %swap3A_1602, %swap3A_1603] {strides = array<i32>} : memref<2x16x128xi32, #tpu.memory_space<vmem>>, vector<1x1x16xi32>,
      %swap3A_1605 = vector.shape_cast %swap3A_1604 : vector<1x1x16xi32> to vector<16xi32>
      %swap3A_1606 = vector.shape_cast %add3A_1599 : vector<16xi32> to vector<1x1x16xi32>
      tpu.vector_store %arg9[%swap3A_1601, %swap3A_1602, %swap3A_1603], %swap3A_1606 {strides = array<i32>} : memref<2x16x128xi32, #tpu.memory_space<vmem>>, vector<1x1x16xi32>,
      %get3A_1607 = arith.constant 160 : index
      %get3A_1608 = tpu.vector_load %arg7[%get3A_1607] {strides = array<i32>} : memref<512xi32, #tpu.memory_space<vmem>>, vector<16xi32>,
      %get3A_1609 = vector.shape_cast %get3A_1608 : vector<16xi32> to vector<16xi32>
      %sub3A_1610 = arith.subi %broadcast_in_dim3A_1406, %get3A_1609 : vector<16xi32>
      %max3A_1611 = arith.constant -2047 : i32
      %max3A_1612 = vector.broadcast %max3A_1611 : i32 to vector<16xi32>
      %max3A_1613 = arith.maxsi %sub3A_1610, %max3A_1612 : vector<16xi32>
      %min3A_1614 = arith.constant 2047 : i32
      %min3A_1615 = vector.broadcast %min3A_1614 : i32 to vector<16xi32>
      %min3A_1616 = arith.minsi %max3A_1613, %min3A_1615 : vector<16xi32>
      %add3A_1617 = arith.constant 2047 : i32
      %add3A_1618 = vector.broadcast %add3A_1617 : i32 to vector<16xi32>
      %add3A_1619 = arith.addi %min3A_1616, %add3A_1618 : vector<16xi32>
      %swap3A_1620 = arith.constant 9 : i32
      %swap3A_1621 = arith.index_cast %rem3A_99 : i32 to index
      %swap3A_1622 = arith.index_cast %swap3A_1620 : i32 to index
      %swap3A_1623 = arith.constant 32 : index
      %swap3A_1624 = tpu.vector_load %arg9[%swap3A_1621, %swap3A_1622, %swap3A_1623] {strides = array<i32>} : memref<2x16x128xi32, #tpu.memory_space<vmem>>, vector<1x1x16xi32>,
      %swap3A_1625 = vector.shape_cast %swap3A_1624 : vector<1x1x16xi32> to vector<16xi32>
      %swap3A_1626 = vector.shape_cast %add3A_1619 : vector<16xi32> to vector<1x1x16xi32>
      tpu.vector_store %arg9[%swap3A_1621, %swap3A_1622, %swap3A_1623], %swap3A_1626 {strides = array<i32>} : memref<2x16x128xi32, #tpu.memory_space<vmem>>, vector<1x1x16xi32>,
      %get3A_1627 = arith.constant 176 : index
      %get3A_1628 = tpu.vector_load %arg7[%get3A_1627] {strides = array<i32>} : memref<512xi32, #tpu.memory_space<vmem>>, vector<16xi32>,
      %get3A_1629 = vector.shape_cast %get3A_1628 : vector<16xi32> to vector<16xi32>
      %sub3A_1630 = arith.subi %broadcast_in_dim3A_1406, %get3A_1629 : vector<16xi32>
      %max3A_1631 = arith.constant -2047 : i32
      %max3A_1632 = vector.broadcast %max3A_1631 : i32 to vector<16xi32>
      %max3A_1633 = arith.maxsi %sub3A_1630, %max3A_1632 : vector<16xi32>
      %min3A_1634 = arith.constant 2047 : i32
      %min3A_1635 = vector.broadcast %min3A_1634 : i32 to vector<16xi32>
      %min3A_1636 = arith.minsi %max3A_1633, %min3A_1635 : vector<16xi32>
      %add3A_1637 = arith.constant 2047 : i32
      %add3A_1638 = vector.broadcast %add3A_1637 : i32 to vector<16xi32>
      %add3A_1639 = arith.addi %min3A_1636, %add3A_1638 : vector<16xi32>
      %swap3A_1640 = arith.constant 9 : i32
      %swap3A_1641 = arith.index_cast %rem3A_99 : i32 to index
      %swap3A_1642 = arith.index_cast %swap3A_1640 : i32 to index
      %swap3A_1643 = arith.constant 48 : index
      %swap3A_1644 = tpu.vector_load %arg9[%swap3A_1641, %swap3A_1642, %swap3A_1643] {strides = array<i32>} : memref<2x16x128xi32, #tpu.memory_space<vmem>>, vector<1x1x16xi32>,
      %swap3A_1645 = vector.shape_cast %swap3A_1644 : vector<1x1x16xi32> to vector<16xi32>
      %swap3A_1646 = vector.shape_cast %add3A_1639 : vector<16xi32> to vector<1x1x16xi32>
      tpu.vector_store %arg9[%swap3A_1641, %swap3A_1642, %swap3A_1643], %swap3A_1646 {strides = array<i32>} : memref<2x16x128xi32, #tpu.memory_space<vmem>>, vector<1x1x16xi32>,
      %get3A_1647 = arith.constant 192 : index
      %get3A_1648 = tpu.vector_load %arg7[%get3A_1647] {strides = array<i32>} : memref<512xi32, #tpu.memory_space<vmem>>, vector<16xi32>,
      %get3A_1649 = vector.shape_cast %get3A_1648 : vector<16xi32> to vector<16xi32>
      %sub3A_1650 = arith.subi %broadcast_in_dim3A_1406, %get3A_1649 : vector<16xi32>
      %max3A_1651 = arith.constant -2047 : i32
      %max3A_1652 = vector.broadcast %max3A_1651 : i32 to vector<16xi32>
      %max3A_1653 = arith.maxsi %sub3A_1650, %max3A_1652 : vector<16xi32>
      %min3A_1654 = arith.constant 2047 : i32
      %min3A_1655 = vector.broadcast %min3A_1654 : i32 to vector<16xi32>
      %min3A_1656 = arith.minsi %max3A_1653, %min3A_1655 : vector<16xi32>
      %add3A_1657 = arith.constant 2047 : i32
      %add3A_1658 = vector.broadcast %add3A_1657 : i32 to vector<16xi32>
      %add3A_1659 = arith.addi %min3A_1656, %add3A_1658 : vector<16xi32>
      %swap3A_1660 = arith.constant 9 : i32
      %swap3A_1661 = arith.index_cast %rem3A_99 : i32 to index
      %swap3A_1662 = arith.index_cast %swap3A_1660 : i32 to index
      %swap3A_1663 = arith.constant 64 : index
      %swap3A_1664 = tpu.vector_load %arg9[%swap3A_1661, %swap3A_1662, %swap3A_1663] {strides = array<i32>} : memref<2x16x128xi32, #tpu.memory_space<vmem>>, vector<1x1x16xi32>,
      %swap3A_1665 = vector.shape_cast %swap3A_1664 : vector<1x1x16xi32> to vector<16xi32>
      %swap3A_1666 = vector.shape_cast %add3A_1659 : vector<16xi32> to vector<1x1x16xi32>
      tpu.vector_store %arg9[%swap3A_1661, %swap3A_1662, %swap3A_1663], %swap3A_1666 {strides = array<i32>} : memref<2x16x128xi32, #tpu.memory_space<vmem>>, vector<1x1x16xi32>,
      %get3A_1667 = arith.constant 208 : index
      %get3A_1668 = tpu.vector_load %arg7[%get3A_1667] {strides = array<i32>} : memref<512xi32, #tpu.memory_space<vmem>>, vector<16xi32>,
      %get3A_1669 = vector.shape_cast %get3A_1668 : vector<16xi32> to vector<16xi32>
      %sub3A_1670 = arith.subi %broadcast_in_dim3A_1406, %get3A_1669 : vector<16xi32>
      %max3A_1671 = arith.constant -2047 : i32
      %max3A_1672 = vector.broadcast %max3A_1671 : i32 to vector<16xi32>
      %max3A_1673 = arith.maxsi %sub3A_1670, %max3A_1672 : vector<16xi32>
      %min3A_1674 = arith.constant 2047 : i32
      %min3A_1675 = vector.broadcast %min3A_1674 : i32 to vector<16xi32>
      %min3A_1676 = arith.minsi %max3A_1673, %min3A_1675 : vector<16xi32>
      %add3A_1677 = arith.constant 2047 : i32
      %add3A_1678 = vector.broadcast %add3A_1677 : i32 to vector<16xi32>
      %add3A_1679 = arith.addi %min3A_1676, %add3A_1678 : vector<16xi32>
      %swap3A_1680 = arith.constant 9 : i32
      %swap3A_1681 = arith.index_cast %rem3A_99 : i32 to index
      %swap3A_1682 = arith.index_cast %swap3A_1680 : i32 to index
      %swap3A_1683 = arith.constant 80 : index
      %swap3A_1684 = tpu.vector_load %arg9[%swap3A_1681, %swap3A_1682, %swap3A_1683] {strides = array<i32>} : memref<2x16x128xi32, #tpu.memory_space<vmem>>, vector<1x1x16xi32>,
      %swap3A_1685 = vector.shape_cast %swap3A_1684 : vector<1x1x16xi32> to vector<16xi32>
      %swap3A_1686 = vector.shape_cast %add3A_1679 : vector<16xi32> to vector<1x1x16xi32>
      tpu.vector_store %arg9[%swap3A_1681, %swap3A_1682, %swap3A_1683], %swap3A_1686 {strides = array<i32>} : memref<2x16x128xi32, #tpu.memory_space<vmem>>, vector<1x1x16xi32>,
      %get3A_1687 = arith.constant 224 : index
      %get3A_1688 = tpu.vector_load %arg7[%get3A_1687] {strides = array<i32>} : memref<512xi32, #tpu.memory_space<vmem>>, vector<16xi32>,
      %get3A_1689 = vector.shape_cast %get3A_1688 : vector<16xi32> to vector<16xi32>
      %sub3A_1690 = arith.subi %broadcast_in_dim3A_1406, %get3A_1689 : vector<16xi32>
      %max3A_1691 = arith.constant -2047 : i32
      %max3A_1692 = vector.broadcast %max3A_1691 : i32 to vector<16xi32>
      %max3A_1693 = arith.maxsi %sub3A_1690, %max3A_1692 : vector<16xi32>
      %min3A_1694 = arith.constant 2047 : i32
      %min3A_1695 = vector.broadcast %min3A_1694 : i32 to vector<16xi32>
      %min3A_1696 = arith.minsi %max3A_1693, %min3A_1695 : vector<16xi32>
      %add3A_1697 = arith.constant 2047 : i32
      %add3A_1698 = vector.broadcast %add3A_1697 : i32 to vector<16xi32>
      %add3A_1699 = arith.addi %min3A_1696, %add3A_1698 : vector<16xi32>
      %swap3A_1700 = arith.constant 9 : i32
      %swap3A_1701 = arith.index_cast %rem3A_99 : i32 to index
      %swap3A_1702 = arith.index_cast %swap3A_1700 : i32 to index
      %swap3A_1703 = arith.constant 96 : index
      %swap3A_1704 = tpu.vector_load %arg9[%swap3A_1701, %swap3A_1702, %swap3A_1703] {strides = array<i32>} : memref<2x16x128xi32, #tpu.memory_space<vmem>>, vector<1x1x16xi32>,
      %swap3A_1705 = vector.shape_cast %swap3A_1704 : vector<1x1x16xi32> to vector<16xi32>
      %swap3A_1706 = vector.shape_cast %add3A_1699 : vector<16xi32> to vector<1x1x16xi32>
      tpu.vector_store %arg9[%swap3A_1701, %swap3A_1702, %swap3A_1703], %swap3A_1706 {strides = array<i32>} : memref<2x16x128xi32, #tpu.memory_space<vmem>>, vector<1x1x16xi32>,
      %get3A_1707 = arith.constant 240 : index
      %get3A_1708 = tpu.vector_load %arg7[%get3A_1707] {strides = array<i32>} : memref<512xi32, #tpu.memory_space<vmem>>, vector<16xi32>,
      %get3A_1709 = vector.shape_cast %get3A_1708 : vector<16xi32> to vector<16xi32>
      %sub3A_1710 = arith.subi %broadcast_in_dim3A_1406, %get3A_1709 : vector<16xi32>
      %max3A_1711 = arith.constant -2047 : i32
      %max3A_1712 = vector.broadcast %max3A_1711 : i32 to vector<16xi32>
      %max3A_1713 = arith.maxsi %sub3A_1710, %max3A_1712 : vector<16xi32>
      %min3A_1714 = arith.constant 2047 : i32
      %min3A_1715 = vector.broadcast %min3A_1714 : i32 to vector<16xi32>
      %min3A_1716 = arith.minsi %max3A_1713, %min3A_1715 : vector<16xi32>
      %add3A_1717 = arith.constant 2047 : i32
      %add3A_1718 = vector.broadcast %add3A_1717 : i32 to vector<16xi32>
      %add3A_1719 = arith.addi %min3A_1716, %add3A_1718 : vector<16xi32>
      %swap3A_1720 = arith.constant 9 : i32
      %swap3A_1721 = arith.index_cast %rem3A_99 : i32 to index
      %swap3A_1722 = arith.index_cast %swap3A_1720 : i32 to index
      %swap3A_1723 = arith.constant 112 : index
      %swap3A_1724 = tpu.vector_load %arg9[%swap3A_1721, %swap3A_1722, %swap3A_1723] {strides = array<i32>} : memref<2x16x128xi32, #tpu.memory_space<vmem>>, vector<1x1x16xi32>,
      %swap3A_1725 = vector.shape_cast %swap3A_1724 : vector<1x1x16xi32> to vector<16xi32>
      %swap3A_1726 = vector.shape_cast %add3A_1719 : vector<16xi32> to vector<1x1x16xi32>
      tpu.vector_store %arg9[%swap3A_1721, %swap3A_1722, %swap3A_1723], %swap3A_1726 {strides = array<i32>} : memref<2x16x128xi32, #tpu.memory_space<vmem>>, vector<1x1x16xi32>,
      %get3A_1727 = arith.constant 256 : index
      %get3A_1728 = tpu.vector_load %arg7[%get3A_1727] {strides = array<i32>} : memref<512xi32, #tpu.memory_space<vmem>>, vector<16xi32>,
      %get3A_1729 = vector.shape_cast %get3A_1728 : vector<16xi32> to vector<16xi32>
      %sub3A_1730 = arith.subi %broadcast_in_dim3A_1406, %get3A_1729 : vector<16xi32>
      %max3A_1731 = arith.constant -2047 : i32
      %max3A_1732 = vector.broadcast %max3A_1731 : i32 to vector<16xi32>
      %max3A_1733 = arith.maxsi %sub3A_1730, %max3A_1732 : vector<16xi32>
      %min3A_1734 = arith.constant 2047 : i32
      %min3A_1735 = vector.broadcast %min3A_1734 : i32 to vector<16xi32>
      %min3A_1736 = arith.minsi %max3A_1733, %min3A_1735 : vector<16xi32>
      %add3A_1737 = arith.constant 2047 : i32
      %add3A_1738 = vector.broadcast %add3A_1737 : i32 to vector<16xi32>
      %add3A_1739 = arith.addi %min3A_1736, %add3A_1738 : vector<16xi32>
      %swap3A_1740 = arith.constant 10 : i32
      %swap3A_1741 = arith.index_cast %rem3A_99 : i32 to index
      %swap3A_1742 = arith.index_cast %swap3A_1740 : i32 to index
      %swap3A_1743 = arith.constant 0 : index
      %swap3A_1744 = tpu.vector_load %arg9[%swap3A_1741, %swap3A_1742, %swap3A_1743] {strides = array<i32>} : memref<2x16x128xi32, #tpu.memory_space<vmem>>, vector<1x1x16xi32>,
      %swap3A_1745 = vector.shape_cast %swap3A_1744 : vector<1x1x16xi32> to vector<16xi32>
      %swap3A_1746 = vector.shape_cast %add3A_1739 : vector<16xi32> to vector<1x1x16xi32>
      tpu.vector_store %arg9[%swap3A_1741, %swap3A_1742, %swap3A_1743], %swap3A_1746 {strides = array<i32>} : memref<2x16x128xi32, #tpu.memory_space<vmem>>, vector<1x1x16xi32>,
      %get3A_1747 = arith.constant 272 : index
      %get3A_1748 = tpu.vector_load %arg7[%get3A_1747] {strides = array<i32>} : memref<512xi32, #tpu.memory_space<vmem>>, vector<16xi32>,
      %get3A_1749 = vector.shape_cast %get3A_1748 : vector<16xi32> to vector<16xi32>
      %sub3A_1750 = arith.subi %broadcast_in_dim3A_1406, %get3A_1749 : vector<16xi32>
      %max3A_1751 = arith.constant -2047 : i32
      %max3A_1752 = vector.broadcast %max3A_1751 : i32 to vector<16xi32>
      %max3A_1753 = arith.maxsi %sub3A_1750, %max3A_1752 : vector<16xi32>
      %min3A_1754 = arith.constant 2047 : i32
      %min3A_1755 = vector.broadcast %min3A_1754 : i32 to vector<16xi32>
      %min3A_1756 = arith.minsi %max3A_1753, %min3A_1755 : vector<16xi32>
      %add3A_1757 = arith.constant 2047 : i32
      %add3A_1758 = vector.broadcast %add3A_1757 : i32 to vector<16xi32>
      %add3A_1759 = arith.addi %min3A_1756, %add3A_1758 : vector<16xi32>
      %swap3A_1760 = arith.constant 10 : i32
      %swap3A_1761 = arith.index_cast %rem3A_99 : i32 to index
      %swap3A_1762 = arith.index_cast %swap3A_1760 : i32 to index
      %swap3A_1763 = arith.constant 16 : index
      %swap3A_1764 = tpu.vector_load %arg9[%swap3A_1761, %swap3A_1762, %swap3A_1763] {strides = array<i32>} : memref<2x16x128xi32, #tpu.memory_space<vmem>>, vector<1x1x16xi32>,
      %swap3A_1765 = vector.shape_cast %swap3A_1764 : vector<1x1x16xi32> to vector<16xi32>
      %swap3A_1766 = vector.shape_cast %add3A_1759 : vector<16xi32> to vector<1x1x16xi32>
      tpu.vector_store %arg9[%swap3A_1761, %swap3A_1762, %swap3A_1763], %swap3A_1766 {strides = array<i32>} : memref<2x16x128xi32, #tpu.memory_space<vmem>>, vector<1x1x16xi32>,
      %get3A_1767 = arith.constant 288 : index
      %get3A_1768 = tpu.vector_load %arg7[%get3A_1767] {strides = array<i32>} : memref<512xi32, #tpu.memory_space<vmem>>, vector<16xi32>,
      %get3A_1769 = vector.shape_cast %get3A_1768 : vector<16xi32> to vector<16xi32>
      %sub3A_1770 = arith.subi %broadcast_in_dim3A_1406, %get3A_1769 : vector<16xi32>
      %max3A_1771 = arith.constant -2047 : i32
      %max3A_1772 = vector.broadcast %max3A_1771 : i32 to vector<16xi32>
      %max3A_1773 = arith.maxsi %sub3A_1770, %max3A_1772 : vector<16xi32>
      %min3A_1774 = arith.constant 2047 : i32
      %min3A_1775 = vector.broadcast %min3A_1774 : i32 to vector<16xi32>
      %min3A_1776 = arith.minsi %max3A_1773, %min3A_1775 : vector<16xi32>
      %add3A_1777 = arith.constant 2047 : i32
      %add3A_1778 = vector.broadcast %add3A_1777 : i32 to vector<16xi32>
      %add3A_1779 = arith.addi %min3A_1776, %add3A_1778 : vector<16xi32>
      %swap3A_1780 = arith.constant 10 : i32
      %swap3A_1781 = arith.index_cast %rem3A_99 : i32 to index
      %swap3A_1782 = arith.index_cast %swap3A_1780 : i32 to index
      %swap3A_1783 = arith.constant 32 : index
      %swap3A_1784 = tpu.vector_load %arg9[%swap3A_1781, %swap3A_1782, %swap3A_1783] {strides = array<i32>} : memref<2x16x128xi32, #tpu.memory_space<vmem>>, vector<1x1x16xi32>,
      %swap3A_1785 = vector.shape_cast %swap3A_1784 : vector<1x1x16xi32> to vector<16xi32>
      %swap3A_1786 = vector.shape_cast %add3A_1779 : vector<16xi32> to vector<1x1x16xi32>
      tpu.vector_store %arg9[%swap3A_1781, %swap3A_1782, %swap3A_1783], %swap3A_1786 {strides = array<i32>} : memref<2x16x128xi32, #tpu.memory_space<vmem>>, vector<1x1x16xi32>,
      %get3A_1787 = arith.constant 304 : index
      %get3A_1788 = tpu.vector_load %arg7[%get3A_1787] {strides = array<i32>} : memref<512xi32, #tpu.memory_space<vmem>>, vector<16xi32>,
      %get3A_1789 = vector.shape_cast %get3A_1788 : vector<16xi32> to vector<16xi32>
      %sub3A_1790 = arith.subi %broadcast_in_dim3A_1406, %get3A_1789 : vector<16xi32>
      %max3A_1791 = arith.constant -2047 : i32
      %max3A_1792 = vector.broadcast %max3A_1791 : i32 to vector<16xi32>
      %max3A_1793 = arith.maxsi %sub3A_1790, %max3A_1792 : vector<16xi32>
      %min3A_1794 = arith.constant 2047 : i32
      %min3A_1795 = vector.broadcast %min3A_1794 : i32 to vector<16xi32>
      %min3A_1796 = arith.minsi %max3A_1793, %min3A_1795 : vector<16xi32>
      %add3A_1797 = arith.constant 2047 : i32
      %add3A_1798 = vector.broadcast %add3A_1797 : i32 to vector<16xi32>
      %add3A_1799 = arith.addi %min3A_1796, %add3A_1798 : vector<16xi32>
      %swap3A_1800 = arith.constant 10 : i32
      %swap3A_1801 = arith.index_cast %rem3A_99 : i32 to index
      %swap3A_1802 = arith.index_cast %swap3A_1800 : i32 to index
      %swap3A_1803 = arith.constant 48 : index
      %swap3A_1804 = tpu.vector_load %arg9[%swap3A_1801, %swap3A_1802, %swap3A_1803] {strides = array<i32>} : memref<2x16x128xi32, #tpu.memory_space<vmem>>, vector<1x1x16xi32>,
      %swap3A_1805 = vector.shape_cast %swap3A_1804 : vector<1x1x16xi32> to vector<16xi32>
      %swap3A_1806 = vector.shape_cast %add3A_1799 : vector<16xi32> to vector<1x1x16xi32>
      tpu.vector_store %arg9[%swap3A_1801, %swap3A_1802, %swap3A_1803], %swap3A_1806 {strides = array<i32>} : memref<2x16x128xi32, #tpu.memory_space<vmem>>, vector<1x1x16xi32>,
      %get3A_1807 = arith.constant 320 : index
      %get3A_1808 = tpu.vector_load %arg7[%get3A_1807] {strides = array<i32>} : memref<512xi32, #tpu.memory_space<vmem>>, vector<16xi32>,
      %get3A_1809 = vector.shape_cast %get3A_1808 : vector<16xi32> to vector<16xi32>
      %sub3A_1810 = arith.subi %broadcast_in_dim3A_1406, %get3A_1809 : vector<16xi32>
      %max3A_1811 = arith.constant -2047 : i32
      %max3A_1812 = vector.broadcast %max3A_1811 : i32 to vector<16xi32>
      %max3A_1813 = arith.maxsi %sub3A_1810, %max3A_1812 : vector<16xi32>
      %min3A_1814 = arith.constant 2047 : i32
      %min3A_1815 = vector.broadcast %min3A_1814 : i32 to vector<16xi32>
      %min3A_1816 = arith.minsi %max3A_1813, %min3A_1815 : vector<16xi32>
      %add3A_1817 = arith.constant 2047 : i32
      %add3A_1818 = vector.broadcast %add3A_1817 : i32 to vector<16xi32>
      %add3A_1819 = arith.addi %min3A_1816, %add3A_1818 : vector<16xi32>
      %swap3A_1820 = arith.constant 10 : i32
      %swap3A_1821 = arith.index_cast %rem3A_99 : i32 to index
      %swap3A_1822 = arith.index_cast %swap3A_1820 : i32 to index
      %swap3A_1823 = arith.constant 64 : index
      %swap3A_1824 = tpu.vector_load %arg9[%swap3A_1821, %swap3A_1822, %swap3A_1823] {strides = array<i32>} : memref<2x16x128xi32, #tpu.memory_space<vmem>>, vector<1x1x16xi32>,
      %swap3A_1825 = vector.shape_cast %swap3A_1824 : vector<1x1x16xi32> to vector<16xi32>
      %swap3A_1826 = vector.shape_cast %add3A_1819 : vector<16xi32> to vector<1x1x16xi32>
      tpu.vector_store %arg9[%swap3A_1821, %swap3A_1822, %swap3A_1823], %swap3A_1826 {strides = array<i32>} : memref<2x16x128xi32, #tpu.memory_space<vmem>>, vector<1x1x16xi32>,
      %get3A_1827 = arith.constant 336 : index
      %get3A_1828 = tpu.vector_load %arg7[%get3A_1827] {strides = array<i32>} : memref<512xi32, #tpu.memory_space<vmem>>, vector<16xi32>,
      %get3A_1829 = vector.shape_cast %get3A_1828 : vector<16xi32> to vector<16xi32>
      %sub3A_1830 = arith.subi %broadcast_in_dim3A_1406, %get3A_1829 : vector<16xi32>
      %max3A_1831 = arith.constant -2047 : i32
      %max3A_1832 = vector.broadcast %max3A_1831 : i32 to vector<16xi32>
      %max3A_1833 = arith.maxsi %sub3A_1830, %max3A_1832 : vector<16xi32>
      %min3A_1834 = arith.constant 2047 : i32
      %min3A_1835 = vector.broadcast %min3A_1834 : i32 to vector<16xi32>
      %min3A_1836 = arith.minsi %max3A_1833, %min3A_1835 : vector<16xi32>
      %add3A_1837 = arith.constant 2047 : i32
      %add3A_1838 = vector.broadcast %add3A_1837 : i32 to vector<16xi32>
      %add3A_1839 = arith.addi %min3A_1836, %add3A_1838 : vector<16xi32>
      %swap3A_1840 = arith.constant 10 : i32
      %swap3A_1841 = arith.index_cast %rem3A_99 : i32 to index
      %swap3A_1842 = arith.index_cast %swap3A_1840 : i32 to index
      %swap3A_1843 = arith.constant 80 : index
      %swap3A_1844 = tpu.vector_load %arg9[%swap3A_1841, %swap3A_1842, %swap3A_1843] {strides = array<i32>} : memref<2x16x128xi32, #tpu.memory_space<vmem>>, vector<1x1x16xi32>,
      %swap3A_1845 = vector.shape_cast %swap3A_1844 : vector<1x1x16xi32> to vector<16xi32>
      %swap3A_1846 = vector.shape_cast %add3A_1839 : vector<16xi32> to vector<1x1x16xi32>
      tpu.vector_store %arg9[%swap3A_1841, %swap3A_1842, %swap3A_1843], %swap3A_1846 {strides = array<i32>} : memref<2x16x128xi32, #tpu.memory_space<vmem>>, vector<1x1x16xi32>,
      %get3A_1847 = arith.constant 352 : index
      %get3A_1848 = tpu.vector_load %arg7[%get3A_1847] {strides = array<i32>} : memref<512xi32, #tpu.memory_space<vmem>>, vector<16xi32>,
      %get3A_1849 = vector.shape_cast %get3A_1848 : vector<16xi32> to vector<16xi32>
      %sub3A_1850 = arith.subi %broadcast_in_dim3A_1406, %get3A_1849 : vector<16xi32>
      %max3A_1851 = arith.constant -2047 : i32
      %max3A_1852 = vector.broadcast %max3A_1851 : i32 to vector<16xi32>
      %max3A_1853 = arith.maxsi %sub3A_1850, %max3A_1852 : vector<16xi32>
      %min3A_1854 = arith.constant 2047 : i32
      %min3A_1855 = vector.broadcast %min3A_1854 : i32 to vector<16xi32>
      %min3A_1856 = arith.minsi %max3A_1853, %min3A_1855 : vector<16xi32>
      %add3A_1857 = arith.constant 2047 : i32
      %add3A_1858 = vector.broadcast %add3A_1857 : i32 to vector<16xi32>
      %add3A_1859 = arith.addi %min3A_1856, %add3A_1858 : vector<16xi32>
      %swap3A_1860 = arith.constant 10 : i32
      %swap3A_1861 = arith.index_cast %rem3A_99 : i32 to index
      %swap3A_1862 = arith.index_cast %swap3A_1860 : i32 to index
      %swap3A_1863 = arith.constant 96 : index
      %swap3A_1864 = tpu.vector_load %arg9[%swap3A_1861, %swap3A_1862, %swap3A_1863] {strides = array<i32>} : memref<2x16x128xi32, #tpu.memory_space<vmem>>, vector<1x1x16xi32>,
      %swap3A_1865 = vector.shape_cast %swap3A_1864 : vector<1x1x16xi32> to vector<16xi32>
      %swap3A_1866 = vector.shape_cast %add3A_1859 : vector<16xi32> to vector<1x1x16xi32>
      tpu.vector_store %arg9[%swap3A_1861, %swap3A_1862, %swap3A_1863], %swap3A_1866 {strides = array<i32>} : memref<2x16x128xi32, #tpu.memory_space<vmem>>, vector<1x1x16xi32>,
      %get3A_1867 = arith.constant 368 : index
      %get3A_1868 = tpu.vector_load %arg7[%get3A_1867] {strides = array<i32>} : memref<512xi32, #tpu.memory_space<vmem>>, vector<16xi32>,
      %get3A_1869 = vector.shape_cast %get3A_1868 : vector<16xi32> to vector<16xi32>
      %sub3A_1870 = arith.subi %broadcast_in_dim3A_1406, %get3A_1869 : vector<16xi32>
      %max3A_1871 = arith.constant -2047 : i32
      %max3A_1872 = vector.broadcast %max3A_1871 : i32 to vector<16xi32>
      %max3A_1873 = arith.maxsi %sub3A_1870, %max3A_1872 : vector<16xi32>
      %min3A_1874 = arith.constant 2047 : i32
      %min3A_1875 = vector.broadcast %min3A_1874 : i32 to vector<16xi32>
      %min3A_1876 = arith.minsi %max3A_1873, %min3A_1875 : vector<16xi32>
      %add3A_1877 = arith.constant 2047 : i32
      %add3A_1878 = vector.broadcast %add3A_1877 : i32 to vector<16xi32>
      %add3A_1879 = arith.addi %min3A_1876, %add3A_1878 : vector<16xi32>
      %swap3A_1880 = arith.constant 10 : i32
      %swap3A_1881 = arith.index_cast %rem3A_99 : i32 to index
      %swap3A_1882 = arith.index_cast %swap3A_1880 : i32 to index
      %swap3A_1883 = arith.constant 112 : index
      %swap3A_1884 = tpu.vector_load %arg9[%swap3A_1881, %swap3A_1882, %swap3A_1883] {strides = array<i32>} : memref<2x16x128xi32, #tpu.memory_space<vmem>>, vector<1x1x16xi32>,
      %swap3A_1885 = vector.shape_cast %swap3A_1884 : vector<1x1x16xi32> to vector<16xi32>
      %swap3A_1886 = vector.shape_cast %add3A_1879 : vector<16xi32> to vector<1x1x16xi32>
      tpu.vector_store %arg9[%swap3A_1881, %swap3A_1882, %swap3A_1883], %swap3A_1886 {strides = array<i32>} : memref<2x16x128xi32, #tpu.memory_space<vmem>>, vector<1x1x16xi32>,
      %get3A_1887 = arith.constant 384 : index
      %get3A_1888 = tpu.vector_load %arg7[%get3A_1887] {strides = array<i32>} : memref<512xi32, #tpu.memory_space<vmem>>, vector<16xi32>,
      %get3A_1889 = vector.shape_cast %get3A_1888 : vector<16xi32> to vector<16xi32>
      %sub3A_1890 = arith.subi %broadcast_in_dim3A_1406, %get3A_1889 : vector<16xi32>
      %max3A_1891 = arith.constant -2047 : i32
      %max3A_1892 = vector.broadcast %max3A_1891 : i32 to vector<16xi32>
      %max3A_1893 = arith.maxsi %sub3A_1890, %max3A_1892 : vector<16xi32>
      %min3A_1894 = arith.constant 2047 : i32
      %min3A_1895 = vector.broadcast %min3A_1894 : i32 to vector<16xi32>
      %min3A_1896 = arith.minsi %max3A_1893, %min3A_1895 : vector<16xi32>
      %add3A_1897 = arith.constant 2047 : i32
      %add3A_1898 = vector.broadcast %add3A_1897 : i32 to vector<16xi32>
      %add3A_1899 = arith.addi %min3A_1896, %add3A_1898 : vector<16xi32>
      %swap3A_1900 = arith.constant 11 : i32
      %swap3A_1901 = arith.index_cast %rem3A_99 : i32 to index
      %swap3A_1902 = arith.index_cast %swap3A_1900 : i32 to index
      %swap3A_1903 = arith.constant 0 : index
      %swap3A_1904 = tpu.vector_load %arg9[%swap3A_1901, %swap3A_1902, %swap3A_1903] {strides = array<i32>} : memref<2x16x128xi32, #tpu.memory_space<vmem>>, vector<1x1x16xi32>,
      %swap3A_1905 = vector.shape_cast %swap3A_1904 : vector<1x1x16xi32> to vector<16xi32>
      %swap3A_1906 = vector.shape_cast %add3A_1899 : vector<16xi32> to vector<1x1x16xi32>
      tpu.vector_store %arg9[%swap3A_1901, %swap3A_1902, %swap3A_1903], %swap3A_1906 {strides = array<i32>} : memref<2x16x128xi32, #tpu.memory_space<vmem>>, vector<1x1x16xi32>,
      %get3A_1907 = arith.constant 400 : index
      %get3A_1908 = tpu.vector_load %arg7[%get3A_1907] {strides = array<i32>} : memref<512xi32, #tpu.memory_space<vmem>>, vector<16xi32>,
      %get3A_1909 = vector.shape_cast %get3A_1908 : vector<16xi32> to vector<16xi32>
      %sub3A_1910 = arith.subi %broadcast_in_dim3A_1406, %get3A_1909 : vector<16xi32>
      %max3A_1911 = arith.constant -2047 : i32
      %max3A_1912 = vector.broadcast %max3A_1911 : i32 to vector<16xi32>
      %max3A_1913 = arith.maxsi %sub3A_1910, %max3A_1912 : vector<16xi32>
      %min3A_1914 = arith.constant 2047 : i32
      %min3A_1915 = vector.broadcast %min3A_1914 : i32 to vector<16xi32>
      %min3A_1916 = arith.minsi %max3A_1913, %min3A_1915 : vector<16xi32>
      %add3A_1917 = arith.constant 2047 : i32
      %add3A_1918 = vector.broadcast %add3A_1917 : i32 to vector<16xi32>
      %add3A_1919 = arith.addi %min3A_1916, %add3A_1918 : vector<16xi32>
      %swap3A_1920 = arith.constant 11 : i32
      %swap3A_1921 = arith.index_cast %rem3A_99 : i32 to index
      %swap3A_1922 = arith.index_cast %swap3A_1920 : i32 to index
      %swap3A_1923 = arith.constant 16 : index
      %swap3A_1924 = tpu.vector_load %arg9[%swap3A_1921, %swap3A_1922, %swap3A_1923] {strides = array<i32>} : memref<2x16x128xi32, #tpu.memory_space<vmem>>, vector<1x1x16xi32>,
      %swap3A_1925 = vector.shape_cast %swap3A_1924 : vector<1x1x16xi32> to vector<16xi32>
      %swap3A_1926 = vector.shape_cast %add3A_1919 : vector<16xi32> to vector<1x1x16xi32>
      tpu.vector_store %arg9[%swap3A_1921, %swap3A_1922, %swap3A_1923], %swap3A_1926 {strides = array<i32>} : memref<2x16x128xi32, #tpu.memory_space<vmem>>, vector<1x1x16xi32>,
      %get3A_1927 = arith.constant 416 : index
      %get3A_1928 = tpu.vector_load %arg7[%get3A_1927] {strides = array<i32>} : memref<512xi32, #tpu.memory_space<vmem>>, vector<16xi32>,
      %get3A_1929 = vector.shape_cast %get3A_1928 : vector<16xi32> to vector<16xi32>
      %sub3A_1930 = arith.subi %broadcast_in_dim3A_1406, %get3A_1929 : vector<16xi32>
      %max3A_1931 = arith.constant -2047 : i32
      %max3A_1932 = vector.broadcast %max3A_1931 : i32 to vector<16xi32>
      %max3A_1933 = arith.maxsi %sub3A_1930, %max3A_1932 : vector<16xi32>
      %min3A_1934 = arith.constant 2047 : i32
      %min3A_1935 = vector.broadcast %min3A_1934 : i32 to vector<16xi32>
      %min3A_1936 = arith.minsi %max3A_1933, %min3A_1935 : vector<16xi32>
      %add3A_1937 = arith.constant 2047 : i32
      %add3A_1938 = vector.broadcast %add3A_1937 : i32 to vector<16xi32>
      %add3A_1939 = arith.addi %min3A_1936, %add3A_1938 : vector<16xi32>
      %swap3A_1940 = arith.constant 11 : i32
      %swap3A_1941 = arith.index_cast %rem3A_99 : i32 to index
      %swap3A_1942 = arith.index_cast %swap3A_1940 : i32 to index
      %swap3A_1943 = arith.constant 32 : index
      %swap3A_1944 = tpu.vector_load %arg9[%swap3A_1941, %swap3A_1942, %swap3A_1943] {strides = array<i32>} : memref<2x16x128xi32, #tpu.memory_space<vmem>>, vector<1x1x16xi32>,
      %swap3A_1945 = vector.shape_cast %swap3A_1944 : vector<1x1x16xi32> to vector<16xi32>
      %swap3A_1946 = vector.shape_cast %add3A_1939 : vector<16xi32> to vector<1x1x16xi32>
      tpu.vector_store %arg9[%swap3A_1941, %swap3A_1942, %swap3A_1943], %swap3A_1946 {strides = array<i32>} : memref<2x16x128xi32, #tpu.memory_space<vmem>>, vector<1x1x16xi32>,
      %get3A_1947 = arith.constant 432 : index
      %get3A_1948 = tpu.vector_load %arg7[%get3A_1947] {strides = array<i32>} : memref<512xi32, #tpu.memory_space<vmem>>, vector<16xi32>,
      %get3A_1949 = vector.shape_cast %get3A_1948 : vector<16xi32> to vector<16xi32>
      %sub3A_1950 = arith.subi %broadcast_in_dim3A_1406, %get3A_1949 : vector<16xi32>
      %max3A_1951 = arith.constant -2047 : i32
      %max3A_1952 = vector.broadcast %max3A_1951 : i32 to vector<16xi32>
      %max3A_1953 = arith.maxsi %sub3A_1950, %max3A_1952 : vector<16xi32>
      %min3A_1954 = arith.constant 2047 : i32
      %min3A_1955 = vector.broadcast %min3A_1954 : i32 to vector<16xi32>
      %min3A_1956 = arith.minsi %max3A_1953, %min3A_1955 : vector<16xi32>
      %add3A_1957 = arith.constant 2047 : i32
      %add3A_1958 = vector.broadcast %add3A_1957 : i32 to vector<16xi32>
      %add3A_1959 = arith.addi %min3A_1956, %add3A_1958 : vector<16xi32>
      %swap3A_1960 = arith.constant 11 : i32
      %swap3A_1961 = arith.index_cast %rem3A_99 : i32 to index
      %swap3A_1962 = arith.index_cast %swap3A_1960 : i32 to index
      %swap3A_1963 = arith.constant 48 : index
      %swap3A_1964 = tpu.vector_load %arg9[%swap3A_1961, %swap3A_1962, %swap3A_1963] {strides = array<i32>} : memref<2x16x128xi32, #tpu.memory_space<vmem>>, vector<1x1x16xi32>,
      %swap3A_1965 = vector.shape_cast %swap3A_1964 : vector<1x1x16xi32> to vector<16xi32>
      %swap3A_1966 = vector.shape_cast %add3A_1959 : vector<16xi32> to vector<1x1x16xi32>
      tpu.vector_store %arg9[%swap3A_1961, %swap3A_1962, %swap3A_1963], %swap3A_1966 {strides = array<i32>} : memref<2x16x128xi32, #tpu.memory_space<vmem>>, vector<1x1x16xi32>,
      %get3A_1967 = arith.constant 448 : index
      %get3A_1968 = tpu.vector_load %arg7[%get3A_1967] {strides = array<i32>} : memref<512xi32, #tpu.memory_space<vmem>>, vector<16xi32>,
      %get3A_1969 = vector.shape_cast %get3A_1968 : vector<16xi32> to vector<16xi32>
      %sub3A_1970 = arith.subi %broadcast_in_dim3A_1406, %get3A_1969 : vector<16xi32>
      %max3A_1971 = arith.constant -2047 : i32
      %max3A_1972 = vector.broadcast %max3A_1971 : i32 to vector<16xi32>
      %max3A_1973 = arith.maxsi %sub3A_1970, %max3A_1972 : vector<16xi32>
      %min3A_1974 = arith.constant 2047 : i32
      %min3A_1975 = vector.broadcast %min3A_1974 : i32 to vector<16xi32>
      %min3A_1976 = arith.minsi %max3A_1973, %min3A_1975 : vector<16xi32>
      %add3A_1977 = arith.constant 2047 : i32
      %add3A_1978 = vector.broadcast %add3A_1977 : i32 to vector<16xi32>
      %add3A_1979 = arith.addi %min3A_1976, %add3A_1978 : vector<16xi32>
      %swap3A_1980 = arith.constant 11 : i32
      %swap3A_1981 = arith.index_cast %rem3A_99 : i32 to index
      %swap3A_1982 = arith.index_cast %swap3A_1980 : i32 to index
      %swap3A_1983 = arith.constant 64 : index
      %swap3A_1984 = tpu.vector_load %arg9[%swap3A_1981, %swap3A_1982, %swap3A_1983] {strides = array<i32>} : memref<2x16x128xi32, #tpu.memory_space<vmem>>, vector<1x1x16xi32>,
      %swap3A_1985 = vector.shape_cast %swap3A_1984 : vector<1x1x16xi32> to vector<16xi32>
      %swap3A_1986 = vector.shape_cast %add3A_1979 : vector<16xi32> to vector<1x1x16xi32>
      tpu.vector_store %arg9[%swap3A_1981, %swap3A_1982, %swap3A_1983], %swap3A_1986 {strides = array<i32>} : memref<2x16x128xi32, #tpu.memory_space<vmem>>, vector<1x1x16xi32>,
      %get3A_1987 = arith.constant 464 : index
      %get3A_1988 = tpu.vector_load %arg7[%get3A_1987] {strides = array<i32>} : memref<512xi32, #tpu.memory_space<vmem>>, vector<16xi32>,
      %get3A_1989 = vector.shape_cast %get3A_1988 : vector<16xi32> to vector<16xi32>
      %sub3A_1990 = arith.subi %broadcast_in_dim3A_1406, %get3A_1989 : vector<16xi32>
      %max3A_1991 = arith.constant -2047 : i32
      %max3A_1992 = vector.broadcast %max3A_1991 : i32 to vector<16xi32>
      %max3A_1993 = arith.maxsi %sub3A_1990, %max3A_1992 : vector<16xi32>
      %min3A_1994 = arith.constant 2047 : i32
      %min3A_1995 = vector.broadcast %min3A_1994 : i32 to vector<16xi32>
      %min3A_1996 = arith.minsi %max3A_1993, %min3A_1995 : vector<16xi32>
      %add3A_1997 = arith.constant 2047 : i32
      %add3A_1998 = vector.broadcast %add3A_1997 : i32 to vector<16xi32>
      %add3A_1999 = arith.addi %min3A_1996, %add3A_1998 : vector<16xi32>
      %swap3A_2000 = arith.constant 11 : i32
      %swap3A_2001 = arith.index_cast %rem3A_99 : i32 to index
      %swap3A_2002 = arith.index_cast %swap3A_2000 : i32 to index
      %swap3A_2003 = arith.constant 80 : index
      %swap3A_2004 = tpu.vector_load %arg9[%swap3A_2001, %swap3A_2002, %swap3A_2003] {strides = array<i32>} : memref<2x16x128xi32, #tpu.memory_space<vmem>>, vector<1x1x16xi32>,
      %swap3A_2005 = vector.shape_cast %swap3A_2004 : vector<1x1x16xi32> to vector<16xi32>
      %swap3A_2006 = vector.shape_cast %add3A_1999 : vector<16xi32> to vector<1x1x16xi32>
      tpu.vector_store %arg9[%swap3A_2001, %swap3A_2002, %swap3A_2003], %swap3A_2006 {strides = array<i32>} : memref<2x16x128xi32, #tpu.memory_space<vmem>>, vector<1x1x16xi32>,
      %get3A_2007 = arith.constant 480 : index
      %get3A_2008 = tpu.vector_load %arg7[%get3A_2007] {strides = array<i32>} : memref<512xi32, #tpu.memory_space<vmem>>, vector<16xi32>,
      %get3A_2009 = vector.shape_cast %get3A_2008 : vector<16xi32> to vector<16xi32>
      %sub3A_2010 = arith.subi %broadcast_in_dim3A_1406, %get3A_2009 : vector<16xi32>
      %max3A_2011 = arith.constant -2047 : i32
      %max3A_2012 = vector.broadcast %max3A_2011 : i32 to vector<16xi32>
      %max3A_2013 = arith.maxsi %sub3A_2010, %max3A_2012 : vector<16xi32>
      %min3A_2014 = arith.constant 2047 : i32
      %min3A_2015 = vector.broadcast %min3A_2014 : i32 to vector<16xi32>
      %min3A_2016 = arith.minsi %max3A_2013, %min3A_2015 : vector<16xi32>
      %add3A_2017 = arith.constant 2047 : i32
      %add3A_2018 = vector.broadcast %add3A_2017 : i32 to vector<16xi32>
      %add3A_2019 = arith.addi %min3A_2016, %add3A_2018 : vector<16xi32>
      %swap3A_2020 = arith.constant 11 : i32
      %swap3A_2021 = arith.index_cast %rem3A_99 : i32 to index
      %swap3A_2022 = arith.index_cast %swap3A_2020 : i32 to index
      %swap3A_2023 = arith.constant 96 : index
      %swap3A_2024 = tpu.vector_load %arg9[%swap3A_2021, %swap3A_2022, %swap3A_2023] {strides = array<i32>} : memref<2x16x128xi32, #tpu.memory_space<vmem>>, vector<1x1x16xi32>,
      %swap3A_2025 = vector.shape_cast %swap3A_2024 : vector<1x1x16xi32> to vector<16xi32>
      %swap3A_2026 = vector.shape_cast %add3A_2019 : vector<16xi32> to vector<1x1x16xi32>
      tpu.vector_store %arg9[%swap3A_2021, %swap3A_2022, %swap3A_2023], %swap3A_2026 {strides = array<i32>} : memref<2x16x128xi32, #tpu.memory_space<vmem>>, vector<1x1x16xi32>,
      %get3A_2027 = arith.constant 496 : index
      %get3A_2028 = tpu.vector_load %arg7[%get3A_2027] {strides = array<i32>} : memref<512xi32, #tpu.memory_space<vmem>>, vector<16xi32>,
      %get3A_2029 = vector.shape_cast %get3A_2028 : vector<16xi32> to vector<16xi32>
      %sub3A_2030 = arith.subi %broadcast_in_dim3A_1406, %get3A_2029 : vector<16xi32>
      %max3A_2031 = arith.constant -2047 : i32
      %max3A_2032 = vector.broadcast %max3A_2031 : i32 to vector<16xi32>
      %max3A_2033 = arith.maxsi %sub3A_2030, %max3A_2032 : vector<16xi32>
      %min3A_2034 = arith.constant 2047 : i32
      %min3A_2035 = vector.broadcast %min3A_2034 : i32 to vector<16xi32>
      %min3A_2036 = arith.minsi %max3A_2033, %min3A_2035 : vector<16xi32>
      %add3A_2037 = arith.constant 2047 : i32
      %add3A_2038 = vector.broadcast %add3A_2037 : i32 to vector<16xi32>
      %add3A_2039 = arith.addi %min3A_2036, %add3A_2038 : vector<16xi32>
      %swap3A_2040 = arith.constant 11 : i32
      %swap3A_2041 = arith.index_cast %rem3A_99 : i32 to index
      %swap3A_2042 = arith.index_cast %swap3A_2040 : i32 to index
      %swap3A_2043 = arith.constant 112 : index
      %swap3A_2044 = tpu.vector_load %arg9[%swap3A_2041, %swap3A_2042, %swap3A_2043] {strides = array<i32>} : memref<2x16x128xi32, #tpu.memory_space<vmem>>, vector<1x1x16xi32>,
      %swap3A_2045 = vector.shape_cast %swap3A_2044 : vector<1x1x16xi32> to vector<16xi32>
      %swap3A_2046 = vector.shape_cast %add3A_2039 : vector<16xi32> to vector<1x1x16xi32>
      tpu.vector_store %arg9[%swap3A_2041, %swap3A_2042, %swap3A_2043], %swap3A_2046 {strides = array<i32>} : memref<2x16x128xi32, #tpu.memory_space<vmem>>, vector<1x1x16xi32>,
      %mul3A_2047 = arith.constant 4 : i32
      %mul3A_2048 = arith.muli %scan3A_97, %mul3A_2047 : i32
      %add3A_2049 = arith.constant 3 : i32
      %add3A_2050 = arith.addi %mul3A_2048, %add3A_2049 : i32
      %get3A_2051 = arith.index_cast %add3A_2050 : i32 to index
      %get3A_2052 = tpu.vector_load %arg6[%get3A_2051] {strides = array<i32>} : memref<272xi32, #tpu.memory_space<vmem>>, vector<16xi32>,
      %get3A_2053 = vector.shape_cast %get3A_2052 : vector<16xi32> to vector<16xi32>
      %slice3A_2054 = vector.extract_strided_slice %get3A_2053 {offsets = [0], sizes = [1], strides = [1]} : vector<16xi32> to vector<1xi32>
      %squeeze3A_2055 = vector.extract %slice3A_2054[0] : i32 from vector<1xi32>
      %broadcast_in_dim3A_2056 = vector.broadcast %squeeze3A_2055 : i32 to vector<16xi32>
      %get3A_2057 = arith.constant 0 : index
      %get3A_2058 = tpu.vector_load %arg7[%get3A_2057] {strides = array<i32>} : memref<512xi32, #tpu.memory_space<vmem>>, vector<16xi32>,
      %get3A_2059 = vector.shape_cast %get3A_2058 : vector<16xi32> to vector<16xi32>
      %sub3A_2060 = arith.subi %broadcast_in_dim3A_2056, %get3A_2059 : vector<16xi32>
      %max3A_2061 = arith.constant -2047 : i32
      %max3A_2062 = vector.broadcast %max3A_2061 : i32 to vector<16xi32>
      %max3A_2063 = arith.maxsi %sub3A_2060, %max3A_2062 : vector<16xi32>
      %min3A_2064 = arith.constant 2047 : i32
      %min3A_2065 = vector.broadcast %min3A_2064 : i32 to vector<16xi32>
      %min3A_2066 = arith.minsi %max3A_2063, %min3A_2065 : vector<16xi32>
      %add3A_2067 = arith.constant 2047 : i32
      %add3A_2068 = vector.broadcast %add3A_2067 : i32 to vector<16xi32>
      %add3A_2069 = arith.addi %min3A_2066, %add3A_2068 : vector<16xi32>
      %swap3A_2070 = arith.constant 12 : i32
      %swap3A_2071 = arith.index_cast %rem3A_99 : i32 to index
      %swap3A_2072 = arith.index_cast %swap3A_2070 : i32 to index
      %swap3A_2073 = arith.constant 0 : index
      %swap3A_2074 = tpu.vector_load %arg9[%swap3A_2071, %swap3A_2072, %swap3A_2073] {strides = array<i32>} : memref<2x16x128xi32, #tpu.memory_space<vmem>>, vector<1x1x16xi32>,
      %swap3A_2075 = vector.shape_cast %swap3A_2074 : vector<1x1x16xi32> to vector<16xi32>
      %swap3A_2076 = vector.shape_cast %add3A_2069 : vector<16xi32> to vector<1x1x16xi32>
      tpu.vector_store %arg9[%swap3A_2071, %swap3A_2072, %swap3A_2073], %swap3A_2076 {strides = array<i32>} : memref<2x16x128xi32, #tpu.memory_space<vmem>>, vector<1x1x16xi32>,
      %get3A_2077 = arith.constant 16 : index
      %get3A_2078 = tpu.vector_load %arg7[%get3A_2077] {strides = array<i32>} : memref<512xi32, #tpu.memory_space<vmem>>, vector<16xi32>,
      %get3A_2079 = vector.shape_cast %get3A_2078 : vector<16xi32> to vector<16xi32>
      %sub3A_2080 = arith.subi %broadcast_in_dim3A_2056, %get3A_2079 : vector<16xi32>
      %max3A_2081 = arith.constant -2047 : i32
      %max3A_2082 = vector.broadcast %max3A_2081 : i32 to vector<16xi32>
      %max3A_2083 = arith.maxsi %sub3A_2080, %max3A_2082 : vector<16xi32>
      %min3A_2084 = arith.constant 2047 : i32
      %min3A_2085 = vector.broadcast %min3A_2084 : i32 to vector<16xi32>
      %min3A_2086 = arith.minsi %max3A_2083, %min3A_2085 : vector<16xi32>
      %add3A_2087 = arith.constant 2047 : i32
      %add3A_2088 = vector.broadcast %add3A_2087 : i32 to vector<16xi32>
      %add3A_2089 = arith.addi %min3A_2086, %add3A_2088 : vector<16xi32>
      %swap3A_2090 = arith.constant 12 : i32
      %swap3A_2091 = arith.index_cast %rem3A_99 : i32 to index
      %swap3A_2092 = arith.index_cast %swap3A_2090 : i32 to index
      %swap3A_2093 = arith.constant 16 : index
      %swap3A_2094 = tpu.vector_load %arg9[%swap3A_2091, %swap3A_2092, %swap3A_2093] {strides = array<i32>} : memref<2x16x128xi32, #tpu.memory_space<vmem>>, vector<1x1x16xi32>,
      %swap3A_2095 = vector.shape_cast %swap3A_2094 : vector<1x1x16xi32> to vector<16xi32>
      %swap3A_2096 = vector.shape_cast %add3A_2089 : vector<16xi32> to vector<1x1x16xi32>
      tpu.vector_store %arg9[%swap3A_2091, %swap3A_2092, %swap3A_2093], %swap3A_2096 {strides = array<i32>} : memref<2x16x128xi32, #tpu.memory_space<vmem>>, vector<1x1x16xi32>,
      %get3A_2097 = arith.constant 32 : index
      %get3A_2098 = tpu.vector_load %arg7[%get3A_2097] {strides = array<i32>} : memref<512xi32, #tpu.memory_space<vmem>>, vector<16xi32>,
      %get3A_2099 = vector.shape_cast %get3A_2098 : vector<16xi32> to vector<16xi32>
      %sub3A_2100 = arith.subi %broadcast_in_dim3A_2056, %get3A_2099 : vector<16xi32>
      %max3A_2101 = arith.constant -2047 : i32
      %max3A_2102 = vector.broadcast %max3A_2101 : i32 to vector<16xi32>
      %max3A_2103 = arith.maxsi %sub3A_2100, %max3A_2102 : vector<16xi32>
      %min3A_2104 = arith.constant 2047 : i32
      %min3A_2105 = vector.broadcast %min3A_2104 : i32 to vector<16xi32>
      %min3A_2106 = arith.minsi %max3A_2103, %min3A_2105 : vector<16xi32>
      %add3A_2107 = arith.constant 2047 : i32
      %add3A_2108 = vector.broadcast %add3A_2107 : i32 to vector<16xi32>
      %add3A_2109 = arith.addi %min3A_2106, %add3A_2108 : vector<16xi32>
      %swap3A_2110 = arith.constant 12 : i32
      %swap3A_2111 = arith.index_cast %rem3A_99 : i32 to index
      %swap3A_2112 = arith.index_cast %swap3A_2110 : i32 to index
      %swap3A_2113 = arith.constant 32 : index
      %swap3A_2114 = tpu.vector_load %arg9[%swap3A_2111, %swap3A_2112, %swap3A_2113] {strides = array<i32>} : memref<2x16x128xi32, #tpu.memory_space<vmem>>, vector<1x1x16xi32>,
      %swap3A_2115 = vector.shape_cast %swap3A_2114 : vector<1x1x16xi32> to vector<16xi32>
      %swap3A_2116 = vector.shape_cast %add3A_2109 : vector<16xi32> to vector<1x1x16xi32>
      tpu.vector_store %arg9[%swap3A_2111, %swap3A_2112, %swap3A_2113], %swap3A_2116 {strides = array<i32>} : memref<2x16x128xi32, #tpu.memory_space<vmem>>, vector<1x1x16xi32>,
      %get3A_2117 = arith.constant 48 : index
      %get3A_2118 = tpu.vector_load %arg7[%get3A_2117] {strides = array<i32>} : memref<512xi32, #tpu.memory_space<vmem>>, vector<16xi32>,
      %get3A_2119 = vector.shape_cast %get3A_2118 : vector<16xi32> to vector<16xi32>
      %sub3A_2120 = arith.subi %broadcast_in_dim3A_2056, %get3A_2119 : vector<16xi32>
      %max3A_2121 = arith.constant -2047 : i32
      %max3A_2122 = vector.broadcast %max3A_2121 : i32 to vector<16xi32>
      %max3A_2123 = arith.maxsi %sub3A_2120, %max3A_2122 : vector<16xi32>
      %min3A_2124 = arith.constant 2047 : i32
      %min3A_2125 = vector.broadcast %min3A_2124 : i32 to vector<16xi32>
      %min3A_2126 = arith.minsi %max3A_2123, %min3A_2125 : vector<16xi32>
      %add3A_2127 = arith.constant 2047 : i32
      %add3A_2128 = vector.broadcast %add3A_2127 : i32 to vector<16xi32>
      %add3A_2129 = arith.addi %min3A_2126, %add3A_2128 : vector<16xi32>
      %swap3A_2130 = arith.constant 12 : i32
      %swap3A_2131 = arith.index_cast %rem3A_99 : i32 to index
      %swap3A_2132 = arith.index_cast %swap3A_2130 : i32 to index
      %swap3A_2133 = arith.constant 48 : index
      %swap3A_2134 = tpu.vector_load %arg9[%swap3A_2131, %swap3A_2132, %swap3A_2133] {strides = array<i32>} : memref<2x16x128xi32, #tpu.memory_space<vmem>>, vector<1x1x16xi32>,
      %swap3A_2135 = vector.shape_cast %swap3A_2134 : vector<1x1x16xi32> to vector<16xi32>
      %swap3A_2136 = vector.shape_cast %add3A_2129 : vector<16xi32> to vector<1x1x16xi32>
      tpu.vector_store %arg9[%swap3A_2131, %swap3A_2132, %swap3A_2133], %swap3A_2136 {strides = array<i32>} : memref<2x16x128xi32, #tpu.memory_space<vmem>>, vector<1x1x16xi32>,
      %get3A_2137 = arith.constant 64 : index
      %get3A_2138 = tpu.vector_load %arg7[%get3A_2137] {strides = array<i32>} : memref<512xi32, #tpu.memory_space<vmem>>, vector<16xi32>,
      %get3A_2139 = vector.shape_cast %get3A_2138 : vector<16xi32> to vector<16xi32>
      %sub3A_2140 = arith.subi %broadcast_in_dim3A_2056, %get3A_2139 : vector<16xi32>
      %max3A_2141 = arith.constant -2047 : i32
      %max3A_2142 = vector.broadcast %max3A_2141 : i32 to vector<16xi32>
      %max3A_2143 = arith.maxsi %sub3A_2140, %max3A_2142 : vector<16xi32>
      %min3A_2144 = arith.constant 2047 : i32
      %min3A_2145 = vector.broadcast %min3A_2144 : i32 to vector<16xi32>
      %min3A_2146 = arith.minsi %max3A_2143, %min3A_2145 : vector<16xi32>
      %add3A_2147 = arith.constant 2047 : i32
      %add3A_2148 = vector.broadcast %add3A_2147 : i32 to vector<16xi32>
      %add3A_2149 = arith.addi %min3A_2146, %add3A_2148 : vector<16xi32>
      %swap3A_2150 = arith.constant 12 : i32
      %swap3A_2151 = arith.index_cast %rem3A_99 : i32 to index
      %swap3A_2152 = arith.index_cast %swap3A_2150 : i32 to index
      %swap3A_2153 = arith.constant 64 : index
      %swap3A_2154 = tpu.vector_load %arg9[%swap3A_2151, %swap3A_2152, %swap3A_2153] {strides = array<i32>} : memref<2x16x128xi32, #tpu.memory_space<vmem>>, vector<1x1x16xi32>,
      %swap3A_2155 = vector.shape_cast %swap3A_2154 : vector<1x1x16xi32> to vector<16xi32>
      %swap3A_2156 = vector.shape_cast %add3A_2149 : vector<16xi32> to vector<1x1x16xi32>
      tpu.vector_store %arg9[%swap3A_2151, %swap3A_2152, %swap3A_2153], %swap3A_2156 {strides = array<i32>} : memref<2x16x128xi32, #tpu.memory_space<vmem>>, vector<1x1x16xi32>,
      %get3A_2157 = arith.constant 80 : index
      %get3A_2158 = tpu.vector_load %arg7[%get3A_2157] {strides = array<i32>} : memref<512xi32, #tpu.memory_space<vmem>>, vector<16xi32>,
      %get3A_2159 = vector.shape_cast %get3A_2158 : vector<16xi32> to vector<16xi32>
      %sub3A_2160 = arith.subi %broadcast_in_dim3A_2056, %get3A_2159 : vector<16xi32>
      %max3A_2161 = arith.constant -2047 : i32
      %max3A_2162 = vector.broadcast %max3A_2161 : i32 to vector<16xi32>
      %max3A_2163 = arith.maxsi %sub3A_2160, %max3A_2162 : vector<16xi32>
      %min3A_2164 = arith.constant 2047 : i32
      %min3A_2165 = vector.broadcast %min3A_2164 : i32 to vector<16xi32>
      %min3A_2166 = arith.minsi %max3A_2163, %min3A_2165 : vector<16xi32>
      %add3A_2167 = arith.constant 2047 : i32
      %add3A_2168 = vector.broadcast %add3A_2167 : i32 to vector<16xi32>
      %add3A_2169 = arith.addi %min3A_2166, %add3A_2168 : vector<16xi32>
      %swap3A_2170 = arith.constant 12 : i32
      %swap3A_2171 = arith.index_cast %rem3A_99 : i32 to index
      %swap3A_2172 = arith.index_cast %swap3A_2170 : i32 to index
      %swap3A_2173 = arith.constant 80 : index
      %swap3A_2174 = tpu.vector_load %arg9[%swap3A_2171, %swap3A_2172, %swap3A_2173] {strides = array<i32>} : memref<2x16x128xi32, #tpu.memory_space<vmem>>, vector<1x1x16xi32>,
      %swap3A_2175 = vector.shape_cast %swap3A_2174 : vector<1x1x16xi32> to vector<16xi32>
      %swap3A_2176 = vector.shape_cast %add3A_2169 : vector<16xi32> to vector<1x1x16xi32>
      tpu.vector_store %arg9[%swap3A_2171, %swap3A_2172, %swap3A_2173], %swap3A_2176 {strides = array<i32>} : memref<2x16x128xi32, #tpu.memory_space<vmem>>, vector<1x1x16xi32>,
      %get3A_2177 = arith.constant 96 : index
      %get3A_2178 = tpu.vector_load %arg7[%get3A_2177] {strides = array<i32>} : memref<512xi32, #tpu.memory_space<vmem>>, vector<16xi32>,
      %get3A_2179 = vector.shape_cast %get3A_2178 : vector<16xi32> to vector<16xi32>
      %sub3A_2180 = arith.subi %broadcast_in_dim3A_2056, %get3A_2179 : vector<16xi32>
      %max3A_2181 = arith.constant -2047 : i32
      %max3A_2182 = vector.broadcast %max3A_2181 : i32 to vector<16xi32>
      %max3A_2183 = arith.maxsi %sub3A_2180, %max3A_2182 : vector<16xi32>
      %min3A_2184 = arith.constant 2047 : i32
      %min3A_2185 = vector.broadcast %min3A_2184 : i32 to vector<16xi32>
      %min3A_2186 = arith.minsi %max3A_2183, %min3A_2185 : vector<16xi32>
      %add3A_2187 = arith.constant 2047 : i32
      %add3A_2188 = vector.broadcast %add3A_2187 : i32 to vector<16xi32>
      %add3A_2189 = arith.addi %min3A_2186, %add3A_2188 : vector<16xi32>
      %swap3A_2190 = arith.constant 12 : i32
      %swap3A_2191 = arith.index_cast %rem3A_99 : i32 to index
      %swap3A_2192 = arith.index_cast %swap3A_2190 : i32 to index
      %swap3A_2193 = arith.constant 96 : index
      %swap3A_2194 = tpu.vector_load %arg9[%swap3A_2191, %swap3A_2192, %swap3A_2193] {strides = array<i32>} : memref<2x16x128xi32, #tpu.memory_space<vmem>>, vector<1x1x16xi32>,
      %swap3A_2195 = vector.shape_cast %swap3A_2194 : vector<1x1x16xi32> to vector<16xi32>
      %swap3A_2196 = vector.shape_cast %add3A_2189 : vector<16xi32> to vector<1x1x16xi32>
      tpu.vector_store %arg9[%swap3A_2191, %swap3A_2192, %swap3A_2193], %swap3A_2196 {strides = array<i32>} : memref<2x16x128xi32, #tpu.memory_space<vmem>>, vector<1x1x16xi32>,
      %get3A_2197 = arith.constant 112 : index
      %get3A_2198 = tpu.vector_load %arg7[%get3A_2197] {strides = array<i32>} : memref<512xi32, #tpu.memory_space<vmem>>, vector<16xi32>,
      %get3A_2199 = vector.shape_cast %get3A_2198 : vector<16xi32> to vector<16xi32>
      %sub3A_2200 = arith.subi %broadcast_in_dim3A_2056, %get3A_2199 : vector<16xi32>
      %max3A_2201 = arith.constant -2047 : i32
      %max3A_2202 = vector.broadcast %max3A_2201 : i32 to vector<16xi32>
      %max3A_2203 = arith.maxsi %sub3A_2200, %max3A_2202 : vector<16xi32>
      %min3A_2204 = arith.constant 2047 : i32
      %min3A_2205 = vector.broadcast %min3A_2204 : i32 to vector<16xi32>
      %min3A_2206 = arith.minsi %max3A_2203, %min3A_2205 : vector<16xi32>
      %add3A_2207 = arith.constant 2047 : i32
      %add3A_2208 = vector.broadcast %add3A_2207 : i32 to vector<16xi32>
      %add3A_2209 = arith.addi %min3A_2206, %add3A_2208 : vector<16xi32>
      %swap3A_2210 = arith.constant 12 : i32
      %swap3A_2211 = arith.index_cast %rem3A_99 : i32 to index
      %swap3A_2212 = arith.index_cast %swap3A_2210 : i32 to index
      %swap3A_2213 = arith.constant 112 : index
      %swap3A_2214 = tpu.vector_load %arg9[%swap3A_2211, %swap3A_2212, %swap3A_2213] {strides = array<i32>} : memref<2x16x128xi32, #tpu.memory_space<vmem>>, vector<1x1x16xi32>,
      %swap3A_2215 = vector.shape_cast %swap3A_2214 : vector<1x1x16xi32> to vector<16xi32>
      %swap3A_2216 = vector.shape_cast %add3A_2209 : vector<16xi32> to vector<1x1x16xi32>
      tpu.vector_store %arg9[%swap3A_2211, %swap3A_2212, %swap3A_2213], %swap3A_2216 {strides = array<i32>} : memref<2x16x128xi32, #tpu.memory_space<vmem>>, vector<1x1x16xi32>,
      %get3A_2217 = arith.constant 128 : index
      %get3A_2218 = tpu.vector_load %arg7[%get3A_2217] {strides = array<i32>} : memref<512xi32, #tpu.memory_space<vmem>>, vector<16xi32>,
      %get3A_2219 = vector.shape_cast %get3A_2218 : vector<16xi32> to vector<16xi32>
      %sub3A_2220 = arith.subi %broadcast_in_dim3A_2056, %get3A_2219 : vector<16xi32>
      %max3A_2221 = arith.constant -2047 : i32
      %max3A_2222 = vector.broadcast %max3A_2221 : i32 to vector<16xi32>
      %max3A_2223 = arith.maxsi %sub3A_2220, %max3A_2222 : vector<16xi32>
      %min3A_2224 = arith.constant 2047 : i32
      %min3A_2225 = vector.broadcast %min3A_2224 : i32 to vector<16xi32>
      %min3A_2226 = arith.minsi %max3A_2223, %min3A_2225 : vector<16xi32>
      %add3A_2227 = arith.constant 2047 : i32
      %add3A_2228 = vector.broadcast %add3A_2227 : i32 to vector<16xi32>
      %add3A_2229 = arith.addi %min3A_2226, %add3A_2228 : vector<16xi32>
      %swap3A_2230 = arith.constant 13 : i32
      %swap3A_2231 = arith.index_cast %rem3A_99 : i32 to index
      %swap3A_2232 = arith.index_cast %swap3A_2230 : i32 to index
      %swap3A_2233 = arith.constant 0 : index
      %swap3A_2234 = tpu.vector_load %arg9[%swap3A_2231, %swap3A_2232, %swap3A_2233] {strides = array<i32>} : memref<2x16x128xi32, #tpu.memory_space<vmem>>, vector<1x1x16xi32>,
      %swap3A_2235 = vector.shape_cast %swap3A_2234 : vector<1x1x16xi32> to vector<16xi32>
      %swap3A_2236 = vector.shape_cast %add3A_2229 : vector<16xi32> to vector<1x1x16xi32>
      tpu.vector_store %arg9[%swap3A_2231, %swap3A_2232, %swap3A_2233], %swap3A_2236 {strides = array<i32>} : memref<2x16x128xi32, #tpu.memory_space<vmem>>, vector<1x1x16xi32>,
      %get3A_2237 = arith.constant 144 : index
      %get3A_2238 = tpu.vector_load %arg7[%get3A_2237] {strides = array<i32>} : memref<512xi32, #tpu.memory_space<vmem>>, vector<16xi32>,
      %get3A_2239 = vector.shape_cast %get3A_2238 : vector<16xi32> to vector<16xi32>
      %sub3A_2240 = arith.subi %broadcast_in_dim3A_2056, %get3A_2239 : vector<16xi32>
      %max3A_2241 = arith.constant -2047 : i32
      %max3A_2242 = vector.broadcast %max3A_2241 : i32 to vector<16xi32>
      %max3A_2243 = arith.maxsi %sub3A_2240, %max3A_2242 : vector<16xi32>
      %min3A_2244 = arith.constant 2047 : i32
      %min3A_2245 = vector.broadcast %min3A_2244 : i32 to vector<16xi32>
      %min3A_2246 = arith.minsi %max3A_2243, %min3A_2245 : vector<16xi32>
      %add3A_2247 = arith.constant 2047 : i32
      %add3A_2248 = vector.broadcast %add3A_2247 : i32 to vector<16xi32>
      %add3A_2249 = arith.addi %min3A_2246, %add3A_2248 : vector<16xi32>
      %swap3A_2250 = arith.constant 13 : i32
      %swap3A_2251 = arith.index_cast %rem3A_99 : i32 to index
      %swap3A_2252 = arith.index_cast %swap3A_2250 : i32 to index
      %swap3A_2253 = arith.constant 16 : index
      %swap3A_2254 = tpu.vector_load %arg9[%swap3A_2251, %swap3A_2252, %swap3A_2253] {strides = array<i32>} : memref<2x16x128xi32, #tpu.memory_space<vmem>>, vector<1x1x16xi32>,
      %swap3A_2255 = vector.shape_cast %swap3A_2254 : vector<1x1x16xi32> to vector<16xi32>
      %swap3A_2256 = vector.shape_cast %add3A_2249 : vector<16xi32> to vector<1x1x16xi32>
      tpu.vector_store %arg9[%swap3A_2251, %swap3A_2252, %swap3A_2253], %swap3A_2256 {strides = array<i32>} : memref<2x16x128xi32, #tpu.memory_space<vmem>>, vector<1x1x16xi32>,
      %get3A_2257 = arith.constant 160 : index
      %get3A_2258 = tpu.vector_load %arg7[%get3A_2257] {strides = array<i32>} : memref<512xi32, #tpu.memory_space<vmem>>, vector<16xi32>,
      %get3A_2259 = vector.shape_cast %get3A_2258 : vector<16xi32> to vector<16xi32>
      %sub3A_2260 = arith.subi %broadcast_in_dim3A_2056, %get3A_2259 : vector<16xi32>
      %max3A_2261 = arith.constant -2047 : i32
      %max3A_2262 = vector.broadcast %max3A_2261 : i32 to vector<16xi32>
      %max3A_2263 = arith.maxsi %sub3A_2260, %max3A_2262 : vector<16xi32>
      %min3A_2264 = arith.constant 2047 : i32
      %min3A_2265 = vector.broadcast %min3A_2264 : i32 to vector<16xi32>
      %min3A_2266 = arith.minsi %max3A_2263, %min3A_2265 : vector<16xi32>
      %add3A_2267 = arith.constant 2047 : i32
      %add3A_2268 = vector.broadcast %add3A_2267 : i32 to vector<16xi32>
      %add3A_2269 = arith.addi %min3A_2266, %add3A_2268 : vector<16xi32>
      %swap3A_2270 = arith.constant 13 : i32
      %swap3A_2271 = arith.index_cast %rem3A_99 : i32 to index
      %swap3A_2272 = arith.index_cast %swap3A_2270 : i32 to index
      %swap3A_2273 = arith.constant 32 : index
      %swap3A_2274 = tpu.vector_load %arg9[%swap3A_2271, %swap3A_2272, %swap3A_2273] {strides = array<i32>} : memref<2x16x128xi32, #tpu.memory_space<vmem>>, vector<1x1x16xi32>,
      %swap3A_2275 = vector.shape_cast %swap3A_2274 : vector<1x1x16xi32> to vector<16xi32>
      %swap3A_2276 = vector.shape_cast %add3A_2269 : vector<16xi32> to vector<1x1x16xi32>
      tpu.vector_store %arg9[%swap3A_2271, %swap3A_2272, %swap3A_2273], %swap3A_2276 {strides = array<i32>} : memref<2x16x128xi32, #tpu.memory_space<vmem>>, vector<1x1x16xi32>,
      %get3A_2277 = arith.constant 176 : index
      %get3A_2278 = tpu.vector_load %arg7[%get3A_2277] {strides = array<i32>} : memref<512xi32, #tpu.memory_space<vmem>>, vector<16xi32>,
      %get3A_2279 = vector.shape_cast %get3A_2278 : vector<16xi32> to vector<16xi32>
      %sub3A_2280 = arith.subi %broadcast_in_dim3A_2056, %get3A_2279 : vector<16xi32>
      %max3A_2281 = arith.constant -2047 : i32
      %max3A_2282 = vector.broadcast %max3A_2281 : i32 to vector<16xi32>
      %max3A_2283 = arith.maxsi %sub3A_2280, %max3A_2282 : vector<16xi32>
      %min3A_2284 = arith.constant 2047 : i32
      %min3A_2285 = vector.broadcast %min3A_2284 : i32 to vector<16xi32>
      %min3A_2286 = arith.minsi %max3A_2283, %min3A_2285 : vector<16xi32>
      %add3A_2287 = arith.constant 2047 : i32
      %add3A_2288 = vector.broadcast %add3A_2287 : i32 to vector<16xi32>
      %add3A_2289 = arith.addi %min3A_2286, %add3A_2288 : vector<16xi32>
      %swap3A_2290 = arith.constant 13 : i32
      %swap3A_2291 = arith.index_cast %rem3A_99 : i32 to index
      %swap3A_2292 = arith.index_cast %swap3A_2290 : i32 to index
      %swap3A_2293 = arith.constant 48 : index
      %swap3A_2294 = tpu.vector_load %arg9[%swap3A_2291, %swap3A_2292, %swap3A_2293] {strides = array<i32>} : memref<2x16x128xi32, #tpu.memory_space<vmem>>, vector<1x1x16xi32>,
      %swap3A_2295 = vector.shape_cast %swap3A_2294 : vector<1x1x16xi32> to vector<16xi32>
      %swap3A_2296 = vector.shape_cast %add3A_2289 : vector<16xi32> to vector<1x1x16xi32>
      tpu.vector_store %arg9[%swap3A_2291, %swap3A_2292, %swap3A_2293], %swap3A_2296 {strides = array<i32>} : memref<2x16x128xi32, #tpu.memory_space<vmem>>, vector<1x1x16xi32>,
      %get3A_2297 = arith.constant 192 : index
      %get3A_2298 = tpu.vector_load %arg7[%get3A_2297] {strides = array<i32>} : memref<512xi32, #tpu.memory_space<vmem>>, vector<16xi32>,
      %get3A_2299 = vector.shape_cast %get3A_2298 : vector<16xi32> to vector<16xi32>
      %sub3A_2300 = arith.subi %broadcast_in_dim3A_2056, %get3A_2299 : vector<16xi32>
      %max3A_2301 = arith.constant -2047 : i32
      %max3A_2302 = vector.broadcast %max3A_2301 : i32 to vector<16xi32>
      %max3A_2303 = arith.maxsi %sub3A_2300, %max3A_2302 : vector<16xi32>
      %min3A_2304 = arith.constant 2047 : i32
      %min3A_2305 = vector.broadcast %min3A_2304 : i32 to vector<16xi32>
      %min3A_2306 = arith.minsi %max3A_2303, %min3A_2305 : vector<16xi32>
      %add3A_2307 = arith.constant 2047 : i32
      %add3A_2308 = vector.broadcast %add3A_2307 : i32 to vector<16xi32>
      %add3A_2309 = arith.addi %min3A_2306, %add3A_2308 : vector<16xi32>
      %swap3A_2310 = arith.constant 13 : i32
      %swap3A_2311 = arith.index_cast %rem3A_99 : i32 to index
      %swap3A_2312 = arith.index_cast %swap3A_2310 : i32 to index
      %swap3A_2313 = arith.constant 64 : index
      %swap3A_2314 = tpu.vector_load %arg9[%swap3A_2311, %swap3A_2312, %swap3A_2313] {strides = array<i32>} : memref<2x16x128xi32, #tpu.memory_space<vmem>>, vector<1x1x16xi32>,
      %swap3A_2315 = vector.shape_cast %swap3A_2314 : vector<1x1x16xi32> to vector<16xi32>
      %swap3A_2316 = vector.shape_cast %add3A_2309 : vector<16xi32> to vector<1x1x16xi32>
      tpu.vector_store %arg9[%swap3A_2311, %swap3A_2312, %swap3A_2313], %swap3A_2316 {strides = array<i32>} : memref<2x16x128xi32, #tpu.memory_space<vmem>>, vector<1x1x16xi32>,
      %get3A_2317 = arith.constant 208 : index
      %get3A_2318 = tpu.vector_load %arg7[%get3A_2317] {strides = array<i32>} : memref<512xi32, #tpu.memory_space<vmem>>, vector<16xi32>,
      %get3A_2319 = vector.shape_cast %get3A_2318 : vector<16xi32> to vector<16xi32>
      %sub3A_2320 = arith.subi %broadcast_in_dim3A_2056, %get3A_2319 : vector<16xi32>
      %max3A_2321 = arith.constant -2047 : i32
      %max3A_2322 = vector.broadcast %max3A_2321 : i32 to vector<16xi32>
      %max3A_2323 = arith.maxsi %sub3A_2320, %max3A_2322 : vector<16xi32>
      %min3A_2324 = arith.constant 2047 : i32
      %min3A_2325 = vector.broadcast %min3A_2324 : i32 to vector<16xi32>
      %min3A_2326 = arith.minsi %max3A_2323, %min3A_2325 : vector<16xi32>
      %add3A_2327 = arith.constant 2047 : i32
      %add3A_2328 = vector.broadcast %add3A_2327 : i32 to vector<16xi32>
      %add3A_2329 = arith.addi %min3A_2326, %add3A_2328 : vector<16xi32>
      %swap3A_2330 = arith.constant 13 : i32
      %swap3A_2331 = arith.index_cast %rem3A_99 : i32 to index
      %swap3A_2332 = arith.index_cast %swap3A_2330 : i32 to index
      %swap3A_2333 = arith.constant 80 : index
      %swap3A_2334 = tpu.vector_load %arg9[%swap3A_2331, %swap3A_2332, %swap3A_2333] {strides = array<i32>} : memref<2x16x128xi32, #tpu.memory_space<vmem>>, vector<1x1x16xi32>,
      %swap3A_2335 = vector.shape_cast %swap3A_2334 : vector<1x1x16xi32> to vector<16xi32>
      %swap3A_2336 = vector.shape_cast %add3A_2329 : vector<16xi32> to vector<1x1x16xi32>
      tpu.vector_store %arg9[%swap3A_2331, %swap3A_2332, %swap3A_2333], %swap3A_2336 {strides = array<i32>} : memref<2x16x128xi32, #tpu.memory_space<vmem>>, vector<1x1x16xi32>,
      %get3A_2337 = arith.constant 224 : index
      %get3A_2338 = tpu.vector_load %arg7[%get3A_2337] {strides = array<i32>} : memref<512xi32, #tpu.memory_space<vmem>>, vector<16xi32>,
      %get3A_2339 = vector.shape_cast %get3A_2338 : vector<16xi32> to vector<16xi32>
      %sub3A_2340 = arith.subi %broadcast_in_dim3A_2056, %get3A_2339 : vector<16xi32>
      %max3A_2341 = arith.constant -2047 : i32
      %max3A_2342 = vector.broadcast %max3A_2341 : i32 to vector<16xi32>
      %max3A_2343 = arith.maxsi %sub3A_2340, %max3A_2342 : vector<16xi32>
      %min3A_2344 = arith.constant 2047 : i32
      %min3A_2345 = vector.broadcast %min3A_2344 : i32 to vector<16xi32>
      %min3A_2346 = arith.minsi %max3A_2343, %min3A_2345 : vector<16xi32>
      %add3A_2347 = arith.constant 2047 : i32
      %add3A_2348 = vector.broadcast %add3A_2347 : i32 to vector<16xi32>
      %add3A_2349 = arith.addi %min3A_2346, %add3A_2348 : vector<16xi32>
      %swap3A_2350 = arith.constant 13 : i32
      %swap3A_2351 = arith.index_cast %rem3A_99 : i32 to index
      %swap3A_2352 = arith.index_cast %swap3A_2350 : i32 to index
      %swap3A_2353 = arith.constant 96 : index
      %swap3A_2354 = tpu.vector_load %arg9[%swap3A_2351, %swap3A_2352, %swap3A_2353] {strides = array<i32>} : memref<2x16x128xi32, #tpu.memory_space<vmem>>, vector<1x1x16xi32>,
      %swap3A_2355 = vector.shape_cast %swap3A_2354 : vector<1x1x16xi32> to vector<16xi32>
      %swap3A_2356 = vector.shape_cast %add3A_2349 : vector<16xi32> to vector<1x1x16xi32>
      tpu.vector_store %arg9[%swap3A_2351, %swap3A_2352, %swap3A_2353], %swap3A_2356 {strides = array<i32>} : memref<2x16x128xi32, #tpu.memory_space<vmem>>, vector<1x1x16xi32>,
      %get3A_2357 = arith.constant 240 : index
      %get3A_2358 = tpu.vector_load %arg7[%get3A_2357] {strides = array<i32>} : memref<512xi32, #tpu.memory_space<vmem>>, vector<16xi32>,
      %get3A_2359 = vector.shape_cast %get3A_2358 : vector<16xi32> to vector<16xi32>
      %sub3A_2360 = arith.subi %broadcast_in_dim3A_2056, %get3A_2359 : vector<16xi32>
      %max3A_2361 = arith.constant -2047 : i32
      %max3A_2362 = vector.broadcast %max3A_2361 : i32 to vector<16xi32>
      %max3A_2363 = arith.maxsi %sub3A_2360, %max3A_2362 : vector<16xi32>
      %min3A_2364 = arith.constant 2047 : i32
      %min3A_2365 = vector.broadcast %min3A_2364 : i32 to vector<16xi32>
      %min3A_2366 = arith.minsi %max3A_2363, %min3A_2365 : vector<16xi32>
      %add3A_2367 = arith.constant 2047 : i32
      %add3A_2368 = vector.broadcast %add3A_2367 : i32 to vector<16xi32>
      %add3A_2369 = arith.addi %min3A_2366, %add3A_2368 : vector<16xi32>
      %swap3A_2370 = arith.constant 13 : i32
      %swap3A_2371 = arith.index_cast %rem3A_99 : i32 to index
      %swap3A_2372 = arith.index_cast %swap3A_2370 : i32 to index
      %swap3A_2373 = arith.constant 112 : index
      %swap3A_2374 = tpu.vector_load %arg9[%swap3A_2371, %swap3A_2372, %swap3A_2373] {strides = array<i32>} : memref<2x16x128xi32, #tpu.memory_space<vmem>>, vector<1x1x16xi32>,
      %swap3A_2375 = vector.shape_cast %swap3A_2374 : vector<1x1x16xi32> to vector<16xi32>
      %swap3A_2376 = vector.shape_cast %add3A_2369 : vector<16xi32> to vector<1x1x16xi32>
      tpu.vector_store %arg9[%swap3A_2371, %swap3A_2372, %swap3A_2373], %swap3A_2376 {strides = array<i32>} : memref<2x16x128xi32, #tpu.memory_space<vmem>>, vector<1x1x16xi32>,
      %get3A_2377 = arith.constant 256 : index
      %get3A_2378 = tpu.vector_load %arg7[%get3A_2377] {strides = array<i32>} : memref<512xi32, #tpu.memory_space<vmem>>, vector<16xi32>,
      %get3A_2379 = vector.shape_cast %get3A_2378 : vector<16xi32> to vector<16xi32>
      %sub3A_2380 = arith.subi %broadcast_in_dim3A_2056, %get3A_2379 : vector<16xi32>
      %max3A_2381 = arith.constant -2047 : i32
      %max3A_2382 = vector.broadcast %max3A_2381 : i32 to vector<16xi32>
      %max3A_2383 = arith.maxsi %sub3A_2380, %max3A_2382 : vector<16xi32>
      %min3A_2384 = arith.constant 2047 : i32
      %min3A_2385 = vector.broadcast %min3A_2384 : i32 to vector<16xi32>
      %min3A_2386 = arith.minsi %max3A_2383, %min3A_2385 : vector<16xi32>
      %add3A_2387 = arith.constant 2047 : i32
      %add3A_2388 = vector.broadcast %add3A_2387 : i32 to vector<16xi32>
      %add3A_2389 = arith.addi %min3A_2386, %add3A_2388 : vector<16xi32>
      %swap3A_2390 = arith.constant 14 : i32
      %swap3A_2391 = arith.index_cast %rem3A_99 : i32 to index
      %swap3A_2392 = arith.index_cast %swap3A_2390 : i32 to index
      %swap3A_2393 = arith.constant 0 : index
      %swap3A_2394 = tpu.vector_load %arg9[%swap3A_2391, %swap3A_2392, %swap3A_2393] {strides = array<i32>} : memref<2x16x128xi32, #tpu.memory_space<vmem>>, vector<1x1x16xi32>,
      %swap3A_2395 = vector.shape_cast %swap3A_2394 : vector<1x1x16xi32> to vector<16xi32>
      %swap3A_2396 = vector.shape_cast %add3A_2389 : vector<16xi32> to vector<1x1x16xi32>
      tpu.vector_store %arg9[%swap3A_2391, %swap3A_2392, %swap3A_2393], %swap3A_2396 {strides = array<i32>} : memref<2x16x128xi32, #tpu.memory_space<vmem>>, vector<1x1x16xi32>,
      %get3A_2397 = arith.constant 272 : index
      %get3A_2398 = tpu.vector_load %arg7[%get3A_2397] {strides = array<i32>} : memref<512xi32, #tpu.memory_space<vmem>>, vector<16xi32>,
      %get3A_2399 = vector.shape_cast %get3A_2398 : vector<16xi32> to vector<16xi32>
      %sub3A_2400 = arith.subi %broadcast_in_dim3A_2056, %get3A_2399 : vector<16xi32>
      %max3A_2401 = arith.constant -2047 : i32
      %max3A_2402 = vector.broadcast %max3A_2401 : i32 to vector<16xi32>
      %max3A_2403 = arith.maxsi %sub3A_2400, %max3A_2402 : vector<16xi32>
      %min3A_2404 = arith.constant 2047 : i32
      %min3A_2405 = vector.broadcast %min3A_2404 : i32 to vector<16xi32>
      %min3A_2406 = arith.minsi %max3A_2403, %min3A_2405 : vector<16xi32>
      %add3A_2407 = arith.constant 2047 : i32
      %add3A_2408 = vector.broadcast %add3A_2407 : i32 to vector<16xi32>
      %add3A_2409 = arith.addi %min3A_2406, %add3A_2408 : vector<16xi32>
      %swap3A_2410 = arith.constant 14 : i32
      %swap3A_2411 = arith.index_cast %rem3A_99 : i32 to index
      %swap3A_2412 = arith.index_cast %swap3A_2410 : i32 to index
      %swap3A_2413 = arith.constant 16 : index
      %swap3A_2414 = tpu.vector_load %arg9[%swap3A_2411, %swap3A_2412, %swap3A_2413] {strides = array<i32>} : memref<2x16x128xi32, #tpu.memory_space<vmem>>, vector<1x1x16xi32>,
      %swap3A_2415 = vector.shape_cast %swap3A_2414 : vector<1x1x16xi32> to vector<16xi32>
      %swap3A_2416 = vector.shape_cast %add3A_2409 : vector<16xi32> to vector<1x1x16xi32>
      tpu.vector_store %arg9[%swap3A_2411, %swap3A_2412, %swap3A_2413], %swap3A_2416 {strides = array<i32>} : memref<2x16x128xi32, #tpu.memory_space<vmem>>, vector<1x1x16xi32>,
      %get3A_2417 = arith.constant 288 : index
      %get3A_2418 = tpu.vector_load %arg7[%get3A_2417] {strides = array<i32>} : memref<512xi32, #tpu.memory_space<vmem>>, vector<16xi32>,
      %get3A_2419 = vector.shape_cast %get3A_2418 : vector<16xi32> to vector<16xi32>
      %sub3A_2420 = arith.subi %broadcast_in_dim3A_2056, %get3A_2419 : vector<16xi32>
      %max3A_2421 = arith.constant -2047 : i32
      %max3A_2422 = vector.broadcast %max3A_2421 : i32 to vector<16xi32>
      %max3A_2423 = arith.maxsi %sub3A_2420, %max3A_2422 : vector<16xi32>
      %min3A_2424 = arith.constant 2047 : i32
      %min3A_2425 = vector.broadcast %min3A_2424 : i32 to vector<16xi32>
      %min3A_2426 = arith.minsi %max3A_2423, %min3A_2425 : vector<16xi32>
      %add3A_2427 = arith.constant 2047 : i32
      %add3A_2428 = vector.broadcast %add3A_2427 : i32 to vector<16xi32>
      %add3A_2429 = arith.addi %min3A_2426, %add3A_2428 : vector<16xi32>
      %swap3A_2430 = arith.constant 14 : i32
      %swap3A_2431 = arith.index_cast %rem3A_99 : i32 to index
      %swap3A_2432 = arith.index_cast %swap3A_2430 : i32 to index
      %swap3A_2433 = arith.constant 32 : index
      %swap3A_2434 = tpu.vector_load %arg9[%swap3A_2431, %swap3A_2432, %swap3A_2433] {strides = array<i32>} : memref<2x16x128xi32, #tpu.memory_space<vmem>>, vector<1x1x16xi32>,
      %swap3A_2435 = vector.shape_cast %swap3A_2434 : vector<1x1x16xi32> to vector<16xi32>
      %swap3A_2436 = vector.shape_cast %add3A_2429 : vector<16xi32> to vector<1x1x16xi32>
      tpu.vector_store %arg9[%swap3A_2431, %swap3A_2432, %swap3A_2433], %swap3A_2436 {strides = array<i32>} : memref<2x16x128xi32, #tpu.memory_space<vmem>>, vector<1x1x16xi32>,
      %get3A_2437 = arith.constant 304 : index
      %get3A_2438 = tpu.vector_load %arg7[%get3A_2437] {strides = array<i32>} : memref<512xi32, #tpu.memory_space<vmem>>, vector<16xi32>,
      %get3A_2439 = vector.shape_cast %get3A_2438 : vector<16xi32> to vector<16xi32>
      %sub3A_2440 = arith.subi %broadcast_in_dim3A_2056, %get3A_2439 : vector<16xi32>
      %max3A_2441 = arith.constant -2047 : i32
      %max3A_2442 = vector.broadcast %max3A_2441 : i32 to vector<16xi32>
      %max3A_2443 = arith.maxsi %sub3A_2440, %max3A_2442 : vector<16xi32>
      %min3A_2444 = arith.constant 2047 : i32
      %min3A_2445 = vector.broadcast %min3A_2444 : i32 to vector<16xi32>
      %min3A_2446 = arith.minsi %max3A_2443, %min3A_2445 : vector<16xi32>
      %add3A_2447 = arith.constant 2047 : i32
      %add3A_2448 = vector.broadcast %add3A_2447 : i32 to vector<16xi32>
      %add3A_2449 = arith.addi %min3A_2446, %add3A_2448 : vector<16xi32>
      %swap3A_2450 = arith.constant 14 : i32
      %swap3A_2451 = arith.index_cast %rem3A_99 : i32 to index
      %swap3A_2452 = arith.index_cast %swap3A_2450 : i32 to index
      %swap3A_2453 = arith.constant 48 : index
      %swap3A_2454 = tpu.vector_load %arg9[%swap3A_2451, %swap3A_2452, %swap3A_2453] {strides = array<i32>} : memref<2x16x128xi32, #tpu.memory_space<vmem>>, vector<1x1x16xi32>,
      %swap3A_2455 = vector.shape_cast %swap3A_2454 : vector<1x1x16xi32> to vector<16xi32>
      %swap3A_2456 = vector.shape_cast %add3A_2449 : vector<16xi32> to vector<1x1x16xi32>
      tpu.vector_store %arg9[%swap3A_2451, %swap3A_2452, %swap3A_2453], %swap3A_2456 {strides = array<i32>} : memref<2x16x128xi32, #tpu.memory_space<vmem>>, vector<1x1x16xi32>,
      %get3A_2457 = arith.constant 320 : index
      %get3A_2458 = tpu.vector_load %arg7[%get3A_2457] {strides = array<i32>} : memref<512xi32, #tpu.memory_space<vmem>>, vector<16xi32>,
      %get3A_2459 = vector.shape_cast %get3A_2458 : vector<16xi32> to vector<16xi32>
      %sub3A_2460 = arith.subi %broadcast_in_dim3A_2056, %get3A_2459 : vector<16xi32>
      %max3A_2461 = arith.constant -2047 : i32
      %max3A_2462 = vector.broadcast %max3A_2461 : i32 to vector<16xi32>
      %max3A_2463 = arith.maxsi %sub3A_2460, %max3A_2462 : vector<16xi32>
      %min3A_2464 = arith.constant 2047 : i32
      %min3A_2465 = vector.broadcast %min3A_2464 : i32 to vector<16xi32>
      %min3A_2466 = arith.minsi %max3A_2463, %min3A_2465 : vector<16xi32>
      %add3A_2467 = arith.constant 2047 : i32
      %add3A_2468 = vector.broadcast %add3A_2467 : i32 to vector<16xi32>
      %add3A_2469 = arith.addi %min3A_2466, %add3A_2468 : vector<16xi32>
      %swap3A_2470 = arith.constant 14 : i32
      %swap3A_2471 = arith.index_cast %rem3A_99 : i32 to index
      %swap3A_2472 = arith.index_cast %swap3A_2470 : i32 to index
      %swap3A_2473 = arith.constant 64 : index
      %swap3A_2474 = tpu.vector_load %arg9[%swap3A_2471, %swap3A_2472, %swap3A_2473] {strides = array<i32>} : memref<2x16x128xi32, #tpu.memory_space<vmem>>, vector<1x1x16xi32>,
      %swap3A_2475 = vector.shape_cast %swap3A_2474 : vector<1x1x16xi32> to vector<16xi32>
      %swap3A_2476 = vector.shape_cast %add3A_2469 : vector<16xi32> to vector<1x1x16xi32>
      tpu.vector_store %arg9[%swap3A_2471, %swap3A_2472, %swap3A_2473], %swap3A_2476 {strides = array<i32>} : memref<2x16x128xi32, #tpu.memory_space<vmem>>, vector<1x1x16xi32>,
      %get3A_2477 = arith.constant 336 : index
      %get3A_2478 = tpu.vector_load %arg7[%get3A_2477] {strides = array<i32>} : memref<512xi32, #tpu.memory_space<vmem>>, vector<16xi32>,
      %get3A_2479 = vector.shape_cast %get3A_2478 : vector<16xi32> to vector<16xi32>
      %sub3A_2480 = arith.subi %broadcast_in_dim3A_2056, %get3A_2479 : vector<16xi32>
      %max3A_2481 = arith.constant -2047 : i32
      %max3A_2482 = vector.broadcast %max3A_2481 : i32 to vector<16xi32>
      %max3A_2483 = arith.maxsi %sub3A_2480, %max3A_2482 : vector<16xi32>
      %min3A_2484 = arith.constant 2047 : i32
      %min3A_2485 = vector.broadcast %min3A_2484 : i32 to vector<16xi32>
      %min3A_2486 = arith.minsi %max3A_2483, %min3A_2485 : vector<16xi32>
      %add3A_2487 = arith.constant 2047 : i32
      %add3A_2488 = vector.broadcast %add3A_2487 : i32 to vector<16xi32>
      %add3A_2489 = arith.addi %min3A_2486, %add3A_2488 : vector<16xi32>
      %swap3A_2490 = arith.constant 14 : i32
      %swap3A_2491 = arith.index_cast %rem3A_99 : i32 to index
      %swap3A_2492 = arith.index_cast %swap3A_2490 : i32 to index
      %swap3A_2493 = arith.constant 80 : index
      %swap3A_2494 = tpu.vector_load %arg9[%swap3A_2491, %swap3A_2492, %swap3A_2493] {strides = array<i32>} : memref<2x16x128xi32, #tpu.memory_space<vmem>>, vector<1x1x16xi32>,
      %swap3A_2495 = vector.shape_cast %swap3A_2494 : vector<1x1x16xi32> to vector<16xi32>
      %swap3A_2496 = vector.shape_cast %add3A_2489 : vector<16xi32> to vector<1x1x16xi32>
      tpu.vector_store %arg9[%swap3A_2491, %swap3A_2492, %swap3A_2493], %swap3A_2496 {strides = array<i32>} : memref<2x16x128xi32, #tpu.memory_space<vmem>>, vector<1x1x16xi32>,
      %get3A_2497 = arith.constant 352 : index
      %get3A_2498 = tpu.vector_load %arg7[%get3A_2497] {strides = array<i32>} : memref<512xi32, #tpu.memory_space<vmem>>, vector<16xi32>,
      %get3A_2499 = vector.shape_cast %get3A_2498 : vector<16xi32> to vector<16xi32>
      %sub3A_2500 = arith.subi %broadcast_in_dim3A_2056, %get3A_2499 : vector<16xi32>
      %max3A_2501 = arith.constant -2047 : i32
      %max3A_2502 = vector.broadcast %max3A_2501 : i32 to vector<16xi32>
      %max3A_2503 = arith.maxsi %sub3A_2500, %max3A_2502 : vector<16xi32>
      %min3A_2504 = arith.constant 2047 : i32
      %min3A_2505 = vector.broadcast %min3A_2504 : i32 to vector<16xi32>
      %min3A_2506 = arith.minsi %max3A_2503, %min3A_2505 : vector<16xi32>
      %add3A_2507 = arith.constant 2047 : i32
      %add3A_2508 = vector.broadcast %add3A_2507 : i32 to vector<16xi32>
      %add3A_2509 = arith.addi %min3A_2506, %add3A_2508 : vector<16xi32>
      %swap3A_2510 = arith.constant 14 : i32
      %swap3A_2511 = arith.index_cast %rem3A_99 : i32 to index
      %swap3A_2512 = arith.index_cast %swap3A_2510 : i32 to index
      %swap3A_2513 = arith.constant 96 : index
      %swap3A_2514 = tpu.vector_load %arg9[%swap3A_2511, %swap3A_2512, %swap3A_2513] {strides = array<i32>} : memref<2x16x128xi32, #tpu.memory_space<vmem>>, vector<1x1x16xi32>,
      %swap3A_2515 = vector.shape_cast %swap3A_2514 : vector<1x1x16xi32> to vector<16xi32>
      %swap3A_2516 = vector.shape_cast %add3A_2509 : vector<16xi32> to vector<1x1x16xi32>
      tpu.vector_store %arg9[%swap3A_2511, %swap3A_2512, %swap3A_2513], %swap3A_2516 {strides = array<i32>} : memref<2x16x128xi32, #tpu.memory_space<vmem>>, vector<1x1x16xi32>,
      %get3A_2517 = arith.constant 368 : index
      %get3A_2518 = tpu.vector_load %arg7[%get3A_2517] {strides = array<i32>} : memref<512xi32, #tpu.memory_space<vmem>>, vector<16xi32>,
      %get3A_2519 = vector.shape_cast %get3A_2518 : vector<16xi32> to vector<16xi32>
      %sub3A_2520 = arith.subi %broadcast_in_dim3A_2056, %get3A_2519 : vector<16xi32>
      %max3A_2521 = arith.constant -2047 : i32
      %max3A_2522 = vector.broadcast %max3A_2521 : i32 to vector<16xi32>
      %max3A_2523 = arith.maxsi %sub3A_2520, %max3A_2522 : vector<16xi32>
      %min3A_2524 = arith.constant 2047 : i32
      %min3A_2525 = vector.broadcast %min3A_2524 : i32 to vector<16xi32>
      %min3A_2526 = arith.minsi %max3A_2523, %min3A_2525 : vector<16xi32>
      %add3A_2527 = arith.constant 2047 : i32
      %add3A_2528 = vector.broadcast %add3A_2527 : i32 to vector<16xi32>
      %add3A_2529 = arith.addi %min3A_2526, %add3A_2528 : vector<16xi32>
      %swap3A_2530 = arith.constant 14 : i32
      %swap3A_2531 = arith.index_cast %rem3A_99 : i32 to index
      %swap3A_2532 = arith.index_cast %swap3A_2530 : i32 to index
      %swap3A_2533 = arith.constant 112 : index
      %swap3A_2534 = tpu.vector_load %arg9[%swap3A_2531, %swap3A_2532, %swap3A_2533] {strides = array<i32>} : memref<2x16x128xi32, #tpu.memory_space<vmem>>, vector<1x1x16xi32>,
      %swap3A_2535 = vector.shape_cast %swap3A_2534 : vector<1x1x16xi32> to vector<16xi32>
      %swap3A_2536 = vector.shape_cast %add3A_2529 : vector<16xi32> to vector<1x1x16xi32>
      tpu.vector_store %arg9[%swap3A_2531, %swap3A_2532, %swap3A_2533], %swap3A_2536 {strides = array<i32>} : memref<2x16x128xi32, #tpu.memory_space<vmem>>, vector<1x1x16xi32>,
      %get3A_2537 = arith.constant 384 : index
      %get3A_2538 = tpu.vector_load %arg7[%get3A_2537] {strides = array<i32>} : memref<512xi32, #tpu.memory_space<vmem>>, vector<16xi32>,
      %get3A_2539 = vector.shape_cast %get3A_2538 : vector<16xi32> to vector<16xi32>
      %sub3A_2540 = arith.subi %broadcast_in_dim3A_2056, %get3A_2539 : vector<16xi32>
      %max3A_2541 = arith.constant -2047 : i32
      %max3A_2542 = vector.broadcast %max3A_2541 : i32 to vector<16xi32>
      %max3A_2543 = arith.maxsi %sub3A_2540, %max3A_2542 : vector<16xi32>
      %min3A_2544 = arith.constant 2047 : i32
      %min3A_2545 = vector.broadcast %min3A_2544 : i32 to vector<16xi32>
      %min3A_2546 = arith.minsi %max3A_2543, %min3A_2545 : vector<16xi32>
      %add3A_2547 = arith.constant 2047 : i32
      %add3A_2548 = vector.broadcast %add3A_2547 : i32 to vector<16xi32>
      %add3A_2549 = arith.addi %min3A_2546, %add3A_2548 : vector<16xi32>
      %swap3A_2550 = arith.constant 15 : i32
      %swap3A_2551 = arith.index_cast %rem3A_99 : i32 to index
      %swap3A_2552 = arith.index_cast %swap3A_2550 : i32 to index
      %swap3A_2553 = arith.constant 0 : index
      %swap3A_2554 = tpu.vector_load %arg9[%swap3A_2551, %swap3A_2552, %swap3A_2553] {strides = array<i32>} : memref<2x16x128xi32, #tpu.memory_space<vmem>>, vector<1x1x16xi32>,
      %swap3A_2555 = vector.shape_cast %swap3A_2554 : vector<1x1x16xi32> to vector<16xi32>
      %swap3A_2556 = vector.shape_cast %add3A_2549 : vector<16xi32> to vector<1x1x16xi32>
      tpu.vector_store %arg9[%swap3A_2551, %swap3A_2552, %swap3A_2553], %swap3A_2556 {strides = array<i32>} : memref<2x16x128xi32, #tpu.memory_space<vmem>>, vector<1x1x16xi32>,
      %get3A_2557 = arith.constant 400 : index
      %get3A_2558 = tpu.vector_load %arg7[%get3A_2557] {strides = array<i32>} : memref<512xi32, #tpu.memory_space<vmem>>, vector<16xi32>,
      %get3A_2559 = vector.shape_cast %get3A_2558 : vector<16xi32> to vector<16xi32>
      %sub3A_2560 = arith.subi %broadcast_in_dim3A_2056, %get3A_2559 : vector<16xi32>
      %max3A_2561 = arith.constant -2047 : i32
      %max3A_2562 = vector.broadcast %max3A_2561 : i32 to vector<16xi32>
      %max3A_2563 = arith.maxsi %sub3A_2560, %max3A_2562 : vector<16xi32>
      %min3A_2564 = arith.constant 2047 : i32
      %min3A_2565 = vector.broadcast %min3A_2564 : i32 to vector<16xi32>
      %min3A_2566 = arith.minsi %max3A_2563, %min3A_2565 : vector<16xi32>
      %add3A_2567 = arith.constant 2047 : i32
      %add3A_2568 = vector.broadcast %add3A_2567 : i32 to vector<16xi32>
      %add3A_2569 = arith.addi %min3A_2566, %add3A_2568 : vector<16xi32>
      %swap3A_2570 = arith.constant 15 : i32
      %swap3A_2571 = arith.index_cast %rem3A_99 : i32 to index
      %swap3A_2572 = arith.index_cast %swap3A_2570 : i32 to index
      %swap3A_2573 = arith.constant 16 : index
      %swap3A_2574 = tpu.vector_load %arg9[%swap3A_2571, %swap3A_2572, %swap3A_2573] {strides = array<i32>} : memref<2x16x128xi32, #tpu.memory_space<vmem>>, vector<1x1x16xi32>,
      %swap3A_2575 = vector.shape_cast %swap3A_2574 : vector<1x1x16xi32> to vector<16xi32>
      %swap3A_2576 = vector.shape_cast %add3A_2569 : vector<16xi32> to vector<1x1x16xi32>
      tpu.vector_store %arg9[%swap3A_2571, %swap3A_2572, %swap3A_2573], %swap3A_2576 {strides = array<i32>} : memref<2x16x128xi32, #tpu.memory_space<vmem>>, vector<1x1x16xi32>,
      %get3A_2577 = arith.constant 416 : index
      %get3A_2578 = tpu.vector_load %arg7[%get3A_2577] {strides = array<i32>} : memref<512xi32, #tpu.memory_space<vmem>>, vector<16xi32>,
      %get3A_2579 = vector.shape_cast %get3A_2578 : vector<16xi32> to vector<16xi32>
      %sub3A_2580 = arith.subi %broadcast_in_dim3A_2056, %get3A_2579 : vector<16xi32>
      %max3A_2581 = arith.constant -2047 : i32
      %max3A_2582 = vector.broadcast %max3A_2581 : i32 to vector<16xi32>
      %max3A_2583 = arith.maxsi %sub3A_2580, %max3A_2582 : vector<16xi32>
      %min3A_2584 = arith.constant 2047 : i32
      %min3A_2585 = vector.broadcast %min3A_2584 : i32 to vector<16xi32>
      %min3A_2586 = arith.minsi %max3A_2583, %min3A_2585 : vector<16xi32>
      %add3A_2587 = arith.constant 2047 : i32
      %add3A_2588 = vector.broadcast %add3A_2587 : i32 to vector<16xi32>
      %add3A_2589 = arith.addi %min3A_2586, %add3A_2588 : vector<16xi32>
      %swap3A_2590 = arith.constant 15 : i32
      %swap3A_2591 = arith.index_cast %rem3A_99 : i32 to index
      %swap3A_2592 = arith.index_cast %swap3A_2590 : i32 to index
      %swap3A_2593 = arith.constant 32 : index
      %swap3A_2594 = tpu.vector_load %arg9[%swap3A_2591, %swap3A_2592, %swap3A_2593] {strides = array<i32>} : memref<2x16x128xi32, #tpu.memory_space<vmem>>, vector<1x1x16xi32>,
      %swap3A_2595 = vector.shape_cast %swap3A_2594 : vector<1x1x16xi32> to vector<16xi32>
      %swap3A_2596 = vector.shape_cast %add3A_2589 : vector<16xi32> to vector<1x1x16xi32>
      tpu.vector_store %arg9[%swap3A_2591, %swap3A_2592, %swap3A_2593], %swap3A_2596 {strides = array<i32>} : memref<2x16x128xi32, #tpu.memory_space<vmem>>, vector<1x1x16xi32>,
      %get3A_2597 = arith.constant 432 : index
      %get3A_2598 = tpu.vector_load %arg7[%get3A_2597] {strides = array<i32>} : memref<512xi32, #tpu.memory_space<vmem>>, vector<16xi32>,
      %get3A_2599 = vector.shape_cast %get3A_2598 : vector<16xi32> to vector<16xi32>
      %sub3A_2600 = arith.subi %broadcast_in_dim3A_2056, %get3A_2599 : vector<16xi32>
      %max3A_2601 = arith.constant -2047 : i32
      %max3A_2602 = vector.broadcast %max3A_2601 : i32 to vector<16xi32>
      %max3A_2603 = arith.maxsi %sub3A_2600, %max3A_2602 : vector<16xi32>
      %min3A_2604 = arith.constant 2047 : i32
      %min3A_2605 = vector.broadcast %min3A_2604 : i32 to vector<16xi32>
      %min3A_2606 = arith.minsi %max3A_2603, %min3A_2605 : vector<16xi32>
      %add3A_2607 = arith.constant 2047 : i32
      %add3A_2608 = vector.broadcast %add3A_2607 : i32 to vector<16xi32>
      %add3A_2609 = arith.addi %min3A_2606, %add3A_2608 : vector<16xi32>
      %swap3A_2610 = arith.constant 15 : i32
      %swap3A_2611 = arith.index_cast %rem3A_99 : i32 to index
      %swap3A_2612 = arith.index_cast %swap3A_2610 : i32 to index
      %swap3A_2613 = arith.constant 48 : index
      %swap3A_2614 = tpu.vector_load %arg9[%swap3A_2611, %swap3A_2612, %swap3A_2613] {strides = array<i32>} : memref<2x16x128xi32, #tpu.memory_space<vmem>>, vector<1x1x16xi32>,
      %swap3A_2615 = vector.shape_cast %swap3A_2614 : vector<1x1x16xi32> to vector<16xi32>
      %swap3A_2616 = vector.shape_cast %add3A_2609 : vector<16xi32> to vector<1x1x16xi32>
      tpu.vector_store %arg9[%swap3A_2611, %swap3A_2612, %swap3A_2613], %swap3A_2616 {strides = array<i32>} : memref<2x16x128xi32, #tpu.memory_space<vmem>>, vector<1x1x16xi32>,
      %get3A_2617 = arith.constant 448 : index
      %get3A_2618 = tpu.vector_load %arg7[%get3A_2617] {strides = array<i32>} : memref<512xi32, #tpu.memory_space<vmem>>, vector<16xi32>,
      %get3A_2619 = vector.shape_cast %get3A_2618 : vector<16xi32> to vector<16xi32>
      %sub3A_2620 = arith.subi %broadcast_in_dim3A_2056, %get3A_2619 : vector<16xi32>
      %max3A_2621 = arith.constant -2047 : i32
      %max3A_2622 = vector.broadcast %max3A_2621 : i32 to vector<16xi32>
      %max3A_2623 = arith.maxsi %sub3A_2620, %max3A_2622 : vector<16xi32>
      %min3A_2624 = arith.constant 2047 : i32
      %min3A_2625 = vector.broadcast %min3A_2624 : i32 to vector<16xi32>
      %min3A_2626 = arith.minsi %max3A_2623, %min3A_2625 : vector<16xi32>
      %add3A_2627 = arith.constant 2047 : i32
      %add3A_2628 = vector.broadcast %add3A_2627 : i32 to vector<16xi32>
      %add3A_2629 = arith.addi %min3A_2626, %add3A_2628 : vector<16xi32>
      %swap3A_2630 = arith.constant 15 : i32
      %swap3A_2631 = arith.index_cast %rem3A_99 : i32 to index
      %swap3A_2632 = arith.index_cast %swap3A_2630 : i32 to index
      %swap3A_2633 = arith.constant 64 : index
      %swap3A_2634 = tpu.vector_load %arg9[%swap3A_2631, %swap3A_2632, %swap3A_2633] {strides = array<i32>} : memref<2x16x128xi32, #tpu.memory_space<vmem>>, vector<1x1x16xi32>,
      %swap3A_2635 = vector.shape_cast %swap3A_2634 : vector<1x1x16xi32> to vector<16xi32>
      %swap3A_2636 = vector.shape_cast %add3A_2629 : vector<16xi32> to vector<1x1x16xi32>
      tpu.vector_store %arg9[%swap3A_2631, %swap3A_2632, %swap3A_2633], %swap3A_2636 {strides = array<i32>} : memref<2x16x128xi32, #tpu.memory_space<vmem>>, vector<1x1x16xi32>,
      %get3A_2637 = arith.constant 464 : index
      %get3A_2638 = tpu.vector_load %arg7[%get3A_2637] {strides = array<i32>} : memref<512xi32, #tpu.memory_space<vmem>>, vector<16xi32>,
      %get3A_2639 = vector.shape_cast %get3A_2638 : vector<16xi32> to vector<16xi32>
      %sub3A_2640 = arith.subi %broadcast_in_dim3A_2056, %get3A_2639 : vector<16xi32>
      %max3A_2641 = arith.constant -2047 : i32
      %max3A_2642 = vector.broadcast %max3A_2641 : i32 to vector<16xi32>
      %max3A_2643 = arith.maxsi %sub3A_2640, %max3A_2642 : vector<16xi32>
      %min3A_2644 = arith.constant 2047 : i32
      %min3A_2645 = vector.broadcast %min3A_2644 : i32 to vector<16xi32>
      %min3A_2646 = arith.minsi %max3A_2643, %min3A_2645 : vector<16xi32>
      %add3A_2647 = arith.constant 2047 : i32
      %add3A_2648 = vector.broadcast %add3A_2647 : i32 to vector<16xi32>
      %add3A_2649 = arith.addi %min3A_2646, %add3A_2648 : vector<16xi32>
      %swap3A_2650 = arith.constant 15 : i32
      %swap3A_2651 = arith.index_cast %rem3A_99 : i32 to index
      %swap3A_2652 = arith.index_cast %swap3A_2650 : i32 to index
      %swap3A_2653 = arith.constant 80 : index
      %swap3A_2654 = tpu.vector_load %arg9[%swap3A_2651, %swap3A_2652, %swap3A_2653] {strides = array<i32>} : memref<2x16x128xi32, #tpu.memory_space<vmem>>, vector<1x1x16xi32>,
      %swap3A_2655 = vector.shape_cast %swap3A_2654 : vector<1x1x16xi32> to vector<16xi32>
      %swap3A_2656 = vector.shape_cast %add3A_2649 : vector<16xi32> to vector<1x1x16xi32>
      tpu.vector_store %arg9[%swap3A_2651, %swap3A_2652, %swap3A_2653], %swap3A_2656 {strides = array<i32>} : memref<2x16x128xi32, #tpu.memory_space<vmem>>, vector<1x1x16xi32>,
      %get3A_2657 = arith.constant 480 : index
      %get3A_2658 = tpu.vector_load %arg7[%get3A_2657] {strides = array<i32>} : memref<512xi32, #tpu.memory_space<vmem>>, vector<16xi32>,
      %get3A_2659 = vector.shape_cast %get3A_2658 : vector<16xi32> to vector<16xi32>
      %sub3A_2660 = arith.subi %broadcast_in_dim3A_2056, %get3A_2659 : vector<16xi32>
      %max3A_2661 = arith.constant -2047 : i32
      %max3A_2662 = vector.broadcast %max3A_2661 : i32 to vector<16xi32>
      %max3A_2663 = arith.maxsi %sub3A_2660, %max3A_2662 : vector<16xi32>
      %min3A_2664 = arith.constant 2047 : i32
      %min3A_2665 = vector.broadcast %min3A_2664 : i32 to vector<16xi32>
      %min3A_2666 = arith.minsi %max3A_2663, %min3A_2665 : vector<16xi32>
      %add3A_2667 = arith.constant 2047 : i32
      %add3A_2668 = vector.broadcast %add3A_2667 : i32 to vector<16xi32>
      %add3A_2669 = arith.addi %min3A_2666, %add3A_2668 : vector<16xi32>
      %swap3A_2670 = arith.constant 15 : i32
      %swap3A_2671 = arith.index_cast %rem3A_99 : i32 to index
      %swap3A_2672 = arith.index_cast %swap3A_2670 : i32 to index
      %swap3A_2673 = arith.constant 96 : index
      %swap3A_2674 = tpu.vector_load %arg9[%swap3A_2671, %swap3A_2672, %swap3A_2673] {strides = array<i32>} : memref<2x16x128xi32, #tpu.memory_space<vmem>>, vector<1x1x16xi32>,
      %swap3A_2675 = vector.shape_cast %swap3A_2674 : vector<1x1x16xi32> to vector<16xi32>
      %swap3A_2676 = vector.shape_cast %add3A_2669 : vector<16xi32> to vector<1x1x16xi32>
      tpu.vector_store %arg9[%swap3A_2671, %swap3A_2672, %swap3A_2673], %swap3A_2676 {strides = array<i32>} : memref<2x16x128xi32, #tpu.memory_space<vmem>>, vector<1x1x16xi32>,
      %get3A_2677 = arith.constant 496 : index
      %get3A_2678 = tpu.vector_load %arg7[%get3A_2677] {strides = array<i32>} : memref<512xi32, #tpu.memory_space<vmem>>, vector<16xi32>,
      %get3A_2679 = vector.shape_cast %get3A_2678 : vector<16xi32> to vector<16xi32>
      %sub3A_2680 = arith.subi %broadcast_in_dim3A_2056, %get3A_2679 : vector<16xi32>
      %max3A_2681 = arith.constant -2047 : i32
      %max3A_2682 = vector.broadcast %max3A_2681 : i32 to vector<16xi32>
      %max3A_2683 = arith.maxsi %sub3A_2680, %max3A_2682 : vector<16xi32>
      %min3A_2684 = arith.constant 2047 : i32
      %min3A_2685 = vector.broadcast %min3A_2684 : i32 to vector<16xi32>
      %min3A_2686 = arith.minsi %max3A_2683, %min3A_2685 : vector<16xi32>
      %add3A_2687 = arith.constant 2047 : i32
      %add3A_2688 = vector.broadcast %add3A_2687 : i32 to vector<16xi32>
      %add3A_2689 = arith.addi %min3A_2686, %add3A_2688 : vector<16xi32>
      %swap3A_2690 = arith.constant 15 : i32
      %swap3A_2691 = arith.index_cast %rem3A_99 : i32 to index
      %swap3A_2692 = arith.index_cast %swap3A_2690 : i32 to index
      %swap3A_2693 = arith.constant 112 : index
      %swap3A_2694 = tpu.vector_load %arg9[%swap3A_2691, %swap3A_2692, %swap3A_2693] {strides = array<i32>} : memref<2x16x128xi32, #tpu.memory_space<vmem>>, vector<1x1x16xi32>,
      %swap3A_2695 = vector.shape_cast %swap3A_2694 : vector<1x1x16xi32> to vector<16xi32>
      %swap3A_2696 = vector.shape_cast %add3A_2689 : vector<16xi32> to vector<1x1x16xi32>
      tpu.vector_store %arg9[%swap3A_2691, %swap3A_2692, %swap3A_2693], %swap3A_2696 {strides = array<i32>} : memref<2x16x128xi32, #tpu.memory_space<vmem>>, vector<1x1x16xi32>,
      %dma_start3A_2697 = arith.constant 0 : i32
      %dma_start3A_2698 = arith.constant 0 : i32
      %dma_start3A_2699 = arith.constant 0 : i32
      %dma_start3A_2700 = tpu.memref_slice %arg10[%rem3A_99, %dma_start3A_2698, %dma_start3A_2699] : memref<2x2048x16xf32, #tpu.memory_space<vmem>> -> memref<1x128x16xf32, #tpu.memory_space<vmem>>
      %dma_start3A_2701 = tpu.memref_squeeze %dma_start3A_2700 : memref<1x128x16xf32, #tpu.memory_space<vmem>> -> memref<128x16xf32, #tpu.memory_space<vmem>>
      %dma_start3A_2702 = arith.constant 0 : i32
      %dma_start3A_2703 = tpu.memref_slice %arg9[%rem3A_99, %dma_start3A_2697, %dma_start3A_2702] : memref<2x16x128xi32, #tpu.memory_space<vmem>> -> memref<1x1x128xi32, #tpu.memory_space<vmem>>
      %dma_start3A_2704 = tpu.memref_squeeze %dma_start3A_2703 : memref<1x1x128xi32, #tpu.memory_space<vmem>> -> memref<128xi32, #tpu.memory_space<vmem>>
      %dma_start3A_2705 = arith.constant 0 : i32
      %dma_start3A_2706 = arith.constant 0 : i32
      %dma_start3A_2707 = tpu.memref_slice %arg8[%dma_start3A_2705, %dma_start3A_2706] : memref<4095x16xf32, #tpu.memory_space<vmem_shared>> -> memref<4095x16xf32, #tpu.memory_space<vmem_shared>>
      tpu.enqueue_indirect_dma source(%dma_start3A_2707 : memref<4095x16xf32, #tpu.memory_space<vmem_shared>>) target(%dma_start3A_2701 : memref<128x16xf32, #tpu.memory_space<vmem>>) offsets(%dma_start3A_2704 : memref<128xi32, #tpu.memory_space<vmem>>) semaphore(%arg11 : memref<!tpu.dma_semaphore, #tpu.memory_space<semaphore_mem>>)
      %dma_start3A_2708 = arith.constant 1 : i32
      %dma_start3A_2709 = arith.constant 128 : i32
      %dma_start3A_2710 = arith.constant 0 : i32
      %dma_start3A_2711 = tpu.memref_slice %arg10[%rem3A_99, %dma_start3A_2709, %dma_start3A_2710] : memref<2x2048x16xf32, #tpu.memory_space<vmem>> -> memref<1x128x16xf32, #tpu.memory_space<vmem>>
      %dma_start3A_2712 = tpu.memref_squeeze %dma_start3A_2711 : memref<1x128x16xf32, #tpu.memory_space<vmem>> -> memref<128x16xf32, #tpu.memory_space<vmem>>
      %dma_start3A_2713 = arith.constant 0 : i32
      %dma_start3A_2714 = tpu.memref_slice %arg9[%rem3A_99, %dma_start3A_2708, %dma_start3A_2713] : memref<2x16x128xi32, #tpu.memory_space<vmem>> -> memref<1x1x128xi32, #tpu.memory_space<vmem>>
      %dma_start3A_2715 = tpu.memref_squeeze %dma_start3A_2714 : memref<1x1x128xi32, #tpu.memory_space<vmem>> -> memref<128xi32, #tpu.memory_space<vmem>>
      %dma_start3A_2716 = arith.constant 0 : i32
      %dma_start3A_2717 = arith.constant 0 : i32
      %dma_start3A_2718 = tpu.memref_slice %arg8[%dma_start3A_2716, %dma_start3A_2717] : memref<4095x16xf32, #tpu.memory_space<vmem_shared>> -> memref<4095x16xf32, #tpu.memory_space<vmem_shared>>
      tpu.enqueue_indirect_dma source(%dma_start3A_2718 : memref<4095x16xf32, #tpu.memory_space<vmem_shared>>) target(%dma_start3A_2712 : memref<128x16xf32, #tpu.memory_space<vmem>>) offsets(%dma_start3A_2715 : memref<128xi32, #tpu.memory_space<vmem>>) semaphore(%arg11 : memref<!tpu.dma_semaphore, #tpu.memory_space<semaphore_mem>>)
      %dma_start3A_2719 = arith.constant 2 : i32
      %dma_start3A_2720 = arith.constant 256 : i32
      %dma_start3A_2721 = arith.constant 0 : i32
      %dma_start3A_2722 = tpu.memref_slice %arg10[%rem3A_99, %dma_start3A_2720, %dma_start3A_2721] : memref<2x2048x16xf32, #tpu.memory_space<vmem>> -> memref<1x128x16xf32, #tpu.memory_space<vmem>>
      %dma_start3A_2723 = tpu.memref_squeeze %dma_start3A_2722 : memref<1x128x16xf32, #tpu.memory_space<vmem>> -> memref<128x16xf32, #tpu.memory_space<vmem>>
      %dma_start3A_2724 = arith.constant 0 : i32
      %dma_start3A_2725 = tpu.memref_slice %arg9[%rem3A_99, %dma_start3A_2719, %dma_start3A_2724] : memref<2x16x128xi32, #tpu.memory_space<vmem>> -> memref<1x1x128xi32, #tpu.memory_space<vmem>>
      %dma_start3A_2726 = tpu.memref_squeeze %dma_start3A_2725 : memref<1x1x128xi32, #tpu.memory_space<vmem>> -> memref<128xi32, #tpu.memory_space<vmem>>
      %dma_start3A_2727 = arith.constant 0 : i32
      %dma_start3A_2728 = arith.constant 0 : i32
      %dma_start3A_2729 = tpu.memref_slice %arg8[%dma_start3A_2727, %dma_start3A_2728] : memref<4095x16xf32, #tpu.memory_space<vmem_shared>> -> memref<4095x16xf32, #tpu.memory_space<vmem_shared>>
      tpu.enqueue_indirect_dma source(%dma_start3A_2729 : memref<4095x16xf32, #tpu.memory_space<vmem_shared>>) target(%dma_start3A_2723 : memref<128x16xf32, #tpu.memory_space<vmem>>) offsets(%dma_start3A_2726 : memref<128xi32, #tpu.memory_space<vmem>>) semaphore(%arg11 : memref<!tpu.dma_semaphore, #tpu.memory_space<semaphore_mem>>)
      %dma_start3A_2730 = arith.constant 3 : i32
      %dma_start3A_2731 = arith.constant 384 : i32
      %dma_start3A_2732 = arith.constant 0 : i32
      %dma_start3A_2733 = tpu.memref_slice %arg10[%rem3A_99, %dma_start3A_2731, %dma_start3A_2732] : memref<2x2048x16xf32, #tpu.memory_space<vmem>> -> memref<1x128x16xf32, #tpu.memory_space<vmem>>
      %dma_start3A_2734 = tpu.memref_squeeze %dma_start3A_2733 : memref<1x128x16xf32, #tpu.memory_space<vmem>> -> memref<128x16xf32, #tpu.memory_space<vmem>>
      %dma_start3A_2735 = arith.constant 0 : i32
      %dma_start3A_2736 = tpu.memref_slice %arg9[%rem3A_99, %dma_start3A_2730, %dma_start3A_2735] : memref<2x16x128xi32, #tpu.memory_space<vmem>> -> memref<1x1x128xi32, #tpu.memory_space<vmem>>
      %dma_start3A_2737 = tpu.memref_squeeze %dma_start3A_2736 : memref<1x1x128xi32, #tpu.memory_space<vmem>> -> memref<128xi32, #tpu.memory_space<vmem>>
      %dma_start3A_2738 = arith.constant 0 : i32
      %dma_start3A_2739 = arith.constant 0 : i32
      %dma_start3A_2740 = tpu.memref_slice %arg8[%dma_start3A_2738, %dma_start3A_2739] : memref<4095x16xf32, #tpu.memory_space<vmem_shared>> -> memref<4095x16xf32, #tpu.memory_space<vmem_shared>>
      tpu.enqueue_indirect_dma source(%dma_start3A_2740 : memref<4095x16xf32, #tpu.memory_space<vmem_shared>>) target(%dma_start3A_2734 : memref<128x16xf32, #tpu.memory_space<vmem>>) offsets(%dma_start3A_2737 : memref<128xi32, #tpu.memory_space<vmem>>) semaphore(%arg11 : memref<!tpu.dma_semaphore, #tpu.memory_space<semaphore_mem>>)
      %dma_start3A_2741 = arith.constant 4 : i32
      %dma_start3A_2742 = arith.constant 512 : i32
      %dma_start3A_2743 = arith.constant 0 : i32
      %dma_start3A_2744 = tpu.memref_slice %arg10[%rem3A_99, %dma_start3A_2742, %dma_start3A_2743] : memref<2x2048x16xf32, #tpu.memory_space<vmem>> -> memref<1x128x16xf32, #tpu.memory_space<vmem>>
      %dma_start3A_2745 = tpu.memref_squeeze %dma_start3A_2744 : memref<1x128x16xf32, #tpu.memory_space<vmem>> -> memref<128x16xf32, #tpu.memory_space<vmem>>
      %dma_start3A_2746 = arith.constant 0 : i32
      %dma_start3A_2747 = tpu.memref_slice %arg9[%rem3A_99, %dma_start3A_2741, %dma_start3A_2746] : memref<2x16x128xi32, #tpu.memory_space<vmem>> -> memref<1x1x128xi32, #tpu.memory_space<vmem>>
      %dma_start3A_2748 = tpu.memref_squeeze %dma_start3A_2747 : memref<1x1x128xi32, #tpu.memory_space<vmem>> -> memref<128xi32, #tpu.memory_space<vmem>>
      %dma_start3A_2749 = arith.constant 0 : i32
      %dma_start3A_2750 = arith.constant 0 : i32
      %dma_start3A_2751 = tpu.memref_slice %arg8[%dma_start3A_2749, %dma_start3A_2750] : memref<4095x16xf32, #tpu.memory_space<vmem_shared>> -> memref<4095x16xf32, #tpu.memory_space<vmem_shared>>
      tpu.enqueue_indirect_dma source(%dma_start3A_2751 : memref<4095x16xf32, #tpu.memory_space<vmem_shared>>) target(%dma_start3A_2745 : memref<128x16xf32, #tpu.memory_space<vmem>>) offsets(%dma_start3A_2748 : memref<128xi32, #tpu.memory_space<vmem>>) semaphore(%arg11 : memref<!tpu.dma_semaphore, #tpu.memory_space<semaphore_mem>>)
      %dma_start3A_2752 = arith.constant 5 : i32
      %dma_start3A_2753 = arith.constant 640 : i32
      %dma_start3A_2754 = arith.constant 0 : i32
      %dma_start3A_2755 = tpu.memref_slice %arg10[%rem3A_99, %dma_start3A_2753, %dma_start3A_2754] : memref<2x2048x16xf32, #tpu.memory_space<vmem>> -> memref<1x128x16xf32, #tpu.memory_space<vmem>>
      %dma_start3A_2756 = tpu.memref_squeeze %dma_start3A_2755 : memref<1x128x16xf32, #tpu.memory_space<vmem>> -> memref<128x16xf32, #tpu.memory_space<vmem>>
      %dma_start3A_2757 = arith.constant 0 : i32
      %dma_start3A_2758 = tpu.memref_slice %arg9[%rem3A_99, %dma_start3A_2752, %dma_start3A_2757] : memref<2x16x128xi32, #tpu.memory_space<vmem>> -> memref<1x1x128xi32, #tpu.memory_space<vmem>>
      %dma_start3A_2759 = tpu.memref_squeeze %dma_start3A_2758 : memref<1x1x128xi32, #tpu.memory_space<vmem>> -> memref<128xi32, #tpu.memory_space<vmem>>
      %dma_start3A_2760 = arith.constant 0 : i32
      %dma_start3A_2761 = arith.constant 0 : i32
      %dma_start3A_2762 = tpu.memref_slice %arg8[%dma_start3A_2760, %dma_start3A_2761] : memref<4095x16xf32, #tpu.memory_space<vmem_shared>> -> memref<4095x16xf32, #tpu.memory_space<vmem_shared>>
      tpu.enqueue_indirect_dma source(%dma_start3A_2762 : memref<4095x16xf32, #tpu.memory_space<vmem_shared>>) target(%dma_start3A_2756 : memref<128x16xf32, #tpu.memory_space<vmem>>) offsets(%dma_start3A_2759 : memref<128xi32, #tpu.memory_space<vmem>>) semaphore(%arg11 : memref<!tpu.dma_semaphore, #tpu.memory_space<semaphore_mem>>)
      %dma_start3A_2763 = arith.constant 6 : i32
      %dma_start3A_2764 = arith.constant 768 : i32
      %dma_start3A_2765 = arith.constant 0 : i32
      %dma_start3A_2766 = tpu.memref_slice %arg10[%rem3A_99, %dma_start3A_2764, %dma_start3A_2765] : memref<2x2048x16xf32, #tpu.memory_space<vmem>> -> memref<1x128x16xf32, #tpu.memory_space<vmem>>
      %dma_start3A_2767 = tpu.memref_squeeze %dma_start3A_2766 : memref<1x128x16xf32, #tpu.memory_space<vmem>> -> memref<128x16xf32, #tpu.memory_space<vmem>>
      %dma_start3A_2768 = arith.constant 0 : i32
      %dma_start3A_2769 = tpu.memref_slice %arg9[%rem3A_99, %dma_start3A_2763, %dma_start3A_2768] : memref<2x16x128xi32, #tpu.memory_space<vmem>> -> memref<1x1x128xi32, #tpu.memory_space<vmem>>
      %dma_start3A_2770 = tpu.memref_squeeze %dma_start3A_2769 : memref<1x1x128xi32, #tpu.memory_space<vmem>> -> memref<128xi32, #tpu.memory_space<vmem>>
      %dma_start3A_2771 = arith.constant 0 : i32
      %dma_start3A_2772 = arith.constant 0 : i32
      %dma_start3A_2773 = tpu.memref_slice %arg8[%dma_start3A_2771, %dma_start3A_2772] : memref<4095x16xf32, #tpu.memory_space<vmem_shared>> -> memref<4095x16xf32, #tpu.memory_space<vmem_shared>>
      tpu.enqueue_indirect_dma source(%dma_start3A_2773 : memref<4095x16xf32, #tpu.memory_space<vmem_shared>>) target(%dma_start3A_2767 : memref<128x16xf32, #tpu.memory_space<vmem>>) offsets(%dma_start3A_2770 : memref<128xi32, #tpu.memory_space<vmem>>) semaphore(%arg11 : memref<!tpu.dma_semaphore, #tpu.memory_space<semaphore_mem>>)
      %dma_start3A_2774 = arith.constant 7 : i32
      %dma_start3A_2775 = arith.constant 896 : i32
      %dma_start3A_2776 = arith.constant 0 : i32
      %dma_start3A_2777 = tpu.memref_slice %arg10[%rem3A_99, %dma_start3A_2775, %dma_start3A_2776] : memref<2x2048x16xf32, #tpu.memory_space<vmem>> -> memref<1x128x16xf32, #tpu.memory_space<vmem>>
      %dma_start3A_2778 = tpu.memref_squeeze %dma_start3A_2777 : memref<1x128x16xf32, #tpu.memory_space<vmem>> -> memref<128x16xf32, #tpu.memory_space<vmem>>
      %dma_start3A_2779 = arith.constant 0 : i32
      %dma_start3A_2780 = tpu.memref_slice %arg9[%rem3A_99, %dma_start3A_2774, %dma_start3A_2779] : memref<2x16x128xi32, #tpu.memory_space<vmem>> -> memref<1x1x128xi32, #tpu.memory_space<vmem>>
      %dma_start3A_2781 = tpu.memref_squeeze %dma_start3A_2780 : memref<1x1x128xi32, #tpu.memory_space<vmem>> -> memref<128xi32, #tpu.memory_space<vmem>>
      %dma_start3A_2782 = arith.constant 0 : i32
      %dma_start3A_2783 = arith.constant 0 : i32
      %dma_start3A_2784 = tpu.memref_slice %arg8[%dma_start3A_2782, %dma_start3A_2783] : memref<4095x16xf32, #tpu.memory_space<vmem_shared>> -> memref<4095x16xf32, #tpu.memory_space<vmem_shared>>
      tpu.enqueue_indirect_dma source(%dma_start3A_2784 : memref<4095x16xf32, #tpu.memory_space<vmem_shared>>) target(%dma_start3A_2778 : memref<128x16xf32, #tpu.memory_space<vmem>>) offsets(%dma_start3A_2781 : memref<128xi32, #tpu.memory_space<vmem>>) semaphore(%arg11 : memref<!tpu.dma_semaphore, #tpu.memory_space<semaphore_mem>>)
      %dma_start3A_2785 = arith.constant 8 : i32
      %dma_start3A_2786 = arith.constant 1024 : i32
      %dma_start3A_2787 = arith.constant 0 : i32
      %dma_start3A_2788 = tpu.memref_slice %arg10[%rem3A_99, %dma_start3A_2786, %dma_start3A_2787] : memref<2x2048x16xf32, #tpu.memory_space<vmem>> -> memref<1x128x16xf32, #tpu.memory_space<vmem>>
      %dma_start3A_2789 = tpu.memref_squeeze %dma_start3A_2788 : memref<1x128x16xf32, #tpu.memory_space<vmem>> -> memref<128x16xf32, #tpu.memory_space<vmem>>
      %dma_start3A_2790 = arith.constant 0 : i32
      %dma_start3A_2791 = tpu.memref_slice %arg9[%rem3A_99, %dma_start3A_2785, %dma_start3A_2790] : memref<2x16x128xi32, #tpu.memory_space<vmem>> -> memref<1x1x128xi32, #tpu.memory_space<vmem>>
      %dma_start3A_2792 = tpu.memref_squeeze %dma_start3A_2791 : memref<1x1x128xi32, #tpu.memory_space<vmem>> -> memref<128xi32, #tpu.memory_space<vmem>>
      %dma_start3A_2793 = arith.constant 0 : i32
      %dma_start3A_2794 = arith.constant 0 : i32
      %dma_start3A_2795 = tpu.memref_slice %arg8[%dma_start3A_2793, %dma_start3A_2794] : memref<4095x16xf32, #tpu.memory_space<vmem_shared>> -> memref<4095x16xf32, #tpu.memory_space<vmem_shared>>
      tpu.enqueue_indirect_dma source(%dma_start3A_2795 : memref<4095x16xf32, #tpu.memory_space<vmem_shared>>) target(%dma_start3A_2789 : memref<128x16xf32, #tpu.memory_space<vmem>>) offsets(%dma_start3A_2792 : memref<128xi32, #tpu.memory_space<vmem>>) semaphore(%arg11 : memref<!tpu.dma_semaphore, #tpu.memory_space<semaphore_mem>>)
      %dma_start3A_2796 = arith.constant 9 : i32
      %dma_start3A_2797 = arith.constant 1152 : i32
      %dma_start3A_2798 = arith.constant 0 : i32
      %dma_start3A_2799 = tpu.memref_slice %arg10[%rem3A_99, %dma_start3A_2797, %dma_start3A_2798] : memref<2x2048x16xf32, #tpu.memory_space<vmem>> -> memref<1x128x16xf32, #tpu.memory_space<vmem>>
      %dma_start3A_2800 = tpu.memref_squeeze %dma_start3A_2799 : memref<1x128x16xf32, #tpu.memory_space<vmem>> -> memref<128x16xf32, #tpu.memory_space<vmem>>
      %dma_start3A_2801 = arith.constant 0 : i32
      %dma_start3A_2802 = tpu.memref_slice %arg9[%rem3A_99, %dma_start3A_2796, %dma_start3A_2801] : memref<2x16x128xi32, #tpu.memory_space<vmem>> -> memref<1x1x128xi32, #tpu.memory_space<vmem>>
      %dma_start3A_2803 = tpu.memref_squeeze %dma_start3A_2802 : memref<1x1x128xi32, #tpu.memory_space<vmem>> -> memref<128xi32, #tpu.memory_space<vmem>>
      %dma_start3A_2804 = arith.constant 0 : i32
      %dma_start3A_2805 = arith.constant 0 : i32
      %dma_start3A_2806 = tpu.memref_slice %arg8[%dma_start3A_2804, %dma_start3A_2805] : memref<4095x16xf32, #tpu.memory_space<vmem_shared>> -> memref<4095x16xf32, #tpu.memory_space<vmem_shared>>
      tpu.enqueue_indirect_dma source(%dma_start3A_2806 : memref<4095x16xf32, #tpu.memory_space<vmem_shared>>) target(%dma_start3A_2800 : memref<128x16xf32, #tpu.memory_space<vmem>>) offsets(%dma_start3A_2803 : memref<128xi32, #tpu.memory_space<vmem>>) semaphore(%arg11 : memref<!tpu.dma_semaphore, #tpu.memory_space<semaphore_mem>>)
      %dma_start3A_2807 = arith.constant 10 : i32
      %dma_start3A_2808 = arith.constant 1280 : i32
      %dma_start3A_2809 = arith.constant 0 : i32
      %dma_start3A_2810 = tpu.memref_slice %arg10[%rem3A_99, %dma_start3A_2808, %dma_start3A_2809] : memref<2x2048x16xf32, #tpu.memory_space<vmem>> -> memref<1x128x16xf32, #tpu.memory_space<vmem>>
      %dma_start3A_2811 = tpu.memref_squeeze %dma_start3A_2810 : memref<1x128x16xf32, #tpu.memory_space<vmem>> -> memref<128x16xf32, #tpu.memory_space<vmem>>
      %dma_start3A_2812 = arith.constant 0 : i32
      %dma_start3A_2813 = tpu.memref_slice %arg9[%rem3A_99, %dma_start3A_2807, %dma_start3A_2812] : memref<2x16x128xi32, #tpu.memory_space<vmem>> -> memref<1x1x128xi32, #tpu.memory_space<vmem>>
      %dma_start3A_2814 = tpu.memref_squeeze %dma_start3A_2813 : memref<1x1x128xi32, #tpu.memory_space<vmem>> -> memref<128xi32, #tpu.memory_space<vmem>>
      %dma_start3A_2815 = arith.constant 0 : i32
      %dma_start3A_2816 = arith.constant 0 : i32
      %dma_start3A_2817 = tpu.memref_slice %arg8[%dma_start3A_2815, %dma_start3A_2816] : memref<4095x16xf32, #tpu.memory_space<vmem_shared>> -> memref<4095x16xf32, #tpu.memory_space<vmem_shared>>
      tpu.enqueue_indirect_dma source(%dma_start3A_2817 : memref<4095x16xf32, #tpu.memory_space<vmem_shared>>) target(%dma_start3A_2811 : memref<128x16xf32, #tpu.memory_space<vmem>>) offsets(%dma_start3A_2814 : memref<128xi32, #tpu.memory_space<vmem>>) semaphore(%arg11 : memref<!tpu.dma_semaphore, #tpu.memory_space<semaphore_mem>>)
      %dma_start3A_2818 = arith.constant 11 : i32
      %dma_start3A_2819 = arith.constant 1408 : i32
      %dma_start3A_2820 = arith.constant 0 : i32
      %dma_start3A_2821 = tpu.memref_slice %arg10[%rem3A_99, %dma_start3A_2819, %dma_start3A_2820] : memref<2x2048x16xf32, #tpu.memory_space<vmem>> -> memref<1x128x16xf32, #tpu.memory_space<vmem>>
      %dma_start3A_2822 = tpu.memref_squeeze %dma_start3A_2821 : memref<1x128x16xf32, #tpu.memory_space<vmem>> -> memref<128x16xf32, #tpu.memory_space<vmem>>
      %dma_start3A_2823 = arith.constant 0 : i32
      %dma_start3A_2824 = tpu.memref_slice %arg9[%rem3A_99, %dma_start3A_2818, %dma_start3A_2823] : memref<2x16x128xi32, #tpu.memory_space<vmem>> -> memref<1x1x128xi32, #tpu.memory_space<vmem>>
      %dma_start3A_2825 = tpu.memref_squeeze %dma_start3A_2824 : memref<1x1x128xi32, #tpu.memory_space<vmem>> -> memref<128xi32, #tpu.memory_space<vmem>>
      %dma_start3A_2826 = arith.constant 0 : i32
      %dma_start3A_2827 = arith.constant 0 : i32
      %dma_start3A_2828 = tpu.memref_slice %arg8[%dma_start3A_2826, %dma_start3A_2827] : memref<4095x16xf32, #tpu.memory_space<vmem_shared>> -> memref<4095x16xf32, #tpu.memory_space<vmem_shared>>
      tpu.enqueue_indirect_dma source(%dma_start3A_2828 : memref<4095x16xf32, #tpu.memory_space<vmem_shared>>) target(%dma_start3A_2822 : memref<128x16xf32, #tpu.memory_space<vmem>>) offsets(%dma_start3A_2825 : memref<128xi32, #tpu.memory_space<vmem>>) semaphore(%arg11 : memref<!tpu.dma_semaphore, #tpu.memory_space<semaphore_mem>>)
      %dma_start3A_2829 = arith.constant 12 : i32
      %dma_start3A_2830 = arith.constant 1536 : i32
      %dma_start3A_2831 = arith.constant 0 : i32
      %dma_start3A_2832 = tpu.memref_slice %arg10[%rem3A_99, %dma_start3A_2830, %dma_start3A_2831] : memref<2x2048x16xf32, #tpu.memory_space<vmem>> -> memref<1x128x16xf32, #tpu.memory_space<vmem>>
      %dma_start3A_2833 = tpu.memref_squeeze %dma_start3A_2832 : memref<1x128x16xf32, #tpu.memory_space<vmem>> -> memref<128x16xf32, #tpu.memory_space<vmem>>
      %dma_start3A_2834 = arith.constant 0 : i32
      %dma_start3A_2835 = tpu.memref_slice %arg9[%rem3A_99, %dma_start3A_2829, %dma_start3A_2834] : memref<2x16x128xi32, #tpu.memory_space<vmem>> -> memref<1x1x128xi32, #tpu.memory_space<vmem>>
      %dma_start3A_2836 = tpu.memref_squeeze %dma_start3A_2835 : memref<1x1x128xi32, #tpu.memory_space<vmem>> -> memref<128xi32, #tpu.memory_space<vmem>>
      %dma_start3A_2837 = arith.constant 0 : i32
      %dma_start3A_2838 = arith.constant 0 : i32
      %dma_start3A_2839 = tpu.memref_slice %arg8[%dma_start3A_2837, %dma_start3A_2838] : memref<4095x16xf32, #tpu.memory_space<vmem_shared>> -> memref<4095x16xf32, #tpu.memory_space<vmem_shared>>
      tpu.enqueue_indirect_dma source(%dma_start3A_2839 : memref<4095x16xf32, #tpu.memory_space<vmem_shared>>) target(%dma_start3A_2833 : memref<128x16xf32, #tpu.memory_space<vmem>>) offsets(%dma_start3A_2836 : memref<128xi32, #tpu.memory_space<vmem>>) semaphore(%arg11 : memref<!tpu.dma_semaphore, #tpu.memory_space<semaphore_mem>>)
      %dma_start3A_2840 = arith.constant 13 : i32
      %dma_start3A_2841 = arith.constant 1664 : i32
      %dma_start3A_2842 = arith.constant 0 : i32
      %dma_start3A_2843 = tpu.memref_slice %arg10[%rem3A_99, %dma_start3A_2841, %dma_start3A_2842] : memref<2x2048x16xf32, #tpu.memory_space<vmem>> -> memref<1x128x16xf32, #tpu.memory_space<vmem>>
      %dma_start3A_2844 = tpu.memref_squeeze %dma_start3A_2843 : memref<1x128x16xf32, #tpu.memory_space<vmem>> -> memref<128x16xf32, #tpu.memory_space<vmem>>
      %dma_start3A_2845 = arith.constant 0 : i32
      %dma_start3A_2846 = tpu.memref_slice %arg9[%rem3A_99, %dma_start3A_2840, %dma_start3A_2845] : memref<2x16x128xi32, #tpu.memory_space<vmem>> -> memref<1x1x128xi32, #tpu.memory_space<vmem>>
      %dma_start3A_2847 = tpu.memref_squeeze %dma_start3A_2846 : memref<1x1x128xi32, #tpu.memory_space<vmem>> -> memref<128xi32, #tpu.memory_space<vmem>>
      %dma_start3A_2848 = arith.constant 0 : i32
      %dma_start3A_2849 = arith.constant 0 : i32
      %dma_start3A_2850 = tpu.memref_slice %arg8[%dma_start3A_2848, %dma_start3A_2849] : memref<4095x16xf32, #tpu.memory_space<vmem_shared>> -> memref<4095x16xf32, #tpu.memory_space<vmem_shared>>
      tpu.enqueue_indirect_dma source(%dma_start3A_2850 : memref<4095x16xf32, #tpu.memory_space<vmem_shared>>) target(%dma_start3A_2844 : memref<128x16xf32, #tpu.memory_space<vmem>>) offsets(%dma_start3A_2847 : memref<128xi32, #tpu.memory_space<vmem>>) semaphore(%arg11 : memref<!tpu.dma_semaphore, #tpu.memory_space<semaphore_mem>>)
      %dma_start3A_2851 = arith.constant 14 : i32
      %dma_start3A_2852 = arith.constant 1792 : i32
      %dma_start3A_2853 = arith.constant 0 : i32
      %dma_start3A_2854 = tpu.memref_slice %arg10[%rem3A_99, %dma_start3A_2852, %dma_start3A_2853] : memref<2x2048x16xf32, #tpu.memory_space<vmem>> -> memref<1x128x16xf32, #tpu.memory_space<vmem>>
      %dma_start3A_2855 = tpu.memref_squeeze %dma_start3A_2854 : memref<1x128x16xf32, #tpu.memory_space<vmem>> -> memref<128x16xf32, #tpu.memory_space<vmem>>
      %dma_start3A_2856 = arith.constant 0 : i32
      %dma_start3A_2857 = tpu.memref_slice %arg9[%rem3A_99, %dma_start3A_2851, %dma_start3A_2856] : memref<2x16x128xi32, #tpu.memory_space<vmem>> -> memref<1x1x128xi32, #tpu.memory_space<vmem>>
      %dma_start3A_2858 = tpu.memref_squeeze %dma_start3A_2857 : memref<1x1x128xi32, #tpu.memory_space<vmem>> -> memref<128xi32, #tpu.memory_space<vmem>>
      %dma_start3A_2859 = arith.constant 0 : i32
      %dma_start3A_2860 = arith.constant 0 : i32
      %dma_start3A_2861 = tpu.memref_slice %arg8[%dma_start3A_2859, %dma_start3A_2860] : memref<4095x16xf32, #tpu.memory_space<vmem_shared>> -> memref<4095x16xf32, #tpu.memory_space<vmem_shared>>
      tpu.enqueue_indirect_dma source(%dma_start3A_2861 : memref<4095x16xf32, #tpu.memory_space<vmem_shared>>) target(%dma_start3A_2855 : memref<128x16xf32, #tpu.memory_space<vmem>>) offsets(%dma_start3A_2858 : memref<128xi32, #tpu.memory_space<vmem>>) semaphore(%arg11 : memref<!tpu.dma_semaphore, #tpu.memory_space<semaphore_mem>>)
      %dma_start3A_2862 = arith.constant 15 : i32
      %dma_start3A_2863 = arith.constant 1920 : i32
      %dma_start3A_2864 = arith.constant 0 : i32
      %dma_start3A_2865 = tpu.memref_slice %arg10[%rem3A_99, %dma_start3A_2863, %dma_start3A_2864] : memref<2x2048x16xf32, #tpu.memory_space<vmem>> -> memref<1x128x16xf32, #tpu.memory_space<vmem>>
      %dma_start3A_2866 = tpu.memref_squeeze %dma_start3A_2865 : memref<1x128x16xf32, #tpu.memory_space<vmem>> -> memref<128x16xf32, #tpu.memory_space<vmem>>
      %dma_start3A_2867 = arith.constant 0 : i32
      %dma_start3A_2868 = tpu.memref_slice %arg9[%rem3A_99, %dma_start3A_2862, %dma_start3A_2867] : memref<2x16x128xi32, #tpu.memory_space<vmem>> -> memref<1x1x128xi32, #tpu.memory_space<vmem>>
      %dma_start3A_2869 = tpu.memref_squeeze %dma_start3A_2868 : memref<1x1x128xi32, #tpu.memory_space<vmem>> -> memref<128xi32, #tpu.memory_space<vmem>>
      %dma_start3A_2870 = arith.constant 0 : i32
      %dma_start3A_2871 = arith.constant 0 : i32
      %dma_start3A_2872 = tpu.memref_slice %arg8[%dma_start3A_2870, %dma_start3A_2871] : memref<4095x16xf32, #tpu.memory_space<vmem_shared>> -> memref<4095x16xf32, #tpu.memory_space<vmem_shared>>
      tpu.enqueue_indirect_dma source(%dma_start3A_2872 : memref<4095x16xf32, #tpu.memory_space<vmem_shared>>) target(%dma_start3A_2866 : memref<128x16xf32, #tpu.memory_space<vmem>>) offsets(%dma_start3A_2869 : memref<128xi32, #tpu.memory_space<vmem>>) semaphore(%arg11 : memref<!tpu.dma_semaphore, #tpu.memory_space<semaphore_mem>>)
      %ge3A_2873 = arith.constant 1 : i32
      %ge3A_2874 = arith.cmpi sge, %scan3A_97, %ge3A_2873 : i32
      %convert_element_type3A_2875 = arith.extui %ge3A_2874 : i1 to i32
      %cond3A_2876 = arith.constant 0 : i32
      %cond3A_2877 = arith.cmpi ne, %convert_element_type3A_2875, %cond3A_2876 : i32
      scf.if %cond3A_2877 {
        %sub3A_2878 = arith.constant 1 : i32
        %sub3A_2879 = arith.subi %sub3A_2878, %rem3A_99 : i32
        %dma_wait3A_2880 = arith.constant 0 : i32
        %dma_wait3A_2881 = arith.constant 0 : i32
        %dma_wait3A_2882 = tpu.memref_slice %arg10[%sub3A_2879, %dma_wait3A_2880, %dma_wait3A_2881] : memref<2x2048x16xf32, #tpu.memory_space<vmem>> -> memref<1x2048x16xf32, #tpu.memory_space<vmem>>
        %dma_wait3A_2883 = tpu.memref_squeeze %dma_wait3A_2882 : memref<1x2048x16xf32, #tpu.memory_space<vmem>> -> memref<2048x16xf32, #tpu.memory_space<vmem>>
        %dma_wait3A_2884 = arith.constant 0 : i32
        %dma_wait3A_2885 = tpu.memref_slice %arg5[%mul3A_34, %dma_wait3A_2884] : memref<4194304x16xf32, #tpu.memory_space<hbm>> -> memref<2048x16xf32, #tpu.memory_space<hbm>>
        %dma_wait3A_2886 = arith.constant 0 : i32
        %dma_wait3A_2887 = arith.constant 0 : i32
        %dma_wait3A_2888 = tpu.memref_slice %arg10[%sub3A_2879, %dma_wait3A_2886, %dma_wait3A_2887] : memref<2x2048x16xf32, #tpu.memory_space<vmem>> -> memref<1x2048x16xf32, #tpu.memory_space<vmem>>
        %dma_wait3A_2889 = tpu.memref_squeeze %dma_wait3A_2888 : memref<1x2048x16xf32, #tpu.memory_space<vmem>> -> memref<2048x16xf32, #tpu.memory_space<vmem>>
        %dma_wait3A_2890 = arith.constant 0 : i32
        %dma_wait3A_2891 = tpu.memref_slice %arg5[%mul3A_34, %dma_wait3A_2890] : memref<4194304x16xf32, #tpu.memory_space<hbm>> -> memref<2048x16xf32, #tpu.memory_space<hbm>>
        tpu.wait_dma2 semaphore(%arg11 : memref<!tpu.dma_semaphore, #tpu.memory_space<semaphore_mem>>) src(%dma_wait3A_2891 : memref<2048x16xf32, #tpu.memory_space<hbm>>) dst(%dma_wait3A_2889 : memref<2048x16xf32, #tpu.memory_space<vmem>>)
        %sub3A_2892 = arith.constant 1 : i32
        %sub3A_2893 = arith.subi %sub3A_2892, %rem3A_99 : i32
        %sub3A_2894 = arith.constant 1 : i32
        %sub3A_2895 = arith.subi %scan3A_97, %sub3A_2894 : i32
        %mul3A_2896 = arith.constant 2048 : i32
        %mul3A_2897 = arith.muli %sub3A_2895, %mul3A_2896 : i32
        %add3A_2898 = arith.addi %mul3A_34, %mul3A_2897 : i32
        %dma_start3A_2899 = arith.constant 0 : i32
        %dma_start3A_2900 = arith.constant 0 : i32
        %dma_start3A_2901 = tpu.memref_slice %arg10[%sub3A_2893, %dma_start3A_2899, %dma_start3A_2900] : memref<2x2048x16xf32, #tpu.memory_space<vmem>> -> memref<1x2048x16xf32, #tpu.memory_space<vmem>>
        %dma_start3A_2902 = tpu.memref_squeeze %dma_start3A_2901 : memref<1x2048x16xf32, #tpu.memory_space<vmem>> -> memref<2048x16xf32, #tpu.memory_space<vmem>>
        %dma_start3A_2903 = arith.constant 0 : i32
        %dma_start3A_2904 = tpu.memref_slice %arg5[%add3A_2898, %dma_start3A_2903] : memref<4194304x16xf32, #tpu.memory_space<hbm>> -> memref<2048x16xf32, #tpu.memory_space<hbm>>
        %dma_start3A_2905 = arith.constant 0 : i32
        %dma_start3A_2906 = tpu.memref_slice %arg5[%add3A_2898, %dma_start3A_2905] : memref<4194304x16xf32, #tpu.memory_space<hbm>> -> memref<2048x16xf32, #tpu.memory_space<hbm>>
        %dma_start3A_2907 = arith.constant 0 : i32
        %dma_start3A_2908 = arith.constant 0 : i32
        %dma_start3A_2909 = tpu.memref_slice %arg10[%sub3A_2893, %dma_start3A_2907, %dma_start3A_2908] : memref<2x2048x16xf32, #tpu.memory_space<vmem>> -> memref<1x2048x16xf32, #tpu.memory_space<vmem>>
        %dma_start3A_2910 = tpu.memref_squeeze %dma_start3A_2909 : memref<1x2048x16xf32, #tpu.memory_space<vmem>> -> memref<2048x16xf32, #tpu.memory_space<vmem>>
        tpu.enqueue_dma source(%dma_start3A_2910 : memref<2048x16xf32, #tpu.memory_space<vmem>>) target(%dma_start3A_2906 : memref<2048x16xf32, #tpu.memory_space<hbm>>) target_semaphore(%arg12 : memref<!tpu.dma_semaphore, #tpu.memory_space<semaphore_mem>>)
      } else {
      }
    }
    %scan3A_44 = arith.constant 64 : i32
    %dma_wait3A = arith.constant 1 : i32
    %dma_wait3A_45 = arith.constant 0 : i32
    %dma_wait3A_46 = arith.constant 0 : i32
    %dma_wait3A_47 = tpu.memref_slice %arg10[%dma_wait3A, %dma_wait3A_45, %dma_wait3A_46] : memref<2x2048x16xf32, #tpu.memory_space<vmem>> -> memref<1x2048x16xf32, #tpu.memory_space<vmem>>
    %dma_wait3A_48 = tpu.memref_squeeze %dma_wait3A_47 : memref<1x2048x16xf32, #tpu.memory_space<vmem>> -> memref<2048x16xf32, #tpu.memory_space<vmem>>
    %dma_wait3A_49 = arith.constant 0 : i32
    %dma_wait3A_50 = tpu.memref_slice %arg5[%mul3A_34, %dma_wait3A_49] : memref<4194304x16xf32, #tpu.memory_space<hbm>> -> memref<2048x16xf32, #tpu.memory_space<hbm>>
    %dma_wait3A_51 = arith.constant 0 : i32
    %dma_wait3A_52 = arith.constant 0 : i32
    %dma_wait3A_53 = tpu.memref_slice %arg10[%dma_wait3A, %dma_wait3A_51, %dma_wait3A_52] : memref<2x2048x16xf32, #tpu.memory_space<vmem>> -> memref<1x2048x16xf32, #tpu.memory_space<vmem>>
    %dma_wait3A_54 = tpu.memref_squeeze %dma_wait3A_53 : memref<1x2048x16xf32, #tpu.memory_space<vmem>> -> memref<2048x16xf32, #tpu.memory_space<vmem>>
    %dma_wait3A_55 = arith.constant 0 : i32
    %dma_wait3A_56 = tpu.memref_slice %arg5[%mul3A_34, %dma_wait3A_55] : memref<4194304x16xf32, #tpu.memory_space<hbm>> -> memref<2048x16xf32, #tpu.memory_space<hbm>>
    tpu.wait_dma2 semaphore(%arg11 : memref<!tpu.dma_semaphore, #tpu.memory_space<semaphore_mem>>) src(%dma_wait3A_56 : memref<2048x16xf32, #tpu.memory_space<hbm>>) dst(%dma_wait3A_54 : memref<2048x16xf32, #tpu.memory_space<vmem>>)
    %add3A_57 = arith.constant 129024 : i32
    %add3A_58 = arith.addi %mul3A_34, %add3A_57 : i32
    %dma_start3A = arith.constant 1 : i32
    %dma_start3A_59 = arith.constant 0 : i32
    %dma_start3A_60 = arith.constant 0 : i32
    %dma_start3A_61 = tpu.memref_slice %arg10[%dma_start3A, %dma_start3A_59, %dma_start3A_60] : memref<2x2048x16xf32, #tpu.memory_space<vmem>> -> memref<1x2048x16xf32, #tpu.memory_space<vmem>>
    %dma_start3A_62 = tpu.memref_squeeze %dma_start3A_61 : memref<1x2048x16xf32, #tpu.memory_space<vmem>> -> memref<2048x16xf32, #tpu.memory_space<vmem>>
    %dma_start3A_63 = arith.constant 0 : i32
    %dma_start3A_64 = tpu.memref_slice %arg5[%add3A_58, %dma_start3A_63] : memref<4194304x16xf32, #tpu.memory_space<hbm>> -> memref<2048x16xf32, #tpu.memory_space<hbm>>
    %dma_start3A_65 = arith.constant 0 : i32
    %dma_start3A_66 = tpu.memref_slice %arg5[%add3A_58, %dma_start3A_65] : memref<4194304x16xf32, #tpu.memory_space<hbm>> -> memref<2048x16xf32, #tpu.memory_space<hbm>>
    %dma_start3A_67 = arith.constant 0 : i32
    %dma_start3A_68 = arith.constant 0 : i32
    %dma_start3A_69 = tpu.memref_slice %arg10[%dma_start3A, %dma_start3A_67, %dma_start3A_68] : memref<2x2048x16xf32, #tpu.memory_space<vmem>> -> memref<1x2048x16xf32, #tpu.memory_space<vmem>>
    %dma_start3A_70 = tpu.memref_squeeze %dma_start3A_69 : memref<1x2048x16xf32, #tpu.memory_space<vmem>> -> memref<2048x16xf32, #tpu.memory_space<vmem>>
    tpu.enqueue_dma source(%dma_start3A_70 : memref<2048x16xf32, #tpu.memory_space<vmem>>) target(%dma_start3A_66 : memref<2048x16xf32, #tpu.memory_space<hbm>>) target_semaphore(%arg12 : memref<!tpu.dma_semaphore, #tpu.memory_space<semaphore_mem>>)
    %dma_wait3A_71 = arith.constant 0 : i32
    %dma_wait3A_72 = arith.constant 0 : i32
    %dma_wait3A_73 = arith.constant 0 : i32
    %dma_wait3A_74 = tpu.memref_slice %arg10[%dma_wait3A_71, %dma_wait3A_72, %dma_wait3A_73] : memref<2x2048x16xf32, #tpu.memory_space<vmem>> -> memref<1x2048x16xf32, #tpu.memory_space<vmem>>
    %dma_wait3A_75 = tpu.memref_squeeze %dma_wait3A_74 : memref<1x2048x16xf32, #tpu.memory_space<vmem>> -> memref<2048x16xf32, #tpu.memory_space<vmem>>
    %dma_wait3A_76 = arith.constant 0 : i32
    %dma_wait3A_77 = tpu.memref_slice %arg5[%mul3A_34, %dma_wait3A_76] : memref<4194304x16xf32, #tpu.memory_space<hbm>> -> memref<2048x16xf32, #tpu.memory_space<hbm>>
    %dma_wait3A_78 = arith.constant 0 : i32
    %dma_wait3A_79 = tpu.memref_slice %arg5[%mul3A_34, %dma_wait3A_78] : memref<4194304x16xf32, #tpu.memory_space<hbm>> -> memref<2048x16xf32, #tpu.memory_space<hbm>>
    %dma_wait3A_80 = arith.constant 0 : i32
    %dma_wait3A_81 = arith.constant 0 : i32
    %dma_wait3A_82 = tpu.memref_slice %arg10[%dma_wait3A_71, %dma_wait3A_80, %dma_wait3A_81] : memref<2x2048x16xf32, #tpu.memory_space<vmem>> -> memref<1x2048x16xf32, #tpu.memory_space<vmem>>
    %dma_wait3A_83 = tpu.memref_squeeze %dma_wait3A_82 : memref<1x2048x16xf32, #tpu.memory_space<vmem>> -> memref<2048x16xf32, #tpu.memory_space<vmem>>
    tpu.wait_dma2 semaphore(%arg12 : memref<!tpu.dma_semaphore, #tpu.memory_space<semaphore_mem>>) src(%dma_wait3A_83 : memref<2048x16xf32, #tpu.memory_space<vmem>>) dst(%dma_wait3A_79 : memref<2048x16xf32, #tpu.memory_space<hbm>>)
    %dma_wait3A_84 = arith.constant 1 : i32
    %dma_wait3A_85 = arith.constant 0 : i32
    %dma_wait3A_86 = arith.constant 0 : i32
    %dma_wait3A_87 = tpu.memref_slice %arg10[%dma_wait3A_84, %dma_wait3A_85, %dma_wait3A_86] : memref<2x2048x16xf32, #tpu.memory_space<vmem>> -> memref<1x2048x16xf32, #tpu.memory_space<vmem>>
    %dma_wait3A_88 = tpu.memref_squeeze %dma_wait3A_87 : memref<1x2048x16xf32, #tpu.memory_space<vmem>> -> memref<2048x16xf32, #tpu.memory_space<vmem>>
    %dma_wait3A_89 = arith.constant 0 : i32
    %dma_wait3A_90 = tpu.memref_slice %arg5[%mul3A_34, %dma_wait3A_89] : memref<4194304x16xf32, #tpu.memory_space<hbm>> -> memref<2048x16xf32, #tpu.memory_space<hbm>>
    %dma_wait3A_91 = arith.constant 0 : i32
    %dma_wait3A_92 = tpu.memref_slice %arg5[%mul3A_34, %dma_wait3A_91] : memref<4194304x16xf32, #tpu.memory_space<hbm>> -> memref<2048x16xf32, #tpu.memory_space<hbm>>
    %dma_wait3A_93 = arith.constant 0 : i32
    %dma_wait3A_94 = arith.constant 0 : i32
    %dma_wait3A_95 = tpu.memref_slice %arg10[%dma_wait3A_84, %dma_wait3A_93, %dma_wait3A_94] : memref<2x2048x16xf32, #tpu.memory_space<vmem>> -> memref<1x2048x16xf32, #tpu.memory_space<vmem>>
    %dma_wait3A_96 = tpu.memref_squeeze %dma_wait3A_95 : memref<1x2048x16xf32, #tpu.memory_space<vmem>> -> memref<2048x16xf32, #tpu.memory_space<vmem>>
    tpu.wait_dma2 semaphore(%arg12 : memref<!tpu.dma_semaphore, #tpu.memory_space<semaphore_mem>>) src(%dma_wait3A_96 : memref<2048x16xf32, #tpu.memory_space<vmem>>) dst(%dma_wait3A_92 : memref<2048x16xf32, #tpu.memory_space<hbm>>)
    return
  }
}

</mosaic_0001>

<sc_bundles>
// kernel: _run.3.cloned.1.call-start
scs
__scs_entry_jumppad:
0x0: {  	(pc) =	sbr.rel $0x88, $3  }
0x1: {  	(tag) =	ssettag $0x0;
	lr =	simm.s32 $0x1  }
0x2: {  	[smem:$0x3F9E] =	sst lr;
	_ =	strace $0xD0000000  }
0x3: {  	_ = 	snop  }
0x4: {  	_ = 	snop  }
0x5: {  	_ = 	snop  }
0x6: {  	_ = 	snop  }
0x7: {  	_ = 	snop  }
__scs_overlays_trampoline_lowered:
0x8: {  	[smem:$0x3FAD] =	sst s0  }
0x9: {  	[smem:$0x3FAE] =	sst s1  }
0xa: {  	[smem:$0x3FAF] =	sst s2  }
0xb: {  	[smem:$0x3FB0] =	sst s3  }
0xc: {  	[smem:$0x3FB1] =	sst s4  }
0xd: {  	[smem:$0x3FB2] =	sst s5  }
0xe: {  	[smem:$0x3FB3] =	sst s6  }
0xf: {  	[smem:$0x3FB4] =	sst s7  }
0x10: {  	[smem:$0x3FB5] =	sst s8  }
0x11: {  	[smem:$0x3FB6] =	sst s9;
	s0 =	simm.s32 @!p0 $0x0  }
0x12: {  	s1 =	sld [smem:$0x3F9C];
	s0 =	simm.s32 @p0 $0x1  }
0x13: {  	[smem:$0x3FB7] =	sst s0;
	s0 =	simm.s32 @!p1 $0x0  }
0x14: {  	s2 =	sld [smem:$0x3F9B];
	s0 =	simm.s32 @p1 $0x1  }
0x15: {  	[smem:$0x3FB8] =	sst s0;
	s0 =	simm.s32 @!p2 $0x0  }
0x16: {  	s3 =	sld [smem:$0x3FDB];
	s0 =	simm.s32 @p2 $0x1  }
0x17: {  	s4 =	simm.s32 $0x1BF5;
	[smem:$0x3FBA] =	sst s0  }
0x18: {  	s0 =	sld [smem:$0x3F9D];
	_ =	swait.ge [sflag:s4], $0x0  }
0x19: {  	s7 =	sld [smem:$0x3F9E]  }
0x1a: {  	s8 =	sadd.s32 $0xFFFFE003, lr  }
0x1b: {  	s9 =	sadd.s32 $0xFFFFFEF7, lr;
	s5 =	simm.s32 $0xFFFFFFFF;
	p2 =	slt.u32 s8, $0xFFFFF086  }
0x1c: {  	p1 =	slt.u32 s9, $0xF7A;
	s5 =	simm.s32 @!p2 $0x0  }
0x1d: {  	s5 =	simm.s32 @p1 $0x1;
	p0 =	seq.s32 s7, s2  }
0x1e: {  	s7 =	smul.u32 @!p0 $0xF7A, s2;
	p2 =	seq.s32 @!p0 s5, $0x0  }
0x1f: {  	s9 =	smul.u32 $0xF7A, s1;
	s8 =	simm.s32 @!p0 $0x1BF5;
	p2 =	por !p2, p0  }
0x20: {  	[sflag:s8] =	ssyncset.s32 @!p0 $0xFFFFF086;
	s6 =	sadd.s32 @!p0 s3, s7;
	s7 =	simm.s32 @!p0 $0x108  }
0x21: {  	s3 =	sadd.s32 s3, s9;
	s6 =	sadd.s32 @!p0 $0x88, s6;
	s7 =	simm.s32 @p2 $0x1082  }
0x22: {  	[simem:s7], [sflag:s8] =	dma.local @!p0 [hbm:s6], $0xF7A  }
0x23: {  	s9 =	sor.u32 $0xD0000000, s2;
	s6 =	simm.s32 $0x108;
	_ =	swait.ge @!p0 [sflag:s8], $0x0  }
0x24: {  	s3 =	sadd.s32 $0x88, s3;
	s6 =	simm.s32 @!p1 $0x1082;
	[sflag:s4] =	ssyncset.s32 $0xFFFFF086  }
0x25: {  	[simem:s6], [sflag:s4] =	dma.local [hbm:s3], $0xF7A  }
0x26: {  	[smem:$0x3F9E] =	sst s1;
	(tag) =	ssettag s2;
	_ =	strace s9  }
0x27: {  	s1 =	sld [smem:$0x3FAE]  }
0x28: {  	s2 =	sld [smem:$0x3FAF]  }
0x29: {  	s4 =	sld [smem:$0x3FB1]  }
0x2a: {  	p0 =	seq.s32 s5, $0x0;
	s5 =	sld [smem:$0x3FB2]  }
0x2b: {  	s6 =	sld [smem:$0x3FB3]  }
0x2c: {  	s7 =	sld [smem:$0x3FB4]  }
0x2d: {  	s3 =	simm.s32 $0x108;
	s8 =	sld [smem:$0x3FB5]  }
0x2e: {  	s3 =	simm.s32 @!p0 $0x1082;
	s9 =	sld [smem:$0x3FB6]  }
0x2f: {  	lr =	sadd.s32 s0, s3;
	s0 =	sld [smem:$0x3FAD]  }
0x30: {  	s3 =	sld [smem:$0x3FB0]  }
0x31: {  	[smem:$0x3FB9] =	sst s10  }
0x32: {  	s10 =	sld [smem:$0x3FB7];
	_ =	sdelay $0x3  }
0x33: {  	p0 =	seq.s32 s10, $0x1;
	s10 =	sld [smem:$0x3FB9];
	_ =	sdelay $0x3  }
0x34: {  	[smem:$0x3FB9] =	sst s10  }
0x35: {  	s10 =	sld [smem:$0x3FB8];
	_ =	sdelay $0x3  }
0x36: {  	p1 =	seq.s32 s10, $0x1;
	s10 =	sld [smem:$0x3FB9];
	_ =	sdelay $0x3  }
0x37: {  	[smem:$0x3FB9] =	sst s10  }
0x38: {  	s10 =	sld [smem:$0x3FBA]  }
0x39: {  	_ = 	snop;
	(pc) =	sbr.ind lr, $3  }
0x3a: {  	_ = 	snop  }
0x3b: {  	_ = 	snop  }
0x3c: {  	p2 =	seq.s32 s10, $0x1;
	s10 =	sld [smem:$0x3FB9]  }
0x3d: {  	_ =	shalt  }
0x3e: {  	_ =	shalt  }
0x3f: {  	_ =	shalt  }
0x40: {  	_ =	shalt  }
0x41: {  	_ =	shalt  }
0x42: {  	_ =	shalt  }
0x43: {  	_ =	shalt  }
0x44: {  	_ =	shalt  }
0x45: {  	_ =	shalt  }
0x46: {  	_ =	shalt  }
0x47: {  	_ =	shalt  }
0x48: {  	_ =	shalt  }
0x49: {  	_ =	shalt  }
0x4a: {  	_ =	shalt  }
0x4b: {  	_ =	shalt  }
0x4c: {  	_ =	shalt  }
0x4d: {  	_ =	shalt  }
0x4e: {  	_ =	shalt  }
0x4f: {  	_ =	shalt  }
0x50: {  	_ =	shalt  }
0x51: {  	_ =	shalt  }
0x52: {  	_ =	shalt  }
0x53: {  	_ =	shalt  }
0x54: {  	_ =	shalt  }
0x55: {  	_ =	shalt  }
0x56: {  	_ =	shalt  }
0x57: {  	_ =	shalt  }
0x58: {  	_ =	shalt  }
0x59: {  	_ =	shalt  }
0x5a: {  	_ =	shalt  }
0x5b: {  	_ =	shalt  }
0x5c: {  	_ =	shalt  }
0x5d: {  	_ =	shalt  }
0x5e: {  	_ =	shalt  }
0x5f: {  	_ =	shalt  }
0x60: {  	_ =	shalt  }
0x61: {  	_ =	shalt  }
0x62: {  	_ =	shalt  }
0x63: {  	_ =	shalt  }
0x64: {  	_ =	shalt  }
0x65: {  	_ =	shalt  }
0x66: {  	_ =	shalt  }
0x67: {  	_ =	shalt  }
0x68: {  	_ =	shalt  }
0x69: {  	_ =	shalt  }
0x6a: {  	_ =	shalt  }
0x6b: {  	_ =	shalt  }
0x6c: {  	_ =	shalt  }
0x6d: {  	_ =	shalt  }
0x6e: {  	_ =	shalt  }
0x6f: {  	_ =	shalt  }
0x70: {  	_ =	shalt  }
0x71: {  	_ =	shalt  }
0x72: {  	_ =	shalt  }
0x73: {  	_ =	shalt  }
0x74: {  	_ =	shalt  }
0x75: {  	_ =	shalt  }
0x76: {  	_ =	shalt  }
0x77: {  	_ =	shalt  }
0x78: {  	_ =	shalt  }
0x79: {  	_ =	shalt  }
0x7a: {  	_ =	shalt  }
0x7b: {  	_ =	shalt  }
0x7c: {  	_ =	shalt  }
0x7d: {  	_ =	shalt  }
0x7e: {  	_ =	shalt  }
0x7f: {  	_ =	shalt  }
0x80: {  	_ =	shalt  }
0x81: {  	_ =	shalt  }
0x82: {  	_ =	shalt  }
0x83: {  	_ =	shalt  }
0x84: {  	_ =	shalt  }
0x85: {  	_ =	shalt  }
0x86: {  	_ =	shalt  }
0x87: {  	_ =	shalt  }
.Lfunc_end0:
.L_simem_size_0:
called_computation.1_lowered:
.L_overlay_start_0:
0x88: {  	s2 =	sld [smem:$0x3FD9]  }
0x89: {  	s3 =	sld [smem:$0x3FFE];
	_ =	sdelay $0x1  }
0x8a: {  	s1 =	srdreg.scid  }
0x8b: {  	s0 =	sand.u32 $0x1, s1  }
0x8c: {  	s17 =	sshll.u32 s0, $0xA;
	s2 =	sadd.s32 s3, s2  }
0x8d: {  	s2 =	sadd.s32 s2, s17  }
0x8e: {  	[smem:$0x3FC5] =	sst s2  }
0x8f: {  	_ = 	snop  }
0x90: {  	s2 =	sld [smem:$0x3FC9]  }
0x91: {  	s18 =	sld [smem:$0x3FD0];
	(tm) =	ssettm $0x1  }
0x92: {  	s4 =	sld [smem:$0x3FFB];
	_ =	sdelay $0x3  }
0x93: {  	_ =	strace s4  }
0x94: {  	s4 =	sld [smem:$0x3FFC];
	_ =	sdelay $0x3  }
0x95: {  	_ =	strace s4  }
0x96: {  	s4 =	sld [smem:$0x3FFD];
	_ =	sdelay $0x3  }
0x97: {  	_ =	strace s4  }
0x98: {  	_ =	strace $0x8FFFFFFF  }
0x99: {  	s19 =	sld [smem:$0x3FDB];
	_ =	sdelay $0x1  }
0x9a: {  	s5 =	simm.s32 $_scs_section_size  }
0x9b: {  	s6 =	simm.s32 $_size__tile_overlayer_lowered;
	s7 =	simm.s32 $_tile_overlayer_lowered  }
0x9c: {  	s22 =	simm.s32 $0x1BFF;
	s21 =	sshll.u32 s7, $0x1;
	s4 =	sadd.s32 s5, s19  }
0x9d: {  	s8 =	simm.s32 $0x0;
	s20 =	sshll.u32 s6, $0x1;
	s6 =	sadd.s32 s21, s4  }
0x9e: {  	[timem:s8], [sflag:s22] =	dma.local [hbm:s6], s20  }
0x9f: {  	_ =	swait.ge [sflag:s22], s20  }
0xa0: {  	s5 =	ssub.s32 $0x0, s20;
	[sflag:s22] =	ssyncset.done $0x0  }
0xa1: {  	[sflag:s22] =	ssyncadd.s32 s5;
	_ =	sdelay $0x1  }
0xa2: {  	s23 =	simm.s32 $0x1B8B  }
0xa3: {  	_ =	swait.ge [sflag:s23], $0x1  }
0xa4: {  	[sflag:s23] =	ssyncset.done $0x0  }
0xa5: {  	s25 =	simm.s32 $0x1B8E;
	s24 =	sld [smem:$0x3FFE];
	[sflag:s23] =	ssyncadd.s32 $0xFFFFFFFF  }
0xa6: {  	s26 =	simm.s32 $execute0_lowered;
	[smem:$0x3FD2] =	sst s25  }
0xa7: {  	s6 =	sshll.u32 s26, $0x1;
	_ =	strace $0x80000046;
	[dreg:$0x1] =	wrdreg $0xFFFFFFFF  }
0xa8: {  	s28 =	simm.s32 $_size_execute0_lowered;
	s4 =	sadd.s32 s4, s6;
	[dreg:$0x0] =	wrdreg $0x0  }
0xa9: {  	s6 =	sshll.u32 s28, $0x1;
	[dreg:$0x2] =	wrdreg s4  }
0xaa: {  	[dreg:$0x3] =	wrdreg s6  }
0xab: {  	[dreg:$0x4] =	wrdreg $0xC0  }
0xac: {  	_ =	task [dreg:s8], $0x5FFFF  }
0xad: {  	[dreg:$0x1] =	wrdreg $0xFFFFFFFF  }
0xae: {  	[dreg:$0x0] =	wrdreg $0x60  }
0xaf: {  	[dreg:$0x2] =	wrdreg s2  }
0xb0: {  	[dreg:$0x3] =	wrdreg s24  }
0xb1: {  	[dreg:$0x4] =	wrdreg s18  }
0xb2: {  	[dreg:$0x5] =	wrdreg $0x3100  }
0xb3: {  	[dreg:$0x6] =	wrdreg $0x9  }
0xb4: {  	_ =	task.clear_ibuf [dreg:s8], $0x7FFFF;
	_ =	strace $0x90000046  }
0xb5: {  	s29 =	simm.s32 $0x9;
	_ =	strace $0x80000048  }
0xb6: {  	_ =	swait.ge [sflag:s29], $0x1  }
0xb7: {  	[sflag:s29] =	ssyncadd.s32 $0xFFFFFFFF  }
0xb8: {  	_ =	strace $0x90000048  }
0xb9: {  	_ =	sfence  }
0xba: {  	s30 =	sld [smem:$0x0];
	_ =	sdelay $0x2  }
0xbb: {  	s31 =	sshll.u32 s1, $0xD;
	s1 =	sshrl.u32 s1, $0x2  }
0xbc: {  	s3 =	sand.u32 $0x4000, s31;
	s1 =	sadd.s32 s1, s30  }
0xbd: {  	s0 =	sor.u32 s3, s0;
	s1 =	sshll.u32 s1, $0x11  }
0xbe: {  	s0 =	sor.u32 s1, s0  }
0xbf: {  	s0 =	sadd.s32 $0x8F2B, s0  }
0xc0: {  	[sflag:s0] =	ssyncadd.remote.s32 $0x1  }
0xc1: {  	_ =	sfence.sel $0xFFFF  }
0xc2: {  	[dreg:$0x0] =	wrdreg $0xFFFFFFFF;
	(pc) =	sbr.abs _section_cstart, $3  }
0xc3: {  	[dreg:$0x1] =	wrdreg $0xFFFFFFFF  }
0xc4: {  	_ =	task.clear_ibuf [dreg:s8], $0x2FFFF;
	_ =	strace $0x9FFFFFFF  }
0xc5: {  	(tm) =	ssettm $0x7FFFFFFF  }
tec
execute0_lowered:
.L_overlay_start_1:
0x0: {  	(tag) =	ssettag $0x1  }
0x1: {  	s7 =	rddreg [dreg:$0x0]  }
0x2: {  	s5 =	rddreg [dreg:$0x1]  }
0x3: {  	s0 =	srdreg.scid;
	s2 =	rddreg [dreg:$0x3]  }
0x4: {  	s11 =	stileid.u32;
	s4 =	simm.s32 $0x1;
	s1 =	rddreg [dreg:$0x4]  }
0x5: {  	s3 =	simm.s32 $0x0;
	s14 =	simm.s32 $0x80;
	s15 =	simm.s32 $0xA310  }
0x6: {  	s16 =	simm.s32 $0x2;
	s17 =	simm.s32 $0x0;
	s8 =	sand.u32 $0x1, s0  }
0x7: {  	s6 =	sand.u32 $0x7, s11;
	[smem:$0x7FF] =	sst s3;
	s0 =	sshll.u32 s8, $0x4  }
0x8: {  	s31 =	sshll.u32 s11, $0x15;
	p1 =	sne.s32 s6, $0x0;
	s9 =	sor.u32 s11, s0  }
0x9: {  	s12 =	ssub.s32 $0x2, s8;
	s6 =	sshll.u32 s6, $0x5;
	p0 =	seq.s32 s9, $0x0  }
0xa: {  	s30 =	sshll.u32 s8, $0x19;
	s0 =	rddreg [dreg:$0x2];
	p0 =	por !p1, !p0  }
0xb: {  	_ =	strace $0x80000047;
	s13 =	sshrl.u32 s12, $0x1;
	p0 =	por !p0, !p0  }
0xc: {  	s10 =	sshrl.u32 s9, $0x3;
	s9 =	sshll.u32 s9, $0x12;
	s4 =	simm.s32 @!p0 $0x0  }
0xd: {  	s6 =	sadd.s32 s7, s6;
	s9 =	sadd.s32 s9, s0;
	s4 =	ssub.s32 s10, s4  }
0xe: {  	s12 =	ssub.s32 s12, s13;
	s8 =	sadd.s32 $0x3F000, s9;
	s4 =	sshll.u32 s4, $0x6  }
0xf: {  	s9 =	smax.u32 s12, $0x1;
	s12 =	simm.s32 $0x110;
	s29 =	sand.u32 $0x1FFFFFC0, s4  }
0x10: {  	p0 =	sne.s32 s11, $0x0;
	s11 =	simm.s32 $0x3;
	s10 =	sadd.s32 s29, s5  }
0x11: {  	s13 =	sshrl.u32 @!p0 s2, $0x3;
	s7 =	sadd.s32 $0x800, s10;
	s10 =	sor.u32 s31, s30  }
0x12: {  	s4 =	simm.s32 $0x1;
	s5 =	sadd.s32 $0xA00, s5;
	s10 =	sadd.s32 $0xFFFF8000, s10  }
.LBB2_1:
0x13: {  	[tilespmem:s3], [sflag:$0x3] =	stream.linear.gather [hbm4b:s6+s3], $0x100, $0x38;
	[tilespmem:$0x12310] =	vst v63  }
0x14: {  	_ =	swait.ge [sflag:s11], $0x100  }
0x15: {  	[sflag:s11] =	ssyncset.done $0x0  }
0x16: {  	[sflag:s11] =	ssyncadd.s32 $0xFFFFFF00  }
0x17: {  	[tilespmem:s12], [sflag:$0x3] =	stream.linear.gather [hbm4b:s7+s3], $0x200, $0x38;
	[tilespmem:$0x12310] =	vst v63  }
0x18: {  	_ =	swait.ge [sflag:s11], $0x200  }
0x19: {  	[sflag:s11] =	ssyncset.done $0x0  }
0x1a: {  	s18 =	simm.s32 @!p0 $0x1C03;
	[sflag:s11] =	ssyncadd.s32 $0xFFFFFE00  }
0x1b: {  	[spmem:s13], [sflag:s18] =	dma.local @!p0 [hbm:s5], $0x1FFE  }
0x1c: {  	s18 =	simm.s32 @!p0 $0x3  }
0x1d: {  	_ =	swait.ge @!p0 [sflag:s18], $0x1FFE  }
0x1e: {  	[sflag:s18] =	ssyncset.done @!p0 $0x0  }
0x1f: {  	s19 =	smov.u32 s10;
	[sflag:s18] =	ssyncadd.s32 @!p0 $0xFFFFE002  }
0x20: {  	s20 =	simm.s32 $0x0;
	s18 =	simm.s32 $0x2;
	[bflag:$0x0] =	sbarrier.arrive $0xFFFF  }
.LBB2_2:
0x21: {  	p1 =	slt.u32 s20, $0x2  }
0x22: {  	s21 =	simm.s32 @!p1 $0x2  }
0x23: {  	_ =	swait.ge @!p1 [sflag:s21], $0x8000  }
0x24: {  	[sflag:s21] =	ssyncset.done @!p1 $0x0  }
0x25: {  	[sflag:s21] =	ssyncadd.s32 @!p1 $0xFFFF8000  }
0x26: {  	v0 =	vld.msk [tilespmem:s18+$0xFFFFFFFE ss:$0x0], $0xffff  }
0x27: {  	v1 =	vld [tilespmem:$0x110];
	_ =	sdelay $0x4  }
0x28: {  	v1 =	vsub.s32 v0, v1  }
0x29: {  	vm0 =	vgt.s32 v1, $0xFFFFF801  }
0x2a: {  	v1 =	vnsel vm0, $0xFFFFF801, v1  }
0x2b: {  	vm0 =	vlt.s32 v1, $0x7FF  }
0x2c: {  	s22 =	sand.u32 $0x1, s20;
	v1 =	vnsel vm0, $0x7FF, v1  }
0x2d: {  	s21 =	sshll.u32 s22, $0xB;
	v1 =	vadd.s32 $0x7FF, v1  }
0x2e: {  	[tilespmem:s21+$0x1310] =	vst v1  }
0x2f: {  	v1 =	vld [tilespmem:$0x120];
	_ =	sdelay $0x4  }
0x30: {  	v1 =	vsub.s32 v0, v1  }
0x31: {  	vm9 =	vgt.s32 v1, $0xFFFFF801  }
0x32: {  	v1 =	vnsel vm9, $0xFFFFF801, v1  }
0x33: {  	vm0 =	vlt.s32 v1, $0x7FF  }
0x34: {  	v1 =	vnsel vm0, $0x7FF, v1  }
0x35: {  	v1 =	vadd.s32 $0x7FF, v1  }
0x36: {  	[tilespmem:s21+$0x1320] =	vst v1  }
0x37: {  	v1 =	vld [tilespmem:$0x130];
	_ =	sdelay $0x4  }
0x38: {  	v1 =	vsub.s32 v0, v1  }
0x39: {  	vm10 =	vgt.s32 v1, $0xFFFFF801  }
0x3a: {  	v1 =	vnsel vm10, $0xFFFFF801, v1  }
0x3b: {  	vm0 =	vlt.s32 v1, $0x7FF  }
0x3c: {  	v1 =	vnsel vm0, $0x7FF, v1  }
0x3d: {  	v1 =	vadd.s32 $0x7FF, v1  }
0x3e: {  	[tilespmem:s21+$0x1330] =	vst v1  }
0x3f: {  	v1 =	vld [tilespmem:$0x140];
	_ =	sdelay $0x4  }
0x40: {  	v1 =	vsub.s32 v0, v1  }
0x41: {  	vm11 =	vgt.s32 v1, $0xFFFFF801  }
0x42: {  	v1 =	vnsel vm11, $0xFFFFF801, v1  }
0x43: {  	vm0 =	vlt.s32 v1, $0x7FF  }
0x44: {  	v1 =	vnsel vm0, $0x7FF, v1  }
0x45: {  	v1 =	vadd.s32 $0x7FF, v1  }
0x46: {  	[tilespmem:s21+$0x1340] =	vst v1  }
0x47: {  	v1 =	vld [tilespmem:$0x150];
	_ =	sdelay $0x4  }
0x48: {  	v1 =	vsub.s32 v0, v1  }
0x49: {  	vm12 =	vgt.s32 v1, $0xFFFFF801  }
0x4a: {  	v1 =	vnsel vm12, $0xFFFFF801, v1  }
0x4b: {  	vm0 =	vlt.s32 v1, $0x7FF  }
0x4c: {  	v1 =	vnsel vm0, $0x7FF, v1  }
0x4d: {  	v1 =	vadd.s32 $0x7FF, v1  }
0x4e: {  	[tilespmem:s21+$0x1350] =	vst v1  }
0x4f: {  	v1 =	vld [tilespmem:$0x160];
	_ =	sdelay $0x4  }
0x50: {  	v1 =	vsub.s32 v0, v1  }
0x51: {  	vm13 =	vgt.s32 v1, $0xFFFFF801  }
0x52: {  	v1 =	vnsel vm13, $0xFFFFF801, v1  }
0x53: {  	vm0 =	vlt.s32 v1, $0x7FF  }
0x54: {  	v1 =	vnsel vm0, $0x7FF, v1  }
0x55: {  	v1 =	vadd.s32 $0x7FF, v1  }
0x56: {  	[tilespmem:s21+$0x1360] =	vst v1  }
0x57: {  	v1 =	vld [tilespmem:$0x170];
	_ =	sdelay $0x4  }
0x58: {  	v1 =	vsub.s32 v0, v1  }
0x59: {  	vm14 =	vgt.s32 v1, $0xFFFFF801  }
0x5a: {  	v1 =	vnsel vm14, $0xFFFFF801, v1  }
0x5b: {  	vm0 =	vlt.s32 v1, $0x7FF  }
0x5c: {  	v1 =	vnsel vm0, $0x7FF, v1  }
0x5d: {  	v1 =	vadd.s32 $0x7FF, v1  }
0x5e: {  	[tilespmem:s21+$0x1370] =	vst v1  }
0x5f: {  	v1 =	vld [tilespmem:$0x180];
	_ =	sdelay $0x4  }
0x60: {  	v1 =	vsub.s32 v0, v1  }
0x61: {  	vm15 =	vgt.s32 v1, $0xFFFFF801  }
0x62: {  	v1 =	vnsel vm15, $0xFFFFF801, v1  }
0x63: {  	vm0 =	vlt.s32 v1, $0x7FF  }
0x64: {  	v1 =	vnsel vm0, $0x7FF, v1  }
0x65: {  	v1 =	vadd.s32 $0x7FF, v1  }
0x66: {  	[tilespmem:s21+$0x1380] =	vst v1  }
0x67: {  	v1 =	vld [tilespmem:$0x190];
	_ =	sdelay $0x4  }
0x68: {  	v1 =	vsub.s32 v0, v1  }
0x69: {  	vm4 =	vgt.s32 v1, $0xFFFFF801  }
0x6a: {  	v1 =	vnsel vm4, $0xFFFFF801, v1  }
0x6b: {  	vm0 =	vlt.s32 v1, $0x7FF  }
0x6c: {  	v1 =	vnsel vm0, $0x7FF, v1  }
0x6d: {  	v1 =	vadd.s32 $0x7FF, v1  }
0x6e: {  	[tilespmem:s21+$0x1390] =	vst v1  }
0x6f: {  	v1 =	vld [tilespmem:$0x1A0];
	_ =	sdelay $0x4  }
0x70: {  	v1 =	vsub.s32 v0, v1  }
0x71: {  	vm5 =	vgt.s32 v1, $0xFFFFF801  }
0x72: {  	v1 =	vnsel vm5, $0xFFFFF801, v1  }
0x73: {  	vm0 =	vlt.s32 v1, $0x7FF  }
0x74: {  	v1 =	vnsel vm0, $0x7FF, v1  }
0x75: {  	v1 =	vadd.s32 $0x7FF, v1  }
0x76: {  	[tilespmem:s21+$0x13A0] =	vst v1  }
0x77: {  	v1 =	vld [tilespmem:$0x1B0];
	_ =	sdelay $0x4  }
0x78: {  	v1 =	vsub.s32 v0, v1  }
0x79: {  	vm6 =	vgt.s32 v1, $0xFFFFF801  }
0x7a: {  	v1 =	vnsel vm6, $0xFFFFF801, v1  }
0x7b: {  	vm0 =	vlt.s32 v1, $0x7FF  }
0x7c: {  	v1 =	vnsel vm0, $0x7FF, v1  }
0x7d: {  	v1 =	vadd.s32 $0x7FF, v1  }
0x7e: {  	[tilespmem:s21+$0x13B0] =	vst v1  }
0x7f: {  	v1 =	vld [tilespmem:$0x1C0];
	_ =	sdelay $0x4  }
0x80: {  	v1 =	vsub.s32 v0, v1  }
0x81: {  	vm7 =	vgt.s32 v1, $0xFFFFF801  }
0x82: {  	v1 =	vnsel vm7, $0xFFFFF801, v1  }
0x83: {  	vm0 =	vlt.s32 v1, $0x7FF  }
0x84: {  	v1 =	vnsel vm0, $0x7FF, v1  }
0x85: {  	v1 =	vadd.s32 $0x7FF, v1  }
0x86: {  	[tilespmem:s21+$0x13C0] =	vst v1  }
0x87: {  	v1 =	vld [tilespmem:$0x1D0];
	_ =	sdelay $0x4  }
0x88: {  	v1 =	vsub.s32 v0, v1  }
0x89: {  	vm8 =	vgt.s32 v1, $0xFFFFF801  }
0x8a: {  	v1 =	vnsel vm8, $0xFFFFF801, v1  }
0x8b: {  	vm0 =	vlt.s32 v1, $0x7FF  }
0x8c: {  	v1 =	vnsel vm0, $0x7FF, v1  }
0x8d: {  	v1 =	vadd.s32 $0x7FF, v1  }
0x8e: {  	[tilespmem:s21+$0x13D0] =	vst v1  }
0x8f: {  	v1 =	vld [tilespmem:$0x1E0];
	_ =	sdelay $0x4  }
0x90: {  	v1 =	vsub.s32 v0, v1  }
0x91: {  	vm9 =	vgt.s32 v1, $0xFFFFF801  }
0x92: {  	v1 =	vnsel vm9, $0xFFFFF801, v1  }
0x93: {  	vm0 =	vlt.s32 v1, $0x7FF  }
0x94: {  	v1 =	vnsel vm0, $0x7FF, v1  }
0x95: {  	v1 =	vadd.s32 $0x7FF, v1  }
0x96: {  	[tilespmem:s21+$0x13E0] =	vst v1  }
0x97: {  	v1 =	vld [tilespmem:$0x1F0];
	_ =	sdelay $0x4  }
0x98: {  	v1 =	vsub.s32 v0, v1  }
0x99: {  	vm10 =	vgt.s32 v1, $0xFFFFF801  }
0x9a: {  	v1 =	vnsel vm10, $0xFFFFF801, v1  }
0x9b: {  	vm0 =	vlt.s32 v1, $0x7FF  }
0x9c: {  	v1 =	vnsel vm0, $0x7FF, v1  }
0x9d: {  	v1 =	vadd.s32 $0x7FF, v1  }
0x9e: {  	[tilespmem:s21+$0x13F0] =	vst v1  }
0x9f: {  	v1 =	vld [tilespmem:$0x200];
	_ =	sdelay $0x4  }
0xa0: {  	v1 =	vsub.s32 v0, v1  }
0xa1: {  	vm11 =	vgt.s32 v1, $0xFFFFF801  }
0xa2: {  	v1 =	vnsel vm11, $0xFFFFF801, v1  }
0xa3: {  	vm0 =	vlt.s32 v1, $0x7FF  }
0xa4: {  	v1 =	vnsel vm0, $0x7FF, v1  }
0xa5: {  	v1 =	vadd.s32 $0x7FF, v1  }
0xa6: {  	[tilespmem:s21+$0x1400] =	vst v1  }
0xa7: {  	v1 =	vld [tilespmem:$0x210];
	_ =	sdelay $0x4  }
0xa8: {  	v1 =	vsub.s32 v0, v1  }
0xa9: {  	vm12 =	vgt.s32 v1, $0xFFFFF801  }
0xaa: {  	v1 =	vnsel vm12, $0xFFFFF801, v1  }
0xab: {  	vm0 =	vlt.s32 v1, $0x7FF  }
0xac: {  	v1 =	vnsel vm0, $0x7FF, v1  }
0xad: {  	v1 =	vadd.s32 $0x7FF, v1  }
0xae: {  	[tilespmem:s21+$0x1410] =	vst v1  }
0xaf: {  	v1 =	vld [tilespmem:$0x220];
	_ =	sdelay $0x4  }
0xb0: {  	v1 =	vsub.s32 v0, v1  }
0xb1: {  	vm13 =	vgt.s32 v1, $0xFFFFF801  }
0xb2: {  	v1 =	vnsel vm13, $0xFFFFF801, v1  }
0xb3: {  	vm0 =	vlt.s32 v1, $0x7FF  }
0xb4: {  	v1 =	vnsel vm0, $0x7FF, v1  }
0xb5: {  	v1 =	vadd.s32 $0x7FF, v1  }
0xb6: {  	[tilespmem:s21+$0x1420] =	vst v1  }
0xb7: {  	v1 =	vld [tilespmem:$0x230];
	_ =	sdelay $0x4  }
0xb8: {  	v1 =	vsub.s32 v0, v1  }
0xb9: {  	vm14 =	vgt.s32 v1, $0xFFFFF801  }
0xba: {  	v1 =	vnsel vm14, $0xFFFFF801, v1  }
0xbb: {  	vm0 =	vlt.s32 v1, $0x7FF  }
0xbc: {  	v1 =	vnsel vm0, $0x7FF, v1  }
0xbd: {  	v1 =	vadd.s32 $0x7FF, v1  }
0xbe: {  	[tilespmem:s21+$0x1430] =	vst v1  }
0xbf: {  	v1 =	vld [tilespmem:$0x240];
	_ =	sdelay $0x4  }
0xc0: {  	v1 =	vsub.s32 v0, v1  }
0xc1: {  	vm15 =	vgt.s32 v1, $0xFFFFF801  }
0xc2: {  	v1 =	vnsel vm15, $0xFFFFF801, v1  }
0xc3: {  	vm0 =	vlt.s32 v1, $0x7FF  }
0xc4: {  	v1 =	vnsel vm0, $0x7FF, v1  }
0xc5: {  	v1 =	vadd.s32 $0x7FF, v1  }
0xc6: {  	[tilespmem:s21+$0x1440] =	vst v1  }
0xc7: {  	v1 =	vld [tilespmem:$0x250];
	_ =	sdelay $0x4  }
0xc8: {  	v1 =	vsub.s32 v0, v1  }
0xc9: {  	vm4 =	vgt.s32 v1, $0xFFFFF801  }
0xca: {  	v1 =	vnsel vm4, $0xFFFFF801, v1  }
0xcb: {  	vm0 =	vlt.s32 v1, $0x7FF  }
0xcc: {  	v1 =	vnsel vm0, $0x7FF, v1  }
0xcd: {  	v1 =	vadd.s32 $0x7FF, v1  }
0xce: {  	[tilespmem:s21+$0x1450] =	vst v1  }
0xcf: {  	v1 =	vld [tilespmem:$0x260];
	_ =	sdelay $0x4  }
0xd0: {  	v1 =	vsub.s32 v0, v1  }
0xd1: {  	vm5 =	vgt.s32 v1, $0xFFFFF801  }
0xd2: {  	v1 =	vnsel vm5, $0xFFFFF801, v1  }
0xd3: {  	vm0 =	vlt.s32 v1, $0x7FF  }
0xd4: {  	v1 =	vnsel vm0, $0x7FF, v1  }
0xd5: {  	v1 =	vadd.s32 $0x7FF, v1  }
0xd6: {  	[tilespmem:s21+$0x1460] =	vst v1  }
0xd7: {  	v1 =	vld [tilespmem:$0x270];
	_ =	sdelay $0x4  }
0xd8: {  	v1 =	vsub.s32 v0, v1  }
0xd9: {  	vm6 =	vgt.s32 v1, $0xFFFFF801  }
0xda: {  	v1 =	vnsel vm6, $0xFFFFF801, v1  }
0xdb: {  	vm0 =	vlt.s32 v1, $0x7FF  }
0xdc: {  	v1 =	vnsel vm0, $0x7FF, v1  }
0xdd: {  	v1 =	vadd.s32 $0x7FF, v1  }
0xde: {  	[tilespmem:s21+$0x1470] =	vst v1  }
0xdf: {  	v1 =	vld [tilespmem:$0x280];
	_ =	sdelay $0x4  }
0xe0: {  	v1 =	vsub.s32 v0, v1  }
0xe1: {  	vm7 =	vgt.s32 v1, $0xFFFFF801  }
0xe2: {  	v1 =	vnsel vm7, $0xFFFFF801, v1  }
0xe3: {  	vm0 =	vlt.s32 v1, $0x7FF  }
0xe4: {  	v1 =	vnsel vm0, $0x7FF, v1  }
0xe5: {  	v1 =	vadd.s32 $0x7FF, v1  }
0xe6: {  	[tilespmem:s21+$0x1480] =	vst v1  }
0xe7: {  	v1 =	vld [tilespmem:$0x290];
	_ =	sdelay $0x4  }
0xe8: {  	v1 =	vsub.s32 v0, v1  }
0xe9: {  	vm8 =	vgt.s32 v1, $0xFFFFF801  }
0xea: {  	v1 =	vnsel vm8, $0xFFFFF801, v1  }
0xeb: {  	vm0 =	vlt.s32 v1, $0x7FF  }
0xec: {  	v1 =	vnsel vm0, $0x7FF, v1  }
0xed: {  	v1 =	vadd.s32 $0x7FF, v1  }
0xee: {  	[tilespmem:s21+$0x1490] =	vst v1  }
0xef: {  	v1 =	vld [tilespmem:$0x2A0];
	_ =	sdelay $0x4  }
0xf0: {  	v1 =	vsub.s32 v0, v1  }
0xf1: {  	vm9 =	vgt.s32 v1, $0xFFFFF801  }
0xf2: {  	v1 =	vnsel vm9, $0xFFFFF801, v1  }
0xf3: {  	vm0 =	vlt.s32 v1, $0x7FF  }
0xf4: {  	v1 =	vnsel vm0, $0x7FF, v1  }
0xf5: {  	v1 =	vadd.s32 $0x7FF, v1  }
0xf6: {  	[tilespmem:s21+$0x14A0] =	vst v1  }
0xf7: {  	v1 =	vld [tilespmem:$0x2B0];
	_ =	sdelay $0x4  }
0xf8: {  	v1 =	vsub.s32 v0, v1  }
0xf9: {  	vm10 =	vgt.s32 v1, $0xFFFFF801  }
0xfa: {  	v1 =	vnsel vm10, $0xFFFFF801, v1  }
0xfb: {  	vm0 =	vlt.s32 v1, $0x7FF  }
0xfc: {  	v1 =	vnsel vm0, $0x7FF, v1  }
0xfd: {  	v1 =	vadd.s32 $0x7FF, v1  }
0xfe: {  	[tilespmem:s21+$0x14B0] =	vst v1  }
0xff: {  	v1 =	vld [tilespmem:$0x2C0];
	_ =	sdelay $0x4  }
0x100: {  	v1 =	vsub.s32 v0, v1  }
0x101: {  	vm11 =	vgt.s32 v1, $0xFFFFF801  }
0x102: {  	v1 =	vnsel vm11, $0xFFFFF801, v1  }
0x103: {  	vm0 =	vlt.s32 v1, $0x7FF  }
0x104: {  	v1 =	vnsel vm0, $0x7FF, v1  }
0x105: {  	v1 =	vadd.s32 $0x7FF, v1  }
0x106: {  	[tilespmem:s21+$0x14C0] =	vst v1  }
0x107: {  	v1 =	vld [tilespmem:$0x2D0];
	_ =	sdelay $0x4  }
0x108: {  	v1 =	vsub.s32 v0, v1  }
0x109: {  	vm12 =	vgt.s32 v1, $0xFFFFF801  }
0x10a: {  	v1 =	vnsel vm12, $0xFFFFF801, v1  }
0x10b: {  	vm0 =	vlt.s32 v1, $0x7FF  }
0x10c: {  	v1 =	vnsel vm0, $0x7FF, v1  }
0x10d: {  	v1 =	vadd.s32 $0x7FF, v1  }
0x10e: {  	[tilespmem:s21+$0x14D0] =	vst v1  }
0x10f: {  	v1 =	vld [tilespmem:$0x2E0];
	_ =	sdelay $0x4  }
0x110: {  	v1 =	vsub.s32 v0, v1  }
0x111: {  	vm13 =	vgt.s32 v1, $0xFFFFF801  }
0x112: {  	v1 =	vnsel vm13, $0xFFFFF801, v1  }
0x113: {  	vm0 =	vlt.s32 v1, $0x7FF  }
0x114: {  	v1 =	vnsel vm0, $0x7FF, v1  }
0x115: {  	v1 =	vadd.s32 $0x7FF, v1  }
0x116: {  	[tilespmem:s21+$0x14E0] =	vst v1  }
0x117: {  	v1 =	vld [tilespmem:$0x2F0];
	_ =	sdelay $0x4  }
0x118: {  	v1 =	vsub.s32 v0, v1  }
0x119: {  	vm14 =	vgt.s32 v1, $0xFFFFF801  }
0x11a: {  	v1 =	vnsel vm14, $0xFFFFF801, v1  }
0x11b: {  	vm0 =	vlt.s32 v1, $0x7FF  }
0x11c: {  	v1 =	vnsel vm0, $0x7FF, v1  }
0x11d: {  	v1 =	vadd.s32 $0x7FF, v1  }
0x11e: {  	[tilespmem:s21+$0x14F0] =	vst v1  }
0x11f: {  	v1 =	vld [tilespmem:$0x300];
	_ =	sdelay $0x4  }
0x120: {  	v0 =	vsub.s32 v0, v1  }
0x121: {  	vm15 =	vgt.s32 v0, $0xFFFFF801  }
0x122: {  	v0 =	vnsel vm15, $0xFFFFF801, v0  }
0x123: {  	vm0 =	vlt.s32 v0, $0x7FF  }
0x124: {  	v0 =	vnsel vm0, $0x7FF, v0  }
0x125: {  	v0 =	vadd.s32 $0x7FF, v0  }
0x126: {  	[tilespmem:s21+$0x1500] =	vst v0  }
0x127: {  	v0 =	vld.msk [tilespmem:s18+$0xFFFFFFFF ss:$0x0], $0xffff  }
0x128: {  	v61 =	vld [tilespmem:$0x110];
	_ =	sdelay $0x4  }
0x129: {  	v1 =	vsub.s32 v0, v61  }
0x12a: {  	vm4 =	vgt.s32 v1, $0xFFFFF801  }
0x12b: {  	v1 =	vnsel vm4, $0xFFFFF801, v1  }
0x12c: {  	vm0 =	vlt.s32 v1, $0x7FF  }
0x12d: {  	v1 =	vnsel vm0, $0x7FF, v1  }
0x12e: {  	v1 =	vadd.s32 $0x7FF, v1  }
0x12f: {  	[tilespmem:s21+$0x1510] =	vst v1  }
0x130: {  	v1 =	vld [tilespmem:$0x120];
	_ =	sdelay $0x4  }
0x131: {  	v1 =	vsub.s32 v0, v1  }
0x132: {  	vm5 =	vgt.s32 v1, $0xFFFFF801  }
0x133: {  	v1 =	vnsel vm5, $0xFFFFF801, v1  }
0x134: {  	vm0 =	vlt.s32 v1, $0x7FF  }
0x135: {  	v1 =	vnsel vm0, $0x7FF, v1  }
0x136: {  	v1 =	vadd.s32 $0x7FF, v1  }
0x137: {  	[tilespmem:s21+$0x1520] =	vst v1  }
0x138: {  	v1 =	vld [tilespmem:$0x130];
	_ =	sdelay $0x4  }
0x139: {  	v1 =	vsub.s32 v0, v1  }
0x13a: {  	vm6 =	vgt.s32 v1, $0xFFFFF801  }
0x13b: {  	v1 =	vnsel vm6, $0xFFFFF801, v1  }
0x13c: {  	vm0 =	vlt.s32 v1, $0x7FF  }
0x13d: {  	v1 =	vnsel vm0, $0x7FF, v1  }
0x13e: {  	v1 =	vadd.s32 $0x7FF, v1  }
0x13f: {  	[tilespmem:s21+$0x1530] =	vst v1  }
0x140: {  	v1 =	vld [tilespmem:$0x140];
	_ =	sdelay $0x4  }
0x141: {  	v1 =	vsub.s32 v0, v1  }
0x142: {  	vm7 =	vgt.s32 v1, $0xFFFFF801  }
0x143: {  	v1 =	vnsel vm7, $0xFFFFF801, v1  }
0x144: {  	vm0 =	vlt.s32 v1, $0x7FF  }
0x145: {  	v1 =	vnsel vm0, $0x7FF, v1  }
0x146: {  	v1 =	vadd.s32 $0x7FF, v1  }
0x147: {  	[tilespmem:s21+$0x1540] =	vst v1  }
0x148: {  	v1 =	vld [tilespmem:$0x150];
	_ =	sdelay $0x4  }
0x149: {  	v1 =	vsub.s32 v0, v1  }
0x14a: {  	vm8 =	vgt.s32 v1, $0xFFFFF801  }
0x14b: {  	v1 =	vnsel vm8, $0xFFFFF801, v1  }
0x14c: {  	vm0 =	vlt.s32 v1, $0x7FF  }
0x14d: {  	v1 =	vnsel vm0, $0x7FF, v1  }
0x14e: {  	v1 =	vadd.s32 $0x7FF, v1  }
0x14f: {  	[tilespmem:s21+$0x1550] =	vst v1  }
0x150: {  	v1 =	vld [tilespmem:$0x160];
	_ =	sdelay $0x4  }
0x151: {  	v1 =	vsub.s32 v0, v1  }
0x152: {  	vm9 =	vgt.s32 v1, $0xFFFFF801  }
0x153: {  	v1 =	vnsel vm9, $0xFFFFF801, v1  }
0x154: {  	vm0 =	vlt.s32 v1, $0x7FF  }
0x155: {  	v1 =	vnsel vm0, $0x7FF, v1  }
0x156: {  	v1 =	vadd.s32 $0x7FF, v1  }
0x157: {  	[tilespmem:s21+$0x1560] =	vst v1  }
0x158: {  	v1 =	vld [tilespmem:$0x170];
	_ =	sdelay $0x4  }
0x159: {  	v1 =	vsub.s32 v0, v1  }
0x15a: {  	vm10 =	vgt.s32 v1, $0xFFFFF801  }
0x15b: {  	v1 =	vnsel vm10, $0xFFFFF801, v1  }
0x15c: {  	vm0 =	vlt.s32 v1, $0x7FF  }
0x15d: {  	v1 =	vnsel vm0, $0x7FF, v1  }
0x15e: {  	v1 =	vadd.s32 $0x7FF, v1  }
0x15f: {  	[tilespmem:s21+$0x1570] =	vst v1  }
0x160: {  	v1 =	vld [tilespmem:$0x180];
	_ =	sdelay $0x4  }
0x161: {  	v1 =	vsub.s32 v0, v1  }
0x162: {  	vm11 =	vgt.s32 v1, $0xFFFFF801  }
0x163: {  	v1 =	vnsel vm11, $0xFFFFF801, v1  }
0x164: {  	vm0 =	vlt.s32 v1, $0x7FF  }
0x165: {  	v1 =	vnsel vm0, $0x7FF, v1  }
0x166: {  	v1 =	vadd.s32 $0x7FF, v1  }
0x167: {  	[tilespmem:s21+$0x1580] =	vst v1  }
0x168: {  	v1 =	vld [tilespmem:$0x190];
	_ =	sdelay $0x4  }
0x169: {  	v1 =	vsub.s32 v0, v1  }
0x16a: {  	vm12 =	vgt.s32 v1, $0xFFFFF801  }
0x16b: {  	v1 =	vnsel vm12, $0xFFFFF801, v1  }
0x16c: {  	vm0 =	vlt.s32 v1, $0x7FF  }
0x16d: {  	v1 =	vnsel vm0, $0x7FF, v1  }
0x16e: {  	v1 =	vadd.s32 $0x7FF, v1  }
0x16f: {  	[tilespmem:s21+$0x1590] =	vst v1  }
0x170: {  	v1 =	vld [tilespmem:$0x1A0];
	_ =	sdelay $0x4  }
0x171: {  	v1 =	vsub.s32 v0, v1  }
0x172: {  	vm13 =	vgt.s32 v1, $0xFFFFF801  }
0x173: {  	v1 =	vnsel vm13, $0xFFFFF801, v1  }
0x174: {  	vm0 =	vlt.s32 v1, $0x7FF  }
0x175: {  	v1 =	vnsel vm0, $0x7FF, v1  }
0x176: {  	v1 =	vadd.s32 $0x7FF, v1  }
0x177: {  	[tilespmem:s21+$0x15A0] =	vst v1  }
0x178: {  	v1 =	vld [tilespmem:$0x1B0];
	_ =	sdelay $0x4  }
0x179: {  	v1 =	vsub.s32 v0, v1  }
0x17a: {  	vm14 =	vgt.s32 v1, $0xFFFFF801  }
0x17b: {  	v1 =	vnsel vm14, $0xFFFFF801, v1  }
0x17c: {  	vm0 =	vlt.s32 v1, $0x7FF  }
0x17d: {  	v1 =	vnsel vm0, $0x7FF, v1  }
0x17e: {  	v1 =	vadd.s32 $0x7FF, v1  }
0x17f: {  	[tilespmem:s21+$0x15B0] =	vst v1  }
0x180: {  	v1 =	vld [tilespmem:$0x1C0];
	_ =	sdelay $0x4  }
0x181: {  	v1 =	vsub.s32 v0, v1  }
0x182: {  	vm15 =	vgt.s32 v1, $0xFFFFF801  }
0x183: {  	v1 =	vnsel vm15, $0xFFFFF801, v1  }
0x184: {  	vm0 =	vlt.s32 v1, $0x7FF  }
0x185: {  	v1 =	vnsel vm0, $0x7FF, v1  }
0x186: {  	v1 =	vadd.s32 $0x7FF, v1  }
0x187: {  	[tilespmem:s21+$0x15C0] =	vst v1  }
0x188: {  	v1 =	vld [tilespmem:$0x1D0];
	_ =	sdelay $0x4  }
0x189: {  	v1 =	vsub.s32 v0, v1  }
0x18a: {  	vm4 =	vgt.s32 v1, $0xFFFFF801  }
0x18b: {  	v1 =	vnsel vm4, $0xFFFFF801, v1  }
0x18c: {  	vm0 =	vlt.s32 v1, $0x7FF  }
0x18d: {  	v1 =	vnsel vm0, $0x7FF, v1  }
0x18e: {  	v1 =	vadd.s32 $0x7FF, v1  }
0x18f: {  	[tilespmem:s21+$0x15D0] =	vst v1  }
0x190: {  	v1 =	vld [tilespmem:$0x1E0];
	_ =	sdelay $0x4  }
0x191: {  	v1 =	vsub.s32 v0, v1  }
0x192: {  	vm5 =	vgt.s32 v1, $0xFFFFF801  }
0x193: {  	v1 =	vnsel vm5, $0xFFFFF801, v1  }
0x194: {  	vm0 =	vlt.s32 v1, $0x7FF  }
0x195: {  	v1 =	vnsel vm0, $0x7FF, v1  }
0x196: {  	v1 =	vadd.s32 $0x7FF, v1  }
0x197: {  	[tilespmem:s21+$0x15E0] =	vst v1  }
0x198: {  	v1 =	vld [tilespmem:$0x1F0];
	_ =	sdelay $0x4  }
0x199: {  	v1 =	vsub.s32 v0, v1  }
0x19a: {  	vm6 =	vgt.s32 v1, $0xFFFFF801  }
0x19b: {  	v1 =	vnsel vm6, $0xFFFFF801, v1  }
0x19c: {  	vm0 =	vlt.s32 v1, $0x7FF  }
0x19d: {  	v1 =	vnsel vm0, $0x7FF, v1  }
0x19e: {  	v1 =	vadd.s32 $0x7FF, v1  }
0x19f: {  	[tilespmem:s21+$0x15F0] =	vst v1  }
0x1a0: {  	v1 =	vld [tilespmem:$0x200];
	_ =	sdelay $0x4  }
0x1a1: {  	v1 =	vsub.s32 v0, v1  }
0x1a2: {  	vm7 =	vgt.s32 v1, $0xFFFFF801  }
0x1a3: {  	v1 =	vnsel vm7, $0xFFFFF801, v1  }
0x1a4: {  	vm0 =	vlt.s32 v1, $0x7FF  }
0x1a5: {  	v1 =	vnsel vm0, $0x7FF, v1  }
0x1a6: {  	v1 =	vadd.s32 $0x7FF, v1  }
0x1a7: {  	[tilespmem:s21+$0x1600] =	vst v1  }
0x1a8: {  	v1 =	vld [tilespmem:$0x210];
	_ =	sdelay $0x4  }
0x1a9: {  	v1 =	vsub.s32 v0, v1  }
0x1aa: {  	vm8 =	vgt.s32 v1, $0xFFFFF801  }
0x1ab: {  	v1 =	vnsel vm8, $0xFFFFF801, v1  }
0x1ac: {  	vm0 =	vlt.s32 v1, $0x7FF  }
0x1ad: {  	v1 =	vnsel vm0, $0x7FF, v1  }
0x1ae: {  	v1 =	vadd.s32 $0x7FF, v1  }
0x1af: {  	[tilespmem:s21+$0x1610] =	vst v1  }
0x1b0: {  	v1 =	vld [tilespmem:$0x220];
	_ =	sdelay $0x4  }
0x1b1: {  	v1 =	vsub.s32 v0, v1  }
0x1b2: {  	vm9 =	vgt.s32 v1, $0xFFFFF801  }
0x1b3: {  	v1 =	vnsel vm9, $0xFFFFF801, v1  }
0x1b4: {  	vm0 =	vlt.s32 v1, $0x7FF  }
0x1b5: {  	v1 =	vnsel vm0, $0x7FF, v1  }
0x1b6: {  	v1 =	vadd.s32 $0x7FF, v1  }
0x1b7: {  	[tilespmem:s21+$0x1620] =	vst v1  }
0x1b8: {  	v1 =	vld [tilespmem:$0x230];
	_ =	sdelay $0x4  }
0x1b9: {  	v1 =	vsub.s32 v0, v1  }
0x1ba: {  	vm10 =	vgt.s32 v1, $0xFFFFF801  }
0x1bb: {  	v1 =	vnsel vm10, $0xFFFFF801, v1  }
0x1bc: {  	vm0 =	vlt.s32 v1, $0x7FF  }
0x1bd: {  	v1 =	vnsel vm0, $0x7FF, v1  }
0x1be: {  	v1 =	vadd.s32 $0x7FF, v1  }
0x1bf: {  	[tilespmem:s21+$0x1630] =	vst v1  }
0x1c0: {  	v1 =	vld [tilespmem:$0x240];
	_ =	sdelay $0x4  }
0x1c1: {  	v1 =	vsub.s32 v0, v1  }
0x1c2: {  	vm11 =	vgt.s32 v1, $0xFFFFF801  }
0x1c3: {  	v1 =	vnsel vm11, $0xFFFFF801, v1  }
0x1c4: {  	vm0 =	vlt.s32 v1, $0x7FF  }
0x1c5: {  	v1 =	vnsel vm0, $0x7FF, v1  }
0x1c6: {  	v1 =	vadd.s32 $0x7FF, v1  }
0x1c7: {  	[tilespmem:s21+$0x1640] =	vst v1  }
0x1c8: {  	v1 =	vld [tilespmem:$0x250];
	_ =	sdelay $0x4  }
0x1c9: {  	v1 =	vsub.s32 v0, v1  }
0x1ca: {  	vm12 =	vgt.s32 v1, $0xFFFFF801  }
0x1cb: {  	v1 =	vnsel vm12, $0xFFFFF801, v1  }
0x1cc: {  	vm0 =	vlt.s32 v1, $0x7FF  }
0x1cd: {  	v1 =	vnsel vm0, $0x7FF, v1  }
0x1ce: {  	v1 =	vadd.s32 $0x7FF, v1  }
0x1cf: {  	[tilespmem:s21+$0x1650] =	vst v1  }
0x1d0: {  	v1 =	vld [tilespmem:$0x260];
	_ =	sdelay $0x4  }
0x1d1: {  	v1 =	vsub.s32 v0, v1  }
0x1d2: {  	vm13 =	vgt.s32 v1, $0xFFFFF801  }
0x1d3: {  	v1 =	vnsel vm13, $0xFFFFF801, v1  }
0x1d4: {  	vm0 =	vlt.s32 v1, $0x7FF  }
0x1d5: {  	v1 =	vnsel vm0, $0x7FF, v1  }
0x1d6: {  	v1 =	vadd.s32 $0x7FF, v1  }
0x1d7: {  	[tilespmem:s21+$0x1660] =	vst v1  }
0x1d8: {  	v1 =	vld [tilespmem:$0x270];
	_ =	sdelay $0x4  }
0x1d9: {  	v1 =	vsub.s32 v0, v1  }
0x1da: {  	vm14 =	vgt.s32 v1, $0xFFFFF801  }
0x1db: {  	v1 =	vnsel vm14, $0xFFFFF801, v1  }
0x1dc: {  	vm0 =	vlt.s32 v1, $0x7FF  }
0x1dd: {  	v1 =	vnsel vm0, $0x7FF, v1  }
0x1de: {  	v1 =	vadd.s32 $0x7FF, v1  }
0x1df: {  	[tilespmem:s21+$0x1670] =	vst v1  }
0x1e0: {  	v1 =	vld [tilespmem:$0x280];
	_ =	sdelay $0x4  }
0x1e1: {  	v1 =	vsub.s32 v0, v1  }
0x1e2: {  	vm15 =	vgt.s32 v1, $0xFFFFF801  }
0x1e3: {  	v1 =	vnsel vm15, $0xFFFFF801, v1  }
0x1e4: {  	vm0 =	vlt.s32 v1, $0x7FF  }
0x1e5: {  	v1 =	vnsel vm0, $0x7FF, v1  }
0x1e6: {  	v1 =	vadd.s32 $0x7FF, v1  }
0x1e7: {  	[tilespmem:s21+$0x1680] =	vst v1  }
0x1e8: {  	v1 =	vld [tilespmem:$0x290];
	_ =	sdelay $0x4  }
0x1e9: {  	v1 =	vsub.s32 v0, v1  }
0x1ea: {  	vm4 =	vgt.s32 v1, $0xFFFFF801  }
0x1eb: {  	v1 =	vnsel vm4, $0xFFFFF801, v1  }
0x1ec: {  	vm0 =	vlt.s32 v1, $0x7FF  }
0x1ed: {  	v1 =	vnsel vm0, $0x7FF, v1  }
0x1ee: {  	v1 =	vadd.s32 $0x7FF, v1  }
0x1ef: {  	[tilespmem:s21+$0x1690] =	vst v1  }
0x1f0: {  	v1 =	vld [tilespmem:$0x2A0];
	_ =	sdelay $0x4  }
0x1f1: {  	v1 =	vsub.s32 v0, v1  }
0x1f2: {  	vm5 =	vgt.s32 v1, $0xFFFFF801  }
0x1f3: {  	v1 =	vnsel vm5, $0xFFFFF801, v1  }
0x1f4: {  	vm0 =	vlt.s32 v1, $0x7FF  }
0x1f5: {  	v1 =	vnsel vm0, $0x7FF, v1  }
0x1f6: {  	v1 =	vadd.s32 $0x7FF, v1  }
0x1f7: {  	[tilespmem:s21+$0x16A0] =	vst v1  }
0x1f8: {  	v1 =	vld [tilespmem:$0x2B0];
	_ =	sdelay $0x4  }
0x1f9: {  	v1 =	vsub.s32 v0, v1  }
0x1fa: {  	vm6 =	vgt.s32 v1, $0xFFFFF801  }
0x1fb: {  	v1 =	vnsel vm6, $0xFFFFF801, v1  }
0x1fc: {  	vm0 =	vlt.s32 v1, $0x7FF  }
0x1fd: {  	v1 =	vnsel vm0, $0x7FF, v1  }
0x1fe: {  	v1 =	vadd.s32 $0x7FF, v1  }
0x1ff: {  	[tilespmem:s21+$0x16B0] =	vst v1  }
0x200: {  	v1 =	vld [tilespmem:$0x2C0];
	_ =	sdelay $0x4  }
0x201: {  	v1 =	vsub.s32 v0, v1  }
0x202: {  	vm7 =	vgt.s32 v1, $0xFFFFF801  }
0x203: {  	v1 =	vnsel vm7, $0xFFFFF801, v1  }
0x204: {  	vm0 =	vlt.s32 v1, $0x7FF  }
0x205: {  	v1 =	vnsel vm0, $0x7FF, v1  }
0x206: {  	v1 =	vadd.s32 $0x7FF, v1  }
0x207: {  	[tilespmem:s21+$0x16C0] =	vst v1  }
0x208: {  	v1 =	vld [tilespmem:$0x2D0];
	_ =	sdelay $0x4  }
0x209: {  	v1 =	vsub.s32 v0, v1  }
0x20a: {  	vm8 =	vgt.s32 v1, $0xFFFFF801  }
0x20b: {  	v1 =	vnsel vm8, $0xFFFFF801, v1  }
0x20c: {  	vm0 =	vlt.s32 v1, $0x7FF  }
0x20d: {  	v1 =	vnsel vm0, $0x7FF, v1  }
0x20e: {  	v1 =	vadd.s32 $0x7FF, v1  }
0x20f: {  	[tilespmem:s21+$0x16D0] =	vst v1  }
0x210: {  	v1 =	vld [tilespmem:$0x2E0];
	_ =	sdelay $0x4  }
0x211: {  	v1 =	vsub.s32 v0, v1  }
0x212: {  	vm9 =	vgt.s32 v1, $0xFFFFF801  }
0x213: {  	v1 =	vnsel vm9, $0xFFFFF801, v1  }
0x214: {  	vm0 =	vlt.s32 v1, $0x7FF  }
0x215: {  	v1 =	vnsel vm0, $0x7FF, v1  }
0x216: {  	v1 =	vadd.s32 $0x7FF, v1  }
0x217: {  	[tilespmem:s21+$0x16E0] =	vst v1  }
0x218: {  	v1 =	vld [tilespmem:$0x2F0];
	_ =	sdelay $0x4  }
0x219: {  	v1 =	vsub.s32 v0, v1  }
0x21a: {  	vm10 =	vgt.s32 v1, $0xFFFFF801  }
0x21b: {  	v1 =	vnsel vm10, $0xFFFFF801, v1  }
0x21c: {  	vm0 =	vlt.s32 v1, $0x7FF  }
0x21d: {  	v1 =	vnsel vm0, $0x7FF, v1  }
0x21e: {  	v1 =	vadd.s32 $0x7FF, v1  }
0x21f: {  	[tilespmem:s21+$0x16F0] =	vst v1  }
0x220: {  	v1 =	vld [tilespmem:$0x300];
	_ =	sdelay $0x4  }
0x221: {  	v0 =	vsub.s32 v0, v1  }
0x222: {  	vm11 =	vgt.s32 v0, $0xFFFFF801  }
0x223: {  	v0 =	vnsel vm11, $0xFFFFF801, v0  }
0x224: {  	vm0 =	vlt.s32 v0, $0x7FF  }
0x225: {  	v0 =	vnsel vm0, $0x7FF, v0  }
0x226: {  	v0 =	vadd.s32 $0x7FF, v0  }
0x227: {  	[tilespmem:s21+$0x1700] =	vst v0  }
0x228: {  	v0 =	vld.msk [tilespmem:s18+$0x0 ss:$0x0], $0xffff  }
0x229: {  	v62 =	vld [tilespmem:$0x110];
	_ =	sdelay $0x4  }
0x22a: {  	v1 =	vsub.s32 v0, v62  }
0x22b: {  	vm12 =	vgt.s32 v1, $0xFFFFF801  }
0x22c: {  	v1 =	vnsel vm12, $0xFFFFF801, v1  }
0x22d: {  	vm0 =	vlt.s32 v1, $0x7FF  }
0x22e: {  	v1 =	vnsel vm0, $0x7FF, v1  }
0x22f: {  	v1 =	vadd.s32 $0x7FF, v1  }
0x230: {  	[tilespmem:s21+$0x1710] =	vst v1  }
0x231: {  	v1 =	vld [tilespmem:$0x120];
	_ =	sdelay $0x4  }
0x232: {  	v1 =	vsub.s32 v0, v1  }
0x233: {  	vm13 =	vgt.s32 v1, $0xFFFFF801  }
0x234: {  	v1 =	vnsel vm13, $0xFFFFF801, v1  }
0x235: {  	vm0 =	vlt.s32 v1, $0x7FF  }
0x236: {  	v1 =	vnsel vm0, $0x7FF, v1  }
0x237: {  	v1 =	vadd.s32 $0x7FF, v1  }
0x238: {  	[tilespmem:s21+$0x1720] =	vst v1  }
0x239: {  	v1 =	vld [tilespmem:$0x130];
	_ =	sdelay $0x4  }
0x23a: {  	v1 =	vsub.s32 v0, v1  }
0x23b: {  	vm14 =	vgt.s32 v1, $0xFFFFF801  }
0x23c: {  	v1 =	vnsel vm14, $0xFFFFF801, v1  }
0x23d: {  	vm0 =	vlt.s32 v1, $0x7FF  }
0x23e: {  	v1 =	vnsel vm0, $0x7FF, v1  }
0x23f: {  	v1 =	vadd.s32 $0x7FF, v1  }
0x240: {  	[tilespmem:s21+$0x1730] =	vst v1  }
0x241: {  	v1 =	vld [tilespmem:$0x140];
	_ =	sdelay $0x4  }
0x242: {  	v1 =	vsub.s32 v0, v1  }
0x243: {  	vm15 =	vgt.s32 v1, $0xFFFFF801  }
0x244: {  	v1 =	vnsel vm15, $0xFFFFF801, v1  }
0x245: {  	vm0 =	vlt.s32 v1, $0x7FF  }
0x246: {  	v1 =	vnsel vm0, $0x7FF, v1  }
0x247: {  	v1 =	vadd.s32 $0x7FF, v1  }
0x248: {  	[tilespmem:s21+$0x1740] =	vst v1  }
0x249: {  	v1 =	vld [tilespmem:$0x150];
	_ =	sdelay $0x4  }
0x24a: {  	v1 =	vsub.s32 v0, v1  }
0x24b: {  	vm4 =	vgt.s32 v1, $0xFFFFF801  }
0x24c: {  	v1 =	vnsel vm4, $0xFFFFF801, v1  }
0x24d: {  	vm0 =	vlt.s32 v1, $0x7FF  }
0x24e: {  	v1 =	vnsel vm0, $0x7FF, v1  }
0x24f: {  	v1 =	vadd.s32 $0x7FF, v1  }
0x250: {  	[tilespmem:s21+$0x1750] =	vst v1  }
0x251: {  	v1 =	vld [tilespmem:$0x160];
	_ =	sdelay $0x4  }
0x252: {  	v1 =	vsub.s32 v0, v1  }
0x253: {  	vm5 =	vgt.s32 v1, $0xFFFFF801  }
0x254: {  	v1 =	vnsel vm5, $0xFFFFF801, v1  }
0x255: {  	vm0 =	vlt.s32 v1, $0x7FF  }
0x256: {  	v1 =	vnsel vm0, $0x7FF, v1  }
0x257: {  	v1 =	vadd.s32 $0x7FF, v1  }
0x258: {  	[tilespmem:s21+$0x1760] =	vst v1  }
0x259: {  	v1 =	vld [tilespmem:$0x170];
	_ =	sdelay $0x4  }
0x25a: {  	v1 =	vsub.s32 v0, v1  }
0x25b: {  	vm6 =	vgt.s32 v1, $0xFFFFF801  }
0x25c: {  	v1 =	vnsel vm6, $0xFFFFF801, v1  }
0x25d: {  	vm0 =	vlt.s32 v1, $0x7FF  }
0x25e: {  	v1 =	vnsel vm0, $0x7FF, v1  }
0x25f: {  	v1 =	vadd.s32 $0x7FF, v1  }
0x260: {  	[tilespmem:s21+$0x1770] =	vst v1  }
0x261: {  	v1 =	vld [tilespmem:$0x180];
	_ =	sdelay $0x4  }
0x262: {  	v1 =	vsub.s32 v0, v1  }
0x263: {  	vm7 =	vgt.s32 v1, $0xFFFFF801  }
0x264: {  	v1 =	vnsel vm7, $0xFFFFF801, v1  }
0x265: {  	vm0 =	vlt.s32 v1, $0x7FF  }
0x266: {  	v1 =	vnsel vm0, $0x7FF, v1  }
0x267: {  	v1 =	vadd.s32 $0x7FF, v1  }
0x268: {  	[tilespmem:s21+$0x1780] =	vst v1  }
0x269: {  	v1 =	vld [tilespmem:$0x190];
	_ =	sdelay $0x4  }
0x26a: {  	v1 =	vsub.s32 v0, v1  }
0x26b: {  	vm8 =	vgt.s32 v1, $0xFFFFF801  }
0x26c: {  	v1 =	vnsel vm8, $0xFFFFF801, v1  }
0x26d: {  	vm0 =	vlt.s32 v1, $0x7FF  }
0x26e: {  	v1 =	vnsel vm0, $0x7FF, v1  }
0x26f: {  	v1 =	vadd.s32 $0x7FF, v1  }
0x270: {  	[tilespmem:s21+$0x1790] =	vst v1  }
0x271: {  	v1 =	vld [tilespmem:$0x1A0];
	_ =	sdelay $0x4  }
0x272: {  	v1 =	vsub.s32 v0, v1  }
0x273: {  	vm9 =	vgt.s32 v1, $0xFFFFF801  }
0x274: {  	v1 =	vnsel vm9, $0xFFFFF801, v1  }
0x275: {  	vm0 =	vlt.s32 v1, $0x7FF  }
0x276: {  	v1 =	vnsel vm0, $0x7FF, v1  }
0x277: {  	v1 =	vadd.s32 $0x7FF, v1  }
0x278: {  	[tilespmem:s21+$0x17A0] =	vst v1  }
0x279: {  	v1 =	vld [tilespmem:$0x1B0];
	_ =	sdelay $0x4  }
0x27a: {  	v1 =	vsub.s32 v0, v1  }
0x27b: {  	vm10 =	vgt.s32 v1, $0xFFFFF801  }
0x27c: {  	v1 =	vnsel vm10, $0xFFFFF801, v1  }
0x27d: {  	vm0 =	vlt.s32 v1, $0x7FF  }
0x27e: {  	v1 =	vnsel vm0, $0x7FF, v1  }
0x27f: {  	v1 =	vadd.s32 $0x7FF, v1  }
0x280: {  	[tilespmem:s21+$0x17B0] =	vst v1  }
0x281: {  	v1 =	vld [tilespmem:$0x1C0];
	_ =	sdelay $0x4  }
0x282: {  	v1 =	vsub.s32 v0, v1  }
0x283: {  	vm11 =	vgt.s32 v1, $0xFFFFF801  }
0x284: {  	v1 =	vnsel vm11, $0xFFFFF801, v1  }
0x285: {  	vm0 =	vlt.s32 v1, $0x7FF  }
0x286: {  	v1 =	vnsel vm0, $0x7FF, v1  }
0x287: {  	v1 =	vadd.s32 $0x7FF, v1  }
0x288: {  	[tilespmem:s21+$0x17C0] =	vst v1  }
0x289: {  	v1 =	vld [tilespmem:$0x1D0];
	_ =	sdelay $0x4  }
0x28a: {  	v1 =	vsub.s32 v0, v1  }
0x28b: {  	vm12 =	vgt.s32 v1, $0xFFFFF801  }
0x28c: {  	v1 =	vnsel vm12, $0xFFFFF801, v1  }
0x28d: {  	vm0 =	vlt.s32 v1, $0x7FF  }
0x28e: {  	v1 =	vnsel vm0, $0x7FF, v1  }
0x28f: {  	v1 =	vadd.s32 $0x7FF, v1  }
0x290: {  	[tilespmem:s21+$0x17D0] =	vst v1  }
0x291: {  	v1 =	vld [tilespmem:$0x1E0];
	_ =	sdelay $0x4  }
0x292: {  	v1 =	vsub.s32 v0, v1  }
0x293: {  	vm13 =	vgt.s32 v1, $0xFFFFF801  }
0x294: {  	v1 =	vnsel vm13, $0xFFFFF801, v1  }
0x295: {  	vm0 =	vlt.s32 v1, $0x7FF  }
0x296: {  	v1 =	vnsel vm0, $0x7FF, v1  }
0x297: {  	v1 =	vadd.s32 $0x7FF, v1  }
0x298: {  	[tilespmem:s21+$0x17E0] =	vst v1  }
0x299: {  	v1 =	vld [tilespmem:$0x1F0];
	_ =	sdelay $0x4  }
0x29a: {  	v1 =	vsub.s32 v0, v1  }
0x29b: {  	vm14 =	vgt.s32 v1, $0xFFFFF801  }
0x29c: {  	v1 =	vnsel vm14, $0xFFFFF801, v1  }
0x29d: {  	vm0 =	vlt.s32 v1, $0x7FF  }
0x29e: {  	v1 =	vnsel vm0, $0x7FF, v1  }
0x29f: {  	v1 =	vadd.s32 $0x7FF, v1  }
0x2a0: {  	[tilespmem:s21+$0x17F0] =	vst v1  }
0x2a1: {  	v1 =	vld [tilespmem:$0x200];
	_ =	sdelay $0x4  }
0x2a2: {  	v1 =	vsub.s32 v0, v1  }
0x2a3: {  	vm15 =	vgt.s32 v1, $0xFFFFF801  }
0x2a4: {  	v1 =	vnsel vm15, $0xFFFFF801, v1  }
0x2a5: {  	vm0 =	vlt.s32 v1, $0x7FF  }
0x2a6: {  	v1 =	vnsel vm0, $0x7FF, v1  }
0x2a7: {  	v1 =	vadd.s32 $0x7FF, v1  }
0x2a8: {  	[tilespmem:s21+$0x1800] =	vst v1  }
0x2a9: {  	v1 =	vld [tilespmem:$0x210];
	_ =	sdelay $0x4  }
0x2aa: {  	v1 =	vsub.s32 v0, v1  }
0x2ab: {  	vm4 =	vgt.s32 v1, $0xFFFFF801  }
0x2ac: {  	v1 =	vnsel vm4, $0xFFFFF801, v1  }
0x2ad: {  	vm0 =	vlt.s32 v1, $0x7FF  }
0x2ae: {  	v1 =	vnsel vm0, $0x7FF, v1  }
0x2af: {  	v1 =	vadd.s32 $0x7FF, v1  }
0x2b0: {  	[tilespmem:s21+$0x1810] =	vst v1  }
0x2b1: {  	v1 =	vld [tilespmem:$0x220];
	_ =	sdelay $0x4  }
0x2b2: {  	v1 =	vsub.s32 v0, v1  }
0x2b3: {  	vm5 =	vgt.s32 v1, $0xFFFFF801  }
0x2b4: {  	v1 =	vnsel vm5, $0xFFFFF801, v1  }
0x2b5: {  	vm0 =	vlt.s32 v1, $0x7FF  }
0x2b6: {  	v1 =	vnsel vm0, $0x7FF, v1  }
0x2b7: {  	v1 =	vadd.s32 $0x7FF, v1  }
0x2b8: {  	[tilespmem:s21+$0x1820] =	vst v1  }
0x2b9: {  	v1 =	vld [tilespmem:$0x230];
	_ =	sdelay $0x4  }
0x2ba: {  	v1 =	vsub.s32 v0, v1  }
0x2bb: {  	vm6 =	vgt.s32 v1, $0xFFFFF801  }
0x2bc: {  	v1 =	vnsel vm6, $0xFFFFF801, v1  }
0x2bd: {  	vm0 =	vlt.s32 v1, $0x7FF  }
0x2be: {  	v1 =	vnsel vm0, $0x7FF, v1  }
0x2bf: {  	v1 =	vadd.s32 $0x7FF, v1  }
0x2c0: {  	[tilespmem:s21+$0x1830] =	vst v1  }
0x2c1: {  	v1 =	vld [tilespmem:$0x240];
	_ =	sdelay $0x4  }
0x2c2: {  	v1 =	vsub.s32 v0, v1  }
0x2c3: {  	vm7 =	vgt.s32 v1, $0xFFFFF801  }
0x2c4: {  	v1 =	vnsel vm7, $0xFFFFF801, v1  }
0x2c5: {  	vm0 =	vlt.s32 v1, $0x7FF  }
0x2c6: {  	v1 =	vnsel vm0, $0x7FF, v1  }
0x2c7: {  	v1 =	vadd.s32 $0x7FF, v1  }
0x2c8: {  	[tilespmem:s21+$0x1840] =	vst v1  }
0x2c9: {  	v1 =	vld [tilespmem:$0x250];
	_ =	sdelay $0x4  }
0x2ca: {  	v1 =	vsub.s32 v0, v1  }
0x2cb: {  	vm8 =	vgt.s32 v1, $0xFFFFF801  }
0x2cc: {  	v1 =	vnsel vm8, $0xFFFFF801, v1  }
0x2cd: {  	vm0 =	vlt.s32 v1, $0x7FF  }
0x2ce: {  	v1 =	vnsel vm0, $0x7FF, v1  }
0x2cf: {  	v1 =	vadd.s32 $0x7FF, v1  }
0x2d0: {  	[tilespmem:s21+$0x1850] =	vst v1  }
0x2d1: {  	v1 =	vld [tilespmem:$0x260];
	_ =	sdelay $0x4  }
0x2d2: {  	v1 =	vsub.s32 v0, v1  }
0x2d3: {  	vm9 =	vgt.s32 v1, $0xFFFFF801  }
0x2d4: {  	v1 =	vnsel vm9, $0xFFFFF801, v1  }
0x2d5: {  	vm0 =	vlt.s32 v1, $0x7FF  }
0x2d6: {  	v1 =	vnsel vm0, $0x7FF, v1  }
0x2d7: {  	v1 =	vadd.s32 $0x7FF, v1  }
0x2d8: {  	[tilespmem:s21+$0x1860] =	vst v1  }
0x2d9: {  	v1 =	vld [tilespmem:$0x270];
	_ =	sdelay $0x4  }
0x2da: {  	v1 =	vsub.s32 v0, v1  }
0x2db: {  	vm10 =	vgt.s32 v1, $0xFFFFF801  }
0x2dc: {  	v1 =	vnsel vm10, $0xFFFFF801, v1  }
0x2dd: {  	vm0 =	vlt.s32 v1, $0x7FF  }
0x2de: {  	v1 =	vnsel vm0, $0x7FF, v1  }
0x2df: {  	v1 =	vadd.s32 $0x7FF, v1  }
0x2e0: {  	[tilespmem:s21+$0x1870] =	vst v1  }
0x2e1: {  	v1 =	vld [tilespmem:$0x280];
	_ =	sdelay $0x4  }
0x2e2: {  	v1 =	vsub.s32 v0, v1  }
0x2e3: {  	vm11 =	vgt.s32 v1, $0xFFFFF801  }
0x2e4: {  	v1 =	vnsel vm11, $0xFFFFF801, v1  }
0x2e5: {  	vm0 =	vlt.s32 v1, $0x7FF  }
0x2e6: {  	v1 =	vnsel vm0, $0x7FF, v1  }
0x2e7: {  	v1 =	vadd.s32 $0x7FF, v1  }
0x2e8: {  	[tilespmem:s21+$0x1880] =	vst v1  }
0x2e9: {  	v1 =	vld [tilespmem:$0x290];
	_ =	sdelay $0x4  }
0x2ea: {  	v1 =	vsub.s32 v0, v1  }
0x2eb: {  	vm12 =	vgt.s32 v1, $0xFFFFF801  }
0x2ec: {  	v1 =	vnsel vm12, $0xFFFFF801, v1  }
0x2ed: {  	vm0 =	vlt.s32 v1, $0x7FF  }
0x2ee: {  	v1 =	vnsel vm0, $0x7FF, v1  }
0x2ef: {  	v1 =	vadd.s32 $0x7FF, v1  }
0x2f0: {  	[tilespmem:s21+$0x1890] =	vst v1  }
0x2f1: {  	v1 =	vld [tilespmem:$0x2A0];
	_ =	sdelay $0x4  }
0x2f2: {  	v1 =	vsub.s32 v0, v1  }
0x2f3: {  	vm13 =	vgt.s32 v1, $0xFFFFF801  }
0x2f4: {  	v1 =	vnsel vm13, $0xFFFFF801, v1  }
0x2f5: {  	vm0 =	vlt.s32 v1, $0x7FF  }
0x2f6: {  	v1 =	vnsel vm0, $0x7FF, v1  }
0x2f7: {  	v1 =	vadd.s32 $0x7FF, v1  }
0x2f8: {  	[tilespmem:s21+$0x18A0] =	vst v1  }
0x2f9: {  	v1 =	vld [tilespmem:$0x2B0];
	_ =	sdelay $0x4  }
0x2fa: {  	v1 =	vsub.s32 v0, v1  }
0x2fb: {  	vm14 =	vgt.s32 v1, $0xFFFFF801  }
0x2fc: {  	v1 =	vnsel vm14, $0xFFFFF801, v1  }
0x2fd: {  	vm0 =	vlt.s32 v1, $0x7FF  }
0x2fe: {  	v1 =	vnsel vm0, $0x7FF, v1  }
0x2ff: {  	v1 =	vadd.s32 $0x7FF, v1  }
0x300: {  	[tilespmem:s21+$0x18B0] =	vst v1  }
0x301: {  	v1 =	vld [tilespmem:$0x2C0];
	_ =	sdelay $0x4  }
0x302: {  	v1 =	vsub.s32 v0, v1  }
0x303: {  	vm15 =	vgt.s32 v1, $0xFFFFF801  }
0x304: {  	v1 =	vnsel vm15, $0xFFFFF801, v1  }
0x305: {  	vm0 =	vlt.s32 v1, $0x7FF  }
0x306: {  	v1 =	vnsel vm0, $0x7FF, v1  }
0x307: {  	v1 =	vadd.s32 $0x7FF, v1  }
0x308: {  	[tilespmem:s21+$0x18C0] =	vst v1  }
0x309: {  	v1 =	vld [tilespmem:$0x2D0];
	_ =	sdelay $0x4  }
0x30a: {  	v1 =	vsub.s32 v0, v1  }
0x30b: {  	vm4 =	vgt.s32 v1, $0xFFFFF801  }
0x30c: {  	v1 =	vnsel vm4, $0xFFFFF801, v1  }
0x30d: {  	vm0 =	vlt.s32 v1, $0x7FF  }
0x30e: {  	v1 =	vnsel vm0, $0x7FF, v1  }
0x30f: {  	v1 =	vadd.s32 $0x7FF, v1  }
0x310: {  	[tilespmem:s21+$0x18D0] =	vst v1  }
0x311: {  	v1 =	vld [tilespmem:$0x2E0];
	_ =	sdelay $0x4  }
0x312: {  	v1 =	vsub.s32 v0, v1  }
0x313: {  	vm5 =	vgt.s32 v1, $0xFFFFF801  }
0x314: {  	v1 =	vnsel vm5, $0xFFFFF801, v1  }
0x315: {  	vm0 =	vlt.s32 v1, $0x7FF  }
0x316: {  	v1 =	vnsel vm0, $0x7FF, v1  }
0x317: {  	v1 =	vadd.s32 $0x7FF, v1  }
0x318: {  	[tilespmem:s21+$0x18E0] =	vst v1  }
0x319: {  	v1 =	vld [tilespmem:$0x2F0];
	_ =	sdelay $0x4  }
0x31a: {  	v1 =	vsub.s32 v0, v1  }
0x31b: {  	vm6 =	vgt.s32 v1, $0xFFFFF801  }
0x31c: {  	v1 =	vnsel vm6, $0xFFFFF801, v1  }
0x31d: {  	vm0 =	vlt.s32 v1, $0x7FF  }
0x31e: {  	v1 =	vnsel vm0, $0x7FF, v1  }
0x31f: {  	v1 =	vadd.s32 $0x7FF, v1  }
0x320: {  	[tilespmem:s21+$0x18F0] =	vst v1  }
0x321: {  	v1 =	vld [tilespmem:$0x300];
	_ =	sdelay $0x4  }
0x322: {  	v0 =	vsub.s32 v0, v1  }
0x323: {  	vm7 =	vgt.s32 v0, $0xFFFFF801  }
0x324: {  	v0 =	vnsel vm7, $0xFFFFF801, v0  }
0x325: {  	vm0 =	vlt.s32 v0, $0x7FF  }
0x326: {  	v0 =	vnsel vm0, $0x7FF, v0  }
0x327: {  	v0 =	vadd.s32 $0x7FF, v0  }
0x328: {  	[tilespmem:s21+$0x1900] =	vst v0  }
0x329: {  	v0 =	vld.msk [tilespmem:s18+$0x1 ss:$0x0], $0xffff  }
0x32a: {  	v63 =	vld [tilespmem:$0x110];
	_ =	sdelay $0x4  }
0x32b: {  	v1 =	vsub.s32 v0, v63  }
0x32c: {  	vm8 =	vgt.s32 v1, $0xFFFFF801  }
0x32d: {  	v1 =	vnsel vm8, $0xFFFFF801, v1  }
0x32e: {  	vm0 =	vlt.s32 v1, $0x7FF  }
0x32f: {  	v1 =	vnsel vm0, $0x7FF, v1  }
0x330: {  	v1 =	vadd.s32 $0x7FF, v1  }
0x331: {  	[tilespmem:s21+$0x1910] =	vst v1  }
0x332: {  	v1 =	vld [tilespmem:$0x120];
	_ =	sdelay $0x4  }
0x333: {  	v1 =	vsub.s32 v0, v1  }
0x334: {  	vm9 =	vgt.s32 v1, $0xFFFFF801  }
0x335: {  	v1 =	vnsel vm9, $0xFFFFF801, v1  }
0x336: {  	vm0 =	vlt.s32 v1, $0x7FF  }
0x337: {  	v1 =	vnsel vm0, $0x7FF, v1  }
0x338: {  	v1 =	vadd.s32 $0x7FF, v1  }
0x339: {  	[tilespmem:s21+$0x1920] =	vst v1  }
0x33a: {  	v1 =	vld [tilespmem:$0x130];
	_ =	sdelay $0x4  }
0x33b: {  	v1 =	vsub.s32 v0, v1  }
0x33c: {  	vm10 =	vgt.s32 v1, $0xFFFFF801  }
0x33d: {  	v1 =	vnsel vm10, $0xFFFFF801, v1  }
0x33e: {  	vm0 =	vlt.s32 v1, $0x7FF  }
0x33f: {  	v1 =	vnsel vm0, $0x7FF, v1  }
0x340: {  	v1 =	vadd.s32 $0x7FF, v1  }
0x341: {  	[tilespmem:s21+$0x1930] =	vst v1  }
0x342: {  	v1 =	vld [tilespmem:$0x140];
	_ =	sdelay $0x4  }
0x343: {  	v1 =	vsub.s32 v0, v1  }
0x344: {  	vm11 =	vgt.s32 v1, $0xFFFFF801  }
0x345: {  	v1 =	vnsel vm11, $0xFFFFF801, v1  }
0x346: {  	vm0 =	vlt.s32 v1, $0x7FF  }
0x347: {  	v1 =	vnsel vm0, $0x7FF, v1  }
0x348: {  	v1 =	vadd.s32 $0x7FF, v1  }
0x349: {  	[tilespmem:s21+$0x1940] =	vst v1  }
0x34a: {  	v1 =	vld [tilespmem:$0x150];
	_ =	sdelay $0x4  }
0x34b: {  	v1 =	vsub.s32 v0, v1  }
0x34c: {  	vm12 =	vgt.s32 v1, $0xFFFFF801  }
0x34d: {  	v1 =	vnsel vm12, $0xFFFFF801, v1  }
0x34e: {  	vm0 =	vlt.s32 v1, $0x7FF  }
0x34f: {  	v1 =	vnsel vm0, $0x7FF, v1  }
0x350: {  	v1 =	vadd.s32 $0x7FF, v1  }
0x351: {  	[tilespmem:s21+$0x1950] =	vst v1  }
0x352: {  	v1 =	vld [tilespmem:$0x160];
	_ =	sdelay $0x4  }
0x353: {  	v1 =	vsub.s32 v0, v1  }
0x354: {  	vm13 =	vgt.s32 v1, $0xFFFFF801  }
0x355: {  	v1 =	vnsel vm13, $0xFFFFF801, v1  }
0x356: {  	vm0 =	vlt.s32 v1, $0x7FF  }
0x357: {  	v1 =	vnsel vm0, $0x7FF, v1  }
0x358: {  	v1 =	vadd.s32 $0x7FF, v1  }
0x359: {  	[tilespmem:s21+$0x1960] =	vst v1  }
0x35a: {  	v1 =	vld [tilespmem:$0x170];
	_ =	sdelay $0x4  }
0x35b: {  	v1 =	vsub.s32 v0, v1  }
0x35c: {  	vm14 =	vgt.s32 v1, $0xFFFFF801  }
0x35d: {  	v1 =	vnsel vm14, $0xFFFFF801, v1  }
0x35e: {  	vm0 =	vlt.s32 v1, $0x7FF  }
0x35f: {  	v1 =	vnsel vm0, $0x7FF, v1  }
0x360: {  	v1 =	vadd.s32 $0x7FF, v1  }
0x361: {  	[tilespmem:s21+$0x1970] =	vst v1  }
0x362: {  	v1 =	vld [tilespmem:$0x180];
	_ =	sdelay $0x4  }
0x363: {  	v1 =	vsub.s32 v0, v1  }
0x364: {  	vm15 =	vgt.s32 v1, $0xFFFFF801  }
0x365: {  	v1 =	vnsel vm15, $0xFFFFF801, v1  }
0x366: {  	vm0 =	vlt.s32 v1, $0x7FF  }
0x367: {  	v1 =	vnsel vm0, $0x7FF, v1  }
0x368: {  	v1 =	vadd.s32 $0x7FF, v1  }
0x369: {  	[tilespmem:s21+$0x1980] =	vst v1  }
0x36a: {  	v1 =	vld [tilespmem:$0x190];
	_ =	sdelay $0x4  }
0x36b: {  	v1 =	vsub.s32 v0, v1  }
0x36c: {  	vm4 =	vgt.s32 v1, $0xFFFFF801  }
0x36d: {  	v1 =	vnsel vm4, $0xFFFFF801, v1  }
0x36e: {  	vm0 =	vlt.s32 v1, $0x7FF  }
0x36f: {  	v1 =	vnsel vm0, $0x7FF, v1  }
0x370: {  	v1 =	vadd.s32 $0x7FF, v1  }
0x371: {  	[tilespmem:s21+$0x1990] =	vst v1  }
0x372: {  	v1 =	vld [tilespmem:$0x1A0];
	_ =	sdelay $0x4  }
0x373: {  	v1 =	vsub.s32 v0, v1  }
0x374: {  	vm5 =	vgt.s32 v1, $0xFFFFF801  }
0x375: {  	v1 =	vnsel vm5, $0xFFFFF801, v1  }
0x376: {  	vm0 =	vlt.s32 v1, $0x7FF  }
0x377: {  	v1 =	vnsel vm0, $0x7FF, v1  }
0x378: {  	v1 =	vadd.s32 $0x7FF, v1  }
0x379: {  	[tilespmem:s21+$0x19A0] =	vst v1  }
0x37a: {  	v1 =	vld [tilespmem:$0x1B0];
	_ =	sdelay $0x4  }
0x37b: {  	v1 =	vsub.s32 v0, v1  }
0x37c: {  	vm6 =	vgt.s32 v1, $0xFFFFF801  }
0x37d: {  	v1 =	vnsel vm6, $0xFFFFF801, v1  }
0x37e: {  	vm0 =	vlt.s32 v1, $0x7FF  }
0x37f: {  	v1 =	vnsel vm0, $0x7FF, v1  }
0x380: {  	v1 =	vadd.s32 $0x7FF, v1  }
0x381: {  	[tilespmem:s21+$0x19B0] =	vst v1  }
0x382: {  	v1 =	vld [tilespmem:$0x1C0];
	_ =	sdelay $0x4  }
0x383: {  	v1 =	vsub.s32 v0, v1  }
0x384: {  	vm7 =	vgt.s32 v1, $0xFFFFF801  }
0x385: {  	v1 =	vnsel vm7, $0xFFFFF801, v1  }
0x386: {  	vm0 =	vlt.s32 v1, $0x7FF  }
0x387: {  	v1 =	vnsel vm0, $0x7FF, v1  }
0x388: {  	v1 =	vadd.s32 $0x7FF, v1  }
0x389: {  	[tilespmem:s21+$0x19C0] =	vst v1  }
0x38a: {  	v1 =	vld [tilespmem:$0x1D0];
	_ =	sdelay $0x4  }
0x38b: {  	v1 =	vsub.s32 v0, v1  }
0x38c: {  	vm8 =	vgt.s32 v1, $0xFFFFF801  }
0x38d: {  	v1 =	vnsel vm8, $0xFFFFF801, v1  }
0x38e: {  	vm0 =	vlt.s32 v1, $0x7FF  }
0x38f: {  	v1 =	vnsel vm0, $0x7FF, v1  }
0x390: {  	v1 =	vadd.s32 $0x7FF, v1  }
0x391: {  	[tilespmem:s21+$0x19D0] =	vst v1  }
0x392: {  	v1 =	vld [tilespmem:$0x1E0];
	_ =	sdelay $0x4  }
0x393: {  	v1 =	vsub.s32 v0, v1  }
0x394: {  	vm9 =	vgt.s32 v1, $0xFFFFF801  }
0x395: {  	v1 =	vnsel vm9, $0xFFFFF801, v1  }
0x396: {  	vm0 =	vlt.s32 v1, $0x7FF  }
0x397: {  	v1 =	vnsel vm0, $0x7FF, v1  }
0x398: {  	v1 =	vadd.s32 $0x7FF, v1  }
0x399: {  	[tilespmem:s21+$0x19E0] =	vst v1  }
0x39a: {  	v1 =	vld [tilespmem:$0x1F0];
	_ =	sdelay $0x4  }
0x39b: {  	v1 =	vsub.s32 v0, v1  }
0x39c: {  	vm10 =	vgt.s32 v1, $0xFFFFF801  }
0x39d: {  	v1 =	vnsel vm10, $0xFFFFF801, v1  }
0x39e: {  	vm0 =	vlt.s32 v1, $0x7FF  }
0x39f: {  	v1 =	vnsel vm0, $0x7FF, v1  }
0x3a0: {  	v1 =	vadd.s32 $0x7FF, v1  }
0x3a1: {  	[tilespmem:s21+$0x19F0] =	vst v1  }
0x3a2: {  	v1 =	vld [tilespmem:$0x200];
	_ =	sdelay $0x4  }
0x3a3: {  	v1 =	vsub.s32 v0, v1  }
0x3a4: {  	vm11 =	vgt.s32 v1, $0xFFFFF801  }
0x3a5: {  	v1 =	vnsel vm11, $0xFFFFF801, v1  }
0x3a6: {  	vm0 =	vlt.s32 v1, $0x7FF  }
0x3a7: {  	v1 =	vnsel vm0, $0x7FF, v1  }
0x3a8: {  	v1 =	vadd.s32 $0x7FF, v1  }
0x3a9: {  	[tilespmem:s21+$0x1A00] =	vst v1  }
0x3aa: {  	v1 =	vld [tilespmem:$0x210];
	_ =	sdelay $0x4  }
0x3ab: {  	v1 =	vsub.s32 v0, v1  }
0x3ac: {  	vm12 =	vgt.s32 v1, $0xFFFFF801  }
0x3ad: {  	v1 =	vnsel vm12, $0xFFFFF801, v1  }
0x3ae: {  	vm0 =	vlt.s32 v1, $0x7FF  }
0x3af: {  	v1 =	vnsel vm0, $0x7FF, v1  }
0x3b0: {  	v1 =	vadd.s32 $0x7FF, v1  }
0x3b1: {  	[tilespmem:s21+$0x1A10] =	vst v1  }
0x3b2: {  	v1 =	vld [tilespmem:$0x220];
	_ =	sdelay $0x4  }
0x3b3: {  	v1 =	vsub.s32 v0, v1  }
0x3b4: {  	vm13 =	vgt.s32 v1, $0xFFFFF801  }
0x3b5: {  	v1 =	vnsel vm13, $0xFFFFF801, v1  }
0x3b6: {  	vm0 =	vlt.s32 v1, $0x7FF  }
0x3b7: {  	v1 =	vnsel vm0, $0x7FF, v1  }
0x3b8: {  	v1 =	vadd.s32 $0x7FF, v1  }
0x3b9: {  	[tilespmem:s21+$0x1A20] =	vst v1  }
0x3ba: {  	v1 =	vld [tilespmem:$0x230];
	_ =	sdelay $0x4  }
0x3bb: {  	v1 =	vsub.s32 v0, v1  }
0x3bc: {  	vm14 =	vgt.s32 v1, $0xFFFFF801  }
0x3bd: {  	v1 =	vnsel vm14, $0xFFFFF801, v1  }
0x3be: {  	vm0 =	vlt.s32 v1, $0x7FF  }
0x3bf: {  	v1 =	vnsel vm0, $0x7FF, v1  }
0x3c0: {  	v1 =	vadd.s32 $0x7FF, v1  }
0x3c1: {  	[tilespmem:s21+$0x1A30] =	vst v1  }
0x3c2: {  	v1 =	vld [tilespmem:$0x240];
	_ =	sdelay $0x4  }
0x3c3: {  	v1 =	vsub.s32 v0, v1  }
0x3c4: {  	vm15 =	vgt.s32 v1, $0xFFFFF801  }
0x3c5: {  	v1 =	vnsel vm15, $0xFFFFF801, v1  }
0x3c6: {  	vm0 =	vlt.s32 v1, $0x7FF  }
0x3c7: {  	v1 =	vnsel vm0, $0x7FF, v1  }
0x3c8: {  	v1 =	vadd.s32 $0x7FF, v1  }
0x3c9: {  	[tilespmem:s21+$0x1A40] =	vst v1  }
0x3ca: {  	v1 =	vld [tilespmem:$0x250];
	_ =	sdelay $0x4  }
0x3cb: {  	v1 =	vsub.s32 v0, v1  }
0x3cc: {  	vm4 =	vgt.s32 v1, $0xFFFFF801  }
0x3cd: {  	v1 =	vnsel vm4, $0xFFFFF801, v1  }
0x3ce: {  	vm0 =	vlt.s32 v1, $0x7FF  }
0x3cf: {  	v1 =	vnsel vm0, $0x7FF, v1  }
0x3d0: {  	v1 =	vadd.s32 $0x7FF, v1  }
0x3d1: {  	[tilespmem:s21+$0x1A50] =	vst v1  }
0x3d2: {  	v1 =	vld [tilespmem:$0x260];
	_ =	sdelay $0x4  }
0x3d3: {  	v1 =	vsub.s32 v0, v1  }
0x3d4: {  	vm5 =	vgt.s32 v1, $0xFFFFF801  }
0x3d5: {  	v1 =	vnsel vm5, $0xFFFFF801, v1  }
0x3d6: {  	vm0 =	vlt.s32 v1, $0x7FF  }
0x3d7: {  	v1 =	vnsel vm0, $0x7FF, v1  }
0x3d8: {  	v1 =	vadd.s32 $0x7FF, v1  }
0x3d9: {  	[tilespmem:s21+$0x1A60] =	vst v1  }
0x3da: {  	v1 =	vld [tilespmem:$0x270];
	_ =	sdelay $0x4  }
0x3db: {  	v1 =	vsub.s32 v0, v1  }
0x3dc: {  	vm6 =	vgt.s32 v1, $0xFFFFF801  }
0x3dd: {  	v1 =	vnsel vm6, $0xFFFFF801, v1  }
0x3de: {  	vm0 =	vlt.s32 v1, $0x7FF  }
0x3df: {  	v1 =	vnsel vm0, $0x7FF, v1  }
0x3e0: {  	v1 =	vadd.s32 $0x7FF, v1  }
0x3e1: {  	[tilespmem:s21+$0x1A70] =	vst v1  }
0x3e2: {  	v1 =	vld [tilespmem:$0x280];
	_ =	sdelay $0x4  }
0x3e3: {  	v1 =	vsub.s32 v0, v1  }
0x3e4: {  	vm7 =	vgt.s32 v1, $0xFFFFF801  }
0x3e5: {  	v1 =	vnsel vm7, $0xFFFFF801, v1  }
0x3e6: {  	vm0 =	vlt.s32 v1, $0x7FF  }
0x3e7: {  	v1 =	vnsel vm0, $0x7FF, v1  }
0x3e8: {  	v1 =	vadd.s32 $0x7FF, v1  }
0x3e9: {  	[tilespmem:s21+$0x1A80] =	vst v1  }
0x3ea: {  	v1 =	vld [tilespmem:$0x290];
	_ =	sdelay $0x4  }
0x3eb: {  	v1 =	vsub.s32 v0, v1  }
0x3ec: {  	vm8 =	vgt.s32 v1, $0xFFFFF801  }
0x3ed: {  	v1 =	vnsel vm8, $0xFFFFF801, v1  }
0x3ee: {  	vm0 =	vlt.s32 v1, $0x7FF  }
0x3ef: {  	v1 =	vnsel vm0, $0x7FF, v1  }
0x3f0: {  	v1 =	vadd.s32 $0x7FF, v1  }
0x3f1: {  	[tilespmem:s21+$0x1A90] =	vst v1  }
0x3f2: {  	v1 =	vld [tilespmem:$0x2A0];
	_ =	sdelay $0x4  }
0x3f3: {  	v1 =	vsub.s32 v0, v1  }
0x3f4: {  	vm9 =	vgt.s32 v1, $0xFFFFF801  }
0x3f5: {  	v1 =	vnsel vm9, $0xFFFFF801, v1  }
0x3f6: {  	vm0 =	vlt.s32 v1, $0x7FF  }
0x3f7: {  	v1 =	vnsel vm0, $0x7FF, v1  }
0x3f8: {  	v1 =	vadd.s32 $0x7FF, v1  }
0x3f9: {  	[tilespmem:s21+$0x1AA0] =	vst v1  }
0x3fa: {  	v1 =	vld [tilespmem:$0x2B0];
	_ =	sdelay $0x4  }
0x3fb: {  	v1 =	vsub.s32 v0, v1  }
0x3fc: {  	vm10 =	vgt.s32 v1, $0xFFFFF801  }
0x3fd: {  	v1 =	vnsel vm10, $0xFFFFF801, v1  }
0x3fe: {  	vm0 =	vlt.s32 v1, $0x7FF  }
0x3ff: {  	v1 =	vnsel vm0, $0x7FF, v1  }
0x400: {  	v1 =	vadd.s32 $0x7FF, v1  }
0x401: {  	[tilespmem:s21+$0x1AB0] =	vst v1  }
0x402: {  	v1 =	vld [tilespmem:$0x2C0];
	_ =	sdelay $0x4  }
0x403: {  	v1 =	vsub.s32 v0, v1  }
0x404: {  	vm11 =	vgt.s32 v1, $0xFFFFF801  }
0x405: {  	v1 =	vnsel vm11, $0xFFFFF801, v1  }
0x406: {  	vm0 =	vlt.s32 v1, $0x7FF  }
0x407: {  	v1 =	vnsel vm0, $0x7FF, v1  }
0x408: {  	v1 =	vadd.s32 $0x7FF, v1  }
0x409: {  	[tilespmem:s21+$0x1AC0] =	vst v1  }
0x40a: {  	v1 =	vld [tilespmem:$0x2D0];
	_ =	sdelay $0x4  }
0x40b: {  	v1 =	vsub.s32 v0, v1  }
0x40c: {  	vm12 =	vgt.s32 v1, $0xFFFFF801  }
0x40d: {  	v1 =	vnsel vm12, $0xFFFFF801, v1  }
0x40e: {  	vm0 =	vlt.s32 v1, $0x7FF  }
0x40f: {  	v1 =	vnsel vm0, $0x7FF, v1  }
0x410: {  	v1 =	vadd.s32 $0x7FF, v1  }
0x411: {  	[tilespmem:s21+$0x1AD0] =	vst v1  }
0x412: {  	v1 =	vld [tilespmem:$0x2E0];
	_ =	sdelay $0x4  }
0x413: {  	v1 =	vsub.s32 v0, v1  }
0x414: {  	vm13 =	vgt.s32 v1, $0xFFFFF801  }
0x415: {  	v1 =	vnsel vm13, $0xFFFFF801, v1  }
0x416: {  	vm0 =	vlt.s32 v1, $0x7FF  }
0x417: {  	v1 =	vnsel vm0, $0x7FF, v1  }
0x418: {  	v1 =	vadd.s32 $0x7FF, v1  }
0x419: {  	[tilespmem:s21+$0x1AE0] =	vst v1  }
0x41a: {  	v1 =	vld [tilespmem:$0x2F0];
	_ =	sdelay $0x4  }
0x41b: {  	v1 =	vsub.s32 v0, v1  }
0x41c: {  	vm14 =	vgt.s32 v1, $0xFFFFF801  }
0x41d: {  	v1 =	vnsel vm14, $0xFFFFF801, v1  }
0x41e: {  	vm0 =	vlt.s32 v1, $0x7FF  }
0x41f: {  	v1 =	vnsel vm0, $0x7FF, v1  }
0x420: {  	v1 =	vadd.s32 $0x7FF, v1  }
0x421: {  	[tilespmem:s21+$0x1AF0] =	vst v1  }
0x422: {  	v1 =	vld [tilespmem:$0x300];
	_ =	sdelay $0x4  }
0x423: {  	v0 =	vsub.s32 v0, v1  }
0x424: {  	vm15 =	vgt.s32 v0, $0xFFFFF801  }
0x425: {  	v0 =	vnsel vm15, $0xFFFFF801, v0  }
0x426: {  	vm0 =	vlt.s32 v0, $0x7FF  }
0x427: {  	v0 =	vnsel vm0, $0x7FF, v0  }
0x428: {  	s22 =	sshll.u32 s22, $0xF;
	v0 =	vadd.s32 $0x7FF, v0  }
0x429: {  	s23 =	sor.u32 $0x1310, s21;
	s24 =	sor.u32 $0x2310, s22;
	[tilespmem:s21+$0x1B00] =	vst v0  }
0x42a: {  	[tilespmem:s24], [sflag:$0x1] =	stream.indirect.gather [spmem:s2], $0x10, s23, s14, $0xb8;
	[tilespmem:$0x12310] =	vst v63  }
0x42b: {  	s28 =	sor.u32 $0x1390, s21;
	s29 =	sor.u32 $0x2B10, s22  }
0x42c: {  	[tilespmem:s29], [sflag:$0x1] =	stream.indirect.gather [spmem:s2], $0x10, s28, s14, $0xb8;
	[tilespmem:$0x12310] =	vst v63  }
0x42d: {  	s30 =	sor.u32 $0x1410, s21;
	s31 =	sor.u32 $0x3310, s22  }
0x42e: {  	[tilespmem:s31], [sflag:$0x1] =	stream.indirect.gather [spmem:s2], $0x10, s30, s14, $0xb8;
	[tilespmem:$0x12310] =	vst v63  }
0x42f: {  	s25 =	sor.u32 $0x1490, s21;
	s26 =	sor.u32 $0x3B10, s22  }
0x430: {  	[tilespmem:s26], [sflag:$0x1] =	stream.indirect.gather [spmem:s2], $0x10, s25, s14, $0xb8;
	[tilespmem:$0x12310] =	vst v63  }
0x431: {  	s28 =	sor.u32 $0x1510, s21;
	s29 =	sor.u32 $0x4310, s22  }
0x432: {  	[tilespmem:s29], [sflag:$0x1] =	stream.indirect.gather [spmem:s2], $0x10, s28, s14, $0xb8;
	[tilespmem:$0x12310] =	vst v63  }
0x433: {  	s30 =	sor.u32 $0x1590, s21;
	s31 =	sor.u32 $0x4B10, s22  }
0x434: {  	[tilespmem:s31], [sflag:$0x1] =	stream.indirect.gather [spmem:s2], $0x10, s30, s14, $0xb8;
	[tilespmem:$0x12310] =	vst v63  }
0x435: {  	s25 =	sor.u32 $0x1610, s21;
	s26 =	sor.u32 $0x5310, s22  }
0x436: {  	[tilespmem:s26], [sflag:$0x1] =	stream.indirect.gather [spmem:s2], $0x10, s25, s14, $0xb8;
	[tilespmem:$0x12310] =	vst v63  }
0x437: {  	s28 =	sor.u32 $0x1690, s21;
	s29 =	sor.u32 $0x5B10, s22  }
0x438: {  	[tilespmem:s29], [sflag:$0x1] =	stream.indirect.gather [spmem:s2], $0x10, s28, s14, $0xb8;
	[tilespmem:$0x12310] =	vst v63  }
0x439: {  	s30 =	sor.u32 $0x1710, s21;
	s31 =	sor.u32 $0x6310, s22  }
0x43a: {  	[tilespmem:s31], [sflag:$0x1] =	stream.indirect.gather [spmem:s2], $0x10, s30, s14, $0xb8;
	[tilespmem:$0x12310] =	vst v63  }
0x43b: {  	s25 =	sor.u32 $0x1790, s21;
	s26 =	sor.u32 $0x6B10, s22  }
0x43c: {  	[tilespmem:s26], [sflag:$0x1] =	stream.indirect.gather [spmem:s2], $0x10, s25, s14, $0xb8;
	[tilespmem:$0x12310] =	vst v63  }
0x43d: {  	s28 =	sadd.s32 $0x1810, s21;
	s29 =	sor.u32 $0x7310, s22  }
0x43e: {  	[tilespmem:s29], [sflag:$0x1] =	stream.indirect.gather [spmem:s2], $0x10, s28, s14, $0xb8;
	[tilespmem:$0x12310] =	vst v63  }
0x43f: {  	s30 =	sadd.s32 $0x1890, s21;
	s31 =	sor.u32 $0x7B10, s22  }
0x440: {  	[tilespmem:s31], [sflag:$0x1] =	stream.indirect.gather [spmem:s2], $0x10, s30, s14, $0xb8;
	[tilespmem:$0x12310] =	vst v63  }
0x441: {  	s24 =	sadd.s32 $0x1910, s21;
	s25 =	sadd.s32 $0x8310, s22  }
0x442: {  	[tilespmem:s25], [sflag:$0x1] =	stream.indirect.gather [spmem:s2], $0x10, s24, s14, $0xb8;
	[tilespmem:$0x12310] =	vst v63  }
0x443: {  	s26 =	sadd.s32 $0x1990, s21;
	s28 =	sadd.s32 $0x8B10, s22  }
0x444: {  	[tilespmem:s28], [sflag:$0x1] =	stream.indirect.gather [spmem:s2], $0x10, s26, s14, $0xb8;
	[tilespmem:$0x12310] =	vst v63  }
0x445: {  	s29 =	sadd.s32 $0x1A10, s21;
	s30 =	sadd.s32 $0x9310, s22  }
0x446: {  	[tilespmem:s30], [sflag:$0x1] =	stream.indirect.gather [spmem:s2], $0x10, s29, s14, $0xb8;
	[tilespmem:$0x12310] =	vst v63  }
0x447: {  	p1 =	seq.s32 s20, $0x0;
	s21 =	sadd.s32 $0x1A90, s21;
	s31 =	sadd.s32 $0x9B10, s22  }
0x448: {  	[tilespmem:s31], [sflag:$0x1] =	stream.indirect.gather [spmem:s2], $0x10, s21, s14, $0xb8;
	[tilespmem:$0x12310] =	vst v63  }
0x449: {  	s21 =	simm.s32 @!p1 $0x1  }
0x44a: {  	_ =	swait.ge @!p1 [sflag:s21], $0x8000  }
0x44b: {  	[sflag:s21] =	ssyncset.done @!p1 $0x0  }
0x44c: {  	s20 =	sadd.s32 $0x1, s20;
	[sflag:s21] =	ssyncadd.s32 @!p1 $0xFFFF8000;
	s21 =	sshrl.u32 @!p1 s19, $0x3  }
0x44d: {  	s23 =	simm.s32 @!p1 $0x0;
	s22 =	ssub.s32 @!p1 $0xA310, s22;
	s21 =	sadd.s32 @!p1 s0, s21  }
0x44e: {  	[hbm4b:s21+s23] =	stream.linear.scatter @!p1 [tilespmem:s22], [sflag:$0x2], $0x8000, $0x38;
	[tilespmem:$0x12310] =	vst v63  }
0x44f: {  	p1 =	sne.s32 s20, $0x40  }
.Ltmp0:
0x450: {  	_ = 	snop;
	(pc) =	sbr.rel @p1 .LBB2_2-.Ltmp0, $2  }
0x451: {  	_ =	sdelay $0x2  }
0x452: {  	s18 =	sadd.s32 $0x4, s18;
	s19 =	sadd.s32 $0x8000, s19  }
0x453: {  	_ =	swait.ge [sflag:s4], $0x8000  }
0x454: {  	[sflag:s4] =	ssyncset.done $0x0  }
0x455: {  	s17 =	sadd.s32 $0x1, s17;
	[sflag:s4] =	ssyncadd.s32 $0xFFFF8000  }
0x456: {  	[hbm4b:s8+s3] =	stream.linear.scatter [tilespmem:s15], [sflag:$0x2], $0x8000, $0x38;
	[tilespmem:$0x12310] =	vst v63  }
0x457: {  	p1 =	sne.s32 s17, s9;
	_ =	swait.ge [sflag:s16], $0x8000  }
.Ltmp1:
0x458: {  	[sflag:s16] =	ssyncset.done $0x0;
	(pc) =	sbr.rel @p1 .LBB2_1-.Ltmp1, $4  }
0x459: {  	[sflag:s16] =	ssyncadd.s32 $0xFFFF8000  }
0x45a: {  	_ =	swait.ge [sflag:s16], $0x8000  }
0x45b: {  	[sflag:s16] =	ssyncset.done $0x0  }
0x45c: {  	[sflag:s16] =	ssyncadd.s32 $0xFFFF8000  }
0x45d: {  	_ =	sfence.sel $0x180000  }
0x45e: {  	[bflag:$0x0] =	sbarrier.arrive $0xFFFF  }
0x45f: {  	_ =	strace $0x90000047  }
0x460: {  	s0 =	sadd.s32 @!p0 $0x100000, s1;
	[bflag:$0x2] =	sbarrier.arrive $0xFFFF  }
0x461: {  	[sflag:s0] =	ssyncadd.tile.s32 @!p0 $0x1;
	_ =	shalt  }
.Lfunc_end2:
_tile_overlayer_lowered:
.L_overlay_start_2:
0x462: {  	(tag) =	ssettag $0x2  }
0x463: {  	s0 =	rddreg [dreg:$0x0];
	s2 =	stileid.u32  }
0x464: {  	s1 =	rddreg [dreg:$0x1];
	p0 =	sne.s32 s2, $0x0  }
0x465: {  	s3 =	rddreg [dreg:$0x2];
	[bflag:$0x3] =	sbarrier.arrive $0xFFFF;
	s2 =	simm.s32 @!p0 $0x1C03  }
0x466: {  	[timem:s3], [sflag:s2] =	dma.local @!p0 [hbm:s0], s1  }
0x467: {  	s0 =	simm.s32 @!p0 $0x3  }
0x468: {  	_ =	swait.ge @!p0 [sflag:s0], s1  }
0x469: {  	s1 =	ssub.s32 @!p0 $0x0, s1;
	[sflag:s0] =	ssyncset.done @!p0 $0x0  }
0x46a: {  	[sflag:s0] =	ssyncadd.s32 @!p0 s1  }
0x46b: {  	[bflag:$0x3] =	sbarrier.arrive $0xFFFF  }
0x46c: {  	_ =	shalt  }

// kernel: sparse-core-data-format-call.cloned.1.call-start
scs
called_computation_lowered:
.L_overlay_start_0:
0x0: {  	s2 =	sld [smem:$0x3FD9]  }
0x1: {  	s3 =	sld [smem:$0x3FFE];
	_ =	sdelay $0x1  }
0x2: {  	s1 =	srdreg.scid  }
0x3: {  	s0 =	sand.u32 $0x1, s1  }
0x4: {  	s18 =	sshll.u32 s0, $0xA;
	s2 =	sadd.s32 s3, s2  }
0x5: {  	s2 =	sadd.s32 s2, s18  }
0x6: {  	[smem:$0x3FC5] =	sst s2  }
0x7: {  	_ = 	snop  }
0x8: {  	s2 =	sld [smem:$0x3FD0];
	(tm) =	ssettm $0x1  }
0x9: {  	s19 =	sld [smem:$0x3FFB];
	_ =	sdelay $0x3  }
0xa: {  	_ =	strace s19  }
0xb: {  	s3 =	sld [smem:$0x3FFC];
	_ =	sdelay $0x3  }
0xc: {  	_ =	strace s3  }
0xd: {  	s3 =	sld [smem:$0x3FFD];
	_ =	sdelay $0x3  }
0xe: {  	_ =	strace s3  }
0xf: {  	_ =	strace $0x8FFFFFFF  }
0x10: {  	s20 =	sld [smem:$0x3FDB];
	_ =	sdelay $0x1  }
0x11: {  	s4 =	simm.s32 $_scs_section_size  }
0x12: {  	s5 =	simm.s32 $_size__tile_overlayer_lowered;
	s6 =	simm.s32 $_tile_overlayer_lowered  }
0x13: {  	s23 =	simm.s32 $0x1BFF;
	s22 =	sshll.u32 s6, $0x1;
	s3 =	sadd.s32 s4, s20  }
0x14: {  	s7 =	simm.s32 $0x0;
	s21 =	sshll.u32 s5, $0x1;
	s5 =	sadd.s32 s22, s3  }
0x15: {  	[timem:s7], [sflag:s23] =	dma.local [hbm:s5], s21  }
0x16: {  	_ =	swait.ge [sflag:s23], s21  }
0x17: {  	s4 =	ssub.s32 $0x0, s21;
	[sflag:s23] =	ssyncset.done $0x0  }
0x18: {  	[sflag:s23] =	ssyncadd.s32 s4;
	_ =	sdelay $0x1  }
0x19: {  	s24 =	simm.s32 $0x1B8B  }
0x1a: {  	_ =	swait.ge [sflag:s24], $0x1  }
0x1b: {  	[sflag:s24] =	ssyncset.done $0x0  }
0x1c: {  	s26 =	simm.s32 $0x1B8E;
	s25 =	sld [smem:$0x3FFE];
	[sflag:s24] =	ssyncadd.s32 $0xFFFFFFFF  }
0x1d: {  	s27 =	simm.s32 $execute0_lowered;
	[smem:$0x3FD2] =	sst s26  }
0x1e: {  	s5 =	sshll.u32 s27, $0x1;
	_ =	strace $0x80000049;
	[dreg:$0x1] =	wrdreg $0xFFFFFFFF  }
0x1f: {  	s28 =	simm.s32 $_size_execute0_lowered;
	s3 =	sadd.s32 s3, s5;
	[dreg:$0x0] =	wrdreg $0x0  }
0x20: {  	s5 =	sshll.u32 s28, $0x1;
	[dreg:$0x2] =	wrdreg s3  }
0x21: {  	[dreg:$0x3] =	wrdreg s5  }
0x22: {  	[dreg:$0x4] =	wrdreg $0xC0  }
0x23: {  	_ =	task [dreg:s7], $0x5FFFF  }
0x24: {  	[dreg:$0x1] =	wrdreg $0xFFFFFFFF  }
0x25: {  	[dreg:$0x0] =	wrdreg $0x60  }
0x26: {  	[dreg:$0x2] =	wrdreg s25  }
0x27: {  	[dreg:$0x3] =	wrdreg s2  }
0x28: {  	[dreg:$0x4] =	wrdreg $0x9  }
0x29: {  	_ =	task.clear_ibuf [dreg:s7], $0x5FFFF;
	_ =	strace $0x90000049  }
0x2a: {  	s29 =	simm.s32 $0x9;
	_ =	strace $0x8000004B  }
0x2b: {  	_ =	swait.ge [sflag:s29], $0x1  }
0x2c: {  	[sflag:s29] =	ssyncadd.s32 $0xFFFFFFFF  }
0x2d: {  	_ =	strace $0x9000004B  }
0x2e: {  	_ =	sfence  }
0x2f: {  	s30 =	sld [smem:$0x0];
	_ =	sdelay $0x2  }
0x30: {  	s31 =	sshll.u32 s1, $0xD;
	s1 =	sshrl.u32 s1, $0x2  }
0x31: {  	s3 =	sand.u32 $0x4000, s31;
	s1 =	sadd.s32 s1, s30  }
0x32: {  	s0 =	sor.u32 s3, s0;
	s1 =	sshll.u32 s1, $0x11  }
0x33: {  	s0 =	sor.u32 s1, s0  }
0x34: {  	s0 =	sadd.s32 $0x8F2B, s0  }
0x35: {  	[sflag:s0] =	ssyncadd.remote.s32 $0x1  }
0x36: {  	_ =	sfence.sel $0xFFFF  }
0x37: {  	[dreg:$0x0] =	wrdreg $0xFFFFFFFF;
	(pc) =	sbr.abs _section_cstart, $3  }
0x38: {  	[dreg:$0x1] =	wrdreg $0xFFFFFFFF  }
0x39: {  	_ =	task.clear_ibuf [dreg:s7], $0x2FFFF;
	_ =	strace $0x9FFFFFFF  }
0x3a: {  	(tm) =	ssettm $0x7FFFFFFF  }
0x3b: {  	_ =	shalt  }
tec
execute0_lowered:
.L_overlay_start_1:
0x0: {  	(tag) =	ssettag $0x1  }
0x1: {  	s0 =	stileid.u32  }
0x2: {  	s1 =	srdreg.scid;
	s14 =	rddreg [dreg:$0x0]  }
0x3: {  	s7 =	simm.s32 $0x1;
	s8 =	simm.s32 $0x2;
	s21 =	simm.s32 $0x0  }
0x4: {  	s16 =	simm.s32 $0x1000;
	s22 =	simm.s32 $0x0;
	s23 =	simm.s32 $0x0  }
0x5: {  	s17 =	simm.s32 $0x0;
	s20 =	simm.s32 $0x0;
	s2 =	sshll.u32 s0, $0x1  }
0x6: {  	s1 =	sshll.u32 s1, $0x5;
	s4 =	sadd.s32 $0x800, s14;
	s9 =	sadd.s32 $0x4800, s14  }
0x7: {  	s10 =	sadd.s32 $0x6800, s14;
	s11 =	sadd.s32 $0x8800, s14;
	s1 =	sor.u32 s2, s1  }
0x8: {  	s12 =	sadd.s32 $0xA800, s14;
	s2 =	rddreg [dreg:$0x1];
	s3 =	sand.u32 $0x38, s1  }
0x9: {  	s13 =	sadd.s32 $0xC800, s14;
	s1 =	rddreg [dreg:$0x2];
	s6 =	ssub.s32 $0x800, s3  }
0xa: {  	_ =	strace $0x8000004A;
	s18 =	smov.u32 s3;
	s5 =	sand.u32 $0x38, s6  }
.Ltmp0:
0xb: {  	p0 =	sne.s32 s5, $0x0;
	s5 =	simm.s32 $0x1;
	(pc) =	sbr.rel .LBB1_1-.Ltmp0, $4  }
0xc: {  	s6 =	sshrl.u32 s6, $0x6;
	s7 =	simm.s32 @!p0 $0x0;
	[sflag:s5] =	ssyncpa.u1 $0x0  }
0xd: {  	p0 =	por $0x0, $0x0;
	s7 =	sadd.s32 s7, s6;
	s6 =	sand.u32 $0x3, s0  }
0xe: {  	[sflag:s8] =	ssyncpa.u1 $0x0;
	s8 =	sadd.s32 $0x2800, s14;
	s7 =	sshll.u32 s7, $0x2  }
0xf: {  	s14 =	sadd.s32 $0xE800, s14;
	s19 =	smov.u32 s6;
	s15 =	sor.u32 $0x1, s7  }
.LBB1_7:
0x10: {  	s24 =	sadd.s32 $0x80, s17  }
0x11: {  	s21 =	sadd.s32 $0x40, s18;
	s25 =	smov.u32 s18;
	p2 =	sgt.s32 s24, $0x1FF  }
0x12: {  	s25 =	smov.u32 @p2 s21  }
0x13: {  	s27 =	smov.u32 s19;
	s21 =	sadd.s32 $0x4, s19;
	p3 =	sgt.s32 s25, $0x7FF  }
0x14: {  	s27 =	smov.u32 @p3 s21  }
0x15: {  	s24 =	simm.s32 @p2 $0x0;
	p2 =	sgt.s32 s27, $0x3  }
0x16: {  	p1 =	slt.u32 s20, $0x2;
	s27 =	smov.u32 @p2 s6;
	p2 =	sne.s32 s20, s15  }
.Ltmp1:
0x17: {  	s26 =	simm.s32 @!p1 $0x2;
	(pc) =	sbr.rel @!p2 .LBB1_8-.Ltmp1, $4  }
0x18: {  	s22 =	smov.u32 s18;
	s23 =	smov.u32 s19;
	_ =	swait.ge @!p1 [sflag:s26], $0x4000  }
0x19: {  	p0 =	por !p0, !p0;
	[sflag:s26] =	ssyncset.done @!p1 $0x0;
	s25 =	smov.u32 @p3 s3  }
0x1a: {  	s21 =	smov.u32 s17;
	[sflag:s26] =	ssyncadd.s32 @!p1 $0xFFFFC000;
	s17 =	smov.u32 s24  }
0x1b: {  	s18 =	smov.u32 s25;
	s20 =	sadd.s32 $0x1, s20;
	s19 =	smov.u32 s27  }
.LBB1_1:
0x1c: {  	p1 =	sge.u32 s20, s7  }
0x1d: {  	s24 =	sxor.u32 @!p1 $0xFFFFFFFF, s20;
	s25 =	sshll.u32 @!p1 s19, $0x18;
	s26 =	sshll.u32 @!p1 s18, $0xD  }
0x1e: {  	s28 =	sshll.u32 @!p1 s17, $0x4;
	s29 =	simm.s32 @!p1 $0x10;
	s27 =	sadd.s32 @!p1 s25, s26  }
0x1f: {  	s24 =	sshll.u32 @!p1 s24, $0xE;
	s28 =	sand.u32 @!p1 $0x1FF0, s28;
	s27 =	sadd.s32 @!p1 s4, s27  }
0x20: {  	s30 =	simm.s32 @!p1 $0x80;
	s24 =	sand.u32 @!p1 $0x4000, s24;
	s27 =	sadd.s32 @!p1 s28, s27  }
0x21: {  	[tilespmem:s24], [sflag:$0x1] =	stream.strided.gather @!p1 [hbm4b:s27+s29], $0x800, s30, s29, $0x38;
	[tilespmem:$0x10100] =	vst v63  }
0x22: {  	s27 =	sadd.s32 @!p1 s25, s8  }
0x23: {  	s27 =	sadd.s32 @!p1 s26, s27  }
0x24: {  	s31 =	sor.u32 @!p1 $0x800, s24;
	s27 =	sadd.s32 @!p1 s28, s27  }
0x25: {  	[tilespmem:s31], [sflag:$0x1] =	stream.strided.gather @!p1 [hbm4b:s27+s29], $0x800, s30, s29, $0x38;
	[tilespmem:$0x10100] =	vst v63  }
0x26: {  	s27 =	sadd.s32 @!p1 s25, s9  }
0x27: {  	s27 =	sadd.s32 @!p1 s26, s27  }
0x28: {  	s31 =	sor.u32 @!p1 $0x1000, s24;
	s27 =	sadd.s32 @!p1 s28, s27  }
0x29: {  	[tilespmem:s31], [sflag:$0x1] =	stream.strided.gather @!p1 [hbm4b:s27+s29], $0x800, s30, s29, $0x38;
	[tilespmem:$0x10100] =	vst v63  }
0x2a: {  	s27 =	sadd.s32 @!p1 s25, s10  }
0x2b: {  	s27 =	sadd.s32 @!p1 s26, s27  }
0x2c: {  	s31 =	sor.u32 @!p1 $0x1800, s24;
	s27 =	sadd.s32 @!p1 s28, s27  }
0x2d: {  	[tilespmem:s31], [sflag:$0x1] =	stream.strided.gather @!p1 [hbm4b:s27+s29], $0x800, s30, s29, $0x38;
	[tilespmem:$0x10100] =	vst v63  }
0x2e: {  	s27 =	sadd.s32 @!p1 s25, s11  }
0x2f: {  	s27 =	sadd.s32 @!p1 s26, s27  }
0x30: {  	s31 =	sor.u32 @!p1 $0x2000, s24;
	s27 =	sadd.s32 @!p1 s28, s27  }
0x31: {  	[tilespmem:s31], [sflag:$0x1] =	stream.strided.gather @!p1 [hbm4b:s27+s29], $0x800, s30, s29, $0x38;
	[tilespmem:$0x10100] =	vst v63  }
0x32: {  	s27 =	sadd.s32 @!p1 s25, s12  }
0x33: {  	s27 =	sadd.s32 @!p1 s26, s27  }
0x34: {  	s31 =	sor.u32 @!p1 $0x2800, s24;
	s27 =	sadd.s32 @!p1 s28, s27  }
0x35: {  	[tilespmem:s31], [sflag:$0x1] =	stream.strided.gather @!p1 [hbm4b:s27+s29], $0x800, s30, s29, $0x38;
	[tilespmem:$0x10100] =	vst v63  }
0x36: {  	s27 =	sadd.s32 @!p1 s25, s13  }
0x37: {  	s25 =	sadd.s32 @!p1 s25, s14;
	s27 =	sadd.s32 @!p1 s26, s27  }
0x38: {  	s31 =	sor.u32 @!p1 $0x3000, s24;
	s25 =	sadd.s32 @!p1 s26, s25;
	s27 =	sadd.s32 @!p1 s28, s27  }
0x39: {  	[tilespmem:s31], [sflag:$0x1] =	stream.strided.gather @!p1 [hbm4b:s27+s29], $0x800, s30, s29, $0x38;
	[tilespmem:$0x10100] =	vst v63  }
0x3a: {  	s24 =	sor.u32 @!p1 $0x3800, s24;
	s25 =	sadd.s32 @!p1 s28, s25;
	s31 =	sadd.s32 $0xFFFFFFFF, s20  }
0x3b: {  	[tilespmem:s24], [sflag:$0x1] =	stream.strided.gather @!p1 [hbm4b:s25+s29], $0x800, s30, s29, $0x38;
	[tilespmem:$0x10100] =	vst v63  }
0x3c: {  	p1 =	sge.u32 s31, s7  }
.Ltmp2:
0x3d: {  	_ = 	snop;
	(pc) =	sbr.rel @p1 .LBB1_7-.Ltmp2, $1  }
0x3e: {  	_ =	sdelay $0x3  }
0x3f: {  	s24 =	simm.s32 $0x1;
	s26 =	sand.u32 $0x1, s20  }
0x40: {  	_ =	swait.ge [sflag:s5], $0x4000;
	s24 =	simm.s32 @!p0 $0x0;
	s27 =	smul.u32 $0x10200, s26  }
0x41: {  	[sflag:s5] =	ssyncset.done $0x0;
	s25 =	smul.u32 $0x10200, s24  }
0x42: {  	s24 =	sshll.u32 s24, $0xE;
	[sflag:s5] =	ssyncadd.s32 $0xFFFFC000  }
0x43: {  	s26 =	sor.u32 $0x40, s24;
	s31 =	sshrl.u32 s27, $0x2;
	s25 =	sshrl.u32 s25, $0x2  }
0x44: {  	s27 =	simm.s32 $0x0;
	s24 =	sor.u32 $0x8000, s31;
	s25 =	sor.u32 $0x8007, s25  }
.LBB1_3:
0x45: {  	v3 =	vld [tilespmem:s26+$0x30]  }
0x46: {  	v4 =	vld [tilespmem:s26+$0xFFFFFFD0]  }
0x47: {  	v5 =	vld [tilespmem:s26+$0xFFFFFFE0]  }
0x48: {  	v1 =	vld [tilespmem:s26+$0xFFFFFFF0]  }
0x49: {  	v0 =	vld [tilespmem:s26+$0x0]  }
0x4a: {  	v2 =	vld [tilespmem:s26+$0x10];
	[tilespmem:s25+$0x0 ss:$0x81] =	vst.msk $0xffff, v3  }
0x4b: {  	[tilespmem:s25+$0xFFFFFFFA ss:$0x81] =	vst.msk $0xffff, v4;
	v4 =	vld [tilespmem:s26+$0x20]  }
0x4c: {  	s29 =	simm.s32 $0x0;
	s30 =	sadd.s32 $0x80, s26;
	s28 =	smov.u32 s25;
	v3 =	vld [tilespmem:s26+$0xFFFFFFC0];
	[tilespmem:s25+$0xFFFFFFFB ss:$0x81] =	vst.msk $0xffff, v5  }
.LBB1_4:
0x4d: {  	v5 =	vld [tilespmem:s30+$0x30];
	s29 =	sadd.s32 $0x8, s29;
	[tilespmem:s28+$0xFFFFFFFC ss:$0x81] =	vst.msk $0xffff, v1  }
0x4e: {  	v6 =	vld [tilespmem:s30+$0xFFFFFFD0];
	p1 =	slt.u32 s29, $0x78;
	[tilespmem:s28+$0xFFFFFFFD ss:$0x81] =	vst.msk $0xffff, v0  }
0x4f: {  	v7 =	vld [tilespmem:s30+$0xFFFFFFE0];
	[tilespmem:s28+$0xFFFFFFFE ss:$0x81] =	vst.msk $0xffff, v2  }
.Ltmp3:
0x50: {  	v1 =	vld [tilespmem:s30+$0xFFFFFFF0];
	[tilespmem:s28+$0xFFFFFFFF ss:$0x81] =	vst.msk $0xffff, v4;
	(pc) =	sbr.rel @p1 .LBB1_4-.Ltmp3, $4  }
0x51: {  	v0 =	vld [tilespmem:s30+$0x0];
	[tilespmem:s28+$0xFFFFFFF9 ss:$0x81] =	vst.msk $0xffff, v3;
	s28 =	sadd.s32 $0x8, s28  }
0x52: {  	v2 =	vld [tilespmem:s30+$0x10];
	[tilespmem:s28+$0x0 ss:$0x81] =	vst.msk $0xffff, v5  }
0x53: {  	[tilespmem:s28+$0xFFFFFFFA ss:$0x81] =	vst.msk $0xffff, v6;
	v4 =	vld [tilespmem:s30+$0x20]  }
0x54: {  	v3 =	vld [tilespmem:s30+$0xFFFFFFC0];
	[tilespmem:s28+$0xFFFFFFFB ss:$0x81] =	vst.msk $0xffff, v7;
	s30 =	sadd.s32 $0x80, s30  }
0x55: {  	s27 =	sadd.s32 $0x1, s27  }
0x56: {  	p1 =	sne.s32 s27, $0x8  }
.Ltmp4:
0x57: {  	[tilespmem:s28+$0xFFFFFFFC ss:$0x81] =	vst.msk $0xffff, v1;
	(pc) =	sbr.rel @p1 .LBB1_3-.Ltmp4, $4  }
0x58: {  	[tilespmem:s28+$0xFFFFFFFD ss:$0x81] =	vst.msk $0xffff, v0  }
0x59: {  	[tilespmem:s28+$0xFFFFFFFE ss:$0x81] =	vst.msk $0xffff, v2  }
0x5a: {  	[tilespmem:s28+$0xFFFFFFFF ss:$0x81] =	vst.msk $0xffff, v4  }
0x5b: {  	s25 =	sadd.s32 $0x810, s25;
	s26 =	sadd.s32 $0x800, s26;
	[tilespmem:s28+$0xFFFFFFF9 ss:$0x81] =	vst.msk $0xffff, v3  }
0x5c: {  	s23 =	sshll.u32 s23, $0x15;
	s25 =	sand.u32 $0x380, s21  }
.Ltmp5:
0x5d: {  	s22 =	sshll.u32 s22, $0xA;
	s23 =	sadd.s32 s2, s23;
	(pc) =	sbr.rel .LBB1_7-.Ltmp5, $4  }
0x5e: {  	s26 =	sshrl.u32 s21, $0x3;
	s30 =	sand.u32 $0x7, s21;
	s22 =	sadd.s32 s22, s23  }
0x5f: {  	s31 =	sand.u32 $0xF, s26;
	s21 =	sshll.u32 s30, $0x12;
	s22 =	sadd.s32 s25, s22  }
0x60: {  	s21 =	sor.u32 $0x400, s21;
	s22 =	sadd.s32 s31, s22  }
0x61: {  	[hbm4b:s22+s21] =	stream.strided.scatter [tilespmem:s24], [sflag:$0x2], $0x4000, s16, s21, $0x20;
	[tilespmem:$0x10100] =	vst v63  }
.LBB1_8:
0x62: {  	_ =	sfence.sel $0x180000  }
0x63: {  	s2 =	simm.s32 $0x1;
	[bflag:$0x0] =	sbarrier.arrive $0xFFFF  }
0x64: {  	s31 =	simm.s32 $0x2;
	[sflag:s2] =	ssyncpa.u1 $0x1  }
0x65: {  	[sflag:s31] =	ssyncpa.u1 $0x1  }
0x66: {  	p0 =	sne.s32 s0, $0x0;
	_ =	strace $0x9000004A  }
0x67: {  	s0 =	sadd.s32 @!p0 $0x100000, s1;
	[bflag:$0x2] =	sbarrier.arrive $0xFFFF  }
0x68: {  	[sflag:s0] =	ssyncadd.tile.s32 @!p0 $0x1;
	_ =	shalt  }
.Lfunc_end1:
_tile_overlayer_lowered:
.L_overlay_start_2:
0x69: {  	(tag) =	ssettag $0x2  }
0x6a: {  	s0 =	rddreg [dreg:$0x0];
	s2 =	stileid.u32  }
0x6b: {  	s1 =	rddreg [dreg:$0x1];
	p0 =	sne.s32 s2, $0x0  }
0x6c: {  	s3 =	rddreg [dreg:$0x2];
	[bflag:$0x3] =	sbarrier.arrive $0xFFFF;
	s2 =	simm.s32 @!p0 $0x1C01  }
0x6d: {  	[timem:s3], [sflag:s2] =	dma.local @!p0 [hbm:s0], s1  }
0x6e: {  	s0 =	simm.s32 @!p0 $0x1  }
0x6f: {  	_ =	swait.ge @!p0 [sflag:s0], s1  }
0x70: {  	s1 =	ssub.s32 @!p0 $0x0, s1;
	[sflag:s0] =	ssyncset.done @!p0 $0x0  }
0x71: {  	[sflag:s0] =	ssyncadd.s32 @!p0 s1  }
0x72: {  	[bflag:$0x3] =	sbarrier.arrive $0xFFFF  }
0x73: {  	_ =	shalt  }

</sc_bundles>
